<compile_context>
chip_gen: v7x
topology: tpu7x:2x2x1
jax: 0.10.2.dev20260603
libtpu: 0.0.44.dev20260713+nightly
codegen_flags: <defaults>
</compile_context>

<pallas_src>
import functools

import jax
import jax.numpy as jnp
from jax import lax
from jax.experimental import pallas as pl
from jax.experimental.pallas import tpu as pltpu
from jax.experimental.pallas import tpu_sc as plsc

N = 10000
E = 320000
NHID = 128
NLAYERS = 3
NCLASS = 128
NGRAPHS = 128
NFEATCOLS = 9
ATOM_VOCAB = 120
SCALAR = 0.5
BN_EPS = 1e-5

NC = 2
NS = 16
NW = NC * NS

A_CH = 80
A_NCH = 4
ROWS_PER_TILE = A_CH * A_NCH
NP = ROWS_PER_TILE * NW
TBL_PAD = 1152

E_CH = 128
E_G = 40
E_NG = 2
E_NCH = E_G * E_NG
EP = NW * E_NCH * E_CH

_mesh = plsc.VectorSubcoreMesh(core_axis_name="c", subcore_axis_name="s")


@functools.partial(
    pl.kernel,
    out_type=jax.ShapeDtypeStruct((NP, NHID), jnp.float32),
    mesh=_mesh,
    scratch_types=[
        pltpu.VMEM((NFEATCOLS * A_NCH, A_CH), jnp.int32),
        pltpu.VMEM((ROWS_PER_TILE, NHID), jnp.float32),
        pltpu.VMEM_SHARED((TBL_PAD, NHID), jnp.float32),
        pltpu.SemaphoreType.DMA,
    ],
)
def _atom_encode_sc(hoff_hbm, tables_hbm, x_out, idx_v, acc_v, tbl_sh, sem):
    cid = lax.axis_index("c")
    sid = lax.axis_index("s")
    wid = sid * NC + cid
    base = wid * ROWS_PER_TILE
    tpt = TBL_PAD // NS
    pltpu.sync_copy(tables_hbm.at[pl.ds(sid * tpt, tpt)],
                    tbl_sh.at[pl.ds(sid * tpt, tpt)])
    pltpu.sync_copy(hoff_hbm.at[wid], idx_v)
    plsc.subcore_barrier()
    for f in range(NFEATCOLS):
        for c in range(A_NCH):
            pltpu.async_copy(
                tbl_sh.at[idx_v.at[f * A_NCH + c]],
                acc_v.at[pl.ds(c * A_CH, A_CH)],
                sem,
                add=(f > 0),
            )
        for c in range(A_NCH):
            pltpu.make_async_copy(
                tbl_sh.at[idx_v.at[f * A_NCH + c]],
                acc_v.at[pl.ds(c * A_CH, A_CH)],
                sem,
            ).wait()
    pltpu.sync_copy(acc_v, x_out.at[pl.ds(base, ROWS_PER_TILE)])


@functools.partial(
    pl.kernel,
    out_type=jax.ShapeDtypeStruct((2 * NP, NHID), jnp.float32),
    mesh=_mesh,
    scratch_types=[
        pltpu.VMEM((E_G, E_CH), jnp.int32),
        pltpu.VMEM((E_G, E_CH), jnp.int32),
        pltpu.VMEM((E_CH, NHID), jnp.float32),
        pltpu.VMEM((E_CH, NHID), jnp.float32),
        pltpu.VMEM_SHARED((NP, NHID), jnp.float32),
        pltpu.SemaphoreType.DMA,
        pltpu.SemaphoreType.DMA,
    ],
)
def _edge_aggregate_sc(x_hbm, src_hbm, dst_hbm, zeros_hbm, p_out,
                       sidx, didx, rows0, rows1, aggr_sh, gsem0, gsem1):
    cid = lax.axis_index("c")
    sid = lax.axis_index("s")
    wid = sid * NC + cid
    rows_per_tile = NP // NS
    pltpu.sync_copy(zeros_hbm.at[pl.ds(sid * rows_per_tile, rows_per_tile)],
                    aggr_sh.at[pl.ds(sid * rows_per_tile, rows_per_tile)])
    plsc.subcore_barrier()

    def stage(c, rows, gsem, issue_next):
        pltpu.make_async_copy(x_hbm.at[sidx.at[c]], rows, gsem).wait()
        pltpu.sync_copy(rows, aggr_sh.at[didx.at[c]], add=True)
        if issue_next:
            pltpu.async_copy(x_hbm.at[sidx.at[c + 2]], rows, gsem)

    def body(i, carry):
        c = 2 * i
        stage(c, rows0, gsem0, True)
        stage(c + 1, rows1, gsem1, True)
        return carry

    for g in range(E_NG):
        pltpu.sync_copy(src_hbm.at[wid * E_NG + g], sidx)
        pltpu.sync_copy(dst_hbm.at[wid * E_NG + g], didx)
        pltpu.async_copy(x_hbm.at[sidx.at[0]], rows0, gsem0)
        pltpu.async_copy(x_hbm.at[sidx.at[1]], rows1, gsem1)
        lax.fori_loop(0, (E_G - 2) // 2, body, 0)
        stage(E_G - 2, rows0, gsem0, False)
        stage(E_G - 1, rows1, gsem1, False)
    plsc.subcore_barrier()
    pltpu.sync_copy(aggr_sh.at[pl.ds(sid * rows_per_tile, rows_per_tile)],
                    p_out.at[pl.ds(cid * NP + sid * rows_per_tile, rows_per_tile)])


def _bn_layer(x, p, w_ref, b_ref, g_ref, be_ref, relu):
    y = (1.0 + SCALAR) * x + p
    z = jnp.dot(y, w_ref[:], preferred_element_type=jnp.float32) + b_ref[:]
    mean = jnp.mean(z, axis=0, keepdims=True)
    zc = z - mean
    var = jnp.mean(zc * zc, axis=0, keepdims=True)
    zn = zc * lax.rsqrt(var + BN_EPS) * g_ref[:] + be_ref[:]
    if relu:
        zn = jnp.maximum(zn, 0.0)
    return zn


def _layer_tc_body(x_ref, p_ref, w_ref, b_ref, g_ref, be_ref, o_ref, *, relu):
    o_ref[0:N, :] = _bn_layer(x_ref[0:N, :], p_ref[0:N, :] + p_ref[NP:NP + N, :],
                              w_ref, b_ref, g_ref, be_ref, relu)


def _layer_tc(x, p, w, b, g, be, relu):
    return pl.pallas_call(
        functools.partial(_layer_tc_body, relu=relu),
        out_shape=jax.ShapeDtypeStruct((NP, NHID), jnp.float32),
    )(x, p, w, b, g, be)


def _last_layer_pool_body(x_ref, p_ref, w_ref, b_ref, g_ref, be_ref,
                          batch_ref, pw_ref, pb_ref, o_ref):
    zn = _bn_layer(x_ref[0:N, :], p_ref[0:N, :] + p_ref[NP:NP + N, :],
                   w_ref, b_ref, g_ref, be_ref, relu=False)
    b = batch_ref[:]
    gids = lax.broadcasted_iota(jnp.int32, (NGRAPHS, N), 0)
    onehot = (gids == b).astype(jnp.float32)
    sums = jnp.dot(onehot, zn, preferred_element_type=jnp.float32)
    counts = jnp.maximum(jnp.sum(onehot, axis=1, keepdims=True), 1.0)
    pooled = sums / counts
    o_ref[:] = jnp.dot(pooled, pw_ref[:],
                       preferred_element_type=jnp.float32) + pb_ref[:]


def _last_layer_pool_tc(x, p, w, b, g, be, batch2, pw, pb):
    return pl.pallas_call(
        _last_layer_pool_body,
        out_shape=jax.ShapeDtypeStruct((NGRAPHS, NCLASS), jnp.float32),
    )(x, p, w, b, g, be, batch2, pw, pb)


def kernel(h, edge_index, pair_info, batch, atom_tables, conv_W, conv_b,
           bn_gamma, bn_beta, pred_W, pred_b):
    hp = jnp.pad(h, ((0, NP - N), (0, 0)))
    hoff = hp + (jnp.arange(NFEATCOLS, dtype=jnp.int32) * ATOM_VOCAB)[None, :]
    hoff = (hoff.T.reshape(NFEATCOLS, NW, A_NCH, A_CH)
            .transpose(1, 0, 2, 3).reshape(NW, NFEATCOLS * A_NCH, A_CH))
    tables_flat = jnp.pad(
        atom_tables.reshape(NFEATCOLS * ATOM_VOCAB, NHID),
        ((0, TBL_PAD - NFEATCOLS * ATOM_VOCAB), (0, 0)))
    pad_t = NP - N
    pad_src = jnp.broadcast_to(
        jnp.arange(pad_t, dtype=jnp.int32) * (N // pad_t), (NW, pad_t))
    pad_dst = jnp.broadcast_to(
        N + jnp.arange(pad_t, dtype=jnp.int32), (NW, pad_t))
    src = jnp.concatenate(
        [pair_info[0].reshape(NW, E // NW), pad_src], axis=1
    ).reshape(NW * E_NG, E_G, E_CH)
    dst = jnp.concatenate(
        [pair_info[1].reshape(NW, E // NW), pad_dst], axis=1
    ).reshape(NW * E_NG, E_G, E_CH)
    zeros = jnp.zeros((NP, NHID), jnp.float32)
    batch2 = batch.reshape(1, N)

    x = _atom_encode_sc(hoff, tables_flat)
    for layer in range(NLAYERS - 1):
        p = _edge_aggregate_sc(x, src, dst, zeros)
        x = _layer_tc(x, p, conv_W[layer], conv_b[layer].reshape(1, NHID),
                      bn_gamma[layer].reshape(1, NHID),
                      bn_beta[layer].reshape(1, NHID),
                      relu=True)
    p = _edge_aggregate_sc(x, src, dst, zeros)
    last = NLAYERS - 1
    return _last_layer_pool_tc(
        x, p, conv_W[last], conv_b[last].reshape(1, NHID),
        bn_gamma[last].reshape(1, NHID), bn_beta[last].reshape(1, NHID),
        batch2, pred_W, pred_b.reshape(1, NCLASS))

# --- scband reference (transcript-rebuilt; emitter-appended) ---
"""Pipeline reference for scband-gnn-ogb-12421045420923 (READ-ONLY COPY).

The authoritative reference and input builder live on the scoring server;
editing this copy changes nothing except your own understanding.
"""

import jax, jax.numpy as jnp
import numpy as np

N = 10000
E = 320000
NHID = 128
NLAYERS = 3
NCLASS = 128
NGRAPHS = 128
NFEATCOLS = 9
ATOM_VOCAB = 120
SCALAR = 0.5
BN_EPS = 1e-5


def setup_inputs(seed: int = 0) -> dict:
    key = jax.random.key(seed)
    ks = jax.random.split(key, 12)
    h = jax.random.randint(ks[0], (N, NFEATCOLS), 0, 100, dtype=jnp.int32)
    edge_index = jax.random.randint(ks[1], (2, E), 0, N, dtype=jnp.int32)
    pair_info = jax.random.randint(ks[2], (2, E), 0, N, dtype=jnp.int32)
    batch = jnp.sort(jax.random.randint(ks[3], (N,), 0, NGRAPHS, dtype=jnp.int32))
    atom_tables = jax.random.normal(ks[4], (NFEATCOLS, ATOM_VOCAB, NHID), dtype=jnp.float32) * 0.02
    conv_W = jax.random.normal(ks[5], (NLAYERS, NHID, NHID), dtype=jnp.float32) * 0.05
    conv_b = jnp.zeros((NLAYERS, NHID), dtype=jnp.float32)
    bn_gamma = jnp.ones((NLAYERS, NHID), dtype=jnp.float32)
    bn_beta = jnp.zeros((NLAYERS, NHID), dtype=jnp.float32)
    pred_W = jax.random.normal(ks[6], (NHID, NCLASS), dtype=jnp.float32) * 0.05
    pred_b = jnp.zeros((NCLASS,), dtype=jnp.float32)
    return {"h": h, "edge_index": edge_index, "pair_info": pair_info, "batch": batch,
            "atom_tables": atom_tables, "conv_W": conv_W, "conv_b": conv_b,
            "bn_gamma": bn_gamma, "bn_beta": bn_beta, "pred_W": pred_W, "pred_b": pred_b}


def reference(h, edge_index, pair_info, batch, atom_tables, conv_W, conv_b, bn_gamma, bn_beta, pred_W, pred_b):
    # AtomEncoder: sum of per-column embedding lookups (OGB style)
    x = jnp.zeros((h.shape[0], NHID), dtype=atom_tables.dtype)
    for f in range(NFEATCOLS):
        x = x + jnp.take(atom_tables[f], h[:, f], axis=0)
    src = pair_info[0]
    dst = pair_info[1]
    for layer in range(NLAYERS):
        # GIN-style message passing: gather neighbors, scatter-add to dst
        msgs = jnp.take(x, src, axis=0)
        aggr = jax.ops.segment_sum(msgs, dst, num_segments=N)
        z = ((1.0 + SCALAR) * x + aggr) @ conv_W[layer] + conv_b[layer]
        # BatchNorm1d (batch statistics)
        mean = jnp.mean(z, axis=0)
        var = jnp.var(z, axis=0)
        z = (z - mean) / jnp.sqrt(var + BN_EPS) * bn_gamma[layer] + bn_beta[layer]
        if layer < NLAYERS - 1:
            z = jax.nn.relu(z)
        # dropout: identity in eval mode
        x = z
    # global_mean_pool over graph ids
    sums = jax.ops.segment_sum(x, batch, num_segments=NGRAPHS)
    counts = jnp.clip(jax.ops.segment_sum(jnp.ones((N,), x.dtype), batch, num_segments=NGRAPHS), 1.0, None)
    pooled = sums / counts[:, None]
    return pooled @ pred_W + pred_b

if __name__ == "__main__":
    import jax
    _d = setup_inputs()
    print(jax.jit(kernel)(*tuple(_d.values())))

</pallas_src>

<mosaic_0001>
#map = affine_map<(d0, d1) -> (0, 0, 0)>
#map1 = affine_map<(d0, d1) -> (0, 0)>
module attributes {stable_mosaic.version = 14 : i64} {
  func.func @_atom_encode_sc(%arg0: i32, %arg1: i32, %arg2: memref<32x36x80xi32, #tpu.memory_space<hbm>>, %arg3: memref<1152x128xf32, #tpu.memory_space<hbm>>, %arg4: memref<10240x128xf32, #tpu.memory_space<hbm>>, %arg5: memref<36x80xi32, #tpu.memory_space<vmem>>, %arg6: memref<320x128xf32, #tpu.memory_space<vmem>>, %arg7: memref<1152x128xf32, #tpu.memory_space<vmem_shared>>, %arg8: memref<!tpu.dma_semaphore, #tpu.memory_space<semaphore_mem>>) attributes {dimension_semantics = [#tpu.dimension_semantics<core_parallel>, #tpu.dimension_semantics<subcore_parallel>], iteration_bounds = array<i64: 2, 16>, scalar_prefetch = 0 : i64, scratch_operands = 4 : i64, tpu.core_type = #tpu.core_type<sc_vector_subcore>, window_params = [{transform_indices = #map}, {transform_indices = #map1}, {transform_indices = #map1}]} {
    %mul3A = arith.constant 2 : i32
    %mul3A_0 = arith.muli %arg1, %mul3A : i32
    %add3A = arith.addi %mul3A_0, %arg0 : i32
    %mul3A_1 = arith.constant 320 : i32
    %mul3A_2 = arith.muli %add3A, %mul3A_1 : i32
    %mul3A_3 = arith.constant 72 : i32
    %mul3A_4 = arith.muli %arg1, %mul3A_3 : i32
    %mul3A_5 = arith.constant 72 : i32
    %mul3A_6 = arith.muli %arg1, %mul3A_5 : i32
    "tpu.region"() ({
      %run_scoped3A = tpu.sem_alloc : memref<!tpu.dma_semaphore, #tpu.memory_space<semaphore_mem>>
      %dma_start3A_725 = arith.constant 0 : i32
      %dma_start3A_726 = tpu.memref_slice %arg7[%mul3A_6, %dma_start3A_725] : memref<1152x128xf32, #tpu.memory_space<vmem_shared>> -> memref<72x128xf32, #tpu.memory_space<vmem_shared>>
      %dma_start3A_727 = arith.constant 0 : i32
      %dma_start3A_728 = tpu.memref_slice %arg3[%mul3A_4, %dma_start3A_727] : memref<1152x128xf32, #tpu.memory_space<hbm>> -> memref<72x128xf32, #tpu.memory_space<hbm>>
      tpu.enqueue_dma source(%dma_start3A_728 : memref<72x128xf32, #tpu.memory_space<hbm>>) target(%dma_start3A_726 : memref<72x128xf32, #tpu.memory_space<vmem_shared>>) target_semaphore(%run_scoped3A : memref<!tpu.dma_semaphore, #tpu.memory_space<semaphore_mem>>)
      %dma_wait3A_729 = arith.constant 0 : i32
      %dma_wait3A_730 = tpu.memref_slice %arg7[%mul3A_6, %dma_wait3A_729] : memref<1152x128xf32, #tpu.memory_space<vmem_shared>> -> memref<72x128xf32, #tpu.memory_space<vmem_shared>>
      %dma_wait3A_731 = arith.constant 0 : i32
      %dma_wait3A_732 = tpu.memref_slice %arg3[%mul3A_4, %dma_wait3A_731] : memref<1152x128xf32, #tpu.memory_space<hbm>> -> memref<72x128xf32, #tpu.memory_space<hbm>>
      tpu.wait_dma2 semaphore(%run_scoped3A : memref<!tpu.dma_semaphore, #tpu.memory_space<semaphore_mem>>) src(%dma_wait3A_732 : memref<72x128xf32, #tpu.memory_space<hbm>>) dst(%dma_wait3A_730 : memref<72x128xf32, #tpu.memory_space<vmem_shared>>)
      tpu.yield
    }) : () -> ()
    "tpu.region"() ({
      %run_scoped3A = tpu.sem_alloc : memref<!tpu.dma_semaphore, #tpu.memory_space<semaphore_mem>>
      %dma_start3A_725 = arith.constant 0 : i32
      %dma_start3A_726 = arith.constant 0 : i32
      %dma_start3A_727 = tpu.memref_slice %arg2[%add3A, %dma_start3A_725, %dma_start3A_726] : memref<32x36x80xi32, #tpu.memory_space<hbm>> -> memref<1x36x80xi32, #tpu.memory_space<hbm>>
      %dma_start3A_728 = tpu.memref_squeeze %dma_start3A_727 : memref<1x36x80xi32, #tpu.memory_space<hbm>> -> memref<36x80xi32, #tpu.memory_space<hbm>>
      %dma_start3A_729 = arith.constant 0 : i32
      %dma_start3A_730 = arith.constant 0 : i32
      %dma_start3A_731 = tpu.memref_slice %arg2[%add3A, %dma_start3A_729, %dma_start3A_730] : memref<32x36x80xi32, #tpu.memory_space<hbm>> -> memref<1x36x80xi32, #tpu.memory_space<hbm>>
      %dma_start3A_732 = tpu.memref_squeeze %dma_start3A_731 : memref<1x36x80xi32, #tpu.memory_space<hbm>> -> memref<36x80xi32, #tpu.memory_space<hbm>>
      tpu.enqueue_dma source(%dma_start3A_732 : memref<36x80xi32, #tpu.memory_space<hbm>>) target(%arg5 : memref<36x80xi32, #tpu.memory_space<vmem>>) target_semaphore(%run_scoped3A : memref<!tpu.dma_semaphore, #tpu.memory_space<semaphore_mem>>)
      %dma_wait3A_733 = arith.constant 0 : i32
      %dma_wait3A_734 = arith.constant 0 : i32
      %dma_wait3A_735 = tpu.memref_slice %arg2[%add3A, %dma_wait3A_733, %dma_wait3A_734] : memref<32x36x80xi32, #tpu.memory_space<hbm>> -> memref<1x36x80xi32, #tpu.memory_space<hbm>>
      %dma_wait3A_736 = tpu.memref_squeeze %dma_wait3A_735 : memref<1x36x80xi32, #tpu.memory_space<hbm>> -> memref<36x80xi32, #tpu.memory_space<hbm>>
      %dma_wait3A_737 = arith.constant 0 : i32
      %dma_wait3A_738 = arith.constant 0 : i32
      %dma_wait3A_739 = tpu.memref_slice %arg2[%add3A, %dma_wait3A_737, %dma_wait3A_738] : memref<32x36x80xi32, #tpu.memory_space<hbm>> -> memref<1x36x80xi32, #tpu.memory_space<hbm>>
      %dma_wait3A_740 = tpu.memref_squeeze %dma_wait3A_739 : memref<1x36x80xi32, #tpu.memory_space<hbm>> -> memref<36x80xi32, #tpu.memory_space<hbm>>
      tpu.wait_dma2 semaphore(%run_scoped3A : memref<!tpu.dma_semaphore, #tpu.memory_space<semaphore_mem>>) src(%dma_wait3A_740 : memref<36x80xi32, #tpu.memory_space<hbm>>) dst(%arg5 : memref<36x80xi32, #tpu.memory_space<vmem>>)
      tpu.yield
    }) : () -> ()
    %barrier3A = arith.constant 0 : index
    tpu.barrier barrier_id(%barrier3A)
    %dma_start3A = arith.constant 0 : i32
    %dma_start3A_7 = arith.constant 0 : i32
    %dma_start3A_8 = arith.constant 0 : i32
    %dma_start3A_9 = tpu.memref_slice %arg6[%dma_start3A_7, %dma_start3A_8] : memref<320x128xf32, #tpu.memory_space<vmem>> -> memref<80x128xf32, #tpu.memory_space<vmem>>
    %dma_start3A_10 = arith.constant 0 : i32
    %dma_start3A_11 = tpu.memref_slice %arg5[%dma_start3A, %dma_start3A_10] : memref<36x80xi32, #tpu.memory_space<vmem>> -> memref<1x80xi32, #tpu.memory_space<vmem>>
    %dma_start3A_12 = tpu.memref_squeeze %dma_start3A_11 : memref<1x80xi32, #tpu.memory_space<vmem>> -> memref<80xi32, #tpu.memory_space<vmem>>
    %dma_start3A_13 = arith.constant 0 : i32
    %dma_start3A_14 = arith.constant 0 : i32
    %dma_start3A_15 = tpu.memref_slice %arg7[%dma_start3A_13, %dma_start3A_14] : memref<1152x128xf32, #tpu.memory_space<vmem_shared>> -> memref<1152x128xf32, #tpu.memory_space<vmem_shared>>
    tpu.enqueue_indirect_dma source(%dma_start3A_15 : memref<1152x128xf32, #tpu.memory_space<vmem_shared>>) target(%dma_start3A_9 : memref<80x128xf32, #tpu.memory_space<vmem>>) offsets(%dma_start3A_12 : memref<80xi32, #tpu.memory_space<vmem>>) semaphore(%arg8 : memref<!tpu.dma_semaphore, #tpu.memory_space<semaphore_mem>>)
    %dma_start3A_16 = arith.constant 1 : i32
    %dma_start3A_17 = arith.constant 80 : i32
    %dma_start3A_18 = arith.constant 0 : i32
    %dma_start3A_19 = tpu.memref_slice %arg6[%dma_start3A_17, %dma_start3A_18] : memref<320x128xf32, #tpu.memory_space<vmem>> -> memref<80x128xf32, #tpu.memory_space<vmem>>
    %dma_start3A_20 = arith.constant 0 : i32
    %dma_start3A_21 = tpu.memref_slice %arg5[%dma_start3A_16, %dma_start3A_20] : memref<36x80xi32, #tpu.memory_space<vmem>> -> memref<1x80xi32, #tpu.memory_space<vmem>>
    %dma_start3A_22 = tpu.memref_squeeze %dma_start3A_21 : memref<1x80xi32, #tpu.memory_space<vmem>> -> memref<80xi32, #tpu.memory_space<vmem>>
    %dma_start3A_23 = arith.constant 0 : i32
    %dma_start3A_24 = arith.constant 0 : i32
    %dma_start3A_25 = tpu.memref_slice %arg7[%dma_start3A_23, %dma_start3A_24] : memref<1152x128xf32, #tpu.memory_space<vmem_shared>> -> memref<1152x128xf32, #tpu.memory_space<vmem_shared>>
    tpu.enqueue_indirect_dma source(%dma_start3A_25 : memref<1152x128xf32, #tpu.memory_space<vmem_shared>>) target(%dma_start3A_19 : memref<80x128xf32, #tpu.memory_space<vmem>>) offsets(%dma_start3A_22 : memref<80xi32, #tpu.memory_space<vmem>>) semaphore(%arg8 : memref<!tpu.dma_semaphore, #tpu.memory_space<semaphore_mem>>)
    %dma_start3A_26 = arith.constant 2 : i32
    %dma_start3A_27 = arith.constant 160 : i32
    %dma_start3A_28 = arith.constant 0 : i32
    %dma_start3A_29 = tpu.memref_slice %arg6[%dma_start3A_27, %dma_start3A_28] : memref<320x128xf32, #tpu.memory_space<vmem>> -> memref<80x128xf32, #tpu.memory_space<vmem>>
    %dma_start3A_30 = arith.constant 0 : i32
    %dma_start3A_31 = tpu.memref_slice %arg5[%dma_start3A_26, %dma_start3A_30] : memref<36x80xi32, #tpu.memory_space<vmem>> -> memref<1x80xi32, #tpu.memory_space<vmem>>
    %dma_start3A_32 = tpu.memref_squeeze %dma_start3A_31 : memref<1x80xi32, #tpu.memory_space<vmem>> -> memref<80xi32, #tpu.memory_space<vmem>>
    %dma_start3A_33 = arith.constant 0 : i32
    %dma_start3A_34 = arith.constant 0 : i32
    %dma_start3A_35 = tpu.memref_slice %arg7[%dma_start3A_33, %dma_start3A_34] : memref<1152x128xf32, #tpu.memory_space<vmem_shared>> -> memref<1152x128xf32, #tpu.memory_space<vmem_shared>>
    tpu.enqueue_indirect_dma source(%dma_start3A_35 : memref<1152x128xf32, #tpu.memory_space<vmem_shared>>) target(%dma_start3A_29 : memref<80x128xf32, #tpu.memory_space<vmem>>) offsets(%dma_start3A_32 : memref<80xi32, #tpu.memory_space<vmem>>) semaphore(%arg8 : memref<!tpu.dma_semaphore, #tpu.memory_space<semaphore_mem>>)
    %dma_start3A_36 = arith.constant 3 : i32
    %dma_start3A_37 = arith.constant 240 : i32
    %dma_start3A_38 = arith.constant 0 : i32
    %dma_start3A_39 = tpu.memref_slice %arg6[%dma_start3A_37, %dma_start3A_38] : memref<320x128xf32, #tpu.memory_space<vmem>> -> memref<80x128xf32, #tpu.memory_space<vmem>>
    %dma_start3A_40 = arith.constant 0 : i32
    %dma_start3A_41 = tpu.memref_slice %arg5[%dma_start3A_36, %dma_start3A_40] : memref<36x80xi32, #tpu.memory_space<vmem>> -> memref<1x80xi32, #tpu.memory_space<vmem>>
    %dma_start3A_42 = tpu.memref_squeeze %dma_start3A_41 : memref<1x80xi32, #tpu.memory_space<vmem>> -> memref<80xi32, #tpu.memory_space<vmem>>
    %dma_start3A_43 = arith.constant 0 : i32
    %dma_start3A_44 = arith.constant 0 : i32
    %dma_start3A_45 = tpu.memref_slice %arg7[%dma_start3A_43, %dma_start3A_44] : memref<1152x128xf32, #tpu.memory_space<vmem_shared>> -> memref<1152x128xf32, #tpu.memory_space<vmem_shared>>
    tpu.enqueue_indirect_dma source(%dma_start3A_45 : memref<1152x128xf32, #tpu.memory_space<vmem_shared>>) target(%dma_start3A_39 : memref<80x128xf32, #tpu.memory_space<vmem>>) offsets(%dma_start3A_42 : memref<80xi32, #tpu.memory_space<vmem>>) semaphore(%arg8 : memref<!tpu.dma_semaphore, #tpu.memory_space<semaphore_mem>>)
    %dma_wait3A = arith.constant 0 : i32
    %dma_wait3A_46 = arith.constant 0 : i32
    %dma_wait3A_47 = arith.constant 0 : i32
    %dma_wait3A_48 = tpu.memref_slice %arg6[%dma_wait3A_46, %dma_wait3A_47] : memref<320x128xf32, #tpu.memory_space<vmem>> -> memref<80x128xf32, #tpu.memory_space<vmem>>
    %dma_wait3A_49 = arith.constant 0 : i32
    %dma_wait3A_50 = tpu.memref_slice %arg5[%dma_wait3A, %dma_wait3A_49] : memref<36x80xi32, #tpu.memory_space<vmem>> -> memref<1x80xi32, #tpu.memory_space<vmem>>
    %dma_wait3A_51 = tpu.memref_squeeze %dma_wait3A_50 : memref<1x80xi32, #tpu.memory_space<vmem>> -> memref<80xi32, #tpu.memory_space<vmem>>
    %dma_wait3A_52 = arith.constant 0 : i32
    %dma_wait3A_53 = arith.constant 0 : i32
    %dma_wait3A_54 = tpu.memref_slice %arg7[%dma_wait3A_52, %dma_wait3A_53] : memref<1152x128xf32, #tpu.memory_space<vmem_shared>> -> memref<1152x128xf32, #tpu.memory_space<vmem_shared>>
    tpu.wait_indirect_dma semaphore(%arg8 : memref<!tpu.dma_semaphore, #tpu.memory_space<semaphore_mem>>) src(%dma_wait3A_54 : memref<1152x128xf32, #tpu.memory_space<vmem_shared>>) dst(%dma_wait3A_48 : memref<80x128xf32, #tpu.memory_space<vmem>>)
    %dma_wait3A_55 = arith.constant 1 : i32
    %dma_wait3A_56 = arith.constant 80 : i32
    %dma_wait3A_57 = arith.constant 0 : i32
    %dma_wait3A_58 = tpu.memref_slice %arg6[%dma_wait3A_56, %dma_wait3A_57] : memref<320x128xf32, #tpu.memory_space<vmem>> -> memref<80x128xf32, #tpu.memory_space<vmem>>
    %dma_wait3A_59 = arith.constant 0 : i32
    %dma_wait3A_60 = tpu.memref_slice %arg5[%dma_wait3A_55, %dma_wait3A_59] : memref<36x80xi32, #tpu.memory_space<vmem>> -> memref<1x80xi32, #tpu.memory_space<vmem>>
    %dma_wait3A_61 = tpu.memref_squeeze %dma_wait3A_60 : memref<1x80xi32, #tpu.memory_space<vmem>> -> memref<80xi32, #tpu.memory_space<vmem>>
    %dma_wait3A_62 = arith.constant 0 : i32
    %dma_wait3A_63 = arith.constant 0 : i32
    %dma_wait3A_64 = tpu.memref_slice %arg7[%dma_wait3A_62, %dma_wait3A_63] : memref<1152x128xf32, #tpu.memory_space<vmem_shared>> -> memref<1152x128xf32, #tpu.memory_space<vmem_shared>>
    tpu.wait_indirect_dma semaphore(%arg8 : memref<!tpu.dma_semaphore, #tpu.memory_space<semaphore_mem>>) src(%dma_wait3A_64 : memref<1152x128xf32, #tpu.memory_space<vmem_shared>>) dst(%dma_wait3A_58 : memref<80x128xf32, #tpu.memory_space<vmem>>)
    %dma_wait3A_65 = arith.constant 2 : i32
    %dma_wait3A_66 = arith.constant 160 : i32
    %dma_wait3A_67 = arith.constant 0 : i32
    %dma_wait3A_68 = tpu.memref_slice %arg6[%dma_wait3A_66, %dma_wait3A_67] : memref<320x128xf32, #tpu.memory_space<vmem>> -> memref<80x128xf32, #tpu.memory_space<vmem>>
    %dma_wait3A_69 = arith.constant 0 : i32
    %dma_wait3A_70 = tpu.memref_slice %arg5[%dma_wait3A_65, %dma_wait3A_69] : memref<36x80xi32, #tpu.memory_space<vmem>> -> memref<1x80xi32, #tpu.memory_space<vmem>>
    %dma_wait3A_71 = tpu.memref_squeeze %dma_wait3A_70 : memref<1x80xi32, #tpu.memory_space<vmem>> -> memref<80xi32, #tpu.memory_space<vmem>>
    %dma_wait3A_72 = arith.constant 0 : i32
    %dma_wait3A_73 = arith.constant 0 : i32
    %dma_wait3A_74 = tpu.memref_slice %arg7[%dma_wait3A_72, %dma_wait3A_73] : memref<1152x128xf32, #tpu.memory_space<vmem_shared>> -> memref<1152x128xf32, #tpu.memory_space<vmem_shared>>
    tpu.wait_indirect_dma semaphore(%arg8 : memref<!tpu.dma_semaphore, #tpu.memory_space<semaphore_mem>>) src(%dma_wait3A_74 : memref<1152x128xf32, #tpu.memory_space<vmem_shared>>) dst(%dma_wait3A_68 : memref<80x128xf32, #tpu.memory_space<vmem>>)
    %dma_wait3A_75 = arith.constant 3 : i32
    %dma_wait3A_76 = arith.constant 240 : i32
    %dma_wait3A_77 = arith.constant 0 : i32
    %dma_wait3A_78 = tpu.memref_slice %arg6[%dma_wait3A_76, %dma_wait3A_77] : memref<320x128xf32, #tpu.memory_space<vmem>> -> memref<80x128xf32, #tpu.memory_space<vmem>>
    %dma_wait3A_79 = arith.constant 0 : i32
    %dma_wait3A_80 = tpu.memref_slice %arg5[%dma_wait3A_75, %dma_wait3A_79] : memref<36x80xi32, #tpu.memory_space<vmem>> -> memref<1x80xi32, #tpu.memory_space<vmem>>
    %dma_wait3A_81 = tpu.memref_squeeze %dma_wait3A_80 : memref<1x80xi32, #tpu.memory_space<vmem>> -> memref<80xi32, #tpu.memory_space<vmem>>
    %dma_wait3A_82 = arith.constant 0 : i32
    %dma_wait3A_83 = arith.constant 0 : i32
    %dma_wait3A_84 = tpu.memref_slice %arg7[%dma_wait3A_82, %dma_wait3A_83] : memref<1152x128xf32, #tpu.memory_space<vmem_shared>> -> memref<1152x128xf32, #tpu.memory_space<vmem_shared>>
    tpu.wait_indirect_dma semaphore(%arg8 : memref<!tpu.dma_semaphore, #tpu.memory_space<semaphore_mem>>) src(%dma_wait3A_84 : memref<1152x128xf32, #tpu.memory_space<vmem_shared>>) dst(%dma_wait3A_78 : memref<80x128xf32, #tpu.memory_space<vmem>>)
    %dma_start3A_85 = arith.constant 4 : i32
    %dma_start3A_86 = arith.constant 0 : i32
    %dma_start3A_87 = arith.constant 0 : i32
    %dma_start3A_88 = tpu.memref_slice %arg6[%dma_start3A_86, %dma_start3A_87] : memref<320x128xf32, #tpu.memory_space<vmem>> -> memref<80x128xf32, #tpu.memory_space<vmem>>
    %dma_start3A_89 = arith.constant 0 : i32
    %dma_start3A_90 = tpu.memref_slice %arg5[%dma_start3A_85, %dma_start3A_89] : memref<36x80xi32, #tpu.memory_space<vmem>> -> memref<1x80xi32, #tpu.memory_space<vmem>>
    %dma_start3A_91 = tpu.memref_squeeze %dma_start3A_90 : memref<1x80xi32, #tpu.memory_space<vmem>> -> memref<80xi32, #tpu.memory_space<vmem>>
    %dma_start3A_92 = arith.constant 0 : i32
    %dma_start3A_93 = arith.constant 0 : i32
    %dma_start3A_94 = tpu.memref_slice %arg7[%dma_start3A_92, %dma_start3A_93] : memref<1152x128xf32, #tpu.memory_space<vmem_shared>> -> memref<1152x128xf32, #tpu.memory_space<vmem_shared>>
    tpu.enqueue_indirect_dma source(%dma_start3A_94 : memref<1152x128xf32, #tpu.memory_space<vmem_shared>>) target(%dma_start3A_88 : memref<80x128xf32, #tpu.memory_space<vmem>>) offsets(%dma_start3A_91 : memref<80xi32, #tpu.memory_space<vmem>>) semaphore(%arg8 : memref<!tpu.dma_semaphore, #tpu.memory_space<semaphore_mem>>) {add = true}
    %dma_start3A_95 = arith.constant 5 : i32
    %dma_start3A_96 = arith.constant 80 : i32
    %dma_start3A_97 = arith.constant 0 : i32
    %dma_start3A_98 = tpu.memref_slice %arg6[%dma_start3A_96, %dma_start3A_97] : memref<320x128xf32, #tpu.memory_space<vmem>> -> memref<80x128xf32, #tpu.memory_space<vmem>>
    %dma_start3A_99 = arith.constant 0 : i32
    %dma_start3A_100 = tpu.memref_slice %arg5[%dma_start3A_95, %dma_start3A_99] : memref<36x80xi32, #tpu.memory_space<vmem>> -> memref<1x80xi32, #tpu.memory_space<vmem>>
    %dma_start3A_101 = tpu.memref_squeeze %dma_start3A_100 : memref<1x80xi32, #tpu.memory_space<vmem>> -> memref<80xi32, #tpu.memory_space<vmem>>
    %dma_start3A_102 = arith.constant 0 : i32
    %dma_start3A_103 = arith.constant 0 : i32
    %dma_start3A_104 = tpu.memref_slice %arg7[%dma_start3A_102, %dma_start3A_103] : memref<1152x128xf32, #tpu.memory_space<vmem_shared>> -> memref<1152x128xf32, #tpu.memory_space<vmem_shared>>
    tpu.enqueue_indirect_dma source(%dma_start3A_104 : memref<1152x128xf32, #tpu.memory_space<vmem_shared>>) target(%dma_start3A_98 : memref<80x128xf32, #tpu.memory_space<vmem>>) offsets(%dma_start3A_101 : memref<80xi32, #tpu.memory_space<vmem>>) semaphore(%arg8 : memref<!tpu.dma_semaphore, #tpu.memory_space<semaphore_mem>>) {add = true}
    %dma_start3A_105 = arith.constant 6 : i32
    %dma_start3A_106 = arith.constant 160 : i32
    %dma_start3A_107 = arith.constant 0 : i32
    %dma_start3A_108 = tpu.memref_slice %arg6[%dma_start3A_106, %dma_start3A_107] : memref<320x128xf32, #tpu.memory_space<vmem>> -> memref<80x128xf32, #tpu.memory_space<vmem>>
    %dma_start3A_109 = arith.constant 0 : i32
    %dma_start3A_110 = tpu.memref_slice %arg5[%dma_start3A_105, %dma_start3A_109] : memref<36x80xi32, #tpu.memory_space<vmem>> -> memref<1x80xi32, #tpu.memory_space<vmem>>
    %dma_start3A_111 = tpu.memref_squeeze %dma_start3A_110 : memref<1x80xi32, #tpu.memory_space<vmem>> -> memref<80xi32, #tpu.memory_space<vmem>>
    %dma_start3A_112 = arith.constant 0 : i32
    %dma_start3A_113 = arith.constant 0 : i32
    %dma_start3A_114 = tpu.memref_slice %arg7[%dma_start3A_112, %dma_start3A_113] : memref<1152x128xf32, #tpu.memory_space<vmem_shared>> -> memref<1152x128xf32, #tpu.memory_space<vmem_shared>>
    tpu.enqueue_indirect_dma source(%dma_start3A_114 : memref<1152x128xf32, #tpu.memory_space<vmem_shared>>) target(%dma_start3A_108 : memref<80x128xf32, #tpu.memory_space<vmem>>) offsets(%dma_start3A_111 : memref<80xi32, #tpu.memory_space<vmem>>) semaphore(%arg8 : memref<!tpu.dma_semaphore, #tpu.memory_space<semaphore_mem>>) {add = true}
    %dma_start3A_115 = arith.constant 7 : i32
    %dma_start3A_116 = arith.constant 240 : i32
    %dma_start3A_117 = arith.constant 0 : i32
    %dma_start3A_118 = tpu.memref_slice %arg6[%dma_start3A_116, %dma_start3A_117] : memref<320x128xf32, #tpu.memory_space<vmem>> -> memref<80x128xf32, #tpu.memory_space<vmem>>
    %dma_start3A_119 = arith.constant 0 : i32
    %dma_start3A_120 = tpu.memref_slice %arg5[%dma_start3A_115, %dma_start3A_119] : memref<36x80xi32, #tpu.memory_space<vmem>> -> memref<1x80xi32, #tpu.memory_space<vmem>>
    %dma_start3A_121 = tpu.memref_squeeze %dma_start3A_120 : memref<1x80xi32, #tpu.memory_space<vmem>> -> memref<80xi32, #tpu.memory_space<vmem>>
    %dma_start3A_122 = arith.constant 0 : i32
    %dma_start3A_123 = arith.constant 0 : i32
    %dma_start3A_124 = tpu.memref_slice %arg7[%dma_start3A_122, %dma_start3A_123] : memref<1152x128xf32, #tpu.memory_space<vmem_shared>> -> memref<1152x128xf32, #tpu.memory_space<vmem_shared>>
    tpu.enqueue_indirect_dma source(%dma_start3A_124 : memref<1152x128xf32, #tpu.memory_space<vmem_shared>>) target(%dma_start3A_118 : memref<80x128xf32, #tpu.memory_space<vmem>>) offsets(%dma_start3A_121 : memref<80xi32, #tpu.memory_space<vmem>>) semaphore(%arg8 : memref<!tpu.dma_semaphore, #tpu.memory_space<semaphore_mem>>) {add = true}
    %dma_wait3A_125 = arith.constant 4 : i32
    %dma_wait3A_126 = arith.constant 0 : i32
    %dma_wait3A_127 = arith.constant 0 : i32
    %dma_wait3A_128 = tpu.memref_slice %arg6[%dma_wait3A_126, %dma_wait3A_127] : memref<320x128xf32, #tpu.memory_space<vmem>> -> memref<80x128xf32, #tpu.memory_space<vmem>>
    %dma_wait3A_129 = arith.constant 0 : i32
    %dma_wait3A_130 = tpu.memref_slice %arg5[%dma_wait3A_125, %dma_wait3A_129] : memref<36x80xi32, #tpu.memory_space<vmem>> -> memref<1x80xi32, #tpu.memory_space<vmem>>
    %dma_wait3A_131 = tpu.memref_squeeze %dma_wait3A_130 : memref<1x80xi32, #tpu.memory_space<vmem>> -> memref<80xi32, #tpu.memory_space<vmem>>
    %dma_wait3A_132 = arith.constant 0 : i32
    %dma_wait3A_133 = arith.constant 0 : i32
    %dma_wait3A_134 = tpu.memref_slice %arg7[%dma_wait3A_132, %dma_wait3A_133] : memref<1152x128xf32, #tpu.memory_space<vmem_shared>> -> memref<1152x128xf32, #tpu.memory_space<vmem_shared>>
    tpu.wait_indirect_dma semaphore(%arg8 : memref<!tpu.dma_semaphore, #tpu.memory_space<semaphore_mem>>) src(%dma_wait3A_134 : memref<1152x128xf32, #tpu.memory_space<vmem_shared>>) dst(%dma_wait3A_128 : memref<80x128xf32, #tpu.memory_space<vmem>>)
    %dma_wait3A_135 = arith.constant 5 : i32
    %dma_wait3A_136 = arith.constant 80 : i32
    %dma_wait3A_137 = arith.constant 0 : i32
    %dma_wait3A_138 = tpu.memref_slice %arg6[%dma_wait3A_136, %dma_wait3A_137] : memref<320x128xf32, #tpu.memory_space<vmem>> -> memref<80x128xf32, #tpu.memory_space<vmem>>
    %dma_wait3A_139 = arith.constant 0 : i32
    %dma_wait3A_140 = tpu.memref_slice %arg5[%dma_wait3A_135, %dma_wait3A_139] : memref<36x80xi32, #tpu.memory_space<vmem>> -> memref<1x80xi32, #tpu.memory_space<vmem>>
    %dma_wait3A_141 = tpu.memref_squeeze %dma_wait3A_140 : memref<1x80xi32, #tpu.memory_space<vmem>> -> memref<80xi32, #tpu.memory_space<vmem>>
    %dma_wait3A_142 = arith.constant 0 : i32
    %dma_wait3A_143 = arith.constant 0 : i32
    %dma_wait3A_144 = tpu.memref_slice %arg7[%dma_wait3A_142, %dma_wait3A_143] : memref<1152x128xf32, #tpu.memory_space<vmem_shared>> -> memref<1152x128xf32, #tpu.memory_space<vmem_shared>>
    tpu.wait_indirect_dma semaphore(%arg8 : memref<!tpu.dma_semaphore, #tpu.memory_space<semaphore_mem>>) src(%dma_wait3A_144 : memref<1152x128xf32, #tpu.memory_space<vmem_shared>>) dst(%dma_wait3A_138 : memref<80x128xf32, #tpu.memory_space<vmem>>)
    %dma_wait3A_145 = arith.constant 6 : i32
    %dma_wait3A_146 = arith.constant 160 : i32
    %dma_wait3A_147 = arith.constant 0 : i32
    %dma_wait3A_148 = tpu.memref_slice %arg6[%dma_wait3A_146, %dma_wait3A_147] : memref<320x128xf32, #tpu.memory_space<vmem>> -> memref<80x128xf32, #tpu.memory_space<vmem>>
    %dma_wait3A_149 = arith.constant 0 : i32
    %dma_wait3A_150 = tpu.memref_slice %arg5[%dma_wait3A_145, %dma_wait3A_149] : memref<36x80xi32, #tpu.memory_space<vmem>> -> memref<1x80xi32, #tpu.memory_space<vmem>>
    %dma_wait3A_151 = tpu.memref_squeeze %dma_wait3A_150 : memref<1x80xi32, #tpu.memory_space<vmem>> -> memref<80xi32, #tpu.memory_space<vmem>>
    %dma_wait3A_152 = arith.constant 0 : i32
    %dma_wait3A_153 = arith.constant 0 : i32
    %dma_wait3A_154 = tpu.memref_slice %arg7[%dma_wait3A_152, %dma_wait3A_153] : memref<1152x128xf32, #tpu.memory_space<vmem_shared>> -> memref<1152x128xf32, #tpu.memory_space<vmem_shared>>
    tpu.wait_indirect_dma semaphore(%arg8 : memref<!tpu.dma_semaphore, #tpu.memory_space<semaphore_mem>>) src(%dma_wait3A_154 : memref<1152x128xf32, #tpu.memory_space<vmem_shared>>) dst(%dma_wait3A_148 : memref<80x128xf32, #tpu.memory_space<vmem>>)
    %dma_wait3A_155 = arith.constant 7 : i32
    %dma_wait3A_156 = arith.constant 240 : i32
    %dma_wait3A_157 = arith.constant 0 : i32
    %dma_wait3A_158 = tpu.memref_slice %arg6[%dma_wait3A_156, %dma_wait3A_157] : memref<320x128xf32, #tpu.memory_space<vmem>> -> memref<80x128xf32, #tpu.memory_space<vmem>>
    %dma_wait3A_159 = arith.constant 0 : i32
    %dma_wait3A_160 = tpu.memref_slice %arg5[%dma_wait3A_155, %dma_wait3A_159] : memref<36x80xi32, #tpu.memory_space<vmem>> -> memref<1x80xi32, #tpu.memory_space<vmem>>
    %dma_wait3A_161 = tpu.memref_squeeze %dma_wait3A_160 : memref<1x80xi32, #tpu.memory_space<vmem>> -> memref<80xi32, #tpu.memory_space<vmem>>
    %dma_wait3A_162 = arith.constant 0 : i32
    %dma_wait3A_163 = arith.constant 0 : i32
    %dma_wait3A_164 = tpu.memref_slice %arg7[%dma_wait3A_162, %dma_wait3A_163] : memref<1152x128xf32, #tpu.memory_space<vmem_shared>> -> memref<1152x128xf32, #tpu.memory_space<vmem_shared>>
    tpu.wait_indirect_dma semaphore(%arg8 : memref<!tpu.dma_semaphore, #tpu.memory_space<semaphore_mem>>) src(%dma_wait3A_164 : memref<1152x128xf32, #tpu.memory_space<vmem_shared>>) dst(%dma_wait3A_158 : memref<80x128xf32, #tpu.memory_space<vmem>>)
    %dma_start3A_165 = arith.constant 8 : i32
    %dma_start3A_166 = arith.constant 0 : i32
    %dma_start3A_167 = arith.constant 0 : i32
    %dma_start3A_168 = tpu.memref_slice %arg6[%dma_start3A_166, %dma_start3A_167] : memref<320x128xf32, #tpu.memory_space<vmem>> -> memref<80x128xf32, #tpu.memory_space<vmem>>
    %dma_start3A_169 = arith.constant 0 : i32
    %dma_start3A_170 = tpu.memref_slice %arg5[%dma_start3A_165, %dma_start3A_169] : memref<36x80xi32, #tpu.memory_space<vmem>> -> memref<1x80xi32, #tpu.memory_space<vmem>>
    %dma_start3A_171 = tpu.memref_squeeze %dma_start3A_170 : memref<1x80xi32, #tpu.memory_space<vmem>> -> memref<80xi32, #tpu.memory_space<vmem>>
    %dma_start3A_172 = arith.constant 0 : i32
    %dma_start3A_173 = arith.constant 0 : i32
    %dma_start3A_174 = tpu.memref_slice %arg7[%dma_start3A_172, %dma_start3A_173] : memref<1152x128xf32, #tpu.memory_space<vmem_shared>> -> memref<1152x128xf32, #tpu.memory_space<vmem_shared>>
    tpu.enqueue_indirect_dma source(%dma_start3A_174 : memref<1152x128xf32, #tpu.memory_space<vmem_shared>>) target(%dma_start3A_168 : memref<80x128xf32, #tpu.memory_space<vmem>>) offsets(%dma_start3A_171 : memref<80xi32, #tpu.memory_space<vmem>>) semaphore(%arg8 : memref<!tpu.dma_semaphore, #tpu.memory_space<semaphore_mem>>) {add = true}
    %dma_start3A_175 = arith.constant 9 : i32
    %dma_start3A_176 = arith.constant 80 : i32
    %dma_start3A_177 = arith.constant 0 : i32
    %dma_start3A_178 = tpu.memref_slice %arg6[%dma_start3A_176, %dma_start3A_177] : memref<320x128xf32, #tpu.memory_space<vmem>> -> memref<80x128xf32, #tpu.memory_space<vmem>>
    %dma_start3A_179 = arith.constant 0 : i32
    %dma_start3A_180 = tpu.memref_slice %arg5[%dma_start3A_175, %dma_start3A_179] : memref<36x80xi32, #tpu.memory_space<vmem>> -> memref<1x80xi32, #tpu.memory_space<vmem>>
    %dma_start3A_181 = tpu.memref_squeeze %dma_start3A_180 : memref<1x80xi32, #tpu.memory_space<vmem>> -> memref<80xi32, #tpu.memory_space<vmem>>
    %dma_start3A_182 = arith.constant 0 : i32
    %dma_start3A_183 = arith.constant 0 : i32
    %dma_start3A_184 = tpu.memref_slice %arg7[%dma_start3A_182, %dma_start3A_183] : memref<1152x128xf32, #tpu.memory_space<vmem_shared>> -> memref<1152x128xf32, #tpu.memory_space<vmem_shared>>
    tpu.enqueue_indirect_dma source(%dma_start3A_184 : memref<1152x128xf32, #tpu.memory_space<vmem_shared>>) target(%dma_start3A_178 : memref<80x128xf32, #tpu.memory_space<vmem>>) offsets(%dma_start3A_181 : memref<80xi32, #tpu.memory_space<vmem>>) semaphore(%arg8 : memref<!tpu.dma_semaphore, #tpu.memory_space<semaphore_mem>>) {add = true}
    %dma_start3A_185 = arith.constant 10 : i32
    %dma_start3A_186 = arith.constant 160 : i32
    %dma_start3A_187 = arith.constant 0 : i32
    %dma_start3A_188 = tpu.memref_slice %arg6[%dma_start3A_186, %dma_start3A_187] : memref<320x128xf32, #tpu.memory_space<vmem>> -> memref<80x128xf32, #tpu.memory_space<vmem>>
    %dma_start3A_189 = arith.constant 0 : i32
    %dma_start3A_190 = tpu.memref_slice %arg5[%dma_start3A_185, %dma_start3A_189] : memref<36x80xi32, #tpu.memory_space<vmem>> -> memref<1x80xi32, #tpu.memory_space<vmem>>
    %dma_start3A_191 = tpu.memref_squeeze %dma_start3A_190 : memref<1x80xi32, #tpu.memory_space<vmem>> -> memref<80xi32, #tpu.memory_space<vmem>>
    %dma_start3A_192 = arith.constant 0 : i32
    %dma_start3A_193 = arith.constant 0 : i32
    %dma_start3A_194 = tpu.memref_slice %arg7[%dma_start3A_192, %dma_start3A_193] : memref<1152x128xf32, #tpu.memory_space<vmem_shared>> -> memref<1152x128xf32, #tpu.memory_space<vmem_shared>>
    tpu.enqueue_indirect_dma source(%dma_start3A_194 : memref<1152x128xf32, #tpu.memory_space<vmem_shared>>) target(%dma_start3A_188 : memref<80x128xf32, #tpu.memory_space<vmem>>) offsets(%dma_start3A_191 : memref<80xi32, #tpu.memory_space<vmem>>) semaphore(%arg8 : memref<!tpu.dma_semaphore, #tpu.memory_space<semaphore_mem>>) {add = true}
    %dma_start3A_195 = arith.constant 11 : i32
    %dma_start3A_196 = arith.constant 240 : i32
    %dma_start3A_197 = arith.constant 0 : i32
    %dma_start3A_198 = tpu.memref_slice %arg6[%dma_start3A_196, %dma_start3A_197] : memref<320x128xf32, #tpu.memory_space<vmem>> -> memref<80x128xf32, #tpu.memory_space<vmem>>
    %dma_start3A_199 = arith.constant 0 : i32
    %dma_start3A_200 = tpu.memref_slice %arg5[%dma_start3A_195, %dma_start3A_199] : memref<36x80xi32, #tpu.memory_space<vmem>> -> memref<1x80xi32, #tpu.memory_space<vmem>>
    %dma_start3A_201 = tpu.memref_squeeze %dma_start3A_200 : memref<1x80xi32, #tpu.memory_space<vmem>> -> memref<80xi32, #tpu.memory_space<vmem>>
    %dma_start3A_202 = arith.constant 0 : i32
    %dma_start3A_203 = arith.constant 0 : i32
    %dma_start3A_204 = tpu.memref_slice %arg7[%dma_start3A_202, %dma_start3A_203] : memref<1152x128xf32, #tpu.memory_space<vmem_shared>> -> memref<1152x128xf32, #tpu.memory_space<vmem_shared>>
    tpu.enqueue_indirect_dma source(%dma_start3A_204 : memref<1152x128xf32, #tpu.memory_space<vmem_shared>>) target(%dma_start3A_198 : memref<80x128xf32, #tpu.memory_space<vmem>>) offsets(%dma_start3A_201 : memref<80xi32, #tpu.memory_space<vmem>>) semaphore(%arg8 : memref<!tpu.dma_semaphore, #tpu.memory_space<semaphore_mem>>) {add = true}
    %dma_wait3A_205 = arith.constant 8 : i32
    %dma_wait3A_206 = arith.constant 0 : i32
    %dma_wait3A_207 = arith.constant 0 : i32
    %dma_wait3A_208 = tpu.memref_slice %arg6[%dma_wait3A_206, %dma_wait3A_207] : memref<320x128xf32, #tpu.memory_space<vmem>> -> memref<80x128xf32, #tpu.memory_space<vmem>>
    %dma_wait3A_209 = arith.constant 0 : i32
    %dma_wait3A_210 = tpu.memref_slice %arg5[%dma_wait3A_205, %dma_wait3A_209] : memref<36x80xi32, #tpu.memory_space<vmem>> -> memref<1x80xi32, #tpu.memory_space<vmem>>
    %dma_wait3A_211 = tpu.memref_squeeze %dma_wait3A_210 : memref<1x80xi32, #tpu.memory_space<vmem>> -> memref<80xi32, #tpu.memory_space<vmem>>
    %dma_wait3A_212 = arith.constant 0 : i32
    %dma_wait3A_213 = arith.constant 0 : i32
    %dma_wait3A_214 = tpu.memref_slice %arg7[%dma_wait3A_212, %dma_wait3A_213] : memref<1152x128xf32, #tpu.memory_space<vmem_shared>> -> memref<1152x128xf32, #tpu.memory_space<vmem_shared>>
    tpu.wait_indirect_dma semaphore(%arg8 : memref<!tpu.dma_semaphore, #tpu.memory_space<semaphore_mem>>) src(%dma_wait3A_214 : memref<1152x128xf32, #tpu.memory_space<vmem_shared>>) dst(%dma_wait3A_208 : memref<80x128xf32, #tpu.memory_space<vmem>>)
    %dma_wait3A_215 = arith.constant 9 : i32
    %dma_wait3A_216 = arith.constant 80 : i32
    %dma_wait3A_217 = arith.constant 0 : i32
    %dma_wait3A_218 = tpu.memref_slice %arg6[%dma_wait3A_216, %dma_wait3A_217] : memref<320x128xf32, #tpu.memory_space<vmem>> -> memref<80x128xf32, #tpu.memory_space<vmem>>
    %dma_wait3A_219 = arith.constant 0 : i32
    %dma_wait3A_220 = tpu.memref_slice %arg5[%dma_wait3A_215, %dma_wait3A_219] : memref<36x80xi32, #tpu.memory_space<vmem>> -> memref<1x80xi32, #tpu.memory_space<vmem>>
    %dma_wait3A_221 = tpu.memref_squeeze %dma_wait3A_220 : memref<1x80xi32, #tpu.memory_space<vmem>> -> memref<80xi32, #tpu.memory_space<vmem>>
    %dma_wait3A_222 = arith.constant 0 : i32
    %dma_wait3A_223 = arith.constant 0 : i32
    %dma_wait3A_224 = tpu.memref_slice %arg7[%dma_wait3A_222, %dma_wait3A_223] : memref<1152x128xf32, #tpu.memory_space<vmem_shared>> -> memref<1152x128xf32, #tpu.memory_space<vmem_shared>>
    tpu.wait_indirect_dma semaphore(%arg8 : memref<!tpu.dma_semaphore, #tpu.memory_space<semaphore_mem>>) src(%dma_wait3A_224 : memref<1152x128xf32, #tpu.memory_space<vmem_shared>>) dst(%dma_wait3A_218 : memref<80x128xf32, #tpu.memory_space<vmem>>)
    %dma_wait3A_225 = arith.constant 10 : i32
    %dma_wait3A_226 = arith.constant 160 : i32
    %dma_wait3A_227 = arith.constant 0 : i32
    %dma_wait3A_228 = tpu.memref_slice %arg6[%dma_wait3A_226, %dma_wait3A_227] : memref<320x128xf32, #tpu.memory_space<vmem>> -> memref<80x128xf32, #tpu.memory_space<vmem>>
    %dma_wait3A_229 = arith.constant 0 : i32
    %dma_wait3A_230 = tpu.memref_slice %arg5[%dma_wait3A_225, %dma_wait3A_229] : memref<36x80xi32, #tpu.memory_space<vmem>> -> memref<1x80xi32, #tpu.memory_space<vmem>>
    %dma_wait3A_231 = tpu.memref_squeeze %dma_wait3A_230 : memref<1x80xi32, #tpu.memory_space<vmem>> -> memref<80xi32, #tpu.memory_space<vmem>>
    %dma_wait3A_232 = arith.constant 0 : i32
    %dma_wait3A_233 = arith.constant 0 : i32
    %dma_wait3A_234 = tpu.memref_slice %arg7[%dma_wait3A_232, %dma_wait3A_233] : memref<1152x128xf32, #tpu.memory_space<vmem_shared>> -> memref<1152x128xf32, #tpu.memory_space<vmem_shared>>
    tpu.wait_indirect_dma semaphore(%arg8 : memref<!tpu.dma_semaphore, #tpu.memory_space<semaphore_mem>>) src(%dma_wait3A_234 : memref<1152x128xf32, #tpu.memory_space<vmem_shared>>) dst(%dma_wait3A_228 : memref<80x128xf32, #tpu.memory_space<vmem>>)
    %dma_wait3A_235 = arith.constant 11 : i32
    %dma_wait3A_236 = arith.constant 240 : i32
    %dma_wait3A_237 = arith.constant 0 : i32
    %dma_wait3A_238 = tpu.memref_slice %arg6[%dma_wait3A_236, %dma_wait3A_237] : memref<320x128xf32, #tpu.memory_space<vmem>> -> memref<80x128xf32, #tpu.memory_space<vmem>>
    %dma_wait3A_239 = arith.constant 0 : i32
    %dma_wait3A_240 = tpu.memref_slice %arg5[%dma_wait3A_235, %dma_wait3A_239] : memref<36x80xi32, #tpu.memory_space<vmem>> -> memref<1x80xi32, #tpu.memory_space<vmem>>
    %dma_wait3A_241 = tpu.memref_squeeze %dma_wait3A_240 : memref<1x80xi32, #tpu.memory_space<vmem>> -> memref<80xi32, #tpu.memory_space<vmem>>
    %dma_wait3A_242 = arith.constant 0 : i32
    %dma_wait3A_243 = arith.constant 0 : i32
    %dma_wait3A_244 = tpu.memref_slice %arg7[%dma_wait3A_242, %dma_wait3A_243] : memref<1152x128xf32, #tpu.memory_space<vmem_shared>> -> memref<1152x128xf32, #tpu.memory_space<vmem_shared>>
    tpu.wait_indirect_dma semaphore(%arg8 : memref<!tpu.dma_semaphore, #tpu.memory_space<semaphore_mem>>) src(%dma_wait3A_244 : memref<1152x128xf32, #tpu.memory_space<vmem_shared>>) dst(%dma_wait3A_238 : memref<80x128xf32, #tpu.memory_space<vmem>>)
    %dma_start3A_245 = arith.constant 12 : i32
    %dma_start3A_246 = arith.constant 0 : i32
    %dma_start3A_247 = arith.constant 0 : i32
    %dma_start3A_248 = tpu.memref_slice %arg6[%dma_start3A_246, %dma_start3A_247] : memref<320x128xf32, #tpu.memory_space<vmem>> -> memref<80x128xf32, #tpu.memory_space<vmem>>
    %dma_start3A_249 = arith.constant 0 : i32
    %dma_start3A_250 = tpu.memref_slice %arg5[%dma_start3A_245, %dma_start3A_249] : memref<36x80xi32, #tpu.memory_space<vmem>> -> memref<1x80xi32, #tpu.memory_space<vmem>>
    %dma_start3A_251 = tpu.memref_squeeze %dma_start3A_250 : memref<1x80xi32, #tpu.memory_space<vmem>> -> memref<80xi32, #tpu.memory_space<vmem>>
    %dma_start3A_252 = arith.constant 0 : i32
    %dma_start3A_253 = arith.constant 0 : i32
    %dma_start3A_254 = tpu.memref_slice %arg7[%dma_start3A_252, %dma_start3A_253] : memref<1152x128xf32, #tpu.memory_space<vmem_shared>> -> memref<1152x128xf32, #tpu.memory_space<vmem_shared>>
    tpu.enqueue_indirect_dma source(%dma_start3A_254 : memref<1152x128xf32, #tpu.memory_space<vmem_shared>>) target(%dma_start3A_248 : memref<80x128xf32, #tpu.memory_space<vmem>>) offsets(%dma_start3A_251 : memref<80xi32, #tpu.memory_space<vmem>>) semaphore(%arg8 : memref<!tpu.dma_semaphore, #tpu.memory_space<semaphore_mem>>) {add = true}
    %dma_start3A_255 = arith.constant 13 : i32
    %dma_start3A_256 = arith.constant 80 : i32
    %dma_start3A_257 = arith.constant 0 : i32
    %dma_start3A_258 = tpu.memref_slice %arg6[%dma_start3A_256, %dma_start3A_257] : memref<320x128xf32, #tpu.memory_space<vmem>> -> memref<80x128xf32, #tpu.memory_space<vmem>>
    %dma_start3A_259 = arith.constant 0 : i32
    %dma_start3A_260 = tpu.memref_slice %arg5[%dma_start3A_255, %dma_start3A_259] : memref<36x80xi32, #tpu.memory_space<vmem>> -> memref<1x80xi32, #tpu.memory_space<vmem>>
    %dma_start3A_261 = tpu.memref_squeeze %dma_start3A_260 : memref<1x80xi32, #tpu.memory_space<vmem>> -> memref<80xi32, #tpu.memory_space<vmem>>
    %dma_start3A_262 = arith.constant 0 : i32
    %dma_start3A_263 = arith.constant 0 : i32
    %dma_start3A_264 = tpu.memref_slice %arg7[%dma_start3A_262, %dma_start3A_263] : memref<1152x128xf32, #tpu.memory_space<vmem_shared>> -> memref<1152x128xf32, #tpu.memory_space<vmem_shared>>
    tpu.enqueue_indirect_dma source(%dma_start3A_264 : memref<1152x128xf32, #tpu.memory_space<vmem_shared>>) target(%dma_start3A_258 : memref<80x128xf32, #tpu.memory_space<vmem>>) offsets(%dma_start3A_261 : memref<80xi32, #tpu.memory_space<vmem>>) semaphore(%arg8 : memref<!tpu.dma_semaphore, #tpu.memory_space<semaphore_mem>>) {add = true}
    %dma_start3A_265 = arith.constant 14 : i32
    %dma_start3A_266 = arith.constant 160 : i32
    %dma_start3A_267 = arith.constant 0 : i32
    %dma_start3A_268 = tpu.memref_slice %arg6[%dma_start3A_266, %dma_start3A_267] : memref<320x128xf32, #tpu.memory_space<vmem>> -> memref<80x128xf32, #tpu.memory_space<vmem>>
    %dma_start3A_269 = arith.constant 0 : i32
    %dma_start3A_270 = tpu.memref_slice %arg5[%dma_start3A_265, %dma_start3A_269] : memref<36x80xi32, #tpu.memory_space<vmem>> -> memref<1x80xi32, #tpu.memory_space<vmem>>
    %dma_start3A_271 = tpu.memref_squeeze %dma_start3A_270 : memref<1x80xi32, #tpu.memory_space<vmem>> -> memref<80xi32, #tpu.memory_space<vmem>>
    %dma_start3A_272 = arith.constant 0 : i32
    %dma_start3A_273 = arith.constant 0 : i32
    %dma_start3A_274 = tpu.memref_slice %arg7[%dma_start3A_272, %dma_start3A_273] : memref<1152x128xf32, #tpu.memory_space<vmem_shared>> -> memref<1152x128xf32, #tpu.memory_space<vmem_shared>>
    tpu.enqueue_indirect_dma source(%dma_start3A_274 : memref<1152x128xf32, #tpu.memory_space<vmem_shared>>) target(%dma_start3A_268 : memref<80x128xf32, #tpu.memory_space<vmem>>) offsets(%dma_start3A_271 : memref<80xi32, #tpu.memory_space<vmem>>) semaphore(%arg8 : memref<!tpu.dma_semaphore, #tpu.memory_space<semaphore_mem>>) {add = true}
    %dma_start3A_275 = arith.constant 15 : i32
    %dma_start3A_276 = arith.constant 240 : i32
    %dma_start3A_277 = arith.constant 0 : i32
    %dma_start3A_278 = tpu.memref_slice %arg6[%dma_start3A_276, %dma_start3A_277] : memref<320x128xf32, #tpu.memory_space<vmem>> -> memref<80x128xf32, #tpu.memory_space<vmem>>
    %dma_start3A_279 = arith.constant 0 : i32
    %dma_start3A_280 = tpu.memref_slice %arg5[%dma_start3A_275, %dma_start3A_279] : memref<36x80xi32, #tpu.memory_space<vmem>> -> memref<1x80xi32, #tpu.memory_space<vmem>>
    %dma_start3A_281 = tpu.memref_squeeze %dma_start3A_280 : memref<1x80xi32, #tpu.memory_space<vmem>> -> memref<80xi32, #tpu.memory_space<vmem>>
    %dma_start3A_282 = arith.constant 0 : i32
    %dma_start3A_283 = arith.constant 0 : i32
    %dma_start3A_284 = tpu.memref_slice %arg7[%dma_start3A_282, %dma_start3A_283] : memref<1152x128xf32, #tpu.memory_space<vmem_shared>> -> memref<1152x128xf32, #tpu.memory_space<vmem_shared>>
    tpu.enqueue_indirect_dma source(%dma_start3A_284 : memref<1152x128xf32, #tpu.memory_space<vmem_shared>>) target(%dma_start3A_278 : memref<80x128xf32, #tpu.memory_space<vmem>>) offsets(%dma_start3A_281 : memref<80xi32, #tpu.memory_space<vmem>>) semaphore(%arg8 : memref<!tpu.dma_semaphore, #tpu.memory_space<semaphore_mem>>) {add = true}
    %dma_wait3A_285 = arith.constant 12 : i32
    %dma_wait3A_286 = arith.constant 0 : i32
    %dma_wait3A_287 = arith.constant 0 : i32
    %dma_wait3A_288 = tpu.memref_slice %arg6[%dma_wait3A_286, %dma_wait3A_287] : memref<320x128xf32, #tpu.memory_space<vmem>> -> memref<80x128xf32, #tpu.memory_space<vmem>>
    %dma_wait3A_289 = arith.constant 0 : i32
    %dma_wait3A_290 = tpu.memref_slice %arg5[%dma_wait3A_285, %dma_wait3A_289] : memref<36x80xi32, #tpu.memory_space<vmem>> -> memref<1x80xi32, #tpu.memory_space<vmem>>
    %dma_wait3A_291 = tpu.memref_squeeze %dma_wait3A_290 : memref<1x80xi32, #tpu.memory_space<vmem>> -> memref<80xi32, #tpu.memory_space<vmem>>
    %dma_wait3A_292 = arith.constant 0 : i32
    %dma_wait3A_293 = arith.constant 0 : i32
    %dma_wait3A_294 = tpu.memref_slice %arg7[%dma_wait3A_292, %dma_wait3A_293] : memref<1152x128xf32, #tpu.memory_space<vmem_shared>> -> memref<1152x128xf32, #tpu.memory_space<vmem_shared>>
    tpu.wait_indirect_dma semaphore(%arg8 : memref<!tpu.dma_semaphore, #tpu.memory_space<semaphore_mem>>) src(%dma_wait3A_294 : memref<1152x128xf32, #tpu.memory_space<vmem_shared>>) dst(%dma_wait3A_288 : memref<80x128xf32, #tpu.memory_space<vmem>>)
    %dma_wait3A_295 = arith.constant 13 : i32
    %dma_wait3A_296 = arith.constant 80 : i32
    %dma_wait3A_297 = arith.constant 0 : i32
    %dma_wait3A_298 = tpu.memref_slice %arg6[%dma_wait3A_296, %dma_wait3A_297] : memref<320x128xf32, #tpu.memory_space<vmem>> -> memref<80x128xf32, #tpu.memory_space<vmem>>
    %dma_wait3A_299 = arith.constant 0 : i32
    %dma_wait3A_300 = tpu.memref_slice %arg5[%dma_wait3A_295, %dma_wait3A_299] : memref<36x80xi32, #tpu.memory_space<vmem>> -> memref<1x80xi32, #tpu.memory_space<vmem>>
    %dma_wait3A_301 = tpu.memref_squeeze %dma_wait3A_300 : memref<1x80xi32, #tpu.memory_space<vmem>> -> memref<80xi32, #tpu.memory_space<vmem>>
    %dma_wait3A_302 = arith.constant 0 : i32
    %dma_wait3A_303 = arith.constant 0 : i32
    %dma_wait3A_304 = tpu.memref_slice %arg7[%dma_wait3A_302, %dma_wait3A_303] : memref<1152x128xf32, #tpu.memory_space<vmem_shared>> -> memref<1152x128xf32, #tpu.memory_space<vmem_shared>>
    tpu.wait_indirect_dma semaphore(%arg8 : memref<!tpu.dma_semaphore, #tpu.memory_space<semaphore_mem>>) src(%dma_wait3A_304 : memref<1152x128xf32, #tpu.memory_space<vmem_shared>>) dst(%dma_wait3A_298 : memref<80x128xf32, #tpu.memory_space<vmem>>)
    %dma_wait3A_305 = arith.constant 14 : i32
    %dma_wait3A_306 = arith.constant 160 : i32
    %dma_wait3A_307 = arith.constant 0 : i32
    %dma_wait3A_308 = tpu.memref_slice %arg6[%dma_wait3A_306, %dma_wait3A_307] : memref<320x128xf32, #tpu.memory_space<vmem>> -> memref<80x128xf32, #tpu.memory_space<vmem>>
    %dma_wait3A_309 = arith.constant 0 : i32
    %dma_wait3A_310 = tpu.memref_slice %arg5[%dma_wait3A_305, %dma_wait3A_309] : memref<36x80xi32, #tpu.memory_space<vmem>> -> memref<1x80xi32, #tpu.memory_space<vmem>>
    %dma_wait3A_311 = tpu.memref_squeeze %dma_wait3A_310 : memref<1x80xi32, #tpu.memory_space<vmem>> -> memref<80xi32, #tpu.memory_space<vmem>>
    %dma_wait3A_312 = arith.constant 0 : i32
    %dma_wait3A_313 = arith.constant 0 : i32
    %dma_wait3A_314 = tpu.memref_slice %arg7[%dma_wait3A_312, %dma_wait3A_313] : memref<1152x128xf32, #tpu.memory_space<vmem_shared>> -> memref<1152x128xf32, #tpu.memory_space<vmem_shared>>
    tpu.wait_indirect_dma semaphore(%arg8 : memref<!tpu.dma_semaphore, #tpu.memory_space<semaphore_mem>>) src(%dma_wait3A_314 : memref<1152x128xf32, #tpu.memory_space<vmem_shared>>) dst(%dma_wait3A_308 : memref<80x128xf32, #tpu.memory_space<vmem>>)
    %dma_wait3A_315 = arith.constant 15 : i32
    %dma_wait3A_316 = arith.constant 240 : i32
    %dma_wait3A_317 = arith.constant 0 : i32
    %dma_wait3A_318 = tpu.memref_slice %arg6[%dma_wait3A_316, %dma_wait3A_317] : memref<320x128xf32, #tpu.memory_space<vmem>> -> memref<80x128xf32, #tpu.memory_space<vmem>>
    %dma_wait3A_319 = arith.constant 0 : i32
    %dma_wait3A_320 = tpu.memref_slice %arg5[%dma_wait3A_315, %dma_wait3A_319] : memref<36x80xi32, #tpu.memory_space<vmem>> -> memref<1x80xi32, #tpu.memory_space<vmem>>
    %dma_wait3A_321 = tpu.memref_squeeze %dma_wait3A_320 : memref<1x80xi32, #tpu.memory_space<vmem>> -> memref<80xi32, #tpu.memory_space<vmem>>
    %dma_wait3A_322 = arith.constant 0 : i32
    %dma_wait3A_323 = arith.constant 0 : i32
    %dma_wait3A_324 = tpu.memref_slice %arg7[%dma_wait3A_322, %dma_wait3A_323] : memref<1152x128xf32, #tpu.memory_space<vmem_shared>> -> memref<1152x128xf32, #tpu.memory_space<vmem_shared>>
    tpu.wait_indirect_dma semaphore(%arg8 : memref<!tpu.dma_semaphore, #tpu.memory_space<semaphore_mem>>) src(%dma_wait3A_324 : memref<1152x128xf32, #tpu.memory_space<vmem_shared>>) dst(%dma_wait3A_318 : memref<80x128xf32, #tpu.memory_space<vmem>>)
    %dma_start3A_325 = arith.constant 16 : i32
    %dma_start3A_326 = arith.constant 0 : i32
    %dma_start3A_327 = arith.constant 0 : i32
    %dma_start3A_328 = tpu.memref_slice %arg6[%dma_start3A_326, %dma_start3A_327] : memref<320x128xf32, #tpu.memory_space<vmem>> -> memref<80x128xf32, #tpu.memory_space<vmem>>
    %dma_start3A_329 = arith.constant 0 : i32
    %dma_start3A_330 = tpu.memref_slice %arg5[%dma_start3A_325, %dma_start3A_329] : memref<36x80xi32, #tpu.memory_space<vmem>> -> memref<1x80xi32, #tpu.memory_space<vmem>>
    %dma_start3A_331 = tpu.memref_squeeze %dma_start3A_330 : memref<1x80xi32, #tpu.memory_space<vmem>> -> memref<80xi32, #tpu.memory_space<vmem>>
    %dma_start3A_332 = arith.constant 0 : i32
    %dma_start3A_333 = arith.constant 0 : i32
    %dma_start3A_334 = tpu.memref_slice %arg7[%dma_start3A_332, %dma_start3A_333] : memref<1152x128xf32, #tpu.memory_space<vmem_shared>> -> memref<1152x128xf32, #tpu.memory_space<vmem_shared>>
    tpu.enqueue_indirect_dma source(%dma_start3A_334 : memref<1152x128xf32, #tpu.memory_space<vmem_shared>>) target(%dma_start3A_328 : memref<80x128xf32, #tpu.memory_space<vmem>>) offsets(%dma_start3A_331 : memref<80xi32, #tpu.memory_space<vmem>>) semaphore(%arg8 : memref<!tpu.dma_semaphore, #tpu.memory_space<semaphore_mem>>) {add = true}
    %dma_start3A_335 = arith.constant 17 : i32
    %dma_start3A_336 = arith.constant 80 : i32
    %dma_start3A_337 = arith.constant 0 : i32
    %dma_start3A_338 = tpu.memref_slice %arg6[%dma_start3A_336, %dma_start3A_337] : memref<320x128xf32, #tpu.memory_space<vmem>> -> memref<80x128xf32, #tpu.memory_space<vmem>>
    %dma_start3A_339 = arith.constant 0 : i32
    %dma_start3A_340 = tpu.memref_slice %arg5[%dma_start3A_335, %dma_start3A_339] : memref<36x80xi32, #tpu.memory_space<vmem>> -> memref<1x80xi32, #tpu.memory_space<vmem>>
    %dma_start3A_341 = tpu.memref_squeeze %dma_start3A_340 : memref<1x80xi32, #tpu.memory_space<vmem>> -> memref<80xi32, #tpu.memory_space<vmem>>
    %dma_start3A_342 = arith.constant 0 : i32
    %dma_start3A_343 = arith.constant 0 : i32
    %dma_start3A_344 = tpu.memref_slice %arg7[%dma_start3A_342, %dma_start3A_343] : memref<1152x128xf32, #tpu.memory_space<vmem_shared>> -> memref<1152x128xf32, #tpu.memory_space<vmem_shared>>
    tpu.enqueue_indirect_dma source(%dma_start3A_344 : memref<1152x128xf32, #tpu.memory_space<vmem_shared>>) target(%dma_start3A_338 : memref<80x128xf32, #tpu.memory_space<vmem>>) offsets(%dma_start3A_341 : memref<80xi32, #tpu.memory_space<vmem>>) semaphore(%arg8 : memref<!tpu.dma_semaphore, #tpu.memory_space<semaphore_mem>>) {add = true}
    %dma_start3A_345 = arith.constant 18 : i32
    %dma_start3A_346 = arith.constant 160 : i32
    %dma_start3A_347 = arith.constant 0 : i32
    %dma_start3A_348 = tpu.memref_slice %arg6[%dma_start3A_346, %dma_start3A_347] : memref<320x128xf32, #tpu.memory_space<vmem>> -> memref<80x128xf32, #tpu.memory_space<vmem>>
    %dma_start3A_349 = arith.constant 0 : i32
    %dma_start3A_350 = tpu.memref_slice %arg5[%dma_start3A_345, %dma_start3A_349] : memref<36x80xi32, #tpu.memory_space<vmem>> -> memref<1x80xi32, #tpu.memory_space<vmem>>
    %dma_start3A_351 = tpu.memref_squeeze %dma_start3A_350 : memref<1x80xi32, #tpu.memory_space<vmem>> -> memref<80xi32, #tpu.memory_space<vmem>>
    %dma_start3A_352 = arith.constant 0 : i32
    %dma_start3A_353 = arith.constant 0 : i32
    %dma_start3A_354 = tpu.memref_slice %arg7[%dma_start3A_352, %dma_start3A_353] : memref<1152x128xf32, #tpu.memory_space<vmem_shared>> -> memref<1152x128xf32, #tpu.memory_space<vmem_shared>>
    tpu.enqueue_indirect_dma source(%dma_start3A_354 : memref<1152x128xf32, #tpu.memory_space<vmem_shared>>) target(%dma_start3A_348 : memref<80x128xf32, #tpu.memory_space<vmem>>) offsets(%dma_start3A_351 : memref<80xi32, #tpu.memory_space<vmem>>) semaphore(%arg8 : memref<!tpu.dma_semaphore, #tpu.memory_space<semaphore_mem>>) {add = true}
    %dma_start3A_355 = arith.constant 19 : i32
    %dma_start3A_356 = arith.constant 240 : i32
    %dma_start3A_357 = arith.constant 0 : i32
    %dma_start3A_358 = tpu.memref_slice %arg6[%dma_start3A_356, %dma_start3A_357] : memref<320x128xf32, #tpu.memory_space<vmem>> -> memref<80x128xf32, #tpu.memory_space<vmem>>
    %dma_start3A_359 = arith.constant 0 : i32
    %dma_start3A_360 = tpu.memref_slice %arg5[%dma_start3A_355, %dma_start3A_359] : memref<36x80xi32, #tpu.memory_space<vmem>> -> memref<1x80xi32, #tpu.memory_space<vmem>>
    %dma_start3A_361 = tpu.memref_squeeze %dma_start3A_360 : memref<1x80xi32, #tpu.memory_space<vmem>> -> memref<80xi32, #tpu.memory_space<vmem>>
    %dma_start3A_362 = arith.constant 0 : i32
    %dma_start3A_363 = arith.constant 0 : i32
    %dma_start3A_364 = tpu.memref_slice %arg7[%dma_start3A_362, %dma_start3A_363] : memref<1152x128xf32, #tpu.memory_space<vmem_shared>> -> memref<1152x128xf32, #tpu.memory_space<vmem_shared>>
    tpu.enqueue_indirect_dma source(%dma_start3A_364 : memref<1152x128xf32, #tpu.memory_space<vmem_shared>>) target(%dma_start3A_358 : memref<80x128xf32, #tpu.memory_space<vmem>>) offsets(%dma_start3A_361 : memref<80xi32, #tpu.memory_space<vmem>>) semaphore(%arg8 : memref<!tpu.dma_semaphore, #tpu.memory_space<semaphore_mem>>) {add = true}
    %dma_wait3A_365 = arith.constant 16 : i32
    %dma_wait3A_366 = arith.constant 0 : i32
    %dma_wait3A_367 = arith.constant 0 : i32
    %dma_wait3A_368 = tpu.memref_slice %arg6[%dma_wait3A_366, %dma_wait3A_367] : memref<320x128xf32, #tpu.memory_space<vmem>> -> memref<80x128xf32, #tpu.memory_space<vmem>>
    %dma_wait3A_369 = arith.constant 0 : i32
    %dma_wait3A_370 = tpu.memref_slice %arg5[%dma_wait3A_365, %dma_wait3A_369] : memref<36x80xi32, #tpu.memory_space<vmem>> -> memref<1x80xi32, #tpu.memory_space<vmem>>
    %dma_wait3A_371 = tpu.memref_squeeze %dma_wait3A_370 : memref<1x80xi32, #tpu.memory_space<vmem>> -> memref<80xi32, #tpu.memory_space<vmem>>
    %dma_wait3A_372 = arith.constant 0 : i32
    %dma_wait3A_373 = arith.constant 0 : i32
    %dma_wait3A_374 = tpu.memref_slice %arg7[%dma_wait3A_372, %dma_wait3A_373] : memref<1152x128xf32, #tpu.memory_space<vmem_shared>> -> memref<1152x128xf32, #tpu.memory_space<vmem_shared>>
    tpu.wait_indirect_dma semaphore(%arg8 : memref<!tpu.dma_semaphore, #tpu.memory_space<semaphore_mem>>) src(%dma_wait3A_374 : memref<1152x128xf32, #tpu.memory_space<vmem_shared>>) dst(%dma_wait3A_368 : memref<80x128xf32, #tpu.memory_space<vmem>>)
    %dma_wait3A_375 = arith.constant 17 : i32
    %dma_wait3A_376 = arith.constant 80 : i32
    %dma_wait3A_377 = arith.constant 0 : i32
    %dma_wait3A_378 = tpu.memref_slice %arg6[%dma_wait3A_376, %dma_wait3A_377] : memref<320x128xf32, #tpu.memory_space<vmem>> -> memref<80x128xf32, #tpu.memory_space<vmem>>
    %dma_wait3A_379 = arith.constant 0 : i32
    %dma_wait3A_380 = tpu.memref_slice %arg5[%dma_wait3A_375, %dma_wait3A_379] : memref<36x80xi32, #tpu.memory_space<vmem>> -> memref<1x80xi32, #tpu.memory_space<vmem>>
    %dma_wait3A_381 = tpu.memref_squeeze %dma_wait3A_380 : memref<1x80xi32, #tpu.memory_space<vmem>> -> memref<80xi32, #tpu.memory_space<vmem>>
    %dma_wait3A_382 = arith.constant 0 : i32
    %dma_wait3A_383 = arith.constant 0 : i32
    %dma_wait3A_384 = tpu.memref_slice %arg7[%dma_wait3A_382, %dma_wait3A_383] : memref<1152x128xf32, #tpu.memory_space<vmem_shared>> -> memref<1152x128xf32, #tpu.memory_space<vmem_shared>>
    tpu.wait_indirect_dma semaphore(%arg8 : memref<!tpu.dma_semaphore, #tpu.memory_space<semaphore_mem>>) src(%dma_wait3A_384 : memref<1152x128xf32, #tpu.memory_space<vmem_shared>>) dst(%dma_wait3A_378 : memref<80x128xf32, #tpu.memory_space<vmem>>)
    %dma_wait3A_385 = arith.constant 18 : i32
    %dma_wait3A_386 = arith.constant 160 : i32
    %dma_wait3A_387 = arith.constant 0 : i32
    %dma_wait3A_388 = tpu.memref_slice %arg6[%dma_wait3A_386, %dma_wait3A_387] : memref<320x128xf32, #tpu.memory_space<vmem>> -> memref<80x128xf32, #tpu.memory_space<vmem>>
    %dma_wait3A_389 = arith.constant 0 : i32
    %dma_wait3A_390 = tpu.memref_slice %arg5[%dma_wait3A_385, %dma_wait3A_389] : memref<36x80xi32, #tpu.memory_space<vmem>> -> memref<1x80xi32, #tpu.memory_space<vmem>>
    %dma_wait3A_391 = tpu.memref_squeeze %dma_wait3A_390 : memref<1x80xi32, #tpu.memory_space<vmem>> -> memref<80xi32, #tpu.memory_space<vmem>>
    %dma_wait3A_392 = arith.constant 0 : i32
    %dma_wait3A_393 = arith.constant 0 : i32
    %dma_wait3A_394 = tpu.memref_slice %arg7[%dma_wait3A_392, %dma_wait3A_393] : memref<1152x128xf32, #tpu.memory_space<vmem_shared>> -> memref<1152x128xf32, #tpu.memory_space<vmem_shared>>
    tpu.wait_indirect_dma semaphore(%arg8 : memref<!tpu.dma_semaphore, #tpu.memory_space<semaphore_mem>>) src(%dma_wait3A_394 : memref<1152x128xf32, #tpu.memory_space<vmem_shared>>) dst(%dma_wait3A_388 : memref<80x128xf32, #tpu.memory_space<vmem>>)
    %dma_wait3A_395 = arith.constant 19 : i32
    %dma_wait3A_396 = arith.constant 240 : i32
    %dma_wait3A_397 = arith.constant 0 : i32
    %dma_wait3A_398 = tpu.memref_slice %arg6[%dma_wait3A_396, %dma_wait3A_397] : memref<320x128xf32, #tpu.memory_space<vmem>> -> memref<80x128xf32, #tpu.memory_space<vmem>>
    %dma_wait3A_399 = arith.constant 0 : i32
    %dma_wait3A_400 = tpu.memref_slice %arg5[%dma_wait3A_395, %dma_wait3A_399] : memref<36x80xi32, #tpu.memory_space<vmem>> -> memref<1x80xi32, #tpu.memory_space<vmem>>
    %dma_wait3A_401 = tpu.memref_squeeze %dma_wait3A_400 : memref<1x80xi32, #tpu.memory_space<vmem>> -> memref<80xi32, #tpu.memory_space<vmem>>
    %dma_wait3A_402 = arith.constant 0 : i32
    %dma_wait3A_403 = arith.constant 0 : i32
    %dma_wait3A_404 = tpu.memref_slice %arg7[%dma_wait3A_402, %dma_wait3A_403] : memref<1152x128xf32, #tpu.memory_space<vmem_shared>> -> memref<1152x128xf32, #tpu.memory_space<vmem_shared>>
    tpu.wait_indirect_dma semaphore(%arg8 : memref<!tpu.dma_semaphore, #tpu.memory_space<semaphore_mem>>) src(%dma_wait3A_404 : memref<1152x128xf32, #tpu.memory_space<vmem_shared>>) dst(%dma_wait3A_398 : memref<80x128xf32, #tpu.memory_space<vmem>>)
    %dma_start3A_405 = arith.constant 20 : i32
    %dma_start3A_406 = arith.constant 0 : i32
    %dma_start3A_407 = arith.constant 0 : i32
    %dma_start3A_408 = tpu.memref_slice %arg6[%dma_start3A_406, %dma_start3A_407] : memref<320x128xf32, #tpu.memory_space<vmem>> -> memref<80x128xf32, #tpu.memory_space<vmem>>
    %dma_start3A_409 = arith.constant 0 : i32
    %dma_start3A_410 = tpu.memref_slice %arg5[%dma_start3A_405, %dma_start3A_409] : memref<36x80xi32, #tpu.memory_space<vmem>> -> memref<1x80xi32, #tpu.memory_space<vmem>>
    %dma_start3A_411 = tpu.memref_squeeze %dma_start3A_410 : memref<1x80xi32, #tpu.memory_space<vmem>> -> memref<80xi32, #tpu.memory_space<vmem>>
    %dma_start3A_412 = arith.constant 0 : i32
    %dma_start3A_413 = arith.constant 0 : i32
    %dma_start3A_414 = tpu.memref_slice %arg7[%dma_start3A_412, %dma_start3A_413] : memref<1152x128xf32, #tpu.memory_space<vmem_shared>> -> memref<1152x128xf32, #tpu.memory_space<vmem_shared>>
    tpu.enqueue_indirect_dma source(%dma_start3A_414 : memref<1152x128xf32, #tpu.memory_space<vmem_shared>>) target(%dma_start3A_408 : memref<80x128xf32, #tpu.memory_space<vmem>>) offsets(%dma_start3A_411 : memref<80xi32, #tpu.memory_space<vmem>>) semaphore(%arg8 : memref<!tpu.dma_semaphore, #tpu.memory_space<semaphore_mem>>) {add = true}
    %dma_start3A_415 = arith.constant 21 : i32
    %dma_start3A_416 = arith.constant 80 : i32
    %dma_start3A_417 = arith.constant 0 : i32
    %dma_start3A_418 = tpu.memref_slice %arg6[%dma_start3A_416, %dma_start3A_417] : memref<320x128xf32, #tpu.memory_space<vmem>> -> memref<80x128xf32, #tpu.memory_space<vmem>>
    %dma_start3A_419 = arith.constant 0 : i32
    %dma_start3A_420 = tpu.memref_slice %arg5[%dma_start3A_415, %dma_start3A_419] : memref<36x80xi32, #tpu.memory_space<vmem>> -> memref<1x80xi32, #tpu.memory_space<vmem>>
    %dma_start3A_421 = tpu.memref_squeeze %dma_start3A_420 : memref<1x80xi32, #tpu.memory_space<vmem>> -> memref<80xi32, #tpu.memory_space<vmem>>
    %dma_start3A_422 = arith.constant 0 : i32
    %dma_start3A_423 = arith.constant 0 : i32
    %dma_start3A_424 = tpu.memref_slice %arg7[%dma_start3A_422, %dma_start3A_423] : memref<1152x128xf32, #tpu.memory_space<vmem_shared>> -> memref<1152x128xf32, #tpu.memory_space<vmem_shared>>
    tpu.enqueue_indirect_dma source(%dma_start3A_424 : memref<1152x128xf32, #tpu.memory_space<vmem_shared>>) target(%dma_start3A_418 : memref<80x128xf32, #tpu.memory_space<vmem>>) offsets(%dma_start3A_421 : memref<80xi32, #tpu.memory_space<vmem>>) semaphore(%arg8 : memref<!tpu.dma_semaphore, #tpu.memory_space<semaphore_mem>>) {add = true}
    %dma_start3A_425 = arith.constant 22 : i32
    %dma_start3A_426 = arith.constant 160 : i32
    %dma_start3A_427 = arith.constant 0 : i32
    %dma_start3A_428 = tpu.memref_slice %arg6[%dma_start3A_426, %dma_start3A_427] : memref<320x128xf32, #tpu.memory_space<vmem>> -> memref<80x128xf32, #tpu.memory_space<vmem>>
    %dma_start3A_429 = arith.constant 0 : i32
    %dma_start3A_430 = tpu.memref_slice %arg5[%dma_start3A_425, %dma_start3A_429] : memref<36x80xi32, #tpu.memory_space<vmem>> -> memref<1x80xi32, #tpu.memory_space<vmem>>
    %dma_start3A_431 = tpu.memref_squeeze %dma_start3A_430 : memref<1x80xi32, #tpu.memory_space<vmem>> -> memref<80xi32, #tpu.memory_space<vmem>>
    %dma_start3A_432 = arith.constant 0 : i32
    %dma_start3A_433 = arith.constant 0 : i32
    %dma_start3A_434 = tpu.memref_slice %arg7[%dma_start3A_432, %dma_start3A_433] : memref<1152x128xf32, #tpu.memory_space<vmem_shared>> -> memref<1152x128xf32, #tpu.memory_space<vmem_shared>>
    tpu.enqueue_indirect_dma source(%dma_start3A_434 : memref<1152x128xf32, #tpu.memory_space<vmem_shared>>) target(%dma_start3A_428 : memref<80x128xf32, #tpu.memory_space<vmem>>) offsets(%dma_start3A_431 : memref<80xi32, #tpu.memory_space<vmem>>) semaphore(%arg8 : memref<!tpu.dma_semaphore, #tpu.memory_space<semaphore_mem>>) {add = true}
    %dma_start3A_435 = arith.constant 23 : i32
    %dma_start3A_436 = arith.constant 240 : i32
    %dma_start3A_437 = arith.constant 0 : i32
    %dma_start3A_438 = tpu.memref_slice %arg6[%dma_start3A_436, %dma_start3A_437] : memref<320x128xf32, #tpu.memory_space<vmem>> -> memref<80x128xf32, #tpu.memory_space<vmem>>
    %dma_start3A_439 = arith.constant 0 : i32
    %dma_start3A_440 = tpu.memref_slice %arg5[%dma_start3A_435, %dma_start3A_439] : memref<36x80xi32, #tpu.memory_space<vmem>> -> memref<1x80xi32, #tpu.memory_space<vmem>>
    %dma_start3A_441 = tpu.memref_squeeze %dma_start3A_440 : memref<1x80xi32, #tpu.memory_space<vmem>> -> memref<80xi32, #tpu.memory_space<vmem>>
    %dma_start3A_442 = arith.constant 0 : i32
    %dma_start3A_443 = arith.constant 0 : i32
    %dma_start3A_444 = tpu.memref_slice %arg7[%dma_start3A_442, %dma_start3A_443] : memref<1152x128xf32, #tpu.memory_space<vmem_shared>> -> memref<1152x128xf32, #tpu.memory_space<vmem_shared>>
    tpu.enqueue_indirect_dma source(%dma_start3A_444 : memref<1152x128xf32, #tpu.memory_space<vmem_shared>>) target(%dma_start3A_438 : memref<80x128xf32, #tpu.memory_space<vmem>>) offsets(%dma_start3A_441 : memref<80xi32, #tpu.memory_space<vmem>>) semaphore(%arg8 : memref<!tpu.dma_semaphore, #tpu.memory_space<semaphore_mem>>) {add = true}
    %dma_wait3A_445 = arith.constant 20 : i32
    %dma_wait3A_446 = arith.constant 0 : i32
    %dma_wait3A_447 = arith.constant 0 : i32
    %dma_wait3A_448 = tpu.memref_slice %arg6[%dma_wait3A_446, %dma_wait3A_447] : memref<320x128xf32, #tpu.memory_space<vmem>> -> memref<80x128xf32, #tpu.memory_space<vmem>>
    %dma_wait3A_449 = arith.constant 0 : i32
    %dma_wait3A_450 = tpu.memref_slice %arg5[%dma_wait3A_445, %dma_wait3A_449] : memref<36x80xi32, #tpu.memory_space<vmem>> -> memref<1x80xi32, #tpu.memory_space<vmem>>
    %dma_wait3A_451 = tpu.memref_squeeze %dma_wait3A_450 : memref<1x80xi32, #tpu.memory_space<vmem>> -> memref<80xi32, #tpu.memory_space<vmem>>
    %dma_wait3A_452 = arith.constant 0 : i32
    %dma_wait3A_453 = arith.constant 0 : i32
    %dma_wait3A_454 = tpu.memref_slice %arg7[%dma_wait3A_452, %dma_wait3A_453] : memref<1152x128xf32, #tpu.memory_space<vmem_shared>> -> memref<1152x128xf32, #tpu.memory_space<vmem_shared>>
    tpu.wait_indirect_dma semaphore(%arg8 : memref<!tpu.dma_semaphore, #tpu.memory_space<semaphore_mem>>) src(%dma_wait3A_454 : memref<1152x128xf32, #tpu.memory_space<vmem_shared>>) dst(%dma_wait3A_448 : memref<80x128xf32, #tpu.memory_space<vmem>>)
    %dma_wait3A_455 = arith.constant 21 : i32
    %dma_wait3A_456 = arith.constant 80 : i32
    %dma_wait3A_457 = arith.constant 0 : i32
    %dma_wait3A_458 = tpu.memref_slice %arg6[%dma_wait3A_456, %dma_wait3A_457] : memref<320x128xf32, #tpu.memory_space<vmem>> -> memref<80x128xf32, #tpu.memory_space<vmem>>
    %dma_wait3A_459 = arith.constant 0 : i32
    %dma_wait3A_460 = tpu.memref_slice %arg5[%dma_wait3A_455, %dma_wait3A_459] : memref<36x80xi32, #tpu.memory_space<vmem>> -> memref<1x80xi32, #tpu.memory_space<vmem>>
    %dma_wait3A_461 = tpu.memref_squeeze %dma_wait3A_460 : memref<1x80xi32, #tpu.memory_space<vmem>> -> memref<80xi32, #tpu.memory_space<vmem>>
    %dma_wait3A_462 = arith.constant 0 : i32
    %dma_wait3A_463 = arith.constant 0 : i32
    %dma_wait3A_464 = tpu.memref_slice %arg7[%dma_wait3A_462, %dma_wait3A_463] : memref<1152x128xf32, #tpu.memory_space<vmem_shared>> -> memref<1152x128xf32, #tpu.memory_space<vmem_shared>>
    tpu.wait_indirect_dma semaphore(%arg8 : memref<!tpu.dma_semaphore, #tpu.memory_space<semaphore_mem>>) src(%dma_wait3A_464 : memref<1152x128xf32, #tpu.memory_space<vmem_shared>>) dst(%dma_wait3A_458 : memref<80x128xf32, #tpu.memory_space<vmem>>)
    %dma_wait3A_465 = arith.constant 22 : i32
    %dma_wait3A_466 = arith.constant 160 : i32
    %dma_wait3A_467 = arith.constant 0 : i32
    %dma_wait3A_468 = tpu.memref_slice %arg6[%dma_wait3A_466, %dma_wait3A_467] : memref<320x128xf32, #tpu.memory_space<vmem>> -> memref<80x128xf32, #tpu.memory_space<vmem>>
    %dma_wait3A_469 = arith.constant 0 : i32
    %dma_wait3A_470 = tpu.memref_slice %arg5[%dma_wait3A_465, %dma_wait3A_469] : memref<36x80xi32, #tpu.memory_space<vmem>> -> memref<1x80xi32, #tpu.memory_space<vmem>>
    %dma_wait3A_471 = tpu.memref_squeeze %dma_wait3A_470 : memref<1x80xi32, #tpu.memory_space<vmem>> -> memref<80xi32, #tpu.memory_space<vmem>>
    %dma_wait3A_472 = arith.constant 0 : i32
    %dma_wait3A_473 = arith.constant 0 : i32
    %dma_wait3A_474 = tpu.memref_slice %arg7[%dma_wait3A_472, %dma_wait3A_473] : memref<1152x128xf32, #tpu.memory_space<vmem_shared>> -> memref<1152x128xf32, #tpu.memory_space<vmem_shared>>
    tpu.wait_indirect_dma semaphore(%arg8 : memref<!tpu.dma_semaphore, #tpu.memory_space<semaphore_mem>>) src(%dma_wait3A_474 : memref<1152x128xf32, #tpu.memory_space<vmem_shared>>) dst(%dma_wait3A_468 : memref<80x128xf32, #tpu.memory_space<vmem>>)
    %dma_wait3A_475 = arith.constant 23 : i32
    %dma_wait3A_476 = arith.constant 240 : i32
    %dma_wait3A_477 = arith.constant 0 : i32
    %dma_wait3A_478 = tpu.memref_slice %arg6[%dma_wait3A_476, %dma_wait3A_477] : memref<320x128xf32, #tpu.memory_space<vmem>> -> memref<80x128xf32, #tpu.memory_space<vmem>>
    %dma_wait3A_479 = arith.constant 0 : i32
    %dma_wait3A_480 = tpu.memref_slice %arg5[%dma_wait3A_475, %dma_wait3A_479] : memref<36x80xi32, #tpu.memory_space<vmem>> -> memref<1x80xi32, #tpu.memory_space<vmem>>
    %dma_wait3A_481 = tpu.memref_squeeze %dma_wait3A_480 : memref<1x80xi32, #tpu.memory_space<vmem>> -> memref<80xi32, #tpu.memory_space<vmem>>
    %dma_wait3A_482 = arith.constant 0 : i32
    %dma_wait3A_483 = arith.constant 0 : i32
    %dma_wait3A_484 = tpu.memref_slice %arg7[%dma_wait3A_482, %dma_wait3A_483] : memref<1152x128xf32, #tpu.memory_space<vmem_shared>> -> memref<1152x128xf32, #tpu.memory_space<vmem_shared>>
    tpu.wait_indirect_dma semaphore(%arg8 : memref<!tpu.dma_semaphore, #tpu.memory_space<semaphore_mem>>) src(%dma_wait3A_484 : memref<1152x128xf32, #tpu.memory_space<vmem_shared>>) dst(%dma_wait3A_478 : memref<80x128xf32, #tpu.memory_space<vmem>>)
    %dma_start3A_485 = arith.constant 24 : i32
    %dma_start3A_486 = arith.constant 0 : i32
    %dma_start3A_487 = arith.constant 0 : i32
    %dma_start3A_488 = tpu.memref_slice %arg6[%dma_start3A_486, %dma_start3A_487] : memref<320x128xf32, #tpu.memory_space<vmem>> -> memref<80x128xf32, #tpu.memory_space<vmem>>
    %dma_start3A_489 = arith.constant 0 : i32
    %dma_start3A_490 = tpu.memref_slice %arg5[%dma_start3A_485, %dma_start3A_489] : memref<36x80xi32, #tpu.memory_space<vmem>> -> memref<1x80xi32, #tpu.memory_space<vmem>>
    %dma_start3A_491 = tpu.memref_squeeze %dma_start3A_490 : memref<1x80xi32, #tpu.memory_space<vmem>> -> memref<80xi32, #tpu.memory_space<vmem>>
    %dma_start3A_492 = arith.constant 0 : i32
    %dma_start3A_493 = arith.constant 0 : i32
    %dma_start3A_494 = tpu.memref_slice %arg7[%dma_start3A_492, %dma_start3A_493] : memref<1152x128xf32, #tpu.memory_space<vmem_shared>> -> memref<1152x128xf32, #tpu.memory_space<vmem_shared>>
    tpu.enqueue_indirect_dma source(%dma_start3A_494 : memref<1152x128xf32, #tpu.memory_space<vmem_shared>>) target(%dma_start3A_488 : memref<80x128xf32, #tpu.memory_space<vmem>>) offsets(%dma_start3A_491 : memref<80xi32, #tpu.memory_space<vmem>>) semaphore(%arg8 : memref<!tpu.dma_semaphore, #tpu.memory_space<semaphore_mem>>) {add = true}
    %dma_start3A_495 = arith.constant 25 : i32
    %dma_start3A_496 = arith.constant 80 : i32
    %dma_start3A_497 = arith.constant 0 : i32
    %dma_start3A_498 = tpu.memref_slice %arg6[%dma_start3A_496, %dma_start3A_497] : memref<320x128xf32, #tpu.memory_space<vmem>> -> memref<80x128xf32, #tpu.memory_space<vmem>>
    %dma_start3A_499 = arith.constant 0 : i32
    %dma_start3A_500 = tpu.memref_slice %arg5[%dma_start3A_495, %dma_start3A_499] : memref<36x80xi32, #tpu.memory_space<vmem>> -> memref<1x80xi32, #tpu.memory_space<vmem>>
    %dma_start3A_501 = tpu.memref_squeeze %dma_start3A_500 : memref<1x80xi32, #tpu.memory_space<vmem>> -> memref<80xi32, #tpu.memory_space<vmem>>
    %dma_start3A_502 = arith.constant 0 : i32
    %dma_start3A_503 = arith.constant 0 : i32
    %dma_start3A_504 = tpu.memref_slice %arg7[%dma_start3A_502, %dma_start3A_503] : memref<1152x128xf32, #tpu.memory_space<vmem_shared>> -> memref<1152x128xf32, #tpu.memory_space<vmem_shared>>
    tpu.enqueue_indirect_dma source(%dma_start3A_504 : memref<1152x128xf32, #tpu.memory_space<vmem_shared>>) target(%dma_start3A_498 : memref<80x128xf32, #tpu.memory_space<vmem>>) offsets(%dma_start3A_501 : memref<80xi32, #tpu.memory_space<vmem>>) semaphore(%arg8 : memref<!tpu.dma_semaphore, #tpu.memory_space<semaphore_mem>>) {add = true}
    %dma_start3A_505 = arith.constant 26 : i32
    %dma_start3A_506 = arith.constant 160 : i32
    %dma_start3A_507 = arith.constant 0 : i32
    %dma_start3A_508 = tpu.memref_slice %arg6[%dma_start3A_506, %dma_start3A_507] : memref<320x128xf32, #tpu.memory_space<vmem>> -> memref<80x128xf32, #tpu.memory_space<vmem>>
    %dma_start3A_509 = arith.constant 0 : i32
    %dma_start3A_510 = tpu.memref_slice %arg5[%dma_start3A_505, %dma_start3A_509] : memref<36x80xi32, #tpu.memory_space<vmem>> -> memref<1x80xi32, #tpu.memory_space<vmem>>
    %dma_start3A_511 = tpu.memref_squeeze %dma_start3A_510 : memref<1x80xi32, #tpu.memory_space<vmem>> -> memref<80xi32, #tpu.memory_space<vmem>>
    %dma_start3A_512 = arith.constant 0 : i32
    %dma_start3A_513 = arith.constant 0 : i32
    %dma_start3A_514 = tpu.memref_slice %arg7[%dma_start3A_512, %dma_start3A_513] : memref<1152x128xf32, #tpu.memory_space<vmem_shared>> -> memref<1152x128xf32, #tpu.memory_space<vmem_shared>>
    tpu.enqueue_indirect_dma source(%dma_start3A_514 : memref<1152x128xf32, #tpu.memory_space<vmem_shared>>) target(%dma_start3A_508 : memref<80x128xf32, #tpu.memory_space<vmem>>) offsets(%dma_start3A_511 : memref<80xi32, #tpu.memory_space<vmem>>) semaphore(%arg8 : memref<!tpu.dma_semaphore, #tpu.memory_space<semaphore_mem>>) {add = true}
    %dma_start3A_515 = arith.constant 27 : i32
    %dma_start3A_516 = arith.constant 240 : i32
    %dma_start3A_517 = arith.constant 0 : i32
    %dma_start3A_518 = tpu.memref_slice %arg6[%dma_start3A_516, %dma_start3A_517] : memref<320x128xf32, #tpu.memory_space<vmem>> -> memref<80x128xf32, #tpu.memory_space<vmem>>
    %dma_start3A_519 = arith.constant 0 : i32
    %dma_start3A_520 = tpu.memref_slice %arg5[%dma_start3A_515, %dma_start3A_519] : memref<36x80xi32, #tpu.memory_space<vmem>> -> memref<1x80xi32, #tpu.memory_space<vmem>>
    %dma_start3A_521 = tpu.memref_squeeze %dma_start3A_520 : memref<1x80xi32, #tpu.memory_space<vmem>> -> memref<80xi32, #tpu.memory_space<vmem>>
    %dma_start3A_522 = arith.constant 0 : i32
    %dma_start3A_523 = arith.constant 0 : i32
    %dma_start3A_524 = tpu.memref_slice %arg7[%dma_start3A_522, %dma_start3A_523] : memref<1152x128xf32, #tpu.memory_space<vmem_shared>> -> memref<1152x128xf32, #tpu.memory_space<vmem_shared>>
    tpu.enqueue_indirect_dma source(%dma_start3A_524 : memref<1152x128xf32, #tpu.memory_space<vmem_shared>>) target(%dma_start3A_518 : memref<80x128xf32, #tpu.memory_space<vmem>>) offsets(%dma_start3A_521 : memref<80xi32, #tpu.memory_space<vmem>>) semaphore(%arg8 : memref<!tpu.dma_semaphore, #tpu.memory_space<semaphore_mem>>) {add = true}
    %dma_wait3A_525 = arith.constant 24 : i32
    %dma_wait3A_526 = arith.constant 0 : i32
    %dma_wait3A_527 = arith.constant 0 : i32
    %dma_wait3A_528 = tpu.memref_slice %arg6[%dma_wait3A_526, %dma_wait3A_527] : memref<320x128xf32, #tpu.memory_space<vmem>> -> memref<80x128xf32, #tpu.memory_space<vmem>>
    %dma_wait3A_529 = arith.constant 0 : i32
    %dma_wait3A_530 = tpu.memref_slice %arg5[%dma_wait3A_525, %dma_wait3A_529] : memref<36x80xi32, #tpu.memory_space<vmem>> -> memref<1x80xi32, #tpu.memory_space<vmem>>
    %dma_wait3A_531 = tpu.memref_squeeze %dma_wait3A_530 : memref<1x80xi32, #tpu.memory_space<vmem>> -> memref<80xi32, #tpu.memory_space<vmem>>
    %dma_wait3A_532 = arith.constant 0 : i32
    %dma_wait3A_533 = arith.constant 0 : i32
    %dma_wait3A_534 = tpu.memref_slice %arg7[%dma_wait3A_532, %dma_wait3A_533] : memref<1152x128xf32, #tpu.memory_space<vmem_shared>> -> memref<1152x128xf32, #tpu.memory_space<vmem_shared>>
    tpu.wait_indirect_dma semaphore(%arg8 : memref<!tpu.dma_semaphore, #tpu.memory_space<semaphore_mem>>) src(%dma_wait3A_534 : memref<1152x128xf32, #tpu.memory_space<vmem_shared>>) dst(%dma_wait3A_528 : memref<80x128xf32, #tpu.memory_space<vmem>>)
    %dma_wait3A_535 = arith.constant 25 : i32
    %dma_wait3A_536 = arith.constant 80 : i32
    %dma_wait3A_537 = arith.constant 0 : i32
    %dma_wait3A_538 = tpu.memref_slice %arg6[%dma_wait3A_536, %dma_wait3A_537] : memref<320x128xf32, #tpu.memory_space<vmem>> -> memref<80x128xf32, #tpu.memory_space<vmem>>
    %dma_wait3A_539 = arith.constant 0 : i32
    %dma_wait3A_540 = tpu.memref_slice %arg5[%dma_wait3A_535, %dma_wait3A_539] : memref<36x80xi32, #tpu.memory_space<vmem>> -> memref<1x80xi32, #tpu.memory_space<vmem>>
    %dma_wait3A_541 = tpu.memref_squeeze %dma_wait3A_540 : memref<1x80xi32, #tpu.memory_space<vmem>> -> memref<80xi32, #tpu.memory_space<vmem>>
    %dma_wait3A_542 = arith.constant 0 : i32
    %dma_wait3A_543 = arith.constant 0 : i32
    %dma_wait3A_544 = tpu.memref_slice %arg7[%dma_wait3A_542, %dma_wait3A_543] : memref<1152x128xf32, #tpu.memory_space<vmem_shared>> -> memref<1152x128xf32, #tpu.memory_space<vmem_shared>>
    tpu.wait_indirect_dma semaphore(%arg8 : memref<!tpu.dma_semaphore, #tpu.memory_space<semaphore_mem>>) src(%dma_wait3A_544 : memref<1152x128xf32, #tpu.memory_space<vmem_shared>>) dst(%dma_wait3A_538 : memref<80x128xf32, #tpu.memory_space<vmem>>)
    %dma_wait3A_545 = arith.constant 26 : i32
    %dma_wait3A_546 = arith.constant 160 : i32
    %dma_wait3A_547 = arith.constant 0 : i32
    %dma_wait3A_548 = tpu.memref_slice %arg6[%dma_wait3A_546, %dma_wait3A_547] : memref<320x128xf32, #tpu.memory_space<vmem>> -> memref<80x128xf32, #tpu.memory_space<vmem>>
    %dma_wait3A_549 = arith.constant 0 : i32
    %dma_wait3A_550 = tpu.memref_slice %arg5[%dma_wait3A_545, %dma_wait3A_549] : memref<36x80xi32, #tpu.memory_space<vmem>> -> memref<1x80xi32, #tpu.memory_space<vmem>>
    %dma_wait3A_551 = tpu.memref_squeeze %dma_wait3A_550 : memref<1x80xi32, #tpu.memory_space<vmem>> -> memref<80xi32, #tpu.memory_space<vmem>>
    %dma_wait3A_552 = arith.constant 0 : i32
    %dma_wait3A_553 = arith.constant 0 : i32
    %dma_wait3A_554 = tpu.memref_slice %arg7[%dma_wait3A_552, %dma_wait3A_553] : memref<1152x128xf32, #tpu.memory_space<vmem_shared>> -> memref<1152x128xf32, #tpu.memory_space<vmem_shared>>
    tpu.wait_indirect_dma semaphore(%arg8 : memref<!tpu.dma_semaphore, #tpu.memory_space<semaphore_mem>>) src(%dma_wait3A_554 : memref<1152x128xf32, #tpu.memory_space<vmem_shared>>) dst(%dma_wait3A_548 : memref<80x128xf32, #tpu.memory_space<vmem>>)
    %dma_wait3A_555 = arith.constant 27 : i32
    %dma_wait3A_556 = arith.constant 240 : i32
    %dma_wait3A_557 = arith.constant 0 : i32
    %dma_wait3A_558 = tpu.memref_slice %arg6[%dma_wait3A_556, %dma_wait3A_557] : memref<320x128xf32, #tpu.memory_space<vmem>> -> memref<80x128xf32, #tpu.memory_space<vmem>>
    %dma_wait3A_559 = arith.constant 0 : i32
    %dma_wait3A_560 = tpu.memref_slice %arg5[%dma_wait3A_555, %dma_wait3A_559] : memref<36x80xi32, #tpu.memory_space<vmem>> -> memref<1x80xi32, #tpu.memory_space<vmem>>
    %dma_wait3A_561 = tpu.memref_squeeze %dma_wait3A_560 : memref<1x80xi32, #tpu.memory_space<vmem>> -> memref<80xi32, #tpu.memory_space<vmem>>
    %dma_wait3A_562 = arith.constant 0 : i32
    %dma_wait3A_563 = arith.constant 0 : i32
    %dma_wait3A_564 = tpu.memref_slice %arg7[%dma_wait3A_562, %dma_wait3A_563] : memref<1152x128xf32, #tpu.memory_space<vmem_shared>> -> memref<1152x128xf32, #tpu.memory_space<vmem_shared>>
    tpu.wait_indirect_dma semaphore(%arg8 : memref<!tpu.dma_semaphore, #tpu.memory_space<semaphore_mem>>) src(%dma_wait3A_564 : memref<1152x128xf32, #tpu.memory_space<vmem_shared>>) dst(%dma_wait3A_558 : memref<80x128xf32, #tpu.memory_space<vmem>>)
    %dma_start3A_565 = arith.constant 28 : i32
    %dma_start3A_566 = arith.constant 0 : i32
    %dma_start3A_567 = arith.constant 0 : i32
    %dma_start3A_568 = tpu.memref_slice %arg6[%dma_start3A_566, %dma_start3A_567] : memref<320x128xf32, #tpu.memory_space<vmem>> -> memref<80x128xf32, #tpu.memory_space<vmem>>
    %dma_start3A_569 = arith.constant 0 : i32
    %dma_start3A_570 = tpu.memref_slice %arg5[%dma_start3A_565, %dma_start3A_569] : memref<36x80xi32, #tpu.memory_space<vmem>> -> memref<1x80xi32, #tpu.memory_space<vmem>>
    %dma_start3A_571 = tpu.memref_squeeze %dma_start3A_570 : memref<1x80xi32, #tpu.memory_space<vmem>> -> memref<80xi32, #tpu.memory_space<vmem>>
    %dma_start3A_572 = arith.constant 0 : i32
    %dma_start3A_573 = arith.constant 0 : i32
    %dma_start3A_574 = tpu.memref_slice %arg7[%dma_start3A_572, %dma_start3A_573] : memref<1152x128xf32, #tpu.memory_space<vmem_shared>> -> memref<1152x128xf32, #tpu.memory_space<vmem_shared>>
    tpu.enqueue_indirect_dma source(%dma_start3A_574 : memref<1152x128xf32, #tpu.memory_space<vmem_shared>>) target(%dma_start3A_568 : memref<80x128xf32, #tpu.memory_space<vmem>>) offsets(%dma_start3A_571 : memref<80xi32, #tpu.memory_space<vmem>>) semaphore(%arg8 : memref<!tpu.dma_semaphore, #tpu.memory_space<semaphore_mem>>) {add = true}
    %dma_start3A_575 = arith.constant 29 : i32
    %dma_start3A_576 = arith.constant 80 : i32
    %dma_start3A_577 = arith.constant 0 : i32
    %dma_start3A_578 = tpu.memref_slice %arg6[%dma_start3A_576, %dma_start3A_577] : memref<320x128xf32, #tpu.memory_space<vmem>> -> memref<80x128xf32, #tpu.memory_space<vmem>>
    %dma_start3A_579 = arith.constant 0 : i32
    %dma_start3A_580 = tpu.memref_slice %arg5[%dma_start3A_575, %dma_start3A_579] : memref<36x80xi32, #tpu.memory_space<vmem>> -> memref<1x80xi32, #tpu.memory_space<vmem>>
    %dma_start3A_581 = tpu.memref_squeeze %dma_start3A_580 : memref<1x80xi32, #tpu.memory_space<vmem>> -> memref<80xi32, #tpu.memory_space<vmem>>
    %dma_start3A_582 = arith.constant 0 : i32
    %dma_start3A_583 = arith.constant 0 : i32
    %dma_start3A_584 = tpu.memref_slice %arg7[%dma_start3A_582, %dma_start3A_583] : memref<1152x128xf32, #tpu.memory_space<vmem_shared>> -> memref<1152x128xf32, #tpu.memory_space<vmem_shared>>
    tpu.enqueue_indirect_dma source(%dma_start3A_584 : memref<1152x128xf32, #tpu.memory_space<vmem_shared>>) target(%dma_start3A_578 : memref<80x128xf32, #tpu.memory_space<vmem>>) offsets(%dma_start3A_581 : memref<80xi32, #tpu.memory_space<vmem>>) semaphore(%arg8 : memref<!tpu.dma_semaphore, #tpu.memory_space<semaphore_mem>>) {add = true}
    %dma_start3A_585 = arith.constant 30 : i32
    %dma_start3A_586 = arith.constant 160 : i32
    %dma_start3A_587 = arith.constant 0 : i32
    %dma_start3A_588 = tpu.memref_slice %arg6[%dma_start3A_586, %dma_start3A_587] : memref<320x128xf32, #tpu.memory_space<vmem>> -> memref<80x128xf32, #tpu.memory_space<vmem>>
    %dma_start3A_589 = arith.constant 0 : i32
    %dma_start3A_590 = tpu.memref_slice %arg5[%dma_start3A_585, %dma_start3A_589] : memref<36x80xi32, #tpu.memory_space<vmem>> -> memref<1x80xi32, #tpu.memory_space<vmem>>
    %dma_start3A_591 = tpu.memref_squeeze %dma_start3A_590 : memref<1x80xi32, #tpu.memory_space<vmem>> -> memref<80xi32, #tpu.memory_space<vmem>>
    %dma_start3A_592 = arith.constant 0 : i32
    %dma_start3A_593 = arith.constant 0 : i32
    %dma_start3A_594 = tpu.memref_slice %arg7[%dma_start3A_592, %dma_start3A_593] : memref<1152x128xf32, #tpu.memory_space<vmem_shared>> -> memref<1152x128xf32, #tpu.memory_space<vmem_shared>>
    tpu.enqueue_indirect_dma source(%dma_start3A_594 : memref<1152x128xf32, #tpu.memory_space<vmem_shared>>) target(%dma_start3A_588 : memref<80x128xf32, #tpu.memory_space<vmem>>) offsets(%dma_start3A_591 : memref<80xi32, #tpu.memory_space<vmem>>) semaphore(%arg8 : memref<!tpu.dma_semaphore, #tpu.memory_space<semaphore_mem>>) {add = true}
    %dma_start3A_595 = arith.constant 31 : i32
    %dma_start3A_596 = arith.constant 240 : i32
    %dma_start3A_597 = arith.constant 0 : i32
    %dma_start3A_598 = tpu.memref_slice %arg6[%dma_start3A_596, %dma_start3A_597] : memref<320x128xf32, #tpu.memory_space<vmem>> -> memref<80x128xf32, #tpu.memory_space<vmem>>
    %dma_start3A_599 = arith.constant 0 : i32
    %dma_start3A_600 = tpu.memref_slice %arg5[%dma_start3A_595, %dma_start3A_599] : memref<36x80xi32, #tpu.memory_space<vmem>> -> memref<1x80xi32, #tpu.memory_space<vmem>>
    %dma_start3A_601 = tpu.memref_squeeze %dma_start3A_600 : memref<1x80xi32, #tpu.memory_space<vmem>> -> memref<80xi32, #tpu.memory_space<vmem>>
    %dma_start3A_602 = arith.constant 0 : i32
    %dma_start3A_603 = arith.constant 0 : i32
    %dma_start3A_604 = tpu.memref_slice %arg7[%dma_start3A_602, %dma_start3A_603] : memref<1152x128xf32, #tpu.memory_space<vmem_shared>> -> memref<1152x128xf32, #tpu.memory_space<vmem_shared>>
    tpu.enqueue_indirect_dma source(%dma_start3A_604 : memref<1152x128xf32, #tpu.memory_space<vmem_shared>>) target(%dma_start3A_598 : memref<80x128xf32, #tpu.memory_space<vmem>>) offsets(%dma_start3A_601 : memref<80xi32, #tpu.memory_space<vmem>>) semaphore(%arg8 : memref<!tpu.dma_semaphore, #tpu.memory_space<semaphore_mem>>) {add = true}
    %dma_wait3A_605 = arith.constant 28 : i32
    %dma_wait3A_606 = arith.constant 0 : i32
    %dma_wait3A_607 = arith.constant 0 : i32
    %dma_wait3A_608 = tpu.memref_slice %arg6[%dma_wait3A_606, %dma_wait3A_607] : memref<320x128xf32, #tpu.memory_space<vmem>> -> memref<80x128xf32, #tpu.memory_space<vmem>>
    %dma_wait3A_609 = arith.constant 0 : i32
    %dma_wait3A_610 = tpu.memref_slice %arg5[%dma_wait3A_605, %dma_wait3A_609] : memref<36x80xi32, #tpu.memory_space<vmem>> -> memref<1x80xi32, #tpu.memory_space<vmem>>
    %dma_wait3A_611 = tpu.memref_squeeze %dma_wait3A_610 : memref<1x80xi32, #tpu.memory_space<vmem>> -> memref<80xi32, #tpu.memory_space<vmem>>
    %dma_wait3A_612 = arith.constant 0 : i32
    %dma_wait3A_613 = arith.constant 0 : i32
    %dma_wait3A_614 = tpu.memref_slice %arg7[%dma_wait3A_612, %dma_wait3A_613] : memref<1152x128xf32, #tpu.memory_space<vmem_shared>> -> memref<1152x128xf32, #tpu.memory_space<vmem_shared>>
    tpu.wait_indirect_dma semaphore(%arg8 : memref<!tpu.dma_semaphore, #tpu.memory_space<semaphore_mem>>) src(%dma_wait3A_614 : memref<1152x128xf32, #tpu.memory_space<vmem_shared>>) dst(%dma_wait3A_608 : memref<80x128xf32, #tpu.memory_space<vmem>>)
    %dma_wait3A_615 = arith.constant 29 : i32
    %dma_wait3A_616 = arith.constant 80 : i32
    %dma_wait3A_617 = arith.constant 0 : i32
    %dma_wait3A_618 = tpu.memref_slice %arg6[%dma_wait3A_616, %dma_wait3A_617] : memref<320x128xf32, #tpu.memory_space<vmem>> -> memref<80x128xf32, #tpu.memory_space<vmem>>
    %dma_wait3A_619 = arith.constant 0 : i32
    %dma_wait3A_620 = tpu.memref_slice %arg5[%dma_wait3A_615, %dma_wait3A_619] : memref<36x80xi32, #tpu.memory_space<vmem>> -> memref<1x80xi32, #tpu.memory_space<vmem>>
    %dma_wait3A_621 = tpu.memref_squeeze %dma_wait3A_620 : memref<1x80xi32, #tpu.memory_space<vmem>> -> memref<80xi32, #tpu.memory_space<vmem>>
    %dma_wait3A_622 = arith.constant 0 : i32
    %dma_wait3A_623 = arith.constant 0 : i32
    %dma_wait3A_624 = tpu.memref_slice %arg7[%dma_wait3A_622, %dma_wait3A_623] : memref<1152x128xf32, #tpu.memory_space<vmem_shared>> -> memref<1152x128xf32, #tpu.memory_space<vmem_shared>>
    tpu.wait_indirect_dma semaphore(%arg8 : memref<!tpu.dma_semaphore, #tpu.memory_space<semaphore_mem>>) src(%dma_wait3A_624 : memref<1152x128xf32, #tpu.memory_space<vmem_shared>>) dst(%dma_wait3A_618 : memref<80x128xf32, #tpu.memory_space<vmem>>)
    %dma_wait3A_625 = arith.constant 30 : i32
    %dma_wait3A_626 = arith.constant 160 : i32
    %dma_wait3A_627 = arith.constant 0 : i32
    %dma_wait3A_628 = tpu.memref_slice %arg6[%dma_wait3A_626, %dma_wait3A_627] : memref<320x128xf32, #tpu.memory_space<vmem>> -> memref<80x128xf32, #tpu.memory_space<vmem>>
    %dma_wait3A_629 = arith.constant 0 : i32
    %dma_wait3A_630 = tpu.memref_slice %arg5[%dma_wait3A_625, %dma_wait3A_629] : memref<36x80xi32, #tpu.memory_space<vmem>> -> memref<1x80xi32, #tpu.memory_space<vmem>>
    %dma_wait3A_631 = tpu.memref_squeeze %dma_wait3A_630 : memref<1x80xi32, #tpu.memory_space<vmem>> -> memref<80xi32, #tpu.memory_space<vmem>>
    %dma_wait3A_632 = arith.constant 0 : i32
    %dma_wait3A_633 = arith.constant 0 : i32
    %dma_wait3A_634 = tpu.memref_slice %arg7[%dma_wait3A_632, %dma_wait3A_633] : memref<1152x128xf32, #tpu.memory_space<vmem_shared>> -> memref<1152x128xf32, #tpu.memory_space<vmem_shared>>
    tpu.wait_indirect_dma semaphore(%arg8 : memref<!tpu.dma_semaphore, #tpu.memory_space<semaphore_mem>>) src(%dma_wait3A_634 : memref<1152x128xf32, #tpu.memory_space<vmem_shared>>) dst(%dma_wait3A_628 : memref<80x128xf32, #tpu.memory_space<vmem>>)
    %dma_wait3A_635 = arith.constant 31 : i32
    %dma_wait3A_636 = arith.constant 240 : i32
    %dma_wait3A_637 = arith.constant 0 : i32
    %dma_wait3A_638 = tpu.memref_slice %arg6[%dma_wait3A_636, %dma_wait3A_637] : memref<320x128xf32, #tpu.memory_space<vmem>> -> memref<80x128xf32, #tpu.memory_space<vmem>>
    %dma_wait3A_639 = arith.constant 0 : i32
    %dma_wait3A_640 = tpu.memref_slice %arg5[%dma_wait3A_635, %dma_wait3A_639] : memref<36x80xi32, #tpu.memory_space<vmem>> -> memref<1x80xi32, #tpu.memory_space<vmem>>
    %dma_wait3A_641 = tpu.memref_squeeze %dma_wait3A_640 : memref<1x80xi32, #tpu.memory_space<vmem>> -> memref<80xi32, #tpu.memory_space<vmem>>
    %dma_wait3A_642 = arith.constant 0 : i32
    %dma_wait3A_643 = arith.constant 0 : i32
    %dma_wait3A_644 = tpu.memref_slice %arg7[%dma_wait3A_642, %dma_wait3A_643] : memref<1152x128xf32, #tpu.memory_space<vmem_shared>> -> memref<1152x128xf32, #tpu.memory_space<vmem_shared>>
    tpu.wait_indirect_dma semaphore(%arg8 : memref<!tpu.dma_semaphore, #tpu.memory_space<semaphore_mem>>) src(%dma_wait3A_644 : memref<1152x128xf32, #tpu.memory_space<vmem_shared>>) dst(%dma_wait3A_638 : memref<80x128xf32, #tpu.memory_space<vmem>>)
    %dma_start3A_645 = arith.constant 32 : i32
    %dma_start3A_646 = arith.constant 0 : i32
    %dma_start3A_647 = arith.constant 0 : i32
    %dma_start3A_648 = tpu.memref_slice %arg6[%dma_start3A_646, %dma_start3A_647] : memref<320x128xf32, #tpu.memory_space<vmem>> -> memref<80x128xf32, #tpu.memory_space<vmem>>
    %dma_start3A_649 = arith.constant 0 : i32
    %dma_start3A_650 = tpu.memref_slice %arg5[%dma_start3A_645, %dma_start3A_649] : memref<36x80xi32, #tpu.memory_space<vmem>> -> memref<1x80xi32, #tpu.memory_space<vmem>>
    %dma_start3A_651 = tpu.memref_squeeze %dma_start3A_650 : memref<1x80xi32, #tpu.memory_space<vmem>> -> memref<80xi32, #tpu.memory_space<vmem>>
    %dma_start3A_652 = arith.constant 0 : i32
    %dma_start3A_653 = arith.constant 0 : i32
    %dma_start3A_654 = tpu.memref_slice %arg7[%dma_start3A_652, %dma_start3A_653] : memref<1152x128xf32, #tpu.memory_space<vmem_shared>> -> memref<1152x128xf32, #tpu.memory_space<vmem_shared>>
    tpu.enqueue_indirect_dma source(%dma_start3A_654 : memref<1152x128xf32, #tpu.memory_space<vmem_shared>>) target(%dma_start3A_648 : memref<80x128xf32, #tpu.memory_space<vmem>>) offsets(%dma_start3A_651 : memref<80xi32, #tpu.memory_space<vmem>>) semaphore(%arg8 : memref<!tpu.dma_semaphore, #tpu.memory_space<semaphore_mem>>) {add = true}
    %dma_start3A_655 = arith.constant 33 : i32
    %dma_start3A_656 = arith.constant 80 : i32
    %dma_start3A_657 = arith.constant 0 : i32
    %dma_start3A_658 = tpu.memref_slice %arg6[%dma_start3A_656, %dma_start3A_657] : memref<320x128xf32, #tpu.memory_space<vmem>> -> memref<80x128xf32, #tpu.memory_space<vmem>>
    %dma_start3A_659 = arith.constant 0 : i32
    %dma_start3A_660 = tpu.memref_slice %arg5[%dma_start3A_655, %dma_start3A_659] : memref<36x80xi32, #tpu.memory_space<vmem>> -> memref<1x80xi32, #tpu.memory_space<vmem>>
    %dma_start3A_661 = tpu.memref_squeeze %dma_start3A_660 : memref<1x80xi32, #tpu.memory_space<vmem>> -> memref<80xi32, #tpu.memory_space<vmem>>
    %dma_start3A_662 = arith.constant 0 : i32
    %dma_start3A_663 = arith.constant 0 : i32
    %dma_start3A_664 = tpu.memref_slice %arg7[%dma_start3A_662, %dma_start3A_663] : memref<1152x128xf32, #tpu.memory_space<vmem_shared>> -> memref<1152x128xf32, #tpu.memory_space<vmem_shared>>
    tpu.enqueue_indirect_dma source(%dma_start3A_664 : memref<1152x128xf32, #tpu.memory_space<vmem_shared>>) target(%dma_start3A_658 : memref<80x128xf32, #tpu.memory_space<vmem>>) offsets(%dma_start3A_661 : memref<80xi32, #tpu.memory_space<vmem>>) semaphore(%arg8 : memref<!tpu.dma_semaphore, #tpu.memory_space<semaphore_mem>>) {add = true}
    %dma_start3A_665 = arith.constant 34 : i32
    %dma_start3A_666 = arith.constant 160 : i32
    %dma_start3A_667 = arith.constant 0 : i32
    %dma_start3A_668 = tpu.memref_slice %arg6[%dma_start3A_666, %dma_start3A_667] : memref<320x128xf32, #tpu.memory_space<vmem>> -> memref<80x128xf32, #tpu.memory_space<vmem>>
    %dma_start3A_669 = arith.constant 0 : i32
    %dma_start3A_670 = tpu.memref_slice %arg5[%dma_start3A_665, %dma_start3A_669] : memref<36x80xi32, #tpu.memory_space<vmem>> -> memref<1x80xi32, #tpu.memory_space<vmem>>
    %dma_start3A_671 = tpu.memref_squeeze %dma_start3A_670 : memref<1x80xi32, #tpu.memory_space<vmem>> -> memref<80xi32, #tpu.memory_space<vmem>>
    %dma_start3A_672 = arith.constant 0 : i32
    %dma_start3A_673 = arith.constant 0 : i32
    %dma_start3A_674 = tpu.memref_slice %arg7[%dma_start3A_672, %dma_start3A_673] : memref<1152x128xf32, #tpu.memory_space<vmem_shared>> -> memref<1152x128xf32, #tpu.memory_space<vmem_shared>>
    tpu.enqueue_indirect_dma source(%dma_start3A_674 : memref<1152x128xf32, #tpu.memory_space<vmem_shared>>) target(%dma_start3A_668 : memref<80x128xf32, #tpu.memory_space<vmem>>) offsets(%dma_start3A_671 : memref<80xi32, #tpu.memory_space<vmem>>) semaphore(%arg8 : memref<!tpu.dma_semaphore, #tpu.memory_space<semaphore_mem>>) {add = true}
    %dma_start3A_675 = arith.constant 35 : i32
    %dma_start3A_676 = arith.constant 240 : i32
    %dma_start3A_677 = arith.constant 0 : i32
    %dma_start3A_678 = tpu.memref_slice %arg6[%dma_start3A_676, %dma_start3A_677] : memref<320x128xf32, #tpu.memory_space<vmem>> -> memref<80x128xf32, #tpu.memory_space<vmem>>
    %dma_start3A_679 = arith.constant 0 : i32
    %dma_start3A_680 = tpu.memref_slice %arg5[%dma_start3A_675, %dma_start3A_679] : memref<36x80xi32, #tpu.memory_space<vmem>> -> memref<1x80xi32, #tpu.memory_space<vmem>>
    %dma_start3A_681 = tpu.memref_squeeze %dma_start3A_680 : memref<1x80xi32, #tpu.memory_space<vmem>> -> memref<80xi32, #tpu.memory_space<vmem>>
    %dma_start3A_682 = arith.constant 0 : i32
    %dma_start3A_683 = arith.constant 0 : i32
    %dma_start3A_684 = tpu.memref_slice %arg7[%dma_start3A_682, %dma_start3A_683] : memref<1152x128xf32, #tpu.memory_space<vmem_shared>> -> memref<1152x128xf32, #tpu.memory_space<vmem_shared>>
    tpu.enqueue_indirect_dma source(%dma_start3A_684 : memref<1152x128xf32, #tpu.memory_space<vmem_shared>>) target(%dma_start3A_678 : memref<80x128xf32, #tpu.memory_space<vmem>>) offsets(%dma_start3A_681 : memref<80xi32, #tpu.memory_space<vmem>>) semaphore(%arg8 : memref<!tpu.dma_semaphore, #tpu.memory_space<semaphore_mem>>) {add = true}
    %dma_wait3A_685 = arith.constant 32 : i32
    %dma_wait3A_686 = arith.constant 0 : i32
    %dma_wait3A_687 = arith.constant 0 : i32
    %dma_wait3A_688 = tpu.memref_slice %arg6[%dma_wait3A_686, %dma_wait3A_687] : memref<320x128xf32, #tpu.memory_space<vmem>> -> memref<80x128xf32, #tpu.memory_space<vmem>>
    %dma_wait3A_689 = arith.constant 0 : i32
    %dma_wait3A_690 = tpu.memref_slice %arg5[%dma_wait3A_685, %dma_wait3A_689] : memref<36x80xi32, #tpu.memory_space<vmem>> -> memref<1x80xi32, #tpu.memory_space<vmem>>
    %dma_wait3A_691 = tpu.memref_squeeze %dma_wait3A_690 : memref<1x80xi32, #tpu.memory_space<vmem>> -> memref<80xi32, #tpu.memory_space<vmem>>
    %dma_wait3A_692 = arith.constant 0 : i32
    %dma_wait3A_693 = arith.constant 0 : i32
    %dma_wait3A_694 = tpu.memref_slice %arg7[%dma_wait3A_692, %dma_wait3A_693] : memref<1152x128xf32, #tpu.memory_space<vmem_shared>> -> memref<1152x128xf32, #tpu.memory_space<vmem_shared>>
    tpu.wait_indirect_dma semaphore(%arg8 : memref<!tpu.dma_semaphore, #tpu.memory_space<semaphore_mem>>) src(%dma_wait3A_694 : memref<1152x128xf32, #tpu.memory_space<vmem_shared>>) dst(%dma_wait3A_688 : memref<80x128xf32, #tpu.memory_space<vmem>>)
    %dma_wait3A_695 = arith.constant 33 : i32
    %dma_wait3A_696 = arith.constant 80 : i32
    %dma_wait3A_697 = arith.constant 0 : i32
    %dma_wait3A_698 = tpu.memref_slice %arg6[%dma_wait3A_696, %dma_wait3A_697] : memref<320x128xf32, #tpu.memory_space<vmem>> -> memref<80x128xf32, #tpu.memory_space<vmem>>
    %dma_wait3A_699 = arith.constant 0 : i32
    %dma_wait3A_700 = tpu.memref_slice %arg5[%dma_wait3A_695, %dma_wait3A_699] : memref<36x80xi32, #tpu.memory_space<vmem>> -> memref<1x80xi32, #tpu.memory_space<vmem>>
    %dma_wait3A_701 = tpu.memref_squeeze %dma_wait3A_700 : memref<1x80xi32, #tpu.memory_space<vmem>> -> memref<80xi32, #tpu.memory_space<vmem>>
    %dma_wait3A_702 = arith.constant 0 : i32
    %dma_wait3A_703 = arith.constant 0 : i32
    %dma_wait3A_704 = tpu.memref_slice %arg7[%dma_wait3A_702, %dma_wait3A_703] : memref<1152x128xf32, #tpu.memory_space<vmem_shared>> -> memref<1152x128xf32, #tpu.memory_space<vmem_shared>>
    tpu.wait_indirect_dma semaphore(%arg8 : memref<!tpu.dma_semaphore, #tpu.memory_space<semaphore_mem>>) src(%dma_wait3A_704 : memref<1152x128xf32, #tpu.memory_space<vmem_shared>>) dst(%dma_wait3A_698 : memref<80x128xf32, #tpu.memory_space<vmem>>)
    %dma_wait3A_705 = arith.constant 34 : i32
    %dma_wait3A_706 = arith.constant 160 : i32
    %dma_wait3A_707 = arith.constant 0 : i32
    %dma_wait3A_708 = tpu.memref_slice %arg6[%dma_wait3A_706, %dma_wait3A_707] : memref<320x128xf32, #tpu.memory_space<vmem>> -> memref<80x128xf32, #tpu.memory_space<vmem>>
    %dma_wait3A_709 = arith.constant 0 : i32
    %dma_wait3A_710 = tpu.memref_slice %arg5[%dma_wait3A_705, %dma_wait3A_709] : memref<36x80xi32, #tpu.memory_space<vmem>> -> memref<1x80xi32, #tpu.memory_space<vmem>>
    %dma_wait3A_711 = tpu.memref_squeeze %dma_wait3A_710 : memref<1x80xi32, #tpu.memory_space<vmem>> -> memref<80xi32, #tpu.memory_space<vmem>>
    %dma_wait3A_712 = arith.constant 0 : i32
    %dma_wait3A_713 = arith.constant 0 : i32
    %dma_wait3A_714 = tpu.memref_slice %arg7[%dma_wait3A_712, %dma_wait3A_713] : memref<1152x128xf32, #tpu.memory_space<vmem_shared>> -> memref<1152x128xf32, #tpu.memory_space<vmem_shared>>
    tpu.wait_indirect_dma semaphore(%arg8 : memref<!tpu.dma_semaphore, #tpu.memory_space<semaphore_mem>>) src(%dma_wait3A_714 : memref<1152x128xf32, #tpu.memory_space<vmem_shared>>) dst(%dma_wait3A_708 : memref<80x128xf32, #tpu.memory_space<vmem>>)
    %dma_wait3A_715 = arith.constant 35 : i32
    %dma_wait3A_716 = arith.constant 240 : i32
    %dma_wait3A_717 = arith.constant 0 : i32
    %dma_wait3A_718 = tpu.memref_slice %arg6[%dma_wait3A_716, %dma_wait3A_717] : memref<320x128xf32, #tpu.memory_space<vmem>> -> memref<80x128xf32, #tpu.memory_space<vmem>>
    %dma_wait3A_719 = arith.constant 0 : i32
    %dma_wait3A_720 = tpu.memref_slice %arg5[%dma_wait3A_715, %dma_wait3A_719] : memref<36x80xi32, #tpu.memory_space<vmem>> -> memref<1x80xi32, #tpu.memory_space<vmem>>
    %dma_wait3A_721 = tpu.memref_squeeze %dma_wait3A_720 : memref<1x80xi32, #tpu.memory_space<vmem>> -> memref<80xi32, #tpu.memory_space<vmem>>
    %dma_wait3A_722 = arith.constant 0 : i32
    %dma_wait3A_723 = arith.constant 0 : i32
    %dma_wait3A_724 = tpu.memref_slice %arg7[%dma_wait3A_722, %dma_wait3A_723] : memref<1152x128xf32, #tpu.memory_space<vmem_shared>> -> memref<1152x128xf32, #tpu.memory_space<vmem_shared>>
    tpu.wait_indirect_dma semaphore(%arg8 : memref<!tpu.dma_semaphore, #tpu.memory_space<semaphore_mem>>) src(%dma_wait3A_724 : memref<1152x128xf32, #tpu.memory_space<vmem_shared>>) dst(%dma_wait3A_718 : memref<80x128xf32, #tpu.memory_space<vmem>>)
    "tpu.region"() ({
      %run_scoped3A = tpu.sem_alloc : memref<!tpu.dma_semaphore, #tpu.memory_space<semaphore_mem>>
      %dma_start3A_725 = arith.constant 0 : i32
      %dma_start3A_726 = tpu.memref_slice %arg4[%mul3A_2, %dma_start3A_725] : memref<10240x128xf32, #tpu.memory_space<hbm>> -> memref<320x128xf32, #tpu.memory_space<hbm>>
      %dma_start3A_727 = arith.constant 0 : i32
      %dma_start3A_728 = tpu.memref_slice %arg4[%mul3A_2, %dma_start3A_727] : memref<10240x128xf32, #tpu.memory_space<hbm>> -> memref<320x128xf32, #tpu.memory_space<hbm>>
      tpu.enqueue_dma source(%arg6 : memref<320x128xf32, #tpu.memory_space<vmem>>) target(%dma_start3A_728 : memref<320x128xf32, #tpu.memory_space<hbm>>) target_semaphore(%run_scoped3A : memref<!tpu.dma_semaphore, #tpu.memory_space<semaphore_mem>>)
      %dma_wait3A_729 = arith.constant 0 : i32
      %dma_wait3A_730 = tpu.memref_slice %arg4[%mul3A_2, %dma_wait3A_729] : memref<10240x128xf32, #tpu.memory_space<hbm>> -> memref<320x128xf32, #tpu.memory_space<hbm>>
      %dma_wait3A_731 = arith.constant 0 : i32
      %dma_wait3A_732 = tpu.memref_slice %arg4[%mul3A_2, %dma_wait3A_731] : memref<10240x128xf32, #tpu.memory_space<hbm>> -> memref<320x128xf32, #tpu.memory_space<hbm>>
      tpu.wait_dma2 semaphore(%run_scoped3A : memref<!tpu.dma_semaphore, #tpu.memory_space<semaphore_mem>>) src(%arg6 : memref<320x128xf32, #tpu.memory_space<vmem>>) dst(%dma_wait3A_732 : memref<320x128xf32, #tpu.memory_space<hbm>>)
      tpu.yield
    }) : () -> ()
    return
  }
}

#map = affine_map<(d0, d1) -> (0, 0)>
#map1 = affine_map<(d0, d1) -> (0, 0, 0)>
module attributes {stable_mosaic.version = 14 : i64} {
  func.func @_edge_aggregate_sc(%arg0: i32, %arg1: i32, %arg2: memref<10240x128xf32, #tpu.memory_space<hbm>>, %arg3: memref<64x40x128xi32, #tpu.memory_space<hbm>>, %arg4: memref<64x40x128xi32, #tpu.memory_space<hbm>>, %arg5: memref<10240x128xf32, #tpu.memory_space<hbm>>, %arg6: memref<20480x128xf32, #tpu.memory_space<hbm>>, %arg7: memref<40x128xi32, #tpu.memory_space<vmem>>, %arg8: memref<40x128xi32, #tpu.memory_space<vmem>>, %arg9: memref<128x128xf32, #tpu.memory_space<vmem>>, %arg10: memref<128x128xf32, #tpu.memory_space<vmem>>, %arg11: memref<10240x128xf32, #tpu.memory_space<vmem_shared>>, %arg12: memref<!tpu.dma_semaphore, #tpu.memory_space<semaphore_mem>>, %arg13: memref<!tpu.dma_semaphore, #tpu.memory_space<semaphore_mem>>) attributes {dimension_semantics = [#tpu.dimension_semantics<core_parallel>, #tpu.dimension_semantics<subcore_parallel>], iteration_bounds = array<i64: 2, 16>, scalar_prefetch = 0 : i64, scratch_operands = 7 : i64, tpu.core_type = #tpu.core_type<sc_vector_subcore>, window_params = [{transform_indices = #map}, {transform_indices = #map1}, {transform_indices = #map1}, {transform_indices = #map}, {transform_indices = #map}]} {
    %mul3A = arith.constant 2 : i32
    %mul3A_0 = arith.muli %arg1, %mul3A : i32
    %add3A = arith.addi %mul3A_0, %arg0 : i32
    %mul3A_1 = arith.constant 640 : i32
    %mul3A_2 = arith.muli %arg1, %mul3A_1 : i32
    %mul3A_3 = arith.constant 640 : i32
    %mul3A_4 = arith.muli %arg1, %mul3A_3 : i32
    "tpu.region"() ({
      %run_scoped3A_97 = tpu.sem_alloc : memref<!tpu.dma_semaphore, #tpu.memory_space<semaphore_mem>>
      %dma_start3A_98 = arith.constant 0 : i32
      %dma_start3A_99 = tpu.memref_slice %arg11[%mul3A_4, %dma_start3A_98] : memref<10240x128xf32, #tpu.memory_space<vmem_shared>> -> memref<640x128xf32, #tpu.memory_space<vmem_shared>>
      %dma_start3A_100 = arith.constant 0 : i32
      %dma_start3A_101 = tpu.memref_slice %arg5[%mul3A_2, %dma_start3A_100] : memref<10240x128xf32, #tpu.memory_space<hbm>> -> memref<640x128xf32, #tpu.memory_space<hbm>>
      tpu.enqueue_dma source(%dma_start3A_101 : memref<640x128xf32, #tpu.memory_space<hbm>>) target(%dma_start3A_99 : memref<640x128xf32, #tpu.memory_space<vmem_shared>>) target_semaphore(%run_scoped3A_97 : memref<!tpu.dma_semaphore, #tpu.memory_space<semaphore_mem>>)
      %dma_wait3A_102 = arith.constant 0 : i32
      %dma_wait3A_103 = tpu.memref_slice %arg11[%mul3A_4, %dma_wait3A_102] : memref<10240x128xf32, #tpu.memory_space<vmem_shared>> -> memref<640x128xf32, #tpu.memory_space<vmem_shared>>
      %dma_wait3A_104 = arith.constant 0 : i32
      %dma_wait3A_105 = tpu.memref_slice %arg5[%mul3A_2, %dma_wait3A_104] : memref<10240x128xf32, #tpu.memory_space<hbm>> -> memref<640x128xf32, #tpu.memory_space<hbm>>
      tpu.wait_dma2 semaphore(%run_scoped3A_97 : memref<!tpu.dma_semaphore, #tpu.memory_space<semaphore_mem>>) src(%dma_wait3A_105 : memref<640x128xf32, #tpu.memory_space<hbm>>) dst(%dma_wait3A_103 : memref<640x128xf32, #tpu.memory_space<vmem_shared>>)
      tpu.yield
    }) : () -> ()
    %barrier3A = arith.constant 0 : index
    tpu.barrier barrier_id(%barrier3A)
    %mul3A_5 = arith.constant 2 : i32
    %mul3A_6 = arith.muli %add3A, %mul3A_5 : i32
    %add3A_7 = arith.constant 0 : i32
    %add3A_8 = arith.addi %mul3A_6, %add3A_7 : i32
    "tpu.region"() ({
      %run_scoped3A_97 = tpu.sem_alloc : memref<!tpu.dma_semaphore, #tpu.memory_space<semaphore_mem>>
      %dma_start3A_98 = arith.constant 0 : i32
      %dma_start3A_99 = arith.constant 0 : i32
      %dma_start3A_100 = tpu.memref_slice %arg3[%add3A_8, %dma_start3A_98, %dma_start3A_99] : memref<64x40x128xi32, #tpu.memory_space<hbm>> -> memref<1x40x128xi32, #tpu.memory_space<hbm>>
      %dma_start3A_101 = tpu.memref_squeeze %dma_start3A_100 : memref<1x40x128xi32, #tpu.memory_space<hbm>> -> memref<40x128xi32, #tpu.memory_space<hbm>>
      %dma_start3A_102 = arith.constant 0 : i32
      %dma_start3A_103 = arith.constant 0 : i32
      %dma_start3A_104 = tpu.memref_slice %arg3[%add3A_8, %dma_start3A_102, %dma_start3A_103] : memref<64x40x128xi32, #tpu.memory_space<hbm>> -> memref<1x40x128xi32, #tpu.memory_space<hbm>>
      %dma_start3A_105 = tpu.memref_squeeze %dma_start3A_104 : memref<1x40x128xi32, #tpu.memory_space<hbm>> -> memref<40x128xi32, #tpu.memory_space<hbm>>
      tpu.enqueue_dma source(%dma_start3A_105 : memref<40x128xi32, #tpu.memory_space<hbm>>) target(%arg7 : memref<40x128xi32, #tpu.memory_space<vmem>>) target_semaphore(%run_scoped3A_97 : memref<!tpu.dma_semaphore, #tpu.memory_space<semaphore_mem>>)
      %dma_wait3A_106 = arith.constant 0 : i32
      %dma_wait3A_107 = arith.constant 0 : i32
      %dma_wait3A_108 = tpu.memref_slice %arg3[%add3A_8, %dma_wait3A_106, %dma_wait3A_107] : memref<64x40x128xi32, #tpu.memory_space<hbm>> -> memref<1x40x128xi32, #tpu.memory_space<hbm>>
      %dma_wait3A_109 = tpu.memref_squeeze %dma_wait3A_108 : memref<1x40x128xi32, #tpu.memory_space<hbm>> -> memref<40x128xi32, #tpu.memory_space<hbm>>
      %dma_wait3A_110 = arith.constant 0 : i32
      %dma_wait3A_111 = arith.constant 0 : i32
      %dma_wait3A_112 = tpu.memref_slice %arg3[%add3A_8, %dma_wait3A_110, %dma_wait3A_111] : memref<64x40x128xi32, #tpu.memory_space<hbm>> -> memref<1x40x128xi32, #tpu.memory_space<hbm>>
      %dma_wait3A_113 = tpu.memref_squeeze %dma_wait3A_112 : memref<1x40x128xi32, #tpu.memory_space<hbm>> -> memref<40x128xi32, #tpu.memory_space<hbm>>
      tpu.wait_dma2 semaphore(%run_scoped3A_97 : memref<!tpu.dma_semaphore, #tpu.memory_space<semaphore_mem>>) src(%dma_wait3A_113 : memref<40x128xi32, #tpu.memory_space<hbm>>) dst(%arg7 : memref<40x128xi32, #tpu.memory_space<vmem>>)
      tpu.yield
    }) : () -> ()
    %mul3A_9 = arith.constant 2 : i32
    %mul3A_10 = arith.muli %add3A, %mul3A_9 : i32
    %add3A_11 = arith.constant 0 : i32
    %add3A_12 = arith.addi %mul3A_10, %add3A_11 : i32
    "tpu.region"() ({
      %run_scoped3A_97 = tpu.sem_alloc : memref<!tpu.dma_semaphore, #tpu.memory_space<semaphore_mem>>
      %dma_start3A_98 = arith.constant 0 : i32
      %dma_start3A_99 = arith.constant 0 : i32
      %dma_start3A_100 = tpu.memref_slice %arg4[%add3A_12, %dma_start3A_98, %dma_start3A_99] : memref<64x40x128xi32, #tpu.memory_space<hbm>> -> memref<1x40x128xi32, #tpu.memory_space<hbm>>
      %dma_start3A_101 = tpu.memref_squeeze %dma_start3A_100 : memref<1x40x128xi32, #tpu.memory_space<hbm>> -> memref<40x128xi32, #tpu.memory_space<hbm>>
      %dma_start3A_102 = arith.constant 0 : i32
      %dma_start3A_103 = arith.constant 0 : i32
      %dma_start3A_104 = tpu.memref_slice %arg4[%add3A_12, %dma_start3A_102, %dma_start3A_103] : memref<64x40x128xi32, #tpu.memory_space<hbm>> -> memref<1x40x128xi32, #tpu.memory_space<hbm>>
      %dma_start3A_105 = tpu.memref_squeeze %dma_start3A_104 : memref<1x40x128xi32, #tpu.memory_space<hbm>> -> memref<40x128xi32, #tpu.memory_space<hbm>>
      tpu.enqueue_dma source(%dma_start3A_105 : memref<40x128xi32, #tpu.memory_space<hbm>>) target(%arg8 : memref<40x128xi32, #tpu.memory_space<vmem>>) target_semaphore(%run_scoped3A_97 : memref<!tpu.dma_semaphore, #tpu.memory_space<semaphore_mem>>)
      %dma_wait3A_106 = arith.constant 0 : i32
      %dma_wait3A_107 = arith.constant 0 : i32
      %dma_wait3A_108 = tpu.memref_slice %arg4[%add3A_12, %dma_wait3A_106, %dma_wait3A_107] : memref<64x40x128xi32, #tpu.memory_space<hbm>> -> memref<1x40x128xi32, #tpu.memory_space<hbm>>
      %dma_wait3A_109 = tpu.memref_squeeze %dma_wait3A_108 : memref<1x40x128xi32, #tpu.memory_space<hbm>> -> memref<40x128xi32, #tpu.memory_space<hbm>>
      %dma_wait3A_110 = arith.constant 0 : i32
      %dma_wait3A_111 = arith.constant 0 : i32
      %dma_wait3A_112 = tpu.memref_slice %arg4[%add3A_12, %dma_wait3A_110, %dma_wait3A_111] : memref<64x40x128xi32, #tpu.memory_space<hbm>> -> memref<1x40x128xi32, #tpu.memory_space<hbm>>
      %dma_wait3A_113 = tpu.memref_squeeze %dma_wait3A_112 : memref<1x40x128xi32, #tpu.memory_space<hbm>> -> memref<40x128xi32, #tpu.memory_space<hbm>>
      tpu.wait_dma2 semaphore(%run_scoped3A_97 : memref<!tpu.dma_semaphore, #tpu.memory_space<semaphore_mem>>) src(%dma_wait3A_113 : memref<40x128xi32, #tpu.memory_space<hbm>>) dst(%arg8 : memref<40x128xi32, #tpu.memory_space<vmem>>)
      tpu.yield
    }) : () -> ()
    %dma_start3A = arith.constant 0 : i32
    %dma_start3A_13 = arith.constant 0 : i32
    %dma_start3A_14 = tpu.memref_slice %arg7[%dma_start3A, %dma_start3A_13] : memref<40x128xi32, #tpu.memory_space<vmem>> -> memref<1x128xi32, #tpu.memory_space<vmem>>
    %dma_start3A_15 = tpu.memref_squeeze %dma_start3A_14 : memref<1x128xi32, #tpu.memory_space<vmem>> -> memref<128xi32, #tpu.memory_space<vmem>>
    %dma_start3A_16 = arith.constant 0 : i32
    %dma_start3A_17 = arith.constant 0 : i32
    %dma_start3A_18 = tpu.memref_slice %arg2[%dma_start3A_16, %dma_start3A_17] : memref<10240x128xf32, #tpu.memory_space<hbm>> -> memref<10240x128xf32, #tpu.memory_space<hbm>>
    tpu.enqueue_indirect_dma source(%dma_start3A_18 : memref<10240x128xf32, #tpu.memory_space<hbm>>) target(%arg9 : memref<128x128xf32, #tpu.memory_space<vmem>>) offsets(%dma_start3A_15 : memref<128xi32, #tpu.memory_space<vmem>>) semaphore(%arg12 : memref<!tpu.dma_semaphore, #tpu.memory_space<semaphore_mem>>)
    %dma_start3A_19 = arith.constant 1 : i32
    %dma_start3A_20 = arith.constant 0 : i32
    %dma_start3A_21 = tpu.memref_slice %arg7[%dma_start3A_19, %dma_start3A_20] : memref<40x128xi32, #tpu.memory_space<vmem>> -> memref<1x128xi32, #tpu.memory_space<vmem>>
    %dma_start3A_22 = tpu.memref_squeeze %dma_start3A_21 : memref<1x128xi32, #tpu.memory_space<vmem>> -> memref<128xi32, #tpu.memory_space<vmem>>
    %dma_start3A_23 = arith.constant 0 : i32
    %dma_start3A_24 = arith.constant 0 : i32
    %dma_start3A_25 = tpu.memref_slice %arg2[%dma_start3A_23, %dma_start3A_24] : memref<10240x128xf32, #tpu.memory_space<hbm>> -> memref<10240x128xf32, #tpu.memory_space<hbm>>
    tpu.enqueue_indirect_dma source(%dma_start3A_25 : memref<10240x128xf32, #tpu.memory_space<hbm>>) target(%arg10 : memref<128x128xf32, #tpu.memory_space<vmem>>) offsets(%dma_start3A_22 : memref<128xi32, #tpu.memory_space<vmem>>) semaphore(%arg13 : memref<!tpu.dma_semaphore, #tpu.memory_space<semaphore_mem>>)
    %scan3A = arith.constant 0 : i32
    %scan3A_26 = arith.constant 0 : i32
    %scan3A_27 = arith.constant 19 : i32
    %scan3A_28 = arith.addi %scan3A_26, %scan3A_27 : i32
    %scan3A_29 = arith.constant 1 : i32
    scf.for %scan3A_97 = %scan3A_26 to %scan3A_28 step %scan3A_29  : i32 {
      %mul3A_98 = arith.constant 2 : i32
      %mul3A_99 = arith.muli %mul3A_98, %scan3A_97 : i32
      %dma_wait3A_100 = arith.constant 0 : i32
      %dma_wait3A_101 = tpu.memref_slice %arg7[%mul3A_99, %dma_wait3A_100] : memref<40x128xi32, #tpu.memory_space<vmem>> -> memref<1x128xi32, #tpu.memory_space<vmem>>
      %dma_wait3A_102 = tpu.memref_squeeze %dma_wait3A_101 : memref<1x128xi32, #tpu.memory_space<vmem>> -> memref<128xi32, #tpu.memory_space<vmem>>
      %dma_wait3A_103 = arith.constant 0 : i32
      %dma_wait3A_104 = arith.constant 0 : i32
      %dma_wait3A_105 = tpu.memref_slice %arg2[%dma_wait3A_103, %dma_wait3A_104] : memref<10240x128xf32, #tpu.memory_space<hbm>> -> memref<10240x128xf32, #tpu.memory_space<hbm>>
      tpu.wait_indirect_dma semaphore(%arg12 : memref<!tpu.dma_semaphore, #tpu.memory_space<semaphore_mem>>) src(%dma_wait3A_105 : memref<10240x128xf32, #tpu.memory_space<hbm>>) dst(%arg9 : memref<128x128xf32, #tpu.memory_space<vmem>>)
      "tpu.region"() ({
        %run_scoped3A_130 = tpu.sem_alloc : memref<!tpu.dma_semaphore, #tpu.memory_space<semaphore_mem>>
        %dma_start3A_131 = arith.constant 0 : i32
        %dma_start3A_132 = tpu.memref_slice %arg8[%mul3A_99, %dma_start3A_131] : memref<40x128xi32, #tpu.memory_space<vmem>> -> memref<1x128xi32, #tpu.memory_space<vmem>>
        %dma_start3A_133 = tpu.memref_squeeze %dma_start3A_132 : memref<1x128xi32, #tpu.memory_space<vmem>> -> memref<128xi32, #tpu.memory_space<vmem>>
        %dma_start3A_134 = arith.constant 0 : i32
        %dma_start3A_135 = arith.constant 0 : i32
        %dma_start3A_136 = tpu.memref_slice %arg11[%dma_start3A_134, %dma_start3A_135] : memref<10240x128xf32, #tpu.memory_space<vmem_shared>> -> memref<10240x128xf32, #tpu.memory_space<vmem_shared>>
        tpu.enqueue_indirect_dma source(%arg9 : memref<128x128xf32, #tpu.memory_space<vmem>>) target(%dma_start3A_136 : memref<10240x128xf32, #tpu.memory_space<vmem_shared>>) offsets(%dma_start3A_133 : memref<128xi32, #tpu.memory_space<vmem>>) semaphore(%run_scoped3A_130 : memref<!tpu.dma_semaphore, #tpu.memory_space<semaphore_mem>>) {add = true}
        %dma_wait3A_137 = arith.constant 0 : i32
        %dma_wait3A_138 = tpu.memref_slice %arg8[%mul3A_99, %dma_wait3A_137] : memref<40x128xi32, #tpu.memory_space<vmem>> -> memref<1x128xi32, #tpu.memory_space<vmem>>
        %dma_wait3A_139 = tpu.memref_squeeze %dma_wait3A_138 : memref<1x128xi32, #tpu.memory_space<vmem>> -> memref<128xi32, #tpu.memory_space<vmem>>
        %dma_wait3A_140 = arith.constant 0 : i32
        %dma_wait3A_141 = arith.constant 0 : i32
        %dma_wait3A_142 = tpu.memref_slice %arg11[%dma_wait3A_140, %dma_wait3A_141] : memref<10240x128xf32, #tpu.memory_space<vmem_shared>> -> memref<10240x128xf32, #tpu.memory_space<vmem_shared>>
        tpu.wait_indirect_dma semaphore(%run_scoped3A_130 : memref<!tpu.dma_semaphore, #tpu.memory_space<semaphore_mem>>) src(%arg9 : memref<128x128xf32, #tpu.memory_space<vmem>>) dst(%dma_wait3A_142 : memref<10240x128xf32, #tpu.memory_space<vmem_shared>>)
        tpu.yield
      }) : () -> ()
      %add3A_106 = arith.constant 2 : i32
      %add3A_107 = arith.addi %mul3A_99, %add3A_106 : i32
      %dma_start3A_108 = arith.constant 0 : i32
      %dma_start3A_109 = tpu.memref_slice %arg7[%add3A_107, %dma_start3A_108] : memref<40x128xi32, #tpu.memory_space<vmem>> -> memref<1x128xi32, #tpu.memory_space<vmem>>
      %dma_start3A_110 = tpu.memref_squeeze %dma_start3A_109 : memref<1x128xi32, #tpu.memory_space<vmem>> -> memref<128xi32, #tpu.memory_space<vmem>>
      %dma_start3A_111 = arith.constant 0 : i32
      %dma_start3A_112 = arith.constant 0 : i32
      %dma_start3A_113 = tpu.memref_slice %arg2[%dma_start3A_111, %dma_start3A_112] : memref<10240x128xf32, #tpu.memory_space<hbm>> -> memref<10240x128xf32, #tpu.memory_space<hbm>>
      tpu.enqueue_indirect_dma source(%dma_start3A_113 : memref<10240x128xf32, #tpu.memory_space<hbm>>) target(%arg9 : memref<128x128xf32, #tpu.memory_space<vmem>>) offsets(%dma_start3A_110 : memref<128xi32, #tpu.memory_space<vmem>>) semaphore(%arg12 : memref<!tpu.dma_semaphore, #tpu.memory_space<semaphore_mem>>)
      %add3A_114 = arith.constant 1 : i32
      %add3A_115 = arith.addi %mul3A_99, %add3A_114 : i32
      %dma_wait3A_116 = arith.constant 0 : i32
      %dma_wait3A_117 = tpu.memref_slice %arg7[%add3A_115, %dma_wait3A_116] : memref<40x128xi32, #tpu.memory_space<vmem>> -> memref<1x128xi32, #tpu.memory_space<vmem>>
      %dma_wait3A_118 = tpu.memref_squeeze %dma_wait3A_117 : memref<1x128xi32, #tpu.memory_space<vmem>> -> memref<128xi32, #tpu.memory_space<vmem>>
      %dma_wait3A_119 = arith.constant 0 : i32
      %dma_wait3A_120 = arith.constant 0 : i32
      %dma_wait3A_121 = tpu.memref_slice %arg2[%dma_wait3A_119, %dma_wait3A_120] : memref<10240x128xf32, #tpu.memory_space<hbm>> -> memref<10240x128xf32, #tpu.memory_space<hbm>>
      tpu.wait_indirect_dma semaphore(%arg13 : memref<!tpu.dma_semaphore, #tpu.memory_space<semaphore_mem>>) src(%dma_wait3A_121 : memref<10240x128xf32, #tpu.memory_space<hbm>>) dst(%arg10 : memref<128x128xf32, #tpu.memory_space<vmem>>)
      "tpu.region"() ({
        %run_scoped3A_130 = tpu.sem_alloc : memref<!tpu.dma_semaphore, #tpu.memory_space<semaphore_mem>>
        %dma_start3A_131 = arith.constant 0 : i32
        %dma_start3A_132 = tpu.memref_slice %arg8[%add3A_115, %dma_start3A_131] : memref<40x128xi32, #tpu.memory_space<vmem>> -> memref<1x128xi32, #tpu.memory_space<vmem>>
        %dma_start3A_133 = tpu.memref_squeeze %dma_start3A_132 : memref<1x128xi32, #tpu.memory_space<vmem>> -> memref<128xi32, #tpu.memory_space<vmem>>
        %dma_start3A_134 = arith.constant 0 : i32
        %dma_start3A_135 = arith.constant 0 : i32
        %dma_start3A_136 = tpu.memref_slice %arg11[%dma_start3A_134, %dma_start3A_135] : memref<10240x128xf32, #tpu.memory_space<vmem_shared>> -> memref<10240x128xf32, #tpu.memory_space<vmem_shared>>
        tpu.enqueue_indirect_dma source(%arg10 : memref<128x128xf32, #tpu.memory_space<vmem>>) target(%dma_start3A_136 : memref<10240x128xf32, #tpu.memory_space<vmem_shared>>) offsets(%dma_start3A_133 : memref<128xi32, #tpu.memory_space<vmem>>) semaphore(%run_scoped3A_130 : memref<!tpu.dma_semaphore, #tpu.memory_space<semaphore_mem>>) {add = true}
        %dma_wait3A_137 = arith.constant 0 : i32
        %dma_wait3A_138 = tpu.memref_slice %arg8[%add3A_115, %dma_wait3A_137] : memref<40x128xi32, #tpu.memory_space<vmem>> -> memref<1x128xi32, #tpu.memory_space<vmem>>
        %dma_wait3A_139 = tpu.memref_squeeze %dma_wait3A_138 : memref<1x128xi32, #tpu.memory_space<vmem>> -> memref<128xi32, #tpu.memory_space<vmem>>
        %dma_wait3A_140 = arith.constant 0 : i32
        %dma_wait3A_141 = arith.constant 0 : i32
        %dma_wait3A_142 = tpu.memref_slice %arg11[%dma_wait3A_140, %dma_wait3A_141] : memref<10240x128xf32, #tpu.memory_space<vmem_shared>> -> memref<10240x128xf32, #tpu.memory_space<vmem_shared>>
        tpu.wait_indirect_dma semaphore(%run_scoped3A_130 : memref<!tpu.dma_semaphore, #tpu.memory_space<semaphore_mem>>) src(%arg10 : memref<128x128xf32, #tpu.memory_space<vmem>>) dst(%dma_wait3A_142 : memref<10240x128xf32, #tpu.memory_space<vmem_shared>>)
        tpu.yield
      }) : () -> ()
      %add3A_122 = arith.constant 2 : i32
      %add3A_123 = arith.addi %add3A_115, %add3A_122 : i32
      %dma_start3A_124 = arith.constant 0 : i32
      %dma_start3A_125 = tpu.memref_slice %arg7[%add3A_123, %dma_start3A_124] : memref<40x128xi32, #tpu.memory_space<vmem>> -> memref<1x128xi32, #tpu.memory_space<vmem>>
      %dma_start3A_126 = tpu.memref_squeeze %dma_start3A_125 : memref<1x128xi32, #tpu.memory_space<vmem>> -> memref<128xi32, #tpu.memory_space<vmem>>
      %dma_start3A_127 = arith.constant 0 : i32
      %dma_start3A_128 = arith.constant 0 : i32
      %dma_start3A_129 = tpu.memref_slice %arg2[%dma_start3A_127, %dma_start3A_128] : memref<10240x128xf32, #tpu.memory_space<hbm>> -> memref<10240x128xf32, #tpu.memory_space<hbm>>
      tpu.enqueue_indirect_dma source(%dma_start3A_129 : memref<10240x128xf32, #tpu.memory_space<hbm>>) target(%arg10 : memref<128x128xf32, #tpu.memory_space<vmem>>) offsets(%dma_start3A_126 : memref<128xi32, #tpu.memory_space<vmem>>) semaphore(%arg13 : memref<!tpu.dma_semaphore, #tpu.memory_space<semaphore_mem>>)
    }
    %scan3A_30 = arith.constant 19 : i32
    %dma_wait3A = arith.constant 38 : i32
    %dma_wait3A_31 = arith.constant 0 : i32
    %dma_wait3A_32 = tpu.memref_slice %arg7[%dma_wait3A, %dma_wait3A_31] : memref<40x128xi32, #tpu.memory_space<vmem>> -> memref<1x128xi32, #tpu.memory_space<vmem>>
    %dma_wait3A_33 = tpu.memref_squeeze %dma_wait3A_32 : memref<1x128xi32, #tpu.memory_space<vmem>> -> memref<128xi32, #tpu.memory_space<vmem>>
    %dma_wait3A_34 = arith.constant 0 : i32
    %dma_wait3A_35 = arith.constant 0 : i32
    %dma_wait3A_36 = tpu.memref_slice %arg2[%dma_wait3A_34, %dma_wait3A_35] : memref<10240x128xf32, #tpu.memory_space<hbm>> -> memref<10240x128xf32, #tpu.memory_space<hbm>>
    tpu.wait_indirect_dma semaphore(%arg12 : memref<!tpu.dma_semaphore, #tpu.memory_space<semaphore_mem>>) src(%dma_wait3A_36 : memref<10240x128xf32, #tpu.memory_space<hbm>>) dst(%arg9 : memref<128x128xf32, #tpu.memory_space<vmem>>)
    %run_scoped3A = arith.constant 38 : i32
    "tpu.region"() ({
      %run_scoped3A_97 = tpu.sem_alloc : memref<!tpu.dma_semaphore, #tpu.memory_space<semaphore_mem>>
      %dma_start3A_98 = arith.constant 0 : i32
      %dma_start3A_99 = tpu.memref_slice %arg8[%run_scoped3A, %dma_start3A_98] : memref<40x128xi32, #tpu.memory_space<vmem>> -> memref<1x128xi32, #tpu.memory_space<vmem>>
      %dma_start3A_100 = tpu.memref_squeeze %dma_start3A_99 : memref<1x128xi32, #tpu.memory_space<vmem>> -> memref<128xi32, #tpu.memory_space<vmem>>
      %dma_start3A_101 = arith.constant 0 : i32
      %dma_start3A_102 = arith.constant 0 : i32
      %dma_start3A_103 = tpu.memref_slice %arg11[%dma_start3A_101, %dma_start3A_102] : memref<10240x128xf32, #tpu.memory_space<vmem_shared>> -> memref<10240x128xf32, #tpu.memory_space<vmem_shared>>
      tpu.enqueue_indirect_dma source(%arg9 : memref<128x128xf32, #tpu.memory_space<vmem>>) target(%dma_start3A_103 : memref<10240x128xf32, #tpu.memory_space<vmem_shared>>) offsets(%dma_start3A_100 : memref<128xi32, #tpu.memory_space<vmem>>) semaphore(%run_scoped3A_97 : memref<!tpu.dma_semaphore, #tpu.memory_space<semaphore_mem>>) {add = true}
      %dma_wait3A_104 = arith.constant 0 : i32
      %dma_wait3A_105 = tpu.memref_slice %arg8[%run_scoped3A, %dma_wait3A_104] : memref<40x128xi32, #tpu.memory_space<vmem>> -> memref<1x128xi32, #tpu.memory_space<vmem>>
      %dma_wait3A_106 = tpu.memref_squeeze %dma_wait3A_105 : memref<1x128xi32, #tpu.memory_space<vmem>> -> memref<128xi32, #tpu.memory_space<vmem>>
      %dma_wait3A_107 = arith.constant 0 : i32
      %dma_wait3A_108 = arith.constant 0 : i32
      %dma_wait3A_109 = tpu.memref_slice %arg11[%dma_wait3A_107, %dma_wait3A_108] : memref<10240x128xf32, #tpu.memory_space<vmem_shared>> -> memref<10240x128xf32, #tpu.memory_space<vmem_shared>>
      tpu.wait_indirect_dma semaphore(%run_scoped3A_97 : memref<!tpu.dma_semaphore, #tpu.memory_space<semaphore_mem>>) src(%arg9 : memref<128x128xf32, #tpu.memory_space<vmem>>) dst(%dma_wait3A_109 : memref<10240x128xf32, #tpu.memory_space<vmem_shared>>)
      tpu.yield
    }) : () -> ()
    %dma_wait3A_37 = arith.constant 39 : i32
    %dma_wait3A_38 = arith.constant 0 : i32
    %dma_wait3A_39 = tpu.memref_slice %arg7[%dma_wait3A_37, %dma_wait3A_38] : memref<40x128xi32, #tpu.memory_space<vmem>> -> memref<1x128xi32, #tpu.memory_space<vmem>>
    %dma_wait3A_40 = tpu.memref_squeeze %dma_wait3A_39 : memref<1x128xi32, #tpu.memory_space<vmem>> -> memref<128xi32, #tpu.memory_space<vmem>>
    %dma_wait3A_41 = arith.constant 0 : i32
    %dma_wait3A_42 = arith.constant 0 : i32
    %dma_wait3A_43 = tpu.memref_slice %arg2[%dma_wait3A_41, %dma_wait3A_42] : memref<10240x128xf32, #tpu.memory_space<hbm>> -> memref<10240x128xf32, #tpu.memory_space<hbm>>
    tpu.wait_indirect_dma semaphore(%arg13 : memref<!tpu.dma_semaphore, #tpu.memory_space<semaphore_mem>>) src(%dma_wait3A_43 : memref<10240x128xf32, #tpu.memory_space<hbm>>) dst(%arg10 : memref<128x128xf32, #tpu.memory_space<vmem>>)
    %run_scoped3A_44 = arith.constant 39 : i32
    "tpu.region"() ({
      %run_scoped3A_97 = tpu.sem_alloc : memref<!tpu.dma_semaphore, #tpu.memory_space<semaphore_mem>>
      %dma_start3A_98 = arith.constant 0 : i32
      %dma_start3A_99 = tpu.memref_slice %arg8[%run_scoped3A_44, %dma_start3A_98] : memref<40x128xi32, #tpu.memory_space<vmem>> -> memref<1x128xi32, #tpu.memory_space<vmem>>
      %dma_start3A_100 = tpu.memref_squeeze %dma_start3A_99 : memref<1x128xi32, #tpu.memory_space<vmem>> -> memref<128xi32, #tpu.memory_space<vmem>>
      %dma_start3A_101 = arith.constant 0 : i32
      %dma_start3A_102 = arith.constant 0 : i32
      %dma_start3A_103 = tpu.memref_slice %arg11[%dma_start3A_101, %dma_start3A_102] : memref<10240x128xf32, #tpu.memory_space<vmem_shared>> -> memref<10240x128xf32, #tpu.memory_space<vmem_shared>>
      tpu.enqueue_indirect_dma source(%arg10 : memref<128x128xf32, #tpu.memory_space<vmem>>) target(%dma_start3A_103 : memref<10240x128xf32, #tpu.memory_space<vmem_shared>>) offsets(%dma_start3A_100 : memref<128xi32, #tpu.memory_space<vmem>>) semaphore(%run_scoped3A_97 : memref<!tpu.dma_semaphore, #tpu.memory_space<semaphore_mem>>) {add = true}
      %dma_wait3A_104 = arith.constant 0 : i32
      %dma_wait3A_105 = tpu.memref_slice %arg8[%run_scoped3A_44, %dma_wait3A_104] : memref<40x128xi32, #tpu.memory_space<vmem>> -> memref<1x128xi32, #tpu.memory_space<vmem>>
      %dma_wait3A_106 = tpu.memref_squeeze %dma_wait3A_105 : memref<1x128xi32, #tpu.memory_space<vmem>> -> memref<128xi32, #tpu.memory_space<vmem>>
      %dma_wait3A_107 = arith.constant 0 : i32
      %dma_wait3A_108 = arith.constant 0 : i32
      %dma_wait3A_109 = tpu.memref_slice %arg11[%dma_wait3A_107, %dma_wait3A_108] : memref<10240x128xf32, #tpu.memory_space<vmem_shared>> -> memref<10240x128xf32, #tpu.memory_space<vmem_shared>>
      tpu.wait_indirect_dma semaphore(%run_scoped3A_97 : memref<!tpu.dma_semaphore, #tpu.memory_space<semaphore_mem>>) src(%arg10 : memref<128x128xf32, #tpu.memory_space<vmem>>) dst(%dma_wait3A_109 : memref<10240x128xf32, #tpu.memory_space<vmem_shared>>)
      tpu.yield
    }) : () -> ()
    %mul3A_45 = arith.constant 2 : i32
    %mul3A_46 = arith.muli %add3A, %mul3A_45 : i32
    %add3A_47 = arith.constant 1 : i32
    %add3A_48 = arith.addi %mul3A_46, %add3A_47 : i32
    "tpu.region"() ({
      %run_scoped3A_97 = tpu.sem_alloc : memref<!tpu.dma_semaphore, #tpu.memory_space<semaphore_mem>>
      %dma_start3A_98 = arith.constant 0 : i32
      %dma_start3A_99 = arith.constant 0 : i32
      %dma_start3A_100 = tpu.memref_slice %arg3[%add3A_48, %dma_start3A_98, %dma_start3A_99] : memref<64x40x128xi32, #tpu.memory_space<hbm>> -> memref<1x40x128xi32, #tpu.memory_space<hbm>>
      %dma_start3A_101 = tpu.memref_squeeze %dma_start3A_100 : memref<1x40x128xi32, #tpu.memory_space<hbm>> -> memref<40x128xi32, #tpu.memory_space<hbm>>
      %dma_start3A_102 = arith.constant 0 : i32
      %dma_start3A_103 = arith.constant 0 : i32
      %dma_start3A_104 = tpu.memref_slice %arg3[%add3A_48, %dma_start3A_102, %dma_start3A_103] : memref<64x40x128xi32, #tpu.memory_space<hbm>> -> memref<1x40x128xi32, #tpu.memory_space<hbm>>
      %dma_start3A_105 = tpu.memref_squeeze %dma_start3A_104 : memref<1x40x128xi32, #tpu.memory_space<hbm>> -> memref<40x128xi32, #tpu.memory_space<hbm>>
      tpu.enqueue_dma source(%dma_start3A_105 : memref<40x128xi32, #tpu.memory_space<hbm>>) target(%arg7 : memref<40x128xi32, #tpu.memory_space<vmem>>) target_semaphore(%run_scoped3A_97 : memref<!tpu.dma_semaphore, #tpu.memory_space<semaphore_mem>>)
      %dma_wait3A_106 = arith.constant 0 : i32
      %dma_wait3A_107 = arith.constant 0 : i32
      %dma_wait3A_108 = tpu.memref_slice %arg3[%add3A_48, %dma_wait3A_106, %dma_wait3A_107] : memref<64x40x128xi32, #tpu.memory_space<hbm>> -> memref<1x40x128xi32, #tpu.memory_space<hbm>>
      %dma_wait3A_109 = tpu.memref_squeeze %dma_wait3A_108 : memref<1x40x128xi32, #tpu.memory_space<hbm>> -> memref<40x128xi32, #tpu.memory_space<hbm>>
      %dma_wait3A_110 = arith.constant 0 : i32
      %dma_wait3A_111 = arith.constant 0 : i32
      %dma_wait3A_112 = tpu.memref_slice %arg3[%add3A_48, %dma_wait3A_110, %dma_wait3A_111] : memref<64x40x128xi32, #tpu.memory_space<hbm>> -> memref<1x40x128xi32, #tpu.memory_space<hbm>>
      %dma_wait3A_113 = tpu.memref_squeeze %dma_wait3A_112 : memref<1x40x128xi32, #tpu.memory_space<hbm>> -> memref<40x128xi32, #tpu.memory_space<hbm>>
      tpu.wait_dma2 semaphore(%run_scoped3A_97 : memref<!tpu.dma_semaphore, #tpu.memory_space<semaphore_mem>>) src(%dma_wait3A_113 : memref<40x128xi32, #tpu.memory_space<hbm>>) dst(%arg7 : memref<40x128xi32, #tpu.memory_space<vmem>>)
      tpu.yield
    }) : () -> ()
    %mul3A_49 = arith.constant 2 : i32
    %mul3A_50 = arith.muli %add3A, %mul3A_49 : i32
    %add3A_51 = arith.constant 1 : i32
    %add3A_52 = arith.addi %mul3A_50, %add3A_51 : i32
    "tpu.region"() ({
      %run_scoped3A_97 = tpu.sem_alloc : memref<!tpu.dma_semaphore, #tpu.memory_space<semaphore_mem>>
      %dma_start3A_98 = arith.constant 0 : i32
      %dma_start3A_99 = arith.constant 0 : i32
      %dma_start3A_100 = tpu.memref_slice %arg4[%add3A_52, %dma_start3A_98, %dma_start3A_99] : memref<64x40x128xi32, #tpu.memory_space<hbm>> -> memref<1x40x128xi32, #tpu.memory_space<hbm>>
      %dma_start3A_101 = tpu.memref_squeeze %dma_start3A_100 : memref<1x40x128xi32, #tpu.memory_space<hbm>> -> memref<40x128xi32, #tpu.memory_space<hbm>>
      %dma_start3A_102 = arith.constant 0 : i32
      %dma_start3A_103 = arith.constant 0 : i32
      %dma_start3A_104 = tpu.memref_slice %arg4[%add3A_52, %dma_start3A_102, %dma_start3A_103] : memref<64x40x128xi32, #tpu.memory_space<hbm>> -> memref<1x40x128xi32, #tpu.memory_space<hbm>>
      %dma_start3A_105 = tpu.memref_squeeze %dma_start3A_104 : memref<1x40x128xi32, #tpu.memory_space<hbm>> -> memref<40x128xi32, #tpu.memory_space<hbm>>
      tpu.enqueue_dma source(%dma_start3A_105 : memref<40x128xi32, #tpu.memory_space<hbm>>) target(%arg8 : memref<40x128xi32, #tpu.memory_space<vmem>>) target_semaphore(%run_scoped3A_97 : memref<!tpu.dma_semaphore, #tpu.memory_space<semaphore_mem>>)
      %dma_wait3A_106 = arith.constant 0 : i32
      %dma_wait3A_107 = arith.constant 0 : i32
      %dma_wait3A_108 = tpu.memref_slice %arg4[%add3A_52, %dma_wait3A_106, %dma_wait3A_107] : memref<64x40x128xi32, #tpu.memory_space<hbm>> -> memref<1x40x128xi32, #tpu.memory_space<hbm>>
      %dma_wait3A_109 = tpu.memref_squeeze %dma_wait3A_108 : memref<1x40x128xi32, #tpu.memory_space<hbm>> -> memref<40x128xi32, #tpu.memory_space<hbm>>
      %dma_wait3A_110 = arith.constant 0 : i32
      %dma_wait3A_111 = arith.constant 0 : i32
      %dma_wait3A_112 = tpu.memref_slice %arg4[%add3A_52, %dma_wait3A_110, %dma_wait3A_111] : memref<64x40x128xi32, #tpu.memory_space<hbm>> -> memref<1x40x128xi32, #tpu.memory_space<hbm>>
      %dma_wait3A_113 = tpu.memref_squeeze %dma_wait3A_112 : memref<1x40x128xi32, #tpu.memory_space<hbm>> -> memref<40x128xi32, #tpu.memory_space<hbm>>
      tpu.wait_dma2 semaphore(%run_scoped3A_97 : memref<!tpu.dma_semaphore, #tpu.memory_space<semaphore_mem>>) src(%dma_wait3A_113 : memref<40x128xi32, #tpu.memory_space<hbm>>) dst(%arg8 : memref<40x128xi32, #tpu.memory_space<vmem>>)
      tpu.yield
    }) : () -> ()
    %dma_start3A_53 = arith.constant 0 : i32
    %dma_start3A_54 = arith.constant 0 : i32
    %dma_start3A_55 = tpu.memref_slice %arg7[%dma_start3A_53, %dma_start3A_54] : memref<40x128xi32, #tpu.memory_space<vmem>> -> memref<1x128xi32, #tpu.memory_space<vmem>>
    %dma_start3A_56 = tpu.memref_squeeze %dma_start3A_55 : memref<1x128xi32, #tpu.memory_space<vmem>> -> memref<128xi32, #tpu.memory_space<vmem>>
    %dma_start3A_57 = arith.constant 0 : i32
    %dma_start3A_58 = arith.constant 0 : i32
    %dma_start3A_59 = tpu.memref_slice %arg2[%dma_start3A_57, %dma_start3A_58] : memref<10240x128xf32, #tpu.memory_space<hbm>> -> memref<10240x128xf32, #tpu.memory_space<hbm>>
    tpu.enqueue_indirect_dma source(%dma_start3A_59 : memref<10240x128xf32, #tpu.memory_space<hbm>>) target(%arg9 : memref<128x128xf32, #tpu.memory_space<vmem>>) offsets(%dma_start3A_56 : memref<128xi32, #tpu.memory_space<vmem>>) semaphore(%arg12 : memref<!tpu.dma_semaphore, #tpu.memory_space<semaphore_mem>>)
    %dma_start3A_60 = arith.constant 1 : i32
    %dma_start3A_61 = arith.constant 0 : i32
    %dma_start3A_62 = tpu.memref_slice %arg7[%dma_start3A_60, %dma_start3A_61] : memref<40x128xi32, #tpu.memory_space<vmem>> -> memref<1x128xi32, #tpu.memory_space<vmem>>
    %dma_start3A_63 = tpu.memref_squeeze %dma_start3A_62 : memref<1x128xi32, #tpu.memory_space<vmem>> -> memref<128xi32, #tpu.memory_space<vmem>>
    %dma_start3A_64 = arith.constant 0 : i32
    %dma_start3A_65 = arith.constant 0 : i32
    %dma_start3A_66 = tpu.memref_slice %arg2[%dma_start3A_64, %dma_start3A_65] : memref<10240x128xf32, #tpu.memory_space<hbm>> -> memref<10240x128xf32, #tpu.memory_space<hbm>>
    tpu.enqueue_indirect_dma source(%dma_start3A_66 : memref<10240x128xf32, #tpu.memory_space<hbm>>) target(%arg10 : memref<128x128xf32, #tpu.memory_space<vmem>>) offsets(%dma_start3A_63 : memref<128xi32, #tpu.memory_space<vmem>>) semaphore(%arg13 : memref<!tpu.dma_semaphore, #tpu.memory_space<semaphore_mem>>)
    %scan3A_67 = arith.constant 0 : i32
    %scan3A_68 = arith.constant 0 : i32
    %scan3A_69 = arith.constant 19 : i32
    %scan3A_70 = arith.addi %scan3A_68, %scan3A_69 : i32
    %scan3A_71 = arith.constant 1 : i32
    scf.for %scan3A_97 = %scan3A_68 to %scan3A_70 step %scan3A_71  : i32 {
      %mul3A_98 = arith.constant 2 : i32
      %mul3A_99 = arith.muli %mul3A_98, %scan3A_97 : i32
      %dma_wait3A_100 = arith.constant 0 : i32
      %dma_wait3A_101 = tpu.memref_slice %arg7[%mul3A_99, %dma_wait3A_100] : memref<40x128xi32, #tpu.memory_space<vmem>> -> memref<1x128xi32, #tpu.memory_space<vmem>>
      %dma_wait3A_102 = tpu.memref_squeeze %dma_wait3A_101 : memref<1x128xi32, #tpu.memory_space<vmem>> -> memref<128xi32, #tpu.memory_space<vmem>>
      %dma_wait3A_103 = arith.constant 0 : i32
      %dma_wait3A_104 = arith.constant 0 : i32
      %dma_wait3A_105 = tpu.memref_slice %arg2[%dma_wait3A_103, %dma_wait3A_104] : memref<10240x128xf32, #tpu.memory_space<hbm>> -> memref<10240x128xf32, #tpu.memory_space<hbm>>
      tpu.wait_indirect_dma semaphore(%arg12 : memref<!tpu.dma_semaphore, #tpu.memory_space<semaphore_mem>>) src(%dma_wait3A_105 : memref<10240x128xf32, #tpu.memory_space<hbm>>) dst(%arg9 : memref<128x128xf32, #tpu.memory_space<vmem>>)
      "tpu.region"() ({
        %run_scoped3A_130 = tpu.sem_alloc : memref<!tpu.dma_semaphore, #tpu.memory_space<semaphore_mem>>
        %dma_start3A_131 = arith.constant 0 : i32
        %dma_start3A_132 = tpu.memref_slice %arg8[%mul3A_99, %dma_start3A_131] : memref<40x128xi32, #tpu.memory_space<vmem>> -> memref<1x128xi32, #tpu.memory_space<vmem>>
        %dma_start3A_133 = tpu.memref_squeeze %dma_start3A_132 : memref<1x128xi32, #tpu.memory_space<vmem>> -> memref<128xi32, #tpu.memory_space<vmem>>
        %dma_start3A_134 = arith.constant 0 : i32
        %dma_start3A_135 = arith.constant 0 : i32
        %dma_start3A_136 = tpu.memref_slice %arg11[%dma_start3A_134, %dma_start3A_135] : memref<10240x128xf32, #tpu.memory_space<vmem_shared>> -> memref<10240x128xf32, #tpu.memory_space<vmem_shared>>
        tpu.enqueue_indirect_dma source(%arg9 : memref<128x128xf32, #tpu.memory_space<vmem>>) target(%dma_start3A_136 : memref<10240x128xf32, #tpu.memory_space<vmem_shared>>) offsets(%dma_start3A_133 : memref<128xi32, #tpu.memory_space<vmem>>) semaphore(%run_scoped3A_130 : memref<!tpu.dma_semaphore, #tpu.memory_space<semaphore_mem>>) {add = true}
        %dma_wait3A_137 = arith.constant 0 : i32
        %dma_wait3A_138 = tpu.memref_slice %arg8[%mul3A_99, %dma_wait3A_137] : memref<40x128xi32, #tpu.memory_space<vmem>> -> memref<1x128xi32, #tpu.memory_space<vmem>>
        %dma_wait3A_139 = tpu.memref_squeeze %dma_wait3A_138 : memref<1x128xi32, #tpu.memory_space<vmem>> -> memref<128xi32, #tpu.memory_space<vmem>>
        %dma_wait3A_140 = arith.constant 0 : i32
        %dma_wait3A_141 = arith.constant 0 : i32
        %dma_wait3A_142 = tpu.memref_slice %arg11[%dma_wait3A_140, %dma_wait3A_141] : memref<10240x128xf32, #tpu.memory_space<vmem_shared>> -> memref<10240x128xf32, #tpu.memory_space<vmem_shared>>
        tpu.wait_indirect_dma semaphore(%run_scoped3A_130 : memref<!tpu.dma_semaphore, #tpu.memory_space<semaphore_mem>>) src(%arg9 : memref<128x128xf32, #tpu.memory_space<vmem>>) dst(%dma_wait3A_142 : memref<10240x128xf32, #tpu.memory_space<vmem_shared>>)
        tpu.yield
      }) : () -> ()
      %add3A_106 = arith.constant 2 : i32
      %add3A_107 = arith.addi %mul3A_99, %add3A_106 : i32
      %dma_start3A_108 = arith.constant 0 : i32
      %dma_start3A_109 = tpu.memref_slice %arg7[%add3A_107, %dma_start3A_108] : memref<40x128xi32, #tpu.memory_space<vmem>> -> memref<1x128xi32, #tpu.memory_space<vmem>>
      %dma_start3A_110 = tpu.memref_squeeze %dma_start3A_109 : memref<1x128xi32, #tpu.memory_space<vmem>> -> memref<128xi32, #tpu.memory_space<vmem>>
      %dma_start3A_111 = arith.constant 0 : i32
      %dma_start3A_112 = arith.constant 0 : i32
      %dma_start3A_113 = tpu.memref_slice %arg2[%dma_start3A_111, %dma_start3A_112] : memref<10240x128xf32, #tpu.memory_space<hbm>> -> memref<10240x128xf32, #tpu.memory_space<hbm>>
      tpu.enqueue_indirect_dma source(%dma_start3A_113 : memref<10240x128xf32, #tpu.memory_space<hbm>>) target(%arg9 : memref<128x128xf32, #tpu.memory_space<vmem>>) offsets(%dma_start3A_110 : memref<128xi32, #tpu.memory_space<vmem>>) semaphore(%arg12 : memref<!tpu.dma_semaphore, #tpu.memory_space<semaphore_mem>>)
      %add3A_114 = arith.constant 1 : i32
      %add3A_115 = arith.addi %mul3A_99, %add3A_114 : i32
      %dma_wait3A_116 = arith.constant 0 : i32
      %dma_wait3A_117 = tpu.memref_slice %arg7[%add3A_115, %dma_wait3A_116] : memref<40x128xi32, #tpu.memory_space<vmem>> -> memref<1x128xi32, #tpu.memory_space<vmem>>
      %dma_wait3A_118 = tpu.memref_squeeze %dma_wait3A_117 : memref<1x128xi32, #tpu.memory_space<vmem>> -> memref<128xi32, #tpu.memory_space<vmem>>
      %dma_wait3A_119 = arith.constant 0 : i32
      %dma_wait3A_120 = arith.constant 0 : i32
      %dma_wait3A_121 = tpu.memref_slice %arg2[%dma_wait3A_119, %dma_wait3A_120] : memref<10240x128xf32, #tpu.memory_space<hbm>> -> memref<10240x128xf32, #tpu.memory_space<hbm>>
      tpu.wait_indirect_dma semaphore(%arg13 : memref<!tpu.dma_semaphore, #tpu.memory_space<semaphore_mem>>) src(%dma_wait3A_121 : memref<10240x128xf32, #tpu.memory_space<hbm>>) dst(%arg10 : memref<128x128xf32, #tpu.memory_space<vmem>>)
      "tpu.region"() ({
        %run_scoped3A_130 = tpu.sem_alloc : memref<!tpu.dma_semaphore, #tpu.memory_space<semaphore_mem>>
        %dma_start3A_131 = arith.constant 0 : i32
        %dma_start3A_132 = tpu.memref_slice %arg8[%add3A_115, %dma_start3A_131] : memref<40x128xi32, #tpu.memory_space<vmem>> -> memref<1x128xi32, #tpu.memory_space<vmem>>
        %dma_start3A_133 = tpu.memref_squeeze %dma_start3A_132 : memref<1x128xi32, #tpu.memory_space<vmem>> -> memref<128xi32, #tpu.memory_space<vmem>>
        %dma_start3A_134 = arith.constant 0 : i32
        %dma_start3A_135 = arith.constant 0 : i32
        %dma_start3A_136 = tpu.memref_slice %arg11[%dma_start3A_134, %dma_start3A_135] : memref<10240x128xf32, #tpu.memory_space<vmem_shared>> -> memref<10240x128xf32, #tpu.memory_space<vmem_shared>>
        tpu.enqueue_indirect_dma source(%arg10 : memref<128x128xf32, #tpu.memory_space<vmem>>) target(%dma_start3A_136 : memref<10240x128xf32, #tpu.memory_space<vmem_shared>>) offsets(%dma_start3A_133 : memref<128xi32, #tpu.memory_space<vmem>>) semaphore(%run_scoped3A_130 : memref<!tpu.dma_semaphore, #tpu.memory_space<semaphore_mem>>) {add = true}
        %dma_wait3A_137 = arith.constant 0 : i32
        %dma_wait3A_138 = tpu.memref_slice %arg8[%add3A_115, %dma_wait3A_137] : memref<40x128xi32, #tpu.memory_space<vmem>> -> memref<1x128xi32, #tpu.memory_space<vmem>>
        %dma_wait3A_139 = tpu.memref_squeeze %dma_wait3A_138 : memref<1x128xi32, #tpu.memory_space<vmem>> -> memref<128xi32, #tpu.memory_space<vmem>>
        %dma_wait3A_140 = arith.constant 0 : i32
        %dma_wait3A_141 = arith.constant 0 : i32
        %dma_wait3A_142 = tpu.memref_slice %arg11[%dma_wait3A_140, %dma_wait3A_141] : memref<10240x128xf32, #tpu.memory_space<vmem_shared>> -> memref<10240x128xf32, #tpu.memory_space<vmem_shared>>
        tpu.wait_indirect_dma semaphore(%run_scoped3A_130 : memref<!tpu.dma_semaphore, #tpu.memory_space<semaphore_mem>>) src(%arg10 : memref<128x128xf32, #tpu.memory_space<vmem>>) dst(%dma_wait3A_142 : memref<10240x128xf32, #tpu.memory_space<vmem_shared>>)
        tpu.yield
      }) : () -> ()
      %add3A_122 = arith.constant 2 : i32
      %add3A_123 = arith.addi %add3A_115, %add3A_122 : i32
      %dma_start3A_124 = arith.constant 0 : i32
      %dma_start3A_125 = tpu.memref_slice %arg7[%add3A_123, %dma_start3A_124] : memref<40x128xi32, #tpu.memory_space<vmem>> -> memref<1x128xi32, #tpu.memory_space<vmem>>
      %dma_start3A_126 = tpu.memref_squeeze %dma_start3A_125 : memref<1x128xi32, #tpu.memory_space<vmem>> -> memref<128xi32, #tpu.memory_space<vmem>>
      %dma_start3A_127 = arith.constant 0 : i32
      %dma_start3A_128 = arith.constant 0 : i32
      %dma_start3A_129 = tpu.memref_slice %arg2[%dma_start3A_127, %dma_start3A_128] : memref<10240x128xf32, #tpu.memory_space<hbm>> -> memref<10240x128xf32, #tpu.memory_space<hbm>>
      tpu.enqueue_indirect_dma source(%dma_start3A_129 : memref<10240x128xf32, #tpu.memory_space<hbm>>) target(%arg10 : memref<128x128xf32, #tpu.memory_space<vmem>>) offsets(%dma_start3A_126 : memref<128xi32, #tpu.memory_space<vmem>>) semaphore(%arg13 : memref<!tpu.dma_semaphore, #tpu.memory_space<semaphore_mem>>)
    }
    %scan3A_72 = arith.constant 19 : i32
    %dma_wait3A_73 = arith.constant 38 : i32
    %dma_wait3A_74 = arith.constant 0 : i32
    %dma_wait3A_75 = tpu.memref_slice %arg7[%dma_wait3A_73, %dma_wait3A_74] : memref<40x128xi32, #tpu.memory_space<vmem>> -> memref<1x128xi32, #tpu.memory_space<vmem>>
    %dma_wait3A_76 = tpu.memref_squeeze %dma_wait3A_75 : memref<1x128xi32, #tpu.memory_space<vmem>> -> memref<128xi32, #tpu.memory_space<vmem>>
    %dma_wait3A_77 = arith.constant 0 : i32
    %dma_wait3A_78 = arith.constant 0 : i32
    %dma_wait3A_79 = tpu.memref_slice %arg2[%dma_wait3A_77, %dma_wait3A_78] : memref<10240x128xf32, #tpu.memory_space<hbm>> -> memref<10240x128xf32, #tpu.memory_space<hbm>>
    tpu.wait_indirect_dma semaphore(%arg12 : memref<!tpu.dma_semaphore, #tpu.memory_space<semaphore_mem>>) src(%dma_wait3A_79 : memref<10240x128xf32, #tpu.memory_space<hbm>>) dst(%arg9 : memref<128x128xf32, #tpu.memory_space<vmem>>)
    %run_scoped3A_80 = arith.constant 38 : i32
    "tpu.region"() ({
      %run_scoped3A_97 = tpu.sem_alloc : memref<!tpu.dma_semaphore, #tpu.memory_space<semaphore_mem>>
      %dma_start3A_98 = arith.constant 0 : i32
      %dma_start3A_99 = tpu.memref_slice %arg8[%run_scoped3A_80, %dma_start3A_98] : memref<40x128xi32, #tpu.memory_space<vmem>> -> memref<1x128xi32, #tpu.memory_space<vmem>>
      %dma_start3A_100 = tpu.memref_squeeze %dma_start3A_99 : memref<1x128xi32, #tpu.memory_space<vmem>> -> memref<128xi32, #tpu.memory_space<vmem>>
      %dma_start3A_101 = arith.constant 0 : i32
      %dma_start3A_102 = arith.constant 0 : i32
      %dma_start3A_103 = tpu.memref_slice %arg11[%dma_start3A_101, %dma_start3A_102] : memref<10240x128xf32, #tpu.memory_space<vmem_shared>> -> memref<10240x128xf32, #tpu.memory_space<vmem_shared>>
      tpu.enqueue_indirect_dma source(%arg9 : memref<128x128xf32, #tpu.memory_space<vmem>>) target(%dma_start3A_103 : memref<10240x128xf32, #tpu.memory_space<vmem_shared>>) offsets(%dma_start3A_100 : memref<128xi32, #tpu.memory_space<vmem>>) semaphore(%run_scoped3A_97 : memref<!tpu.dma_semaphore, #tpu.memory_space<semaphore_mem>>) {add = true}
      %dma_wait3A_104 = arith.constant 0 : i32
      %dma_wait3A_105 = tpu.memref_slice %arg8[%run_scoped3A_80, %dma_wait3A_104] : memref<40x128xi32, #tpu.memory_space<vmem>> -> memref<1x128xi32, #tpu.memory_space<vmem>>
      %dma_wait3A_106 = tpu.memref_squeeze %dma_wait3A_105 : memref<1x128xi32, #tpu.memory_space<vmem>> -> memref<128xi32, #tpu.memory_space<vmem>>
      %dma_wait3A_107 = arith.constant 0 : i32
      %dma_wait3A_108 = arith.constant 0 : i32
      %dma_wait3A_109 = tpu.memref_slice %arg11[%dma_wait3A_107, %dma_wait3A_108] : memref<10240x128xf32, #tpu.memory_space<vmem_shared>> -> memref<10240x128xf32, #tpu.memory_space<vmem_shared>>
      tpu.wait_indirect_dma semaphore(%run_scoped3A_97 : memref<!tpu.dma_semaphore, #tpu.memory_space<semaphore_mem>>) src(%arg9 : memref<128x128xf32, #tpu.memory_space<vmem>>) dst(%dma_wait3A_109 : memref<10240x128xf32, #tpu.memory_space<vmem_shared>>)
      tpu.yield
    }) : () -> ()
    %dma_wait3A_81 = arith.constant 39 : i32
    %dma_wait3A_82 = arith.constant 0 : i32
    %dma_wait3A_83 = tpu.memref_slice %arg7[%dma_wait3A_81, %dma_wait3A_82] : memref<40x128xi32, #tpu.memory_space<vmem>> -> memref<1x128xi32, #tpu.memory_space<vmem>>
    %dma_wait3A_84 = tpu.memref_squeeze %dma_wait3A_83 : memref<1x128xi32, #tpu.memory_space<vmem>> -> memref<128xi32, #tpu.memory_space<vmem>>
    %dma_wait3A_85 = arith.constant 0 : i32
    %dma_wait3A_86 = arith.constant 0 : i32
    %dma_wait3A_87 = tpu.memref_slice %arg2[%dma_wait3A_85, %dma_wait3A_86] : memref<10240x128xf32, #tpu.memory_space<hbm>> -> memref<10240x128xf32, #tpu.memory_space<hbm>>
    tpu.wait_indirect_dma semaphore(%arg13 : memref<!tpu.dma_semaphore, #tpu.memory_space<semaphore_mem>>) src(%dma_wait3A_87 : memref<10240x128xf32, #tpu.memory_space<hbm>>) dst(%arg10 : memref<128x128xf32, #tpu.memory_space<vmem>>)
    %run_scoped3A_88 = arith.constant 39 : i32
    "tpu.region"() ({
      %run_scoped3A_97 = tpu.sem_alloc : memref<!tpu.dma_semaphore, #tpu.memory_space<semaphore_mem>>
      %dma_start3A_98 = arith.constant 0 : i32
      %dma_start3A_99 = tpu.memref_slice %arg8[%run_scoped3A_88, %dma_start3A_98] : memref<40x128xi32, #tpu.memory_space<vmem>> -> memref<1x128xi32, #tpu.memory_space<vmem>>
      %dma_start3A_100 = tpu.memref_squeeze %dma_start3A_99 : memref<1x128xi32, #tpu.memory_space<vmem>> -> memref<128xi32, #tpu.memory_space<vmem>>
      %dma_start3A_101 = arith.constant 0 : i32
      %dma_start3A_102 = arith.constant 0 : i32
      %dma_start3A_103 = tpu.memref_slice %arg11[%dma_start3A_101, %dma_start3A_102] : memref<10240x128xf32, #tpu.memory_space<vmem_shared>> -> memref<10240x128xf32, #tpu.memory_space<vmem_shared>>
      tpu.enqueue_indirect_dma source(%arg10 : memref<128x128xf32, #tpu.memory_space<vmem>>) target(%dma_start3A_103 : memref<10240x128xf32, #tpu.memory_space<vmem_shared>>) offsets(%dma_start3A_100 : memref<128xi32, #tpu.memory_space<vmem>>) semaphore(%run_scoped3A_97 : memref<!tpu.dma_semaphore, #tpu.memory_space<semaphore_mem>>) {add = true}
      %dma_wait3A_104 = arith.constant 0 : i32
      %dma_wait3A_105 = tpu.memref_slice %arg8[%run_scoped3A_88, %dma_wait3A_104] : memref<40x128xi32, #tpu.memory_space<vmem>> -> memref<1x128xi32, #tpu.memory_space<vmem>>
      %dma_wait3A_106 = tpu.memref_squeeze %dma_wait3A_105 : memref<1x128xi32, #tpu.memory_space<vmem>> -> memref<128xi32, #tpu.memory_space<vmem>>
      %dma_wait3A_107 = arith.constant 0 : i32
      %dma_wait3A_108 = arith.constant 0 : i32
      %dma_wait3A_109 = tpu.memref_slice %arg11[%dma_wait3A_107, %dma_wait3A_108] : memref<10240x128xf32, #tpu.memory_space<vmem_shared>> -> memref<10240x128xf32, #tpu.memory_space<vmem_shared>>
      tpu.wait_indirect_dma semaphore(%run_scoped3A_97 : memref<!tpu.dma_semaphore, #tpu.memory_space<semaphore_mem>>) src(%arg10 : memref<128x128xf32, #tpu.memory_space<vmem>>) dst(%dma_wait3A_109 : memref<10240x128xf32, #tpu.memory_space<vmem_shared>>)
      tpu.yield
    }) : () -> ()
    %barrier3A_89 = arith.constant 0 : index
    tpu.barrier barrier_id(%barrier3A_89)
    %mul3A_90 = arith.constant 640 : i32
    %mul3A_91 = arith.muli %arg1, %mul3A_90 : i32
    %mul3A_92 = arith.constant 10240 : i32
    %mul3A_93 = arith.muli %arg0, %mul3A_92 : i32
    %mul3A_94 = arith.constant 640 : i32
    %mul3A_95 = arith.muli %arg1, %mul3A_94 : i32
    %add3A_96 = arith.addi %mul3A_93, %mul3A_95 : i32
    "tpu.region"() ({
      %run_scoped3A_97 = tpu.sem_alloc : memref<!tpu.dma_semaphore, #tpu.memory_space<semaphore_mem>>
      %dma_start3A_98 = arith.constant 0 : i32
      %dma_start3A_99 = tpu.memref_slice %arg6[%add3A_96, %dma_start3A_98] : memref<20480x128xf32, #tpu.memory_space<hbm>> -> memref<640x128xf32, #tpu.memory_space<hbm>>
      %dma_start3A_100 = arith.constant 0 : i32
      %dma_start3A_101 = tpu.memref_slice %arg11[%mul3A_91, %dma_start3A_100] : memref<10240x128xf32, #tpu.memory_space<vmem_shared>> -> memref<640x128xf32, #tpu.memory_space<vmem_shared>>
      tpu.enqueue_dma source(%dma_start3A_101 : memref<640x128xf32, #tpu.memory_space<vmem_shared>>) target(%dma_start3A_99 : memref<640x128xf32, #tpu.memory_space<hbm>>) target_semaphore(%run_scoped3A_97 : memref<!tpu.dma_semaphore, #tpu.memory_space<semaphore_mem>>)
      %dma_wait3A_102 = arith.constant 0 : i32
      %dma_wait3A_103 = tpu.memref_slice %arg6[%add3A_96, %dma_wait3A_102] : memref<20480x128xf32, #tpu.memory_space<hbm>> -> memref<640x128xf32, #tpu.memory_space<hbm>>
      %dma_wait3A_104 = arith.constant 0 : i32
      %dma_wait3A_105 = tpu.memref_slice %arg11[%mul3A_91, %dma_wait3A_104] : memref<10240x128xf32, #tpu.memory_space<vmem_shared>> -> memref<640x128xf32, #tpu.memory_space<vmem_shared>>
      tpu.wait_dma2 semaphore(%run_scoped3A_97 : memref<!tpu.dma_semaphore, #tpu.memory_space<semaphore_mem>>) src(%dma_wait3A_105 : memref<640x128xf32, #tpu.memory_space<vmem_shared>>) dst(%dma_wait3A_103 : memref<640x128xf32, #tpu.memory_space<hbm>>)
      tpu.yield
    }) : () -> ()
    return
  }
}

#map = affine_map<(d0, d1) -> (0, 0)>
#map1 = affine_map<(d0, d1) -> (0, 0, 0)>
module attributes {stable_mosaic.version = 14 : i64} {
  func.func @_edge_aggregate_sc(%arg0: i32, %arg1: i32, %arg2: memref<10240x128xf32, #tpu.memory_space<hbm>>, %arg3: memref<64x40x128xi32, #tpu.memory_space<hbm>>, %arg4: memref<64x40x128xi32, #tpu.memory_space<hbm>>, %arg5: memref<10240x128xf32, #tpu.memory_space<hbm>>, %arg6: memref<20480x128xf32, #tpu.memory_space<hbm>>, %arg7: memref<40x128xi32, #tpu.memory_space<vmem>>, %arg8: memref<40x128xi32, #tpu.memory_space<vmem>>, %arg9: memref<128x128xf32, #tpu.memory_space<vmem>>, %arg10: memref<128x128xf32, #tpu.memory_space<vmem>>, %arg11: memref<10240x128xf32, #tpu.memory_space<vmem_shared>>, %arg12: memref<!tpu.dma_semaphore, #tpu.memory_space<semaphore_mem>>, %arg13: memref<!tpu.dma_semaphore, #tpu.memory_space<semaphore_mem>>) attributes {dimension_semantics = [#tpu.dimension_semantics<core_parallel>, #tpu.dimension_semantics<subcore_parallel>], iteration_bounds = array<i64: 2, 16>, scalar_prefetch = 0 : i64, scratch_operands = 7 : i64, tpu.core_type = #tpu.core_type<sc_vector_subcore>, window_params = [{transform_indices = #map}, {transform_indices = #map1}, {transform_indices = #map1}, {transform_indices = #map}, {transform_indices = #map}]} {
    %mul3A = arith.constant 2 : i32
    %mul3A_0 = arith.muli %arg1, %mul3A : i32
    %add3A = arith.addi %mul3A_0, %arg0 : i32
    %mul3A_1 = arith.constant 640 : i32
    %mul3A_2 = arith.muli %arg1, %mul3A_1 : i32
    %mul3A_3 = arith.constant 640 : i32
    %mul3A_4 = arith.muli %arg1, %mul3A_3 : i32
    "tpu.region"() ({
      %run_scoped3A_97 = tpu.sem_alloc : memref<!tpu.dma_semaphore, #tpu.memory_space<semaphore_mem>>
      %dma_start3A_98 = arith.constant 0 : i32
      %dma_start3A_99 = tpu.memref_slice %arg11[%mul3A_4, %dma_start3A_98] : memref<10240x128xf32, #tpu.memory_space<vmem_shared>> -> memref<640x128xf32, #tpu.memory_space<vmem_shared>>
      %dma_start3A_100 = arith.constant 0 : i32
      %dma_start3A_101 = tpu.memref_slice %arg5[%mul3A_2, %dma_start3A_100] : memref<10240x128xf32, #tpu.memory_space<hbm>> -> memref<640x128xf32, #tpu.memory_space<hbm>>
      tpu.enqueue_dma source(%dma_start3A_101 : memref<640x128xf32, #tpu.memory_space<hbm>>) target(%dma_start3A_99 : memref<640x128xf32, #tpu.memory_space<vmem_shared>>) target_semaphore(%run_scoped3A_97 : memref<!tpu.dma_semaphore, #tpu.memory_space<semaphore_mem>>)
      %dma_wait3A_102 = arith.constant 0 : i32
      %dma_wait3A_103 = tpu.memref_slice %arg11[%mul3A_4, %dma_wait3A_102] : memref<10240x128xf32, #tpu.memory_space<vmem_shared>> -> memref<640x128xf32, #tpu.memory_space<vmem_shared>>
      %dma_wait3A_104 = arith.constant 0 : i32
      %dma_wait3A_105 = tpu.memref_slice %arg5[%mul3A_2, %dma_wait3A_104] : memref<10240x128xf32, #tpu.memory_space<hbm>> -> memref<640x128xf32, #tpu.memory_space<hbm>>
      tpu.wait_dma2 semaphore(%run_scoped3A_97 : memref<!tpu.dma_semaphore, #tpu.memory_space<semaphore_mem>>) src(%dma_wait3A_105 : memref<640x128xf32, #tpu.memory_space<hbm>>) dst(%dma_wait3A_103 : memref<640x128xf32, #tpu.memory_space<vmem_shared>>)
      tpu.yield
    }) : () -> ()
    %barrier3A = arith.constant 0 : index
    tpu.barrier barrier_id(%barrier3A)
    %mul3A_5 = arith.constant 2 : i32
    %mul3A_6 = arith.muli %add3A, %mul3A_5 : i32
    %add3A_7 = arith.constant 0 : i32
    %add3A_8 = arith.addi %mul3A_6, %add3A_7 : i32
    "tpu.region"() ({
      %run_scoped3A_97 = tpu.sem_alloc : memref<!tpu.dma_semaphore, #tpu.memory_space<semaphore_mem>>
      %dma_start3A_98 = arith.constant 0 : i32
      %dma_start3A_99 = arith.constant 0 : i32
      %dma_start3A_100 = tpu.memref_slice %arg3[%add3A_8, %dma_start3A_98, %dma_start3A_99] : memref<64x40x128xi32, #tpu.memory_space<hbm>> -> memref<1x40x128xi32, #tpu.memory_space<hbm>>
      %dma_start3A_101 = tpu.memref_squeeze %dma_start3A_100 : memref<1x40x128xi32, #tpu.memory_space<hbm>> -> memref<40x128xi32, #tpu.memory_space<hbm>>
      %dma_start3A_102 = arith.constant 0 : i32
      %dma_start3A_103 = arith.constant 0 : i32
      %dma_start3A_104 = tpu.memref_slice %arg3[%add3A_8, %dma_start3A_102, %dma_start3A_103] : memref<64x40x128xi32, #tpu.memory_space<hbm>> -> memref<1x40x128xi32, #tpu.memory_space<hbm>>
      %dma_start3A_105 = tpu.memref_squeeze %dma_start3A_104 : memref<1x40x128xi32, #tpu.memory_space<hbm>> -> memref<40x128xi32, #tpu.memory_space<hbm>>
      tpu.enqueue_dma source(%dma_start3A_105 : memref<40x128xi32, #tpu.memory_space<hbm>>) target(%arg7 : memref<40x128xi32, #tpu.memory_space<vmem>>) target_semaphore(%run_scoped3A_97 : memref<!tpu.dma_semaphore, #tpu.memory_space<semaphore_mem>>)
      %dma_wait3A_106 = arith.constant 0 : i32
      %dma_wait3A_107 = arith.constant 0 : i32
      %dma_wait3A_108 = tpu.memref_slice %arg3[%add3A_8, %dma_wait3A_106, %dma_wait3A_107] : memref<64x40x128xi32, #tpu.memory_space<hbm>> -> memref<1x40x128xi32, #tpu.memory_space<hbm>>
      %dma_wait3A_109 = tpu.memref_squeeze %dma_wait3A_108 : memref<1x40x128xi32, #tpu.memory_space<hbm>> -> memref<40x128xi32, #tpu.memory_space<hbm>>
      %dma_wait3A_110 = arith.constant 0 : i32
      %dma_wait3A_111 = arith.constant 0 : i32
      %dma_wait3A_112 = tpu.memref_slice %arg3[%add3A_8, %dma_wait3A_110, %dma_wait3A_111] : memref<64x40x128xi32, #tpu.memory_space<hbm>> -> memref<1x40x128xi32, #tpu.memory_space<hbm>>
      %dma_wait3A_113 = tpu.memref_squeeze %dma_wait3A_112 : memref<1x40x128xi32, #tpu.memory_space<hbm>> -> memref<40x128xi32, #tpu.memory_space<hbm>>
      tpu.wait_dma2 semaphore(%run_scoped3A_97 : memref<!tpu.dma_semaphore, #tpu.memory_space<semaphore_mem>>) src(%dma_wait3A_113 : memref<40x128xi32, #tpu.memory_space<hbm>>) dst(%arg7 : memref<40x128xi32, #tpu.memory_space<vmem>>)
      tpu.yield
    }) : () -> ()
    %mul3A_9 = arith.constant 2 : i32
    %mul3A_10 = arith.muli %add3A, %mul3A_9 : i32
    %add3A_11 = arith.constant 0 : i32
    %add3A_12 = arith.addi %mul3A_10, %add3A_11 : i32
    "tpu.region"() ({
      %run_scoped3A_97 = tpu.sem_alloc : memref<!tpu.dma_semaphore, #tpu.memory_space<semaphore_mem>>
      %dma_start3A_98 = arith.constant 0 : i32
      %dma_start3A_99 = arith.constant 0 : i32
      %dma_start3A_100 = tpu.memref_slice %arg4[%add3A_12, %dma_start3A_98, %dma_start3A_99] : memref<64x40x128xi32, #tpu.memory_space<hbm>> -> memref<1x40x128xi32, #tpu.memory_space<hbm>>
      %dma_start3A_101 = tpu.memref_squeeze %dma_start3A_100 : memref<1x40x128xi32, #tpu.memory_space<hbm>> -> memref<40x128xi32, #tpu.memory_space<hbm>>
      %dma_start3A_102 = arith.constant 0 : i32
      %dma_start3A_103 = arith.constant 0 : i32
      %dma_start3A_104 = tpu.memref_slice %arg4[%add3A_12, %dma_start3A_102, %dma_start3A_103] : memref<64x40x128xi32, #tpu.memory_space<hbm>> -> memref<1x40x128xi32, #tpu.memory_space<hbm>>
      %dma_start3A_105 = tpu.memref_squeeze %dma_start3A_104 : memref<1x40x128xi32, #tpu.memory_space<hbm>> -> memref<40x128xi32, #tpu.memory_space<hbm>>
      tpu.enqueue_dma source(%dma_start3A_105 : memref<40x128xi32, #tpu.memory_space<hbm>>) target(%arg8 : memref<40x128xi32, #tpu.memory_space<vmem>>) target_semaphore(%run_scoped3A_97 : memref<!tpu.dma_semaphore, #tpu.memory_space<semaphore_mem>>)
      %dma_wait3A_106 = arith.constant 0 : i32
      %dma_wait3A_107 = arith.constant 0 : i32
      %dma_wait3A_108 = tpu.memref_slice %arg4[%add3A_12, %dma_wait3A_106, %dma_wait3A_107] : memref<64x40x128xi32, #tpu.memory_space<hbm>> -> memref<1x40x128xi32, #tpu.memory_space<hbm>>
      %dma_wait3A_109 = tpu.memref_squeeze %dma_wait3A_108 : memref<1x40x128xi32, #tpu.memory_space<hbm>> -> memref<40x128xi32, #tpu.memory_space<hbm>>
      %dma_wait3A_110 = arith.constant 0 : i32
      %dma_wait3A_111 = arith.constant 0 : i32
      %dma_wait3A_112 = tpu.memref_slice %arg4[%add3A_12, %dma_wait3A_110, %dma_wait3A_111] : memref<64x40x128xi32, #tpu.memory_space<hbm>> -> memref<1x40x128xi32, #tpu.memory_space<hbm>>
      %dma_wait3A_113 = tpu.memref_squeeze %dma_wait3A_112 : memref<1x40x128xi32, #tpu.memory_space<hbm>> -> memref<40x128xi32, #tpu.memory_space<hbm>>
      tpu.wait_dma2 semaphore(%run_scoped3A_97 : memref<!tpu.dma_semaphore, #tpu.memory_space<semaphore_mem>>) src(%dma_wait3A_113 : memref<40x128xi32, #tpu.memory_space<hbm>>) dst(%arg8 : memref<40x128xi32, #tpu.memory_space<vmem>>)
      tpu.yield
    }) : () -> ()
    %dma_start3A = arith.constant 0 : i32
    %dma_start3A_13 = arith.constant 0 : i32
    %dma_start3A_14 = tpu.memref_slice %arg7[%dma_start3A, %dma_start3A_13] : memref<40x128xi32, #tpu.memory_space<vmem>> -> memref<1x128xi32, #tpu.memory_space<vmem>>
    %dma_start3A_15 = tpu.memref_squeeze %dma_start3A_14 : memref<1x128xi32, #tpu.memory_space<vmem>> -> memref<128xi32, #tpu.memory_space<vmem>>
    %dma_start3A_16 = arith.constant 0 : i32
    %dma_start3A_17 = arith.constant 0 : i32
    %dma_start3A_18 = tpu.memref_slice %arg2[%dma_start3A_16, %dma_start3A_17] : memref<10240x128xf32, #tpu.memory_space<hbm>> -> memref<10240x128xf32, #tpu.memory_space<hbm>>
    tpu.enqueue_indirect_dma source(%dma_start3A_18 : memref<10240x128xf32, #tpu.memory_space<hbm>>) target(%arg9 : memref<128x128xf32, #tpu.memory_space<vmem>>) offsets(%dma_start3A_15 : memref<128xi32, #tpu.memory_space<vmem>>) semaphore(%arg12 : memref<!tpu.dma_semaphore, #tpu.memory_space<semaphore_mem>>)
    %dma_start3A_19 = arith.constant 1 : i32
    %dma_start3A_20 = arith.constant 0 : i32
    %dma_start3A_21 = tpu.memref_slice %arg7[%dma_start3A_19, %dma_start3A_20] : memref<40x128xi32, #tpu.memory_space<vmem>> -> memref<1x128xi32, #tpu.memory_space<vmem>>
    %dma_start3A_22 = tpu.memref_squeeze %dma_start3A_21 : memref<1x128xi32, #tpu.memory_space<vmem>> -> memref<128xi32, #tpu.memory_space<vmem>>
    %dma_start3A_23 = arith.constant 0 : i32
    %dma_start3A_24 = arith.constant 0 : i32
    %dma_start3A_25 = tpu.memref_slice %arg2[%dma_start3A_23, %dma_start3A_24] : memref<10240x128xf32, #tpu.memory_space<hbm>> -> memref<10240x128xf32, #tpu.memory_space<hbm>>
    tpu.enqueue_indirect_dma source(%dma_start3A_25 : memref<10240x128xf32, #tpu.memory_space<hbm>>) target(%arg10 : memref<128x128xf32, #tpu.memory_space<vmem>>) offsets(%dma_start3A_22 : memref<128xi32, #tpu.memory_space<vmem>>) semaphore(%arg13 : memref<!tpu.dma_semaphore, #tpu.memory_space<semaphore_mem>>)
    %scan3A = arith.constant 0 : i32
    %scan3A_26 = arith.constant 0 : i32
    %scan3A_27 = arith.constant 19 : i32
    %scan3A_28 = arith.addi %scan3A_26, %scan3A_27 : i32
    %scan3A_29 = arith.constant 1 : i32
    scf.for %scan3A_97 = %scan3A_26 to %scan3A_28 step %scan3A_29  : i32 {
      %mul3A_98 = arith.constant 2 : i32
      %mul3A_99 = arith.muli %mul3A_98, %scan3A_97 : i32
      %dma_wait3A_100 = arith.constant 0 : i32
      %dma_wait3A_101 = tpu.memref_slice %arg7[%mul3A_99, %dma_wait3A_100] : memref<40x128xi32, #tpu.memory_space<vmem>> -> memref<1x128xi32, #tpu.memory_space<vmem>>
      %dma_wait3A_102 = tpu.memref_squeeze %dma_wait3A_101 : memref<1x128xi32, #tpu.memory_space<vmem>> -> memref<128xi32, #tpu.memory_space<vmem>>
      %dma_wait3A_103 = arith.constant 0 : i32
      %dma_wait3A_104 = arith.constant 0 : i32
      %dma_wait3A_105 = tpu.memref_slice %arg2[%dma_wait3A_103, %dma_wait3A_104] : memref<10240x128xf32, #tpu.memory_space<hbm>> -> memref<10240x128xf32, #tpu.memory_space<hbm>>
      tpu.wait_indirect_dma semaphore(%arg12 : memref<!tpu.dma_semaphore, #tpu.memory_space<semaphore_mem>>) src(%dma_wait3A_105 : memref<10240x128xf32, #tpu.memory_space<hbm>>) dst(%arg9 : memref<128x128xf32, #tpu.memory_space<vmem>>)
      "tpu.region"() ({
        %run_scoped3A_130 = tpu.sem_alloc : memref<!tpu.dma_semaphore, #tpu.memory_space<semaphore_mem>>
        %dma_start3A_131 = arith.constant 0 : i32
        %dma_start3A_132 = tpu.memref_slice %arg8[%mul3A_99, %dma_start3A_131] : memref<40x128xi32, #tpu.memory_space<vmem>> -> memref<1x128xi32, #tpu.memory_space<vmem>>
        %dma_start3A_133 = tpu.memref_squeeze %dma_start3A_132 : memref<1x128xi32, #tpu.memory_space<vmem>> -> memref<128xi32, #tpu.memory_space<vmem>>
        %dma_start3A_134 = arith.constant 0 : i32
        %dma_start3A_135 = arith.constant 0 : i32
        %dma_start3A_136 = tpu.memref_slice %arg11[%dma_start3A_134, %dma_start3A_135] : memref<10240x128xf32, #tpu.memory_space<vmem_shared>> -> memref<10240x128xf32, #tpu.memory_space<vmem_shared>>
        tpu.enqueue_indirect_dma source(%arg9 : memref<128x128xf32, #tpu.memory_space<vmem>>) target(%dma_start3A_136 : memref<10240x128xf32, #tpu.memory_space<vmem_shared>>) offsets(%dma_start3A_133 : memref<128xi32, #tpu.memory_space<vmem>>) semaphore(%run_scoped3A_130 : memref<!tpu.dma_semaphore, #tpu.memory_space<semaphore_mem>>) {add = true}
        %dma_wait3A_137 = arith.constant 0 : i32
        %dma_wait3A_138 = tpu.memref_slice %arg8[%mul3A_99, %dma_wait3A_137] : memref<40x128xi32, #tpu.memory_space<vmem>> -> memref<1x128xi32, #tpu.memory_space<vmem>>
        %dma_wait3A_139 = tpu.memref_squeeze %dma_wait3A_138 : memref<1x128xi32, #tpu.memory_space<vmem>> -> memref<128xi32, #tpu.memory_space<vmem>>
        %dma_wait3A_140 = arith.constant 0 : i32
        %dma_wait3A_141 = arith.constant 0 : i32
        %dma_wait3A_142 = tpu.memref_slice %arg11[%dma_wait3A_140, %dma_wait3A_141] : memref<10240x128xf32, #tpu.memory_space<vmem_shared>> -> memref<10240x128xf32, #tpu.memory_space<vmem_shared>>
        tpu.wait_indirect_dma semaphore(%run_scoped3A_130 : memref<!tpu.dma_semaphore, #tpu.memory_space<semaphore_mem>>) src(%arg9 : memref<128x128xf32, #tpu.memory_space<vmem>>) dst(%dma_wait3A_142 : memref<10240x128xf32, #tpu.memory_space<vmem_shared>>)
        tpu.yield
      }) : () -> ()
      %add3A_106 = arith.constant 2 : i32
      %add3A_107 = arith.addi %mul3A_99, %add3A_106 : i32
      %dma_start3A_108 = arith.constant 0 : i32
      %dma_start3A_109 = tpu.memref_slice %arg7[%add3A_107, %dma_start3A_108] : memref<40x128xi32, #tpu.memory_space<vmem>> -> memref<1x128xi32, #tpu.memory_space<vmem>>
      %dma_start3A_110 = tpu.memref_squeeze %dma_start3A_109 : memref<1x128xi32, #tpu.memory_space<vmem>> -> memref<128xi32, #tpu.memory_space<vmem>>
      %dma_start3A_111 = arith.constant 0 : i32
      %dma_start3A_112 = arith.constant 0 : i32
      %dma_start3A_113 = tpu.memref_slice %arg2[%dma_start3A_111, %dma_start3A_112] : memref<10240x128xf32, #tpu.memory_space<hbm>> -> memref<10240x128xf32, #tpu.memory_space<hbm>>
      tpu.enqueue_indirect_dma source(%dma_start3A_113 : memref<10240x128xf32, #tpu.memory_space<hbm>>) target(%arg9 : memref<128x128xf32, #tpu.memory_space<vmem>>) offsets(%dma_start3A_110 : memref<128xi32, #tpu.memory_space<vmem>>) semaphore(%arg12 : memref<!tpu.dma_semaphore, #tpu.memory_space<semaphore_mem>>)
      %add3A_114 = arith.constant 1 : i32
      %add3A_115 = arith.addi %mul3A_99, %add3A_114 : i32
      %dma_wait3A_116 = arith.constant 0 : i32
      %dma_wait3A_117 = tpu.memref_slice %arg7[%add3A_115, %dma_wait3A_116] : memref<40x128xi32, #tpu.memory_space<vmem>> -> memref<1x128xi32, #tpu.memory_space<vmem>>
      %dma_wait3A_118 = tpu.memref_squeeze %dma_wait3A_117 : memref<1x128xi32, #tpu.memory_space<vmem>> -> memref<128xi32, #tpu.memory_space<vmem>>
      %dma_wait3A_119 = arith.constant 0 : i32
      %dma_wait3A_120 = arith.constant 0 : i32
      %dma_wait3A_121 = tpu.memref_slice %arg2[%dma_wait3A_119, %dma_wait3A_120] : memref<10240x128xf32, #tpu.memory_space<hbm>> -> memref<10240x128xf32, #tpu.memory_space<hbm>>
      tpu.wait_indirect_dma semaphore(%arg13 : memref<!tpu.dma_semaphore, #tpu.memory_space<semaphore_mem>>) src(%dma_wait3A_121 : memref<10240x128xf32, #tpu.memory_space<hbm>>) dst(%arg10 : memref<128x128xf32, #tpu.memory_space<vmem>>)
      "tpu.region"() ({
        %run_scoped3A_130 = tpu.sem_alloc : memref<!tpu.dma_semaphore, #tpu.memory_space<semaphore_mem>>
        %dma_start3A_131 = arith.constant 0 : i32
        %dma_start3A_132 = tpu.memref_slice %arg8[%add3A_115, %dma_start3A_131] : memref<40x128xi32, #tpu.memory_space<vmem>> -> memref<1x128xi32, #tpu.memory_space<vmem>>
        %dma_start3A_133 = tpu.memref_squeeze %dma_start3A_132 : memref<1x128xi32, #tpu.memory_space<vmem>> -> memref<128xi32, #tpu.memory_space<vmem>>
        %dma_start3A_134 = arith.constant 0 : i32
        %dma_start3A_135 = arith.constant 0 : i32
        %dma_start3A_136 = tpu.memref_slice %arg11[%dma_start3A_134, %dma_start3A_135] : memref<10240x128xf32, #tpu.memory_space<vmem_shared>> -> memref<10240x128xf32, #tpu.memory_space<vmem_shared>>
        tpu.enqueue_indirect_dma source(%arg10 : memref<128x128xf32, #tpu.memory_space<vmem>>) target(%dma_start3A_136 : memref<10240x128xf32, #tpu.memory_space<vmem_shared>>) offsets(%dma_start3A_133 : memref<128xi32, #tpu.memory_space<vmem>>) semaphore(%run_scoped3A_130 : memref<!tpu.dma_semaphore, #tpu.memory_space<semaphore_mem>>) {add = true}
        %dma_wait3A_137 = arith.constant 0 : i32
        %dma_wait3A_138 = tpu.memref_slice %arg8[%add3A_115, %dma_wait3A_137] : memref<40x128xi32, #tpu.memory_space<vmem>> -> memref<1x128xi32, #tpu.memory_space<vmem>>
        %dma_wait3A_139 = tpu.memref_squeeze %dma_wait3A_138 : memref<1x128xi32, #tpu.memory_space<vmem>> -> memref<128xi32, #tpu.memory_space<vmem>>
        %dma_wait3A_140 = arith.constant 0 : i32
        %dma_wait3A_141 = arith.constant 0 : i32
        %dma_wait3A_142 = tpu.memref_slice %arg11[%dma_wait3A_140, %dma_wait3A_141] : memref<10240x128xf32, #tpu.memory_space<vmem_shared>> -> memref<10240x128xf32, #tpu.memory_space<vmem_shared>>
        tpu.wait_indirect_dma semaphore(%run_scoped3A_130 : memref<!tpu.dma_semaphore, #tpu.memory_space<semaphore_mem>>) src(%arg10 : memref<128x128xf32, #tpu.memory_space<vmem>>) dst(%dma_wait3A_142 : memref<10240x128xf32, #tpu.memory_space<vmem_shared>>)
        tpu.yield
      }) : () -> ()
      %add3A_122 = arith.constant 2 : i32
      %add3A_123 = arith.addi %add3A_115, %add3A_122 : i32
      %dma_start3A_124 = arith.constant 0 : i32
      %dma_start3A_125 = tpu.memref_slice %arg7[%add3A_123, %dma_start3A_124] : memref<40x128xi32, #tpu.memory_space<vmem>> -> memref<1x128xi32, #tpu.memory_space<vmem>>
      %dma_start3A_126 = tpu.memref_squeeze %dma_start3A_125 : memref<1x128xi32, #tpu.memory_space<vmem>> -> memref<128xi32, #tpu.memory_space<vmem>>
      %dma_start3A_127 = arith.constant 0 : i32
      %dma_start3A_128 = arith.constant 0 : i32
      %dma_start3A_129 = tpu.memref_slice %arg2[%dma_start3A_127, %dma_start3A_128] : memref<10240x128xf32, #tpu.memory_space<hbm>> -> memref<10240x128xf32, #tpu.memory_space<hbm>>
      tpu.enqueue_indirect_dma source(%dma_start3A_129 : memref<10240x128xf32, #tpu.memory_space<hbm>>) target(%arg10 : memref<128x128xf32, #tpu.memory_space<vmem>>) offsets(%dma_start3A_126 : memref<128xi32, #tpu.memory_space<vmem>>) semaphore(%arg13 : memref<!tpu.dma_semaphore, #tpu.memory_space<semaphore_mem>>)
    }
    %scan3A_30 = arith.constant 19 : i32
    %dma_wait3A = arith.constant 38 : i32
    %dma_wait3A_31 = arith.constant 0 : i32
    %dma_wait3A_32 = tpu.memref_slice %arg7[%dma_wait3A, %dma_wait3A_31] : memref<40x128xi32, #tpu.memory_space<vmem>> -> memref<1x128xi32, #tpu.memory_space<vmem>>
    %dma_wait3A_33 = tpu.memref_squeeze %dma_wait3A_32 : memref<1x128xi32, #tpu.memory_space<vmem>> -> memref<128xi32, #tpu.memory_space<vmem>>
    %dma_wait3A_34 = arith.constant 0 : i32
    %dma_wait3A_35 = arith.constant 0 : i32
    %dma_wait3A_36 = tpu.memref_slice %arg2[%dma_wait3A_34, %dma_wait3A_35] : memref<10240x128xf32, #tpu.memory_space<hbm>> -> memref<10240x128xf32, #tpu.memory_space<hbm>>
    tpu.wait_indirect_dma semaphore(%arg12 : memref<!tpu.dma_semaphore, #tpu.memory_space<semaphore_mem>>) src(%dma_wait3A_36 : memref<10240x128xf32, #tpu.memory_space<hbm>>) dst(%arg9 : memref<128x128xf32, #tpu.memory_space<vmem>>)
    %run_scoped3A = arith.constant 38 : i32
    "tpu.region"() ({
      %run_scoped3A_97 = tpu.sem_alloc : memref<!tpu.dma_semaphore, #tpu.memory_space<semaphore_mem>>
      %dma_start3A_98 = arith.constant 0 : i32
      %dma_start3A_99 = tpu.memref_slice %arg8[%run_scoped3A, %dma_start3A_98] : memref<40x128xi32, #tpu.memory_space<vmem>> -> memref<1x128xi32, #tpu.memory_space<vmem>>
      %dma_start3A_100 = tpu.memref_squeeze %dma_start3A_99 : memref<1x128xi32, #tpu.memory_space<vmem>> -> memref<128xi32, #tpu.memory_space<vmem>>
      %dma_start3A_101 = arith.constant 0 : i32
      %dma_start3A_102 = arith.constant 0 : i32
      %dma_start3A_103 = tpu.memref_slice %arg11[%dma_start3A_101, %dma_start3A_102] : memref<10240x128xf32, #tpu.memory_space<vmem_shared>> -> memref<10240x128xf32, #tpu.memory_space<vmem_shared>>
      tpu.enqueue_indirect_dma source(%arg9 : memref<128x128xf32, #tpu.memory_space<vmem>>) target(%dma_start3A_103 : memref<10240x128xf32, #tpu.memory_space<vmem_shared>>) offsets(%dma_start3A_100 : memref<128xi32, #tpu.memory_space<vmem>>) semaphore(%run_scoped3A_97 : memref<!tpu.dma_semaphore, #tpu.memory_space<semaphore_mem>>) {add = true}
      %dma_wait3A_104 = arith.constant 0 : i32
      %dma_wait3A_105 = tpu.memref_slice %arg8[%run_scoped3A, %dma_wait3A_104] : memref<40x128xi32, #tpu.memory_space<vmem>> -> memref<1x128xi32, #tpu.memory_space<vmem>>
      %dma_wait3A_106 = tpu.memref_squeeze %dma_wait3A_105 : memref<1x128xi32, #tpu.memory_space<vmem>> -> memref<128xi32, #tpu.memory_space<vmem>>
      %dma_wait3A_107 = arith.constant 0 : i32
      %dma_wait3A_108 = arith.constant 0 : i32
      %dma_wait3A_109 = tpu.memref_slice %arg11[%dma_wait3A_107, %dma_wait3A_108] : memref<10240x128xf32, #tpu.memory_space<vmem_shared>> -> memref<10240x128xf32, #tpu.memory_space<vmem_shared>>
      tpu.wait_indirect_dma semaphore(%run_scoped3A_97 : memref<!tpu.dma_semaphore, #tpu.memory_space<semaphore_mem>>) src(%arg9 : memref<128x128xf32, #tpu.memory_space<vmem>>) dst(%dma_wait3A_109 : memref<10240x128xf32, #tpu.memory_space<vmem_shared>>)
      tpu.yield
    }) : () -> ()
    %dma_wait3A_37 = arith.constant 39 : i32
    %dma_wait3A_38 = arith.constant 0 : i32
    %dma_wait3A_39 = tpu.memref_slice %arg7[%dma_wait3A_37, %dma_wait3A_38] : memref<40x128xi32, #tpu.memory_space<vmem>> -> memref<1x128xi32, #tpu.memory_space<vmem>>
    %dma_wait3A_40 = tpu.memref_squeeze %dma_wait3A_39 : memref<1x128xi32, #tpu.memory_space<vmem>> -> memref<128xi32, #tpu.memory_space<vmem>>
    %dma_wait3A_41 = arith.constant 0 : i32
    %dma_wait3A_42 = arith.constant 0 : i32
    %dma_wait3A_43 = tpu.memref_slice %arg2[%dma_wait3A_41, %dma_wait3A_42] : memref<10240x128xf32, #tpu.memory_space<hbm>> -> memref<10240x128xf32, #tpu.memory_space<hbm>>
    tpu.wait_indirect_dma semaphore(%arg13 : memref<!tpu.dma_semaphore, #tpu.memory_space<semaphore_mem>>) src(%dma_wait3A_43 : memref<10240x128xf32, #tpu.memory_space<hbm>>) dst(%arg10 : memref<128x128xf32, #tpu.memory_space<vmem>>)
    %run_scoped3A_44 = arith.constant 39 : i32
    "tpu.region"() ({
      %run_scoped3A_97 = tpu.sem_alloc : memref<!tpu.dma_semaphore, #tpu.memory_space<semaphore_mem>>
      %dma_start3A_98 = arith.constant 0 : i32
      %dma_start3A_99 = tpu.memref_slice %arg8[%run_scoped3A_44, %dma_start3A_98] : memref<40x128xi32, #tpu.memory_space<vmem>> -> memref<1x128xi32, #tpu.memory_space<vmem>>
      %dma_start3A_100 = tpu.memref_squeeze %dma_start3A_99 : memref<1x128xi32, #tpu.memory_space<vmem>> -> memref<128xi32, #tpu.memory_space<vmem>>
      %dma_start3A_101 = arith.constant 0 : i32
      %dma_start3A_102 = arith.constant 0 : i32
      %dma_start3A_103 = tpu.memref_slice %arg11[%dma_start3A_101, %dma_start3A_102] : memref<10240x128xf32, #tpu.memory_space<vmem_shared>> -> memref<10240x128xf32, #tpu.memory_space<vmem_shared>>
      tpu.enqueue_indirect_dma source(%arg10 : memref<128x128xf32, #tpu.memory_space<vmem>>) target(%dma_start3A_103 : memref<10240x128xf32, #tpu.memory_space<vmem_shared>>) offsets(%dma_start3A_100 : memref<128xi32, #tpu.memory_space<vmem>>) semaphore(%run_scoped3A_97 : memref<!tpu.dma_semaphore, #tpu.memory_space<semaphore_mem>>) {add = true}
      %dma_wait3A_104 = arith.constant 0 : i32
      %dma_wait3A_105 = tpu.memref_slice %arg8[%run_scoped3A_44, %dma_wait3A_104] : memref<40x128xi32, #tpu.memory_space<vmem>> -> memref<1x128xi32, #tpu.memory_space<vmem>>
      %dma_wait3A_106 = tpu.memref_squeeze %dma_wait3A_105 : memref<1x128xi32, #tpu.memory_space<vmem>> -> memref<128xi32, #tpu.memory_space<vmem>>
      %dma_wait3A_107 = arith.constant 0 : i32
      %dma_wait3A_108 = arith.constant 0 : i32
      %dma_wait3A_109 = tpu.memref_slice %arg11[%dma_wait3A_107, %dma_wait3A_108] : memref<10240x128xf32, #tpu.memory_space<vmem_shared>> -> memref<10240x128xf32, #tpu.memory_space<vmem_shared>>
      tpu.wait_indirect_dma semaphore(%run_scoped3A_97 : memref<!tpu.dma_semaphore, #tpu.memory_space<semaphore_mem>>) src(%arg10 : memref<128x128xf32, #tpu.memory_space<vmem>>) dst(%dma_wait3A_109 : memref<10240x128xf32, #tpu.memory_space<vmem_shared>>)
      tpu.yield
    }) : () -> ()
    %mul3A_45 = arith.constant 2 : i32
    %mul3A_46 = arith.muli %add3A, %mul3A_45 : i32
    %add3A_47 = arith.constant 1 : i32
    %add3A_48 = arith.addi %mul3A_46, %add3A_47 : i32
    "tpu.region"() ({
      %run_scoped3A_97 = tpu.sem_alloc : memref<!tpu.dma_semaphore, #tpu.memory_space<semaphore_mem>>
      %dma_start3A_98 = arith.constant 0 : i32
      %dma_start3A_99 = arith.constant 0 : i32
      %dma_start3A_100 = tpu.memref_slice %arg3[%add3A_48, %dma_start3A_98, %dma_start3A_99] : memref<64x40x128xi32, #tpu.memory_space<hbm>> -> memref<1x40x128xi32, #tpu.memory_space<hbm>>
      %dma_start3A_101 = tpu.memref_squeeze %dma_start3A_100 : memref<1x40x128xi32, #tpu.memory_space<hbm>> -> memref<40x128xi32, #tpu.memory_space<hbm>>
      %dma_start3A_102 = arith.constant 0 : i32
      %dma_start3A_103 = arith.constant 0 : i32
      %dma_start3A_104 = tpu.memref_slice %arg3[%add3A_48, %dma_start3A_102, %dma_start3A_103] : memref<64x40x128xi32, #tpu.memory_space<hbm>> -> memref<1x40x128xi32, #tpu.memory_space<hbm>>
      %dma_start3A_105 = tpu.memref_squeeze %dma_start3A_104 : memref<1x40x128xi32, #tpu.memory_space<hbm>> -> memref<40x128xi32, #tpu.memory_space<hbm>>
      tpu.enqueue_dma source(%dma_start3A_105 : memref<40x128xi32, #tpu.memory_space<hbm>>) target(%arg7 : memref<40x128xi32, #tpu.memory_space<vmem>>) target_semaphore(%run_scoped3A_97 : memref<!tpu.dma_semaphore, #tpu.memory_space<semaphore_mem>>)
      %dma_wait3A_106 = arith.constant 0 : i32
      %dma_wait3A_107 = arith.constant 0 : i32
      %dma_wait3A_108 = tpu.memref_slice %arg3[%add3A_48, %dma_wait3A_106, %dma_wait3A_107] : memref<64x40x128xi32, #tpu.memory_space<hbm>> -> memref<1x40x128xi32, #tpu.memory_space<hbm>>
      %dma_wait3A_109 = tpu.memref_squeeze %dma_wait3A_108 : memref<1x40x128xi32, #tpu.memory_space<hbm>> -> memref<40x128xi32, #tpu.memory_space<hbm>>
      %dma_wait3A_110 = arith.constant 0 : i32
      %dma_wait3A_111 = arith.constant 0 : i32
      %dma_wait3A_112 = tpu.memref_slice %arg3[%add3A_48, %dma_wait3A_110, %dma_wait3A_111] : memref<64x40x128xi32, #tpu.memory_space<hbm>> -> memref<1x40x128xi32, #tpu.memory_space<hbm>>
      %dma_wait3A_113 = tpu.memref_squeeze %dma_wait3A_112 : memref<1x40x128xi32, #tpu.memory_space<hbm>> -> memref<40x128xi32, #tpu.memory_space<hbm>>
      tpu.wait_dma2 semaphore(%run_scoped3A_97 : memref<!tpu.dma_semaphore, #tpu.memory_space<semaphore_mem>>) src(%dma_wait3A_113 : memref<40x128xi32, #tpu.memory_space<hbm>>) dst(%arg7 : memref<40x128xi32, #tpu.memory_space<vmem>>)
      tpu.yield
    }) : () -> ()
    %mul3A_49 = arith.constant 2 : i32
    %mul3A_50 = arith.muli %add3A, %mul3A_49 : i32
    %add3A_51 = arith.constant 1 : i32
    %add3A_52 = arith.addi %mul3A_50, %add3A_51 : i32
    "tpu.region"() ({
      %run_scoped3A_97 = tpu.sem_alloc : memref<!tpu.dma_semaphore, #tpu.memory_space<semaphore_mem>>
      %dma_start3A_98 = arith.constant 0 : i32
      %dma_start3A_99 = arith.constant 0 : i32
      %dma_start3A_100 = tpu.memref_slice %arg4[%add3A_52, %dma_start3A_98, %dma_start3A_99] : memref<64x40x128xi32, #tpu.memory_space<hbm>> -> memref<1x40x128xi32, #tpu.memory_space<hbm>>
      %dma_start3A_101 = tpu.memref_squeeze %dma_start3A_100 : memref<1x40x128xi32, #tpu.memory_space<hbm>> -> memref<40x128xi32, #tpu.memory_space<hbm>>
      %dma_start3A_102 = arith.constant 0 : i32
      %dma_start3A_103 = arith.constant 0 : i32
      %dma_start3A_104 = tpu.memref_slice %arg4[%add3A_52, %dma_start3A_102, %dma_start3A_103] : memref<64x40x128xi32, #tpu.memory_space<hbm>> -> memref<1x40x128xi32, #tpu.memory_space<hbm>>
      %dma_start3A_105 = tpu.memref_squeeze %dma_start3A_104 : memref<1x40x128xi32, #tpu.memory_space<hbm>> -> memref<40x128xi32, #tpu.memory_space<hbm>>
      tpu.enqueue_dma source(%dma_start3A_105 : memref<40x128xi32, #tpu.memory_space<hbm>>) target(%arg8 : memref<40x128xi32, #tpu.memory_space<vmem>>) target_semaphore(%run_scoped3A_97 : memref<!tpu.dma_semaphore, #tpu.memory_space<semaphore_mem>>)
      %dma_wait3A_106 = arith.constant 0 : i32
      %dma_wait3A_107 = arith.constant 0 : i32
      %dma_wait3A_108 = tpu.memref_slice %arg4[%add3A_52, %dma_wait3A_106, %dma_wait3A_107] : memref<64x40x128xi32, #tpu.memory_space<hbm>> -> memref<1x40x128xi32, #tpu.memory_space<hbm>>
      %dma_wait3A_109 = tpu.memref_squeeze %dma_wait3A_108 : memref<1x40x128xi32, #tpu.memory_space<hbm>> -> memref<40x128xi32, #tpu.memory_space<hbm>>
      %dma_wait3A_110 = arith.constant 0 : i32
      %dma_wait3A_111 = arith.constant 0 : i32
      %dma_wait3A_112 = tpu.memref_slice %arg4[%add3A_52, %dma_wait3A_110, %dma_wait3A_111] : memref<64x40x128xi32, #tpu.memory_space<hbm>> -> memref<1x40x128xi32, #tpu.memory_space<hbm>>
      %dma_wait3A_113 = tpu.memref_squeeze %dma_wait3A_112 : memref<1x40x128xi32, #tpu.memory_space<hbm>> -> memref<40x128xi32, #tpu.memory_space<hbm>>
      tpu.wait_dma2 semaphore(%run_scoped3A_97 : memref<!tpu.dma_semaphore, #tpu.memory_space<semaphore_mem>>) src(%dma_wait3A_113 : memref<40x128xi32, #tpu.memory_space<hbm>>) dst(%arg8 : memref<40x128xi32, #tpu.memory_space<vmem>>)
      tpu.yield
    }) : () -> ()
    %dma_start3A_53 = arith.constant 0 : i32
    %dma_start3A_54 = arith.constant 0 : i32
    %dma_start3A_55 = tpu.memref_slice %arg7[%dma_start3A_53, %dma_start3A_54] : memref<40x128xi32, #tpu.memory_space<vmem>> -> memref<1x128xi32, #tpu.memory_space<vmem>>
    %dma_start3A_56 = tpu.memref_squeeze %dma_start3A_55 : memref<1x128xi32, #tpu.memory_space<vmem>> -> memref<128xi32, #tpu.memory_space<vmem>>
    %dma_start3A_57 = arith.constant 0 : i32
    %dma_start3A_58 = arith.constant 0 : i32
    %dma_start3A_59 = tpu.memref_slice %arg2[%dma_start3A_57, %dma_start3A_58] : memref<10240x128xf32, #tpu.memory_space<hbm>> -> memref<10240x128xf32, #tpu.memory_space<hbm>>
    tpu.enqueue_indirect_dma source(%dma_start3A_59 : memref<10240x128xf32, #tpu.memory_space<hbm>>) target(%arg9 : memref<128x128xf32, #tpu.memory_space<vmem>>) offsets(%dma_start3A_56 : memref<128xi32, #tpu.memory_space<vmem>>) semaphore(%arg12 : memref<!tpu.dma_semaphore, #tpu.memory_space<semaphore_mem>>)
    %dma_start3A_60 = arith.constant 1 : i32
    %dma_start3A_61 = arith.constant 0 : i32
    %dma_start3A_62 = tpu.memref_slice %arg7[%dma_start3A_60, %dma_start3A_61] : memref<40x128xi32, #tpu.memory_space<vmem>> -> memref<1x128xi32, #tpu.memory_space<vmem>>
    %dma_start3A_63 = tpu.memref_squeeze %dma_start3A_62 : memref<1x128xi32, #tpu.memory_space<vmem>> -> memref<128xi32, #tpu.memory_space<vmem>>
    %dma_start3A_64 = arith.constant 0 : i32
    %dma_start3A_65 = arith.constant 0 : i32
    %dma_start3A_66 = tpu.memref_slice %arg2[%dma_start3A_64, %dma_start3A_65] : memref<10240x128xf32, #tpu.memory_space<hbm>> -> memref<10240x128xf32, #tpu.memory_space<hbm>>
    tpu.enqueue_indirect_dma source(%dma_start3A_66 : memref<10240x128xf32, #tpu.memory_space<hbm>>) target(%arg10 : memref<128x128xf32, #tpu.memory_space<vmem>>) offsets(%dma_start3A_63 : memref<128xi32, #tpu.memory_space<vmem>>) semaphore(%arg13 : memref<!tpu.dma_semaphore, #tpu.memory_space<semaphore_mem>>)
    %scan3A_67 = arith.constant 0 : i32
    %scan3A_68 = arith.constant 0 : i32
    %scan3A_69 = arith.constant 19 : i32
    %scan3A_70 = arith.addi %scan3A_68, %scan3A_69 : i32
    %scan3A_71 = arith.constant 1 : i32
    scf.for %scan3A_97 = %scan3A_68 to %scan3A_70 step %scan3A_71  : i32 {
      %mul3A_98 = arith.constant 2 : i32
      %mul3A_99 = arith.muli %mul3A_98, %scan3A_97 : i32
      %dma_wait3A_100 = arith.constant 0 : i32
      %dma_wait3A_101 = tpu.memref_slice %arg7[%mul3A_99, %dma_wait3A_100] : memref<40x128xi32, #tpu.memory_space<vmem>> -> memref<1x128xi32, #tpu.memory_space<vmem>>
      %dma_wait3A_102 = tpu.memref_squeeze %dma_wait3A_101 : memref<1x128xi32, #tpu.memory_space<vmem>> -> memref<128xi32, #tpu.memory_space<vmem>>
      %dma_wait3A_103 = arith.constant 0 : i32
      %dma_wait3A_104 = arith.constant 0 : i32
      %dma_wait3A_105 = tpu.memref_slice %arg2[%dma_wait3A_103, %dma_wait3A_104] : memref<10240x128xf32, #tpu.memory_space<hbm>> -> memref<10240x128xf32, #tpu.memory_space<hbm>>
      tpu.wait_indirect_dma semaphore(%arg12 : memref<!tpu.dma_semaphore, #tpu.memory_space<semaphore_mem>>) src(%dma_wait3A_105 : memref<10240x128xf32, #tpu.memory_space<hbm>>) dst(%arg9 : memref<128x128xf32, #tpu.memory_space<vmem>>)
      "tpu.region"() ({
        %run_scoped3A_130 = tpu.sem_alloc : memref<!tpu.dma_semaphore, #tpu.memory_space<semaphore_mem>>
        %dma_start3A_131 = arith.constant 0 : i32
        %dma_start3A_132 = tpu.memref_slice %arg8[%mul3A_99, %dma_start3A_131] : memref<40x128xi32, #tpu.memory_space<vmem>> -> memref<1x128xi32, #tpu.memory_space<vmem>>
        %dma_start3A_133 = tpu.memref_squeeze %dma_start3A_132 : memref<1x128xi32, #tpu.memory_space<vmem>> -> memref<128xi32, #tpu.memory_space<vmem>>
        %dma_start3A_134 = arith.constant 0 : i32
        %dma_start3A_135 = arith.constant 0 : i32
        %dma_start3A_136 = tpu.memref_slice %arg11[%dma_start3A_134, %dma_start3A_135] : memref<10240x128xf32, #tpu.memory_space<vmem_shared>> -> memref<10240x128xf32, #tpu.memory_space<vmem_shared>>
        tpu.enqueue_indirect_dma source(%arg9 : memref<128x128xf32, #tpu.memory_space<vmem>>) target(%dma_start3A_136 : memref<10240x128xf32, #tpu.memory_space<vmem_shared>>) offsets(%dma_start3A_133 : memref<128xi32, #tpu.memory_space<vmem>>) semaphore(%run_scoped3A_130 : memref<!tpu.dma_semaphore, #tpu.memory_space<semaphore_mem>>) {add = true}
        %dma_wait3A_137 = arith.constant 0 : i32
        %dma_wait3A_138 = tpu.memref_slice %arg8[%mul3A_99, %dma_wait3A_137] : memref<40x128xi32, #tpu.memory_space<vmem>> -> memref<1x128xi32, #tpu.memory_space<vmem>>
        %dma_wait3A_139 = tpu.memref_squeeze %dma_wait3A_138 : memref<1x128xi32, #tpu.memory_space<vmem>> -> memref<128xi32, #tpu.memory_space<vmem>>
        %dma_wait3A_140 = arith.constant 0 : i32
        %dma_wait3A_141 = arith.constant 0 : i32
        %dma_wait3A_142 = tpu.memref_slice %arg11[%dma_wait3A_140, %dma_wait3A_141] : memref<10240x128xf32, #tpu.memory_space<vmem_shared>> -> memref<10240x128xf32, #tpu.memory_space<vmem_shared>>
        tpu.wait_indirect_dma semaphore(%run_scoped3A_130 : memref<!tpu.dma_semaphore, #tpu.memory_space<semaphore_mem>>) src(%arg9 : memref<128x128xf32, #tpu.memory_space<vmem>>) dst(%dma_wait3A_142 : memref<10240x128xf32, #tpu.memory_space<vmem_shared>>)
        tpu.yield
      }) : () -> ()
      %add3A_106 = arith.constant 2 : i32
      %add3A_107 = arith.addi %mul3A_99, %add3A_106 : i32
      %dma_start3A_108 = arith.constant 0 : i32
      %dma_start3A_109 = tpu.memref_slice %arg7[%add3A_107, %dma_start3A_108] : memref<40x128xi32, #tpu.memory_space<vmem>> -> memref<1x128xi32, #tpu.memory_space<vmem>>
      %dma_start3A_110 = tpu.memref_squeeze %dma_start3A_109 : memref<1x128xi32, #tpu.memory_space<vmem>> -> memref<128xi32, #tpu.memory_space<vmem>>
      %dma_start3A_111 = arith.constant 0 : i32
      %dma_start3A_112 = arith.constant 0 : i32
      %dma_start3A_113 = tpu.memref_slice %arg2[%dma_start3A_111, %dma_start3A_112] : memref<10240x128xf32, #tpu.memory_space<hbm>> -> memref<10240x128xf32, #tpu.memory_space<hbm>>
      tpu.enqueue_indirect_dma source(%dma_start3A_113 : memref<10240x128xf32, #tpu.memory_space<hbm>>) target(%arg9 : memref<128x128xf32, #tpu.memory_space<vmem>>) offsets(%dma_start3A_110 : memref<128xi32, #tpu.memory_space<vmem>>) semaphore(%arg12 : memref<!tpu.dma_semaphore, #tpu.memory_space<semaphore_mem>>)
      %add3A_114 = arith.constant 1 : i32
      %add3A_115 = arith.addi %mul3A_99, %add3A_114 : i32
      %dma_wait3A_116 = arith.constant 0 : i32
      %dma_wait3A_117 = tpu.memref_slice %arg7[%add3A_115, %dma_wait3A_116] : memref<40x128xi32, #tpu.memory_space<vmem>> -> memref<1x128xi32, #tpu.memory_space<vmem>>
      %dma_wait3A_118 = tpu.memref_squeeze %dma_wait3A_117 : memref<1x128xi32, #tpu.memory_space<vmem>> -> memref<128xi32, #tpu.memory_space<vmem>>
      %dma_wait3A_119 = arith.constant 0 : i32
      %dma_wait3A_120 = arith.constant 0 : i32
      %dma_wait3A_121 = tpu.memref_slice %arg2[%dma_wait3A_119, %dma_wait3A_120] : memref<10240x128xf32, #tpu.memory_space<hbm>> -> memref<10240x128xf32, #tpu.memory_space<hbm>>
      tpu.wait_indirect_dma semaphore(%arg13 : memref<!tpu.dma_semaphore, #tpu.memory_space<semaphore_mem>>) src(%dma_wait3A_121 : memref<10240x128xf32, #tpu.memory_space<hbm>>) dst(%arg10 : memref<128x128xf32, #tpu.memory_space<vmem>>)
      "tpu.region"() ({
        %run_scoped3A_130 = tpu.sem_alloc : memref<!tpu.dma_semaphore, #tpu.memory_space<semaphore_mem>>
        %dma_start3A_131 = arith.constant 0 : i32
        %dma_start3A_132 = tpu.memref_slice %arg8[%add3A_115, %dma_start3A_131] : memref<40x128xi32, #tpu.memory_space<vmem>> -> memref<1x128xi32, #tpu.memory_space<vmem>>
        %dma_start3A_133 = tpu.memref_squeeze %dma_start3A_132 : memref<1x128xi32, #tpu.memory_space<vmem>> -> memref<128xi32, #tpu.memory_space<vmem>>
        %dma_start3A_134 = arith.constant 0 : i32
        %dma_start3A_135 = arith.constant 0 : i32
        %dma_start3A_136 = tpu.memref_slice %arg11[%dma_start3A_134, %dma_start3A_135] : memref<10240x128xf32, #tpu.memory_space<vmem_shared>> -> memref<10240x128xf32, #tpu.memory_space<vmem_shared>>
        tpu.enqueue_indirect_dma source(%arg10 : memref<128x128xf32, #tpu.memory_space<vmem>>) target(%dma_start3A_136 : memref<10240x128xf32, #tpu.memory_space<vmem_shared>>) offsets(%dma_start3A_133 : memref<128xi32, #tpu.memory_space<vmem>>) semaphore(%run_scoped3A_130 : memref<!tpu.dma_semaphore, #tpu.memory_space<semaphore_mem>>) {add = true}
        %dma_wait3A_137 = arith.constant 0 : i32
        %dma_wait3A_138 = tpu.memref_slice %arg8[%add3A_115, %dma_wait3A_137] : memref<40x128xi32, #tpu.memory_space<vmem>> -> memref<1x128xi32, #tpu.memory_space<vmem>>
        %dma_wait3A_139 = tpu.memref_squeeze %dma_wait3A_138 : memref<1x128xi32, #tpu.memory_space<vmem>> -> memref<128xi32, #tpu.memory_space<vmem>>
        %dma_wait3A_140 = arith.constant 0 : i32
        %dma_wait3A_141 = arith.constant 0 : i32
        %dma_wait3A_142 = tpu.memref_slice %arg11[%dma_wait3A_140, %dma_wait3A_141] : memref<10240x128xf32, #tpu.memory_space<vmem_shared>> -> memref<10240x128xf32, #tpu.memory_space<vmem_shared>>
        tpu.wait_indirect_dma semaphore(%run_scoped3A_130 : memref<!tpu.dma_semaphore, #tpu.memory_space<semaphore_mem>>) src(%arg10 : memref<128x128xf32, #tpu.memory_space<vmem>>) dst(%dma_wait3A_142 : memref<10240x128xf32, #tpu.memory_space<vmem_shared>>)
        tpu.yield
      }) : () -> ()
      %add3A_122 = arith.constant 2 : i32
      %add3A_123 = arith.addi %add3A_115, %add3A_122 : i32
      %dma_start3A_124 = arith.constant 0 : i32
      %dma_start3A_125 = tpu.memref_slice %arg7[%add3A_123, %dma_start3A_124] : memref<40x128xi32, #tpu.memory_space<vmem>> -> memref<1x128xi32, #tpu.memory_space<vmem>>
      %dma_start3A_126 = tpu.memref_squeeze %dma_start3A_125 : memref<1x128xi32, #tpu.memory_space<vmem>> -> memref<128xi32, #tpu.memory_space<vmem>>
      %dma_start3A_127 = arith.constant 0 : i32
      %dma_start3A_128 = arith.constant 0 : i32
      %dma_start3A_129 = tpu.memref_slice %arg2[%dma_start3A_127, %dma_start3A_128] : memref<10240x128xf32, #tpu.memory_space<hbm>> -> memref<10240x128xf32, #tpu.memory_space<hbm>>
      tpu.enqueue_indirect_dma source(%dma_start3A_129 : memref<10240x128xf32, #tpu.memory_space<hbm>>) target(%arg10 : memref<128x128xf32, #tpu.memory_space<vmem>>) offsets(%dma_start3A_126 : memref<128xi32, #tpu.memory_space<vmem>>) semaphore(%arg13 : memref<!tpu.dma_semaphore, #tpu.memory_space<semaphore_mem>>)
    }
    %scan3A_72 = arith.constant 19 : i32
    %dma_wait3A_73 = arith.constant 38 : i32
    %dma_wait3A_74 = arith.constant 0 : i32
    %dma_wait3A_75 = tpu.memref_slice %arg7[%dma_wait3A_73, %dma_wait3A_74] : memref<40x128xi32, #tpu.memory_space<vmem>> -> memref<1x128xi32, #tpu.memory_space<vmem>>
    %dma_wait3A_76 = tpu.memref_squeeze %dma_wait3A_75 : memref<1x128xi32, #tpu.memory_space<vmem>> -> memref<128xi32, #tpu.memory_space<vmem>>
    %dma_wait3A_77 = arith.constant 0 : i32
    %dma_wait3A_78 = arith.constant 0 : i32
    %dma_wait3A_79 = tpu.memref_slice %arg2[%dma_wait3A_77, %dma_wait3A_78] : memref<10240x128xf32, #tpu.memory_space<hbm>> -> memref<10240x128xf32, #tpu.memory_space<hbm>>
    tpu.wait_indirect_dma semaphore(%arg12 : memref<!tpu.dma_semaphore, #tpu.memory_space<semaphore_mem>>) src(%dma_wait3A_79 : memref<10240x128xf32, #tpu.memory_space<hbm>>) dst(%arg9 : memref<128x128xf32, #tpu.memory_space<vmem>>)
    %run_scoped3A_80 = arith.constant 38 : i32
    "tpu.region"() ({
      %run_scoped3A_97 = tpu.sem_alloc : memref<!tpu.dma_semaphore, #tpu.memory_space<semaphore_mem>>
      %dma_start3A_98 = arith.constant 0 : i32
      %dma_start3A_99 = tpu.memref_slice %arg8[%run_scoped3A_80, %dma_start3A_98] : memref<40x128xi32, #tpu.memory_space<vmem>> -> memref<1x128xi32, #tpu.memory_space<vmem>>
      %dma_start3A_100 = tpu.memref_squeeze %dma_start3A_99 : memref<1x128xi32, #tpu.memory_space<vmem>> -> memref<128xi32, #tpu.memory_space<vmem>>
      %dma_start3A_101 = arith.constant 0 : i32
      %dma_start3A_102 = arith.constant 0 : i32
      %dma_start3A_103 = tpu.memref_slice %arg11[%dma_start3A_101, %dma_start3A_102] : memref<10240x128xf32, #tpu.memory_space<vmem_shared>> -> memref<10240x128xf32, #tpu.memory_space<vmem_shared>>
      tpu.enqueue_indirect_dma source(%arg9 : memref<128x128xf32, #tpu.memory_space<vmem>>) target(%dma_start3A_103 : memref<10240x128xf32, #tpu.memory_space<vmem_shared>>) offsets(%dma_start3A_100 : memref<128xi32, #tpu.memory_space<vmem>>) semaphore(%run_scoped3A_97 : memref<!tpu.dma_semaphore, #tpu.memory_space<semaphore_mem>>) {add = true}
      %dma_wait3A_104 = arith.constant 0 : i32
      %dma_wait3A_105 = tpu.memref_slice %arg8[%run_scoped3A_80, %dma_wait3A_104] : memref<40x128xi32, #tpu.memory_space<vmem>> -> memref<1x128xi32, #tpu.memory_space<vmem>>
      %dma_wait3A_106 = tpu.memref_squeeze %dma_wait3A_105 : memref<1x128xi32, #tpu.memory_space<vmem>> -> memref<128xi32, #tpu.memory_space<vmem>>
      %dma_wait3A_107 = arith.constant 0 : i32
      %dma_wait3A_108 = arith.constant 0 : i32
      %dma_wait3A_109 = tpu.memref_slice %arg11[%dma_wait3A_107, %dma_wait3A_108] : memref<10240x128xf32, #tpu.memory_space<vmem_shared>> -> memref<10240x128xf32, #tpu.memory_space<vmem_shared>>
      tpu.wait_indirect_dma semaphore(%run_scoped3A_97 : memref<!tpu.dma_semaphore, #tpu.memory_space<semaphore_mem>>) src(%arg9 : memref<128x128xf32, #tpu.memory_space<vmem>>) dst(%dma_wait3A_109 : memref<10240x128xf32, #tpu.memory_space<vmem_shared>>)
      tpu.yield
    }) : () -> ()
    %dma_wait3A_81 = arith.constant 39 : i32
    %dma_wait3A_82 = arith.constant 0 : i32
    %dma_wait3A_83 = tpu.memref_slice %arg7[%dma_wait3A_81, %dma_wait3A_82] : memref<40x128xi32, #tpu.memory_space<vmem>> -> memref<1x128xi32, #tpu.memory_space<vmem>>
    %dma_wait3A_84 = tpu.memref_squeeze %dma_wait3A_83 : memref<1x128xi32, #tpu.memory_space<vmem>> -> memref<128xi32, #tpu.memory_space<vmem>>
    %dma_wait3A_85 = arith.constant 0 : i32
    %dma_wait3A_86 = arith.constant 0 : i32
    %dma_wait3A_87 = tpu.memref_slice %arg2[%dma_wait3A_85, %dma_wait3A_86] : memref<10240x128xf32, #tpu.memory_space<hbm>> -> memref<10240x128xf32, #tpu.memory_space<hbm>>
    tpu.wait_indirect_dma semaphore(%arg13 : memref<!tpu.dma_semaphore, #tpu.memory_space<semaphore_mem>>) src(%dma_wait3A_87 : memref<10240x128xf32, #tpu.memory_space<hbm>>) dst(%arg10 : memref<128x128xf32, #tpu.memory_space<vmem>>)
    %run_scoped3A_88 = arith.constant 39 : i32
    "tpu.region"() ({
      %run_scoped3A_97 = tpu.sem_alloc : memref<!tpu.dma_semaphore, #tpu.memory_space<semaphore_mem>>
      %dma_start3A_98 = arith.constant 0 : i32
      %dma_start3A_99 = tpu.memref_slice %arg8[%run_scoped3A_88, %dma_start3A_98] : memref<40x128xi32, #tpu.memory_space<vmem>> -> memref<1x128xi32, #tpu.memory_space<vmem>>
      %dma_start3A_100 = tpu.memref_squeeze %dma_start3A_99 : memref<1x128xi32, #tpu.memory_space<vmem>> -> memref<128xi32, #tpu.memory_space<vmem>>
      %dma_start3A_101 = arith.constant 0 : i32
      %dma_start3A_102 = arith.constant 0 : i32
      %dma_start3A_103 = tpu.memref_slice %arg11[%dma_start3A_101, %dma_start3A_102] : memref<10240x128xf32, #tpu.memory_space<vmem_shared>> -> memref<10240x128xf32, #tpu.memory_space<vmem_shared>>
      tpu.enqueue_indirect_dma source(%arg10 : memref<128x128xf32, #tpu.memory_space<vmem>>) target(%dma_start3A_103 : memref<10240x128xf32, #tpu.memory_space<vmem_shared>>) offsets(%dma_start3A_100 : memref<128xi32, #tpu.memory_space<vmem>>) semaphore(%run_scoped3A_97 : memref<!tpu.dma_semaphore, #tpu.memory_space<semaphore_mem>>) {add = true}
      %dma_wait3A_104 = arith.constant 0 : i32
      %dma_wait3A_105 = tpu.memref_slice %arg8[%run_scoped3A_88, %dma_wait3A_104] : memref<40x128xi32, #tpu.memory_space<vmem>> -> memref<1x128xi32, #tpu.memory_space<vmem>>
      %dma_wait3A_106 = tpu.memref_squeeze %dma_wait3A_105 : memref<1x128xi32, #tpu.memory_space<vmem>> -> memref<128xi32, #tpu.memory_space<vmem>>
      %dma_wait3A_107 = arith.constant 0 : i32
      %dma_wait3A_108 = arith.constant 0 : i32
      %dma_wait3A_109 = tpu.memref_slice %arg11[%dma_wait3A_107, %dma_wait3A_108] : memref<10240x128xf32, #tpu.memory_space<vmem_shared>> -> memref<10240x128xf32, #tpu.memory_space<vmem_shared>>
      tpu.wait_indirect_dma semaphore(%run_scoped3A_97 : memref<!tpu.dma_semaphore, #tpu.memory_space<semaphore_mem>>) src(%arg10 : memref<128x128xf32, #tpu.memory_space<vmem>>) dst(%dma_wait3A_109 : memref<10240x128xf32, #tpu.memory_space<vmem_shared>>)
      tpu.yield
    }) : () -> ()
    %barrier3A_89 = arith.constant 0 : index
    tpu.barrier barrier_id(%barrier3A_89)
    %mul3A_90 = arith.constant 640 : i32
    %mul3A_91 = arith.muli %arg1, %mul3A_90 : i32
    %mul3A_92 = arith.constant 10240 : i32
    %mul3A_93 = arith.muli %arg0, %mul3A_92 : i32
    %mul3A_94 = arith.constant 640 : i32
    %mul3A_95 = arith.muli %arg1, %mul3A_94 : i32
    %add3A_96 = arith.addi %mul3A_93, %mul3A_95 : i32
    "tpu.region"() ({
      %run_scoped3A_97 = tpu.sem_alloc : memref<!tpu.dma_semaphore, #tpu.memory_space<semaphore_mem>>
      %dma_start3A_98 = arith.constant 0 : i32
      %dma_start3A_99 = tpu.memref_slice %arg6[%add3A_96, %dma_start3A_98] : memref<20480x128xf32, #tpu.memory_space<hbm>> -> memref<640x128xf32, #tpu.memory_space<hbm>>
      %dma_start3A_100 = arith.constant 0 : i32
      %dma_start3A_101 = tpu.memref_slice %arg11[%mul3A_91, %dma_start3A_100] : memref<10240x128xf32, #tpu.memory_space<vmem_shared>> -> memref<640x128xf32, #tpu.memory_space<vmem_shared>>
      tpu.enqueue_dma source(%dma_start3A_101 : memref<640x128xf32, #tpu.memory_space<vmem_shared>>) target(%dma_start3A_99 : memref<640x128xf32, #tpu.memory_space<hbm>>) target_semaphore(%run_scoped3A_97 : memref<!tpu.dma_semaphore, #tpu.memory_space<semaphore_mem>>)
      %dma_wait3A_102 = arith.constant 0 : i32
      %dma_wait3A_103 = tpu.memref_slice %arg6[%add3A_96, %dma_wait3A_102] : memref<20480x128xf32, #tpu.memory_space<hbm>> -> memref<640x128xf32, #tpu.memory_space<hbm>>
      %dma_wait3A_104 = arith.constant 0 : i32
      %dma_wait3A_105 = tpu.memref_slice %arg11[%mul3A_91, %dma_wait3A_104] : memref<10240x128xf32, #tpu.memory_space<vmem_shared>> -> memref<640x128xf32, #tpu.memory_space<vmem_shared>>
      tpu.wait_dma2 semaphore(%run_scoped3A_97 : memref<!tpu.dma_semaphore, #tpu.memory_space<semaphore_mem>>) src(%dma_wait3A_105 : memref<640x128xf32, #tpu.memory_space<vmem_shared>>) dst(%dma_wait3A_103 : memref<640x128xf32, #tpu.memory_space<hbm>>)
      tpu.yield
    }) : () -> ()
    return
  }
}

#map = affine_map<(d0, d1) -> (0, 0)>
#map1 = affine_map<(d0, d1) -> (0, 0, 0)>
module attributes {stable_mosaic.version = 14 : i64} {
  func.func @_edge_aggregate_sc(%arg0: i32, %arg1: i32, %arg2: memref<10240x128xf32, #tpu.memory_space<hbm>>, %arg3: memref<64x40x128xi32, #tpu.memory_space<hbm>>, %arg4: memref<64x40x128xi32, #tpu.memory_space<hbm>>, %arg5: memref<10240x128xf32, #tpu.memory_space<hbm>>, %arg6: memref<20480x128xf32, #tpu.memory_space<hbm>>, %arg7: memref<40x128xi32, #tpu.memory_space<vmem>>, %arg8: memref<40x128xi32, #tpu.memory_space<vmem>>, %arg9: memref<128x128xf32, #tpu.memory_space<vmem>>, %arg10: memref<128x128xf32, #tpu.memory_space<vmem>>, %arg11: memref<10240x128xf32, #tpu.memory_space<vmem_shared>>, %arg12: memref<!tpu.dma_semaphore, #tpu.memory_space<semaphore_mem>>, %arg13: memref<!tpu.dma_semaphore, #tpu.memory_space<semaphore_mem>>) attributes {dimension_semantics = [#tpu.dimension_semantics<core_parallel>, #tpu.dimension_semantics<subcore_parallel>], iteration_bounds = array<i64: 2, 16>, scalar_prefetch = 0 : i64, scratch_operands = 7 : i64, tpu.core_type = #tpu.core_type<sc_vector_subcore>, window_params = [{transform_indices = #map}, {transform_indices = #map1}, {transform_indices = #map1}, {transform_indices = #map}, {transform_indices = #map}]} {
    %mul3A = arith.constant 2 : i32
    %mul3A_0 = arith.muli %arg1, %mul3A : i32
    %add3A = arith.addi %mul3A_0, %arg0 : i32
    %mul3A_1 = arith.constant 640 : i32
    %mul3A_2 = arith.muli %arg1, %mul3A_1 : i32
    %mul3A_3 = arith.constant 640 : i32
    %mul3A_4 = arith.muli %arg1, %mul3A_3 : i32
    "tpu.region"() ({
      %run_scoped3A_97 = tpu.sem_alloc : memref<!tpu.dma_semaphore, #tpu.memory_space<semaphore_mem>>
      %dma_start3A_98 = arith.constant 0 : i32
      %dma_start3A_99 = tpu.memref_slice %arg11[%mul3A_4, %dma_start3A_98] : memref<10240x128xf32, #tpu.memory_space<vmem_shared>> -> memref<640x128xf32, #tpu.memory_space<vmem_shared>>
      %dma_start3A_100 = arith.constant 0 : i32
      %dma_start3A_101 = tpu.memref_slice %arg5[%mul3A_2, %dma_start3A_100] : memref<10240x128xf32, #tpu.memory_space<hbm>> -> memref<640x128xf32, #tpu.memory_space<hbm>>
      tpu.enqueue_dma source(%dma_start3A_101 : memref<640x128xf32, #tpu.memory_space<hbm>>) target(%dma_start3A_99 : memref<640x128xf32, #tpu.memory_space<vmem_shared>>) target_semaphore(%run_scoped3A_97 : memref<!tpu.dma_semaphore, #tpu.memory_space<semaphore_mem>>)
      %dma_wait3A_102 = arith.constant 0 : i32
      %dma_wait3A_103 = tpu.memref_slice %arg11[%mul3A_4, %dma_wait3A_102] : memref<10240x128xf32, #tpu.memory_space<vmem_shared>> -> memref<640x128xf32, #tpu.memory_space<vmem_shared>>
      %dma_wait3A_104 = arith.constant 0 : i32
      %dma_wait3A_105 = tpu.memref_slice %arg5[%mul3A_2, %dma_wait3A_104] : memref<10240x128xf32, #tpu.memory_space<hbm>> -> memref<640x128xf32, #tpu.memory_space<hbm>>
      tpu.wait_dma2 semaphore(%run_scoped3A_97 : memref<!tpu.dma_semaphore, #tpu.memory_space<semaphore_mem>>) src(%dma_wait3A_105 : memref<640x128xf32, #tpu.memory_space<hbm>>) dst(%dma_wait3A_103 : memref<640x128xf32, #tpu.memory_space<vmem_shared>>)
      tpu.yield
    }) : () -> ()
    %barrier3A = arith.constant 0 : index
    tpu.barrier barrier_id(%barrier3A)
    %mul3A_5 = arith.constant 2 : i32
    %mul3A_6 = arith.muli %add3A, %mul3A_5 : i32
    %add3A_7 = arith.constant 0 : i32
    %add3A_8 = arith.addi %mul3A_6, %add3A_7 : i32
    "tpu.region"() ({
      %run_scoped3A_97 = tpu.sem_alloc : memref<!tpu.dma_semaphore, #tpu.memory_space<semaphore_mem>>
      %dma_start3A_98 = arith.constant 0 : i32
      %dma_start3A_99 = arith.constant 0 : i32
      %dma_start3A_100 = tpu.memref_slice %arg3[%add3A_8, %dma_start3A_98, %dma_start3A_99] : memref<64x40x128xi32, #tpu.memory_space<hbm>> -> memref<1x40x128xi32, #tpu.memory_space<hbm>>
      %dma_start3A_101 = tpu.memref_squeeze %dma_start3A_100 : memref<1x40x128xi32, #tpu.memory_space<hbm>> -> memref<40x128xi32, #tpu.memory_space<hbm>>
      %dma_start3A_102 = arith.constant 0 : i32
      %dma_start3A_103 = arith.constant 0 : i32
      %dma_start3A_104 = tpu.memref_slice %arg3[%add3A_8, %dma_start3A_102, %dma_start3A_103] : memref<64x40x128xi32, #tpu.memory_space<hbm>> -> memref<1x40x128xi32, #tpu.memory_space<hbm>>
      %dma_start3A_105 = tpu.memref_squeeze %dma_start3A_104 : memref<1x40x128xi32, #tpu.memory_space<hbm>> -> memref<40x128xi32, #tpu.memory_space<hbm>>
      tpu.enqueue_dma source(%dma_start3A_105 : memref<40x128xi32, #tpu.memory_space<hbm>>) target(%arg7 : memref<40x128xi32, #tpu.memory_space<vmem>>) target_semaphore(%run_scoped3A_97 : memref<!tpu.dma_semaphore, #tpu.memory_space<semaphore_mem>>)
      %dma_wait3A_106 = arith.constant 0 : i32
      %dma_wait3A_107 = arith.constant 0 : i32
      %dma_wait3A_108 = tpu.memref_slice %arg3[%add3A_8, %dma_wait3A_106, %dma_wait3A_107] : memref<64x40x128xi32, #tpu.memory_space<hbm>> -> memref<1x40x128xi32, #tpu.memory_space<hbm>>
      %dma_wait3A_109 = tpu.memref_squeeze %dma_wait3A_108 : memref<1x40x128xi32, #tpu.memory_space<hbm>> -> memref<40x128xi32, #tpu.memory_space<hbm>>
      %dma_wait3A_110 = arith.constant 0 : i32
      %dma_wait3A_111 = arith.constant 0 : i32
      %dma_wait3A_112 = tpu.memref_slice %arg3[%add3A_8, %dma_wait3A_110, %dma_wait3A_111] : memref<64x40x128xi32, #tpu.memory_space<hbm>> -> memref<1x40x128xi32, #tpu.memory_space<hbm>>
      %dma_wait3A_113 = tpu.memref_squeeze %dma_wait3A_112 : memref<1x40x128xi32, #tpu.memory_space<hbm>> -> memref<40x128xi32, #tpu.memory_space<hbm>>
      tpu.wait_dma2 semaphore(%run_scoped3A_97 : memref<!tpu.dma_semaphore, #tpu.memory_space<semaphore_mem>>) src(%dma_wait3A_113 : memref<40x128xi32, #tpu.memory_space<hbm>>) dst(%arg7 : memref<40x128xi32, #tpu.memory_space<vmem>>)
      tpu.yield
    }) : () -> ()
    %mul3A_9 = arith.constant 2 : i32
    %mul3A_10 = arith.muli %add3A, %mul3A_9 : i32
    %add3A_11 = arith.constant 0 : i32
    %add3A_12 = arith.addi %mul3A_10, %add3A_11 : i32
    "tpu.region"() ({
      %run_scoped3A_97 = tpu.sem_alloc : memref<!tpu.dma_semaphore, #tpu.memory_space<semaphore_mem>>
      %dma_start3A_98 = arith.constant 0 : i32
      %dma_start3A_99 = arith.constant 0 : i32
      %dma_start3A_100 = tpu.memref_slice %arg4[%add3A_12, %dma_start3A_98, %dma_start3A_99] : memref<64x40x128xi32, #tpu.memory_space<hbm>> -> memref<1x40x128xi32, #tpu.memory_space<hbm>>
      %dma_start3A_101 = tpu.memref_squeeze %dma_start3A_100 : memref<1x40x128xi32, #tpu.memory_space<hbm>> -> memref<40x128xi32, #tpu.memory_space<hbm>>
      %dma_start3A_102 = arith.constant 0 : i32
      %dma_start3A_103 = arith.constant 0 : i32
      %dma_start3A_104 = tpu.memref_slice %arg4[%add3A_12, %dma_start3A_102, %dma_start3A_103] : memref<64x40x128xi32, #tpu.memory_space<hbm>> -> memref<1x40x128xi32, #tpu.memory_space<hbm>>
      %dma_start3A_105 = tpu.memref_squeeze %dma_start3A_104 : memref<1x40x128xi32, #tpu.memory_space<hbm>> -> memref<40x128xi32, #tpu.memory_space<hbm>>
      tpu.enqueue_dma source(%dma_start3A_105 : memref<40x128xi32, #tpu.memory_space<hbm>>) target(%arg8 : memref<40x128xi32, #tpu.memory_space<vmem>>) target_semaphore(%run_scoped3A_97 : memref<!tpu.dma_semaphore, #tpu.memory_space<semaphore_mem>>)
      %dma_wait3A_106 = arith.constant 0 : i32
      %dma_wait3A_107 = arith.constant 0 : i32
      %dma_wait3A_108 = tpu.memref_slice %arg4[%add3A_12, %dma_wait3A_106, %dma_wait3A_107] : memref<64x40x128xi32, #tpu.memory_space<hbm>> -> memref<1x40x128xi32, #tpu.memory_space<hbm>>
      %dma_wait3A_109 = tpu.memref_squeeze %dma_wait3A_108 : memref<1x40x128xi32, #tpu.memory_space<hbm>> -> memref<40x128xi32, #tpu.memory_space<hbm>>
      %dma_wait3A_110 = arith.constant 0 : i32
      %dma_wait3A_111 = arith.constant 0 : i32
      %dma_wait3A_112 = tpu.memref_slice %arg4[%add3A_12, %dma_wait3A_110, %dma_wait3A_111] : memref<64x40x128xi32, #tpu.memory_space<hbm>> -> memref<1x40x128xi32, #tpu.memory_space<hbm>>
      %dma_wait3A_113 = tpu.memref_squeeze %dma_wait3A_112 : memref<1x40x128xi32, #tpu.memory_space<hbm>> -> memref<40x128xi32, #tpu.memory_space<hbm>>
      tpu.wait_dma2 semaphore(%run_scoped3A_97 : memref<!tpu.dma_semaphore, #tpu.memory_space<semaphore_mem>>) src(%dma_wait3A_113 : memref<40x128xi32, #tpu.memory_space<hbm>>) dst(%arg8 : memref<40x128xi32, #tpu.memory_space<vmem>>)
      tpu.yield
    }) : () -> ()
    %dma_start3A = arith.constant 0 : i32
    %dma_start3A_13 = arith.constant 0 : i32
    %dma_start3A_14 = tpu.memref_slice %arg7[%dma_start3A, %dma_start3A_13] : memref<40x128xi32, #tpu.memory_space<vmem>> -> memref<1x128xi32, #tpu.memory_space<vmem>>
    %dma_start3A_15 = tpu.memref_squeeze %dma_start3A_14 : memref<1x128xi32, #tpu.memory_space<vmem>> -> memref<128xi32, #tpu.memory_space<vmem>>
    %dma_start3A_16 = arith.constant 0 : i32
    %dma_start3A_17 = arith.constant 0 : i32
    %dma_start3A_18 = tpu.memref_slice %arg2[%dma_start3A_16, %dma_start3A_17] : memref<10240x128xf32, #tpu.memory_space<hbm>> -> memref<10240x128xf32, #tpu.memory_space<hbm>>
    tpu.enqueue_indirect_dma source(%dma_start3A_18 : memref<10240x128xf32, #tpu.memory_space<hbm>>) target(%arg9 : memref<128x128xf32, #tpu.memory_space<vmem>>) offsets(%dma_start3A_15 : memref<128xi32, #tpu.memory_space<vmem>>) semaphore(%arg12 : memref<!tpu.dma_semaphore, #tpu.memory_space<semaphore_mem>>)
    %dma_start3A_19 = arith.constant 1 : i32
    %dma_start3A_20 = arith.constant 0 : i32
    %dma_start3A_21 = tpu.memref_slice %arg7[%dma_start3A_19, %dma_start3A_20] : memref<40x128xi32, #tpu.memory_space<vmem>> -> memref<1x128xi32, #tpu.memory_space<vmem>>
    %dma_start3A_22 = tpu.memref_squeeze %dma_start3A_21 : memref<1x128xi32, #tpu.memory_space<vmem>> -> memref<128xi32, #tpu.memory_space<vmem>>
    %dma_start3A_23 = arith.constant 0 : i32
    %dma_start3A_24 = arith.constant 0 : i32
    %dma_start3A_25 = tpu.memref_slice %arg2[%dma_start3A_23, %dma_start3A_24] : memref<10240x128xf32, #tpu.memory_space<hbm>> -> memref<10240x128xf32, #tpu.memory_space<hbm>>
    tpu.enqueue_indirect_dma source(%dma_start3A_25 : memref<10240x128xf32, #tpu.memory_space<hbm>>) target(%arg10 : memref<128x128xf32, #tpu.memory_space<vmem>>) offsets(%dma_start3A_22 : memref<128xi32, #tpu.memory_space<vmem>>) semaphore(%arg13 : memref<!tpu.dma_semaphore, #tpu.memory_space<semaphore_mem>>)
    %scan3A = arith.constant 0 : i32
    %scan3A_26 = arith.constant 0 : i32
    %scan3A_27 = arith.constant 19 : i32
    %scan3A_28 = arith.addi %scan3A_26, %scan3A_27 : i32
    %scan3A_29 = arith.constant 1 : i32
    scf.for %scan3A_97 = %scan3A_26 to %scan3A_28 step %scan3A_29  : i32 {
      %mul3A_98 = arith.constant 2 : i32
      %mul3A_99 = arith.muli %mul3A_98, %scan3A_97 : i32
      %dma_wait3A_100 = arith.constant 0 : i32
      %dma_wait3A_101 = tpu.memref_slice %arg7[%mul3A_99, %dma_wait3A_100] : memref<40x128xi32, #tpu.memory_space<vmem>> -> memref<1x128xi32, #tpu.memory_space<vmem>>
      %dma_wait3A_102 = tpu.memref_squeeze %dma_wait3A_101 : memref<1x128xi32, #tpu.memory_space<vmem>> -> memref<128xi32, #tpu.memory_space<vmem>>
      %dma_wait3A_103 = arith.constant 0 : i32
      %dma_wait3A_104 = arith.constant 0 : i32
      %dma_wait3A_105 = tpu.memref_slice %arg2[%dma_wait3A_103, %dma_wait3A_104] : memref<10240x128xf32, #tpu.memory_space<hbm>> -> memref<10240x128xf32, #tpu.memory_space<hbm>>
      tpu.wait_indirect_dma semaphore(%arg12 : memref<!tpu.dma_semaphore, #tpu.memory_space<semaphore_mem>>) src(%dma_wait3A_105 : memref<10240x128xf32, #tpu.memory_space<hbm>>) dst(%arg9 : memref<128x128xf32, #tpu.memory_space<vmem>>)
      "tpu.region"() ({
        %run_scoped3A_130 = tpu.sem_alloc : memref<!tpu.dma_semaphore, #tpu.memory_space<semaphore_mem>>
        %dma_start3A_131 = arith.constant 0 : i32
        %dma_start3A_132 = tpu.memref_slice %arg8[%mul3A_99, %dma_start3A_131] : memref<40x128xi32, #tpu.memory_space<vmem>> -> memref<1x128xi32, #tpu.memory_space<vmem>>
        %dma_start3A_133 = tpu.memref_squeeze %dma_start3A_132 : memref<1x128xi32, #tpu.memory_space<vmem>> -> memref<128xi32, #tpu.memory_space<vmem>>
        %dma_start3A_134 = arith.constant 0 : i32
        %dma_start3A_135 = arith.constant 0 : i32
        %dma_start3A_136 = tpu.memref_slice %arg11[%dma_start3A_134, %dma_start3A_135] : memref<10240x128xf32, #tpu.memory_space<vmem_shared>> -> memref<10240x128xf32, #tpu.memory_space<vmem_shared>>
        tpu.enqueue_indirect_dma source(%arg9 : memref<128x128xf32, #tpu.memory_space<vmem>>) target(%dma_start3A_136 : memref<10240x128xf32, #tpu.memory_space<vmem_shared>>) offsets(%dma_start3A_133 : memref<128xi32, #tpu.memory_space<vmem>>) semaphore(%run_scoped3A_130 : memref<!tpu.dma_semaphore, #tpu.memory_space<semaphore_mem>>) {add = true}
        %dma_wait3A_137 = arith.constant 0 : i32
        %dma_wait3A_138 = tpu.memref_slice %arg8[%mul3A_99, %dma_wait3A_137] : memref<40x128xi32, #tpu.memory_space<vmem>> -> memref<1x128xi32, #tpu.memory_space<vmem>>
        %dma_wait3A_139 = tpu.memref_squeeze %dma_wait3A_138 : memref<1x128xi32, #tpu.memory_space<vmem>> -> memref<128xi32, #tpu.memory_space<vmem>>
        %dma_wait3A_140 = arith.constant 0 : i32
        %dma_wait3A_141 = arith.constant 0 : i32
        %dma_wait3A_142 = tpu.memref_slice %arg11[%dma_wait3A_140, %dma_wait3A_141] : memref<10240x128xf32, #tpu.memory_space<vmem_shared>> -> memref<10240x128xf32, #tpu.memory_space<vmem_shared>>
        tpu.wait_indirect_dma semaphore(%run_scoped3A_130 : memref<!tpu.dma_semaphore, #tpu.memory_space<semaphore_mem>>) src(%arg9 : memref<128x128xf32, #tpu.memory_space<vmem>>) dst(%dma_wait3A_142 : memref<10240x128xf32, #tpu.memory_space<vmem_shared>>)
        tpu.yield
      }) : () -> ()
      %add3A_106 = arith.constant 2 : i32
      %add3A_107 = arith.addi %mul3A_99, %add3A_106 : i32
      %dma_start3A_108 = arith.constant 0 : i32
      %dma_start3A_109 = tpu.memref_slice %arg7[%add3A_107, %dma_start3A_108] : memref<40x128xi32, #tpu.memory_space<vmem>> -> memref<1x128xi32, #tpu.memory_space<vmem>>
      %dma_start3A_110 = tpu.memref_squeeze %dma_start3A_109 : memref<1x128xi32, #tpu.memory_space<vmem>> -> memref<128xi32, #tpu.memory_space<vmem>>
      %dma_start3A_111 = arith.constant 0 : i32
      %dma_start3A_112 = arith.constant 0 : i32
      %dma_start3A_113 = tpu.memref_slice %arg2[%dma_start3A_111, %dma_start3A_112] : memref<10240x128xf32, #tpu.memory_space<hbm>> -> memref<10240x128xf32, #tpu.memory_space<hbm>>
      tpu.enqueue_indirect_dma source(%dma_start3A_113 : memref<10240x128xf32, #tpu.memory_space<hbm>>) target(%arg9 : memref<128x128xf32, #tpu.memory_space<vmem>>) offsets(%dma_start3A_110 : memref<128xi32, #tpu.memory_space<vmem>>) semaphore(%arg12 : memref<!tpu.dma_semaphore, #tpu.memory_space<semaphore_mem>>)
      %add3A_114 = arith.constant 1 : i32
      %add3A_115 = arith.addi %mul3A_99, %add3A_114 : i32
      %dma_wait3A_116 = arith.constant 0 : i32
      %dma_wait3A_117 = tpu.memref_slice %arg7[%add3A_115, %dma_wait3A_116] : memref<40x128xi32, #tpu.memory_space<vmem>> -> memref<1x128xi32, #tpu.memory_space<vmem>>
      %dma_wait3A_118 = tpu.memref_squeeze %dma_wait3A_117 : memref<1x128xi32, #tpu.memory_space<vmem>> -> memref<128xi32, #tpu.memory_space<vmem>>
      %dma_wait3A_119 = arith.constant 0 : i32
      %dma_wait3A_120 = arith.constant 0 : i32
      %dma_wait3A_121 = tpu.memref_slice %arg2[%dma_wait3A_119, %dma_wait3A_120] : memref<10240x128xf32, #tpu.memory_space<hbm>> -> memref<10240x128xf32, #tpu.memory_space<hbm>>
      tpu.wait_indirect_dma semaphore(%arg13 : memref<!tpu.dma_semaphore, #tpu.memory_space<semaphore_mem>>) src(%dma_wait3A_121 : memref<10240x128xf32, #tpu.memory_space<hbm>>) dst(%arg10 : memref<128x128xf32, #tpu.memory_space<vmem>>)
      "tpu.region"() ({
        %run_scoped3A_130 = tpu.sem_alloc : memref<!tpu.dma_semaphore, #tpu.memory_space<semaphore_mem>>
        %dma_start3A_131 = arith.constant 0 : i32
        %dma_start3A_132 = tpu.memref_slice %arg8[%add3A_115, %dma_start3A_131] : memref<40x128xi32, #tpu.memory_space<vmem>> -> memref<1x128xi32, #tpu.memory_space<vmem>>
        %dma_start3A_133 = tpu.memref_squeeze %dma_start3A_132 : memref<1x128xi32, #tpu.memory_space<vmem>> -> memref<128xi32, #tpu.memory_space<vmem>>
        %dma_start3A_134 = arith.constant 0 : i32
        %dma_start3A_135 = arith.constant 0 : i32
        %dma_start3A_136 = tpu.memref_slice %arg11[%dma_start3A_134, %dma_start3A_135] : memref<10240x128xf32, #tpu.memory_space<vmem_shared>> -> memref<10240x128xf32, #tpu.memory_space<vmem_shared>>
        tpu.enqueue_indirect_dma source(%arg10 : memref<128x128xf32, #tpu.memory_space<vmem>>) target(%dma_start3A_136 : memref<10240x128xf32, #tpu.memory_space<vmem_shared>>) offsets(%dma_start3A_133 : memref<128xi32, #tpu.memory_space<vmem>>) semaphore(%run_scoped3A_130 : memref<!tpu.dma_semaphore, #tpu.memory_space<semaphore_mem>>) {add = true}
        %dma_wait3A_137 = arith.constant 0 : i32
        %dma_wait3A_138 = tpu.memref_slice %arg8[%add3A_115, %dma_wait3A_137] : memref<40x128xi32, #tpu.memory_space<vmem>> -> memref<1x128xi32, #tpu.memory_space<vmem>>
        %dma_wait3A_139 = tpu.memref_squeeze %dma_wait3A_138 : memref<1x128xi32, #tpu.memory_space<vmem>> -> memref<128xi32, #tpu.memory_space<vmem>>
        %dma_wait3A_140 = arith.constant 0 : i32
        %dma_wait3A_141 = arith.constant 0 : i32
        %dma_wait3A_142 = tpu.memref_slice %arg11[%dma_wait3A_140, %dma_wait3A_141] : memref<10240x128xf32, #tpu.memory_space<vmem_shared>> -> memref<10240x128xf32, #tpu.memory_space<vmem_shared>>
        tpu.wait_indirect_dma semaphore(%run_scoped3A_130 : memref<!tpu.dma_semaphore, #tpu.memory_space<semaphore_mem>>) src(%arg10 : memref<128x128xf32, #tpu.memory_space<vmem>>) dst(%dma_wait3A_142 : memref<10240x128xf32, #tpu.memory_space<vmem_shared>>)
        tpu.yield
      }) : () -> ()
      %add3A_122 = arith.constant 2 : i32
      %add3A_123 = arith.addi %add3A_115, %add3A_122 : i32
      %dma_start3A_124 = arith.constant 0 : i32
      %dma_start3A_125 = tpu.memref_slice %arg7[%add3A_123, %dma_start3A_124] : memref<40x128xi32, #tpu.memory_space<vmem>> -> memref<1x128xi32, #tpu.memory_space<vmem>>
      %dma_start3A_126 = tpu.memref_squeeze %dma_start3A_125 : memref<1x128xi32, #tpu.memory_space<vmem>> -> memref<128xi32, #tpu.memory_space<vmem>>
      %dma_start3A_127 = arith.constant 0 : i32
      %dma_start3A_128 = arith.constant 0 : i32
      %dma_start3A_129 = tpu.memref_slice %arg2[%dma_start3A_127, %dma_start3A_128] : memref<10240x128xf32, #tpu.memory_space<hbm>> -> memref<10240x128xf32, #tpu.memory_space<hbm>>
      tpu.enqueue_indirect_dma source(%dma_start3A_129 : memref<10240x128xf32, #tpu.memory_space<hbm>>) target(%arg10 : memref<128x128xf32, #tpu.memory_space<vmem>>) offsets(%dma_start3A_126 : memref<128xi32, #tpu.memory_space<vmem>>) semaphore(%arg13 : memref<!tpu.dma_semaphore, #tpu.memory_space<semaphore_mem>>)
    }
    %scan3A_30 = arith.constant 19 : i32
    %dma_wait3A = arith.constant 38 : i32
    %dma_wait3A_31 = arith.constant 0 : i32
    %dma_wait3A_32 = tpu.memref_slice %arg7[%dma_wait3A, %dma_wait3A_31] : memref<40x128xi32, #tpu.memory_space<vmem>> -> memref<1x128xi32, #tpu.memory_space<vmem>>
    %dma_wait3A_33 = tpu.memref_squeeze %dma_wait3A_32 : memref<1x128xi32, #tpu.memory_space<vmem>> -> memref<128xi32, #tpu.memory_space<vmem>>
    %dma_wait3A_34 = arith.constant 0 : i32
    %dma_wait3A_35 = arith.constant 0 : i32
    %dma_wait3A_36 = tpu.memref_slice %arg2[%dma_wait3A_34, %dma_wait3A_35] : memref<10240x128xf32, #tpu.memory_space<hbm>> -> memref<10240x128xf32, #tpu.memory_space<hbm>>
    tpu.wait_indirect_dma semaphore(%arg12 : memref<!tpu.dma_semaphore, #tpu.memory_space<semaphore_mem>>) src(%dma_wait3A_36 : memref<10240x128xf32, #tpu.memory_space<hbm>>) dst(%arg9 : memref<128x128xf32, #tpu.memory_space<vmem>>)
    %run_scoped3A = arith.constant 38 : i32
    "tpu.region"() ({
      %run_scoped3A_97 = tpu.sem_alloc : memref<!tpu.dma_semaphore, #tpu.memory_space<semaphore_mem>>
      %dma_start3A_98 = arith.constant 0 : i32
      %dma_start3A_99 = tpu.memref_slice %arg8[%run_scoped3A, %dma_start3A_98] : memref<40x128xi32, #tpu.memory_space<vmem>> -> memref<1x128xi32, #tpu.memory_space<vmem>>
      %dma_start3A_100 = tpu.memref_squeeze %dma_start3A_99 : memref<1x128xi32, #tpu.memory_space<vmem>> -> memref<128xi32, #tpu.memory_space<vmem>>
      %dma_start3A_101 = arith.constant 0 : i32
      %dma_start3A_102 = arith.constant 0 : i32
      %dma_start3A_103 = tpu.memref_slice %arg11[%dma_start3A_101, %dma_start3A_102] : memref<10240x128xf32, #tpu.memory_space<vmem_shared>> -> memref<10240x128xf32, #tpu.memory_space<vmem_shared>>
      tpu.enqueue_indirect_dma source(%arg9 : memref<128x128xf32, #tpu.memory_space<vmem>>) target(%dma_start3A_103 : memref<10240x128xf32, #tpu.memory_space<vmem_shared>>) offsets(%dma_start3A_100 : memref<128xi32, #tpu.memory_space<vmem>>) semaphore(%run_scoped3A_97 : memref<!tpu.dma_semaphore, #tpu.memory_space<semaphore_mem>>) {add = true}
      %dma_wait3A_104 = arith.constant 0 : i32
      %dma_wait3A_105 = tpu.memref_slice %arg8[%run_scoped3A, %dma_wait3A_104] : memref<40x128xi32, #tpu.memory_space<vmem>> -> memref<1x128xi32, #tpu.memory_space<vmem>>
      %dma_wait3A_106 = tpu.memref_squeeze %dma_wait3A_105 : memref<1x128xi32, #tpu.memory_space<vmem>> -> memref<128xi32, #tpu.memory_space<vmem>>
      %dma_wait3A_107 = arith.constant 0 : i32
      %dma_wait3A_108 = arith.constant 0 : i32
      %dma_wait3A_109 = tpu.memref_slice %arg11[%dma_wait3A_107, %dma_wait3A_108] : memref<10240x128xf32, #tpu.memory_space<vmem_shared>> -> memref<10240x128xf32, #tpu.memory_space<vmem_shared>>
      tpu.wait_indirect_dma semaphore(%run_scoped3A_97 : memref<!tpu.dma_semaphore, #tpu.memory_space<semaphore_mem>>) src(%arg9 : memref<128x128xf32, #tpu.memory_space<vmem>>) dst(%dma_wait3A_109 : memref<10240x128xf32, #tpu.memory_space<vmem_shared>>)
      tpu.yield
    }) : () -> ()
    %dma_wait3A_37 = arith.constant 39 : i32
    %dma_wait3A_38 = arith.constant 0 : i32
    %dma_wait3A_39 = tpu.memref_slice %arg7[%dma_wait3A_37, %dma_wait3A_38] : memref<40x128xi32, #tpu.memory_space<vmem>> -> memref<1x128xi32, #tpu.memory_space<vmem>>
    %dma_wait3A_40 = tpu.memref_squeeze %dma_wait3A_39 : memref<1x128xi32, #tpu.memory_space<vmem>> -> memref<128xi32, #tpu.memory_space<vmem>>
    %dma_wait3A_41 = arith.constant 0 : i32
    %dma_wait3A_42 = arith.constant 0 : i32
    %dma_wait3A_43 = tpu.memref_slice %arg2[%dma_wait3A_41, %dma_wait3A_42] : memref<10240x128xf32, #tpu.memory_space<hbm>> -> memref<10240x128xf32, #tpu.memory_space<hbm>>
    tpu.wait_indirect_dma semaphore(%arg13 : memref<!tpu.dma_semaphore, #tpu.memory_space<semaphore_mem>>) src(%dma_wait3A_43 : memref<10240x128xf32, #tpu.memory_space<hbm>>) dst(%arg10 : memref<128x128xf32, #tpu.memory_space<vmem>>)
    %run_scoped3A_44 = arith.constant 39 : i32
    "tpu.region"() ({
      %run_scoped3A_97 = tpu.sem_alloc : memref<!tpu.dma_semaphore, #tpu.memory_space<semaphore_mem>>
      %dma_start3A_98 = arith.constant 0 : i32
      %dma_start3A_99 = tpu.memref_slice %arg8[%run_scoped3A_44, %dma_start3A_98] : memref<40x128xi32, #tpu.memory_space<vmem>> -> memref<1x128xi32, #tpu.memory_space<vmem>>
      %dma_start3A_100 = tpu.memref_squeeze %dma_start3A_99 : memref<1x128xi32, #tpu.memory_space<vmem>> -> memref<128xi32, #tpu.memory_space<vmem>>
      %dma_start3A_101 = arith.constant 0 : i32
      %dma_start3A_102 = arith.constant 0 : i32
      %dma_start3A_103 = tpu.memref_slice %arg11[%dma_start3A_101, %dma_start3A_102] : memref<10240x128xf32, #tpu.memory_space<vmem_shared>> -> memref<10240x128xf32, #tpu.memory_space<vmem_shared>>
      tpu.enqueue_indirect_dma source(%arg10 : memref<128x128xf32, #tpu.memory_space<vmem>>) target(%dma_start3A_103 : memref<10240x128xf32, #tpu.memory_space<vmem_shared>>) offsets(%dma_start3A_100 : memref<128xi32, #tpu.memory_space<vmem>>) semaphore(%run_scoped3A_97 : memref<!tpu.dma_semaphore, #tpu.memory_space<semaphore_mem>>) {add = true}
      %dma_wait3A_104 = arith.constant 0 : i32
      %dma_wait3A_105 = tpu.memref_slice %arg8[%run_scoped3A_44, %dma_wait3A_104] : memref<40x128xi32, #tpu.memory_space<vmem>> -> memref<1x128xi32, #tpu.memory_space<vmem>>
      %dma_wait3A_106 = tpu.memref_squeeze %dma_wait3A_105 : memref<1x128xi32, #tpu.memory_space<vmem>> -> memref<128xi32, #tpu.memory_space<vmem>>
      %dma_wait3A_107 = arith.constant 0 : i32
      %dma_wait3A_108 = arith.constant 0 : i32
      %dma_wait3A_109 = tpu.memref_slice %arg11[%dma_wait3A_107, %dma_wait3A_108] : memref<10240x128xf32, #tpu.memory_space<vmem_shared>> -> memref<10240x128xf32, #tpu.memory_space<vmem_shared>>
      tpu.wait_indirect_dma semaphore(%run_scoped3A_97 : memref<!tpu.dma_semaphore, #tpu.memory_space<semaphore_mem>>) src(%arg10 : memref<128x128xf32, #tpu.memory_space<vmem>>) dst(%dma_wait3A_109 : memref<10240x128xf32, #tpu.memory_space<vmem_shared>>)
      tpu.yield
    }) : () -> ()
    %mul3A_45 = arith.constant 2 : i32
    %mul3A_46 = arith.muli %add3A, %mul3A_45 : i32
    %add3A_47 = arith.constant 1 : i32
    %add3A_48 = arith.addi %mul3A_46, %add3A_47 : i32
    "tpu.region"() ({
      %run_scoped3A_97 = tpu.sem_alloc : memref<!tpu.dma_semaphore, #tpu.memory_space<semaphore_mem>>
      %dma_start3A_98 = arith.constant 0 : i32
      %dma_start3A_99 = arith.constant 0 : i32
      %dma_start3A_100 = tpu.memref_slice %arg3[%add3A_48, %dma_start3A_98, %dma_start3A_99] : memref<64x40x128xi32, #tpu.memory_space<hbm>> -> memref<1x40x128xi32, #tpu.memory_space<hbm>>
      %dma_start3A_101 = tpu.memref_squeeze %dma_start3A_100 : memref<1x40x128xi32, #tpu.memory_space<hbm>> -> memref<40x128xi32, #tpu.memory_space<hbm>>
      %dma_start3A_102 = arith.constant 0 : i32
      %dma_start3A_103 = arith.constant 0 : i32
      %dma_start3A_104 = tpu.memref_slice %arg3[%add3A_48, %dma_start3A_102, %dma_start3A_103] : memref<64x40x128xi32, #tpu.memory_space<hbm>> -> memref<1x40x128xi32, #tpu.memory_space<hbm>>
      %dma_start3A_105 = tpu.memref_squeeze %dma_start3A_104 : memref<1x40x128xi32, #tpu.memory_space<hbm>> -> memref<40x128xi32, #tpu.memory_space<hbm>>
      tpu.enqueue_dma source(%dma_start3A_105 : memref<40x128xi32, #tpu.memory_space<hbm>>) target(%arg7 : memref<40x128xi32, #tpu.memory_space<vmem>>) target_semaphore(%run_scoped3A_97 : memref<!tpu.dma_semaphore, #tpu.memory_space<semaphore_mem>>)
      %dma_wait3A_106 = arith.constant 0 : i32
      %dma_wait3A_107 = arith.constant 0 : i32
      %dma_wait3A_108 = tpu.memref_slice %arg3[%add3A_48, %dma_wait3A_106, %dma_wait3A_107] : memref<64x40x128xi32, #tpu.memory_space<hbm>> -> memref<1x40x128xi32, #tpu.memory_space<hbm>>
      %dma_wait3A_109 = tpu.memref_squeeze %dma_wait3A_108 : memref<1x40x128xi32, #tpu.memory_space<hbm>> -> memref<40x128xi32, #tpu.memory_space<hbm>>
      %dma_wait3A_110 = arith.constant 0 : i32
      %dma_wait3A_111 = arith.constant 0 : i32
      %dma_wait3A_112 = tpu.memref_slice %arg3[%add3A_48, %dma_wait3A_110, %dma_wait3A_111] : memref<64x40x128xi32, #tpu.memory_space<hbm>> -> memref<1x40x128xi32, #tpu.memory_space<hbm>>
      %dma_wait3A_113 = tpu.memref_squeeze %dma_wait3A_112 : memref<1x40x128xi32, #tpu.memory_space<hbm>> -> memref<40x128xi32, #tpu.memory_space<hbm>>
      tpu.wait_dma2 semaphore(%run_scoped3A_97 : memref<!tpu.dma_semaphore, #tpu.memory_space<semaphore_mem>>) src(%dma_wait3A_113 : memref<40x128xi32, #tpu.memory_space<hbm>>) dst(%arg7 : memref<40x128xi32, #tpu.memory_space<vmem>>)
      tpu.yield
    }) : () -> ()
    %mul3A_49 = arith.constant 2 : i32
    %mul3A_50 = arith.muli %add3A, %mul3A_49 : i32
    %add3A_51 = arith.constant 1 : i32
    %add3A_52 = arith.addi %mul3A_50, %add3A_51 : i32
    "tpu.region"() ({
      %run_scoped3A_97 = tpu.sem_alloc : memref<!tpu.dma_semaphore, #tpu.memory_space<semaphore_mem>>
      %dma_start3A_98 = arith.constant 0 : i32
      %dma_start3A_99 = arith.constant 0 : i32
      %dma_start3A_100 = tpu.memref_slice %arg4[%add3A_52, %dma_start3A_98, %dma_start3A_99] : memref<64x40x128xi32, #tpu.memory_space<hbm>> -> memref<1x40x128xi32, #tpu.memory_space<hbm>>
      %dma_start3A_101 = tpu.memref_squeeze %dma_start3A_100 : memref<1x40x128xi32, #tpu.memory_space<hbm>> -> memref<40x128xi32, #tpu.memory_space<hbm>>
      %dma_start3A_102 = arith.constant 0 : i32
      %dma_start3A_103 = arith.constant 0 : i32
      %dma_start3A_104 = tpu.memref_slice %arg4[%add3A_52, %dma_start3A_102, %dma_start3A_103] : memref<64x40x128xi32, #tpu.memory_space<hbm>> -> memref<1x40x128xi32, #tpu.memory_space<hbm>>
      %dma_start3A_105 = tpu.memref_squeeze %dma_start3A_104 : memref<1x40x128xi32, #tpu.memory_space<hbm>> -> memref<40x128xi32, #tpu.memory_space<hbm>>
      tpu.enqueue_dma source(%dma_start3A_105 : memref<40x128xi32, #tpu.memory_space<hbm>>) target(%arg8 : memref<40x128xi32, #tpu.memory_space<vmem>>) target_semaphore(%run_scoped3A_97 : memref<!tpu.dma_semaphore, #tpu.memory_space<semaphore_mem>>)
      %dma_wait3A_106 = arith.constant 0 : i32
      %dma_wait3A_107 = arith.constant 0 : i32
      %dma_wait3A_108 = tpu.memref_slice %arg4[%add3A_52, %dma_wait3A_106, %dma_wait3A_107] : memref<64x40x128xi32, #tpu.memory_space<hbm>> -> memref<1x40x128xi32, #tpu.memory_space<hbm>>
      %dma_wait3A_109 = tpu.memref_squeeze %dma_wait3A_108 : memref<1x40x128xi32, #tpu.memory_space<hbm>> -> memref<40x128xi32, #tpu.memory_space<hbm>>
      %dma_wait3A_110 = arith.constant 0 : i32
      %dma_wait3A_111 = arith.constant 0 : i32
      %dma_wait3A_112 = tpu.memref_slice %arg4[%add3A_52, %dma_wait3A_110, %dma_wait3A_111] : memref<64x40x128xi32, #tpu.memory_space<hbm>> -> memref<1x40x128xi32, #tpu.memory_space<hbm>>
      %dma_wait3A_113 = tpu.memref_squeeze %dma_wait3A_112 : memref<1x40x128xi32, #tpu.memory_space<hbm>> -> memref<40x128xi32, #tpu.memory_space<hbm>>
      tpu.wait_dma2 semaphore(%run_scoped3A_97 : memref<!tpu.dma_semaphore, #tpu.memory_space<semaphore_mem>>) src(%dma_wait3A_113 : memref<40x128xi32, #tpu.memory_space<hbm>>) dst(%arg8 : memref<40x128xi32, #tpu.memory_space<vmem>>)
      tpu.yield
    }) : () -> ()
    %dma_start3A_53 = arith.constant 0 : i32
    %dma_start3A_54 = arith.constant 0 : i32
    %dma_start3A_55 = tpu.memref_slice %arg7[%dma_start3A_53, %dma_start3A_54] : memref<40x128xi32, #tpu.memory_space<vmem>> -> memref<1x128xi32, #tpu.memory_space<vmem>>
    %dma_start3A_56 = tpu.memref_squeeze %dma_start3A_55 : memref<1x128xi32, #tpu.memory_space<vmem>> -> memref<128xi32, #tpu.memory_space<vmem>>
    %dma_start3A_57 = arith.constant 0 : i32
    %dma_start3A_58 = arith.constant 0 : i32
    %dma_start3A_59 = tpu.memref_slice %arg2[%dma_start3A_57, %dma_start3A_58] : memref<10240x128xf32, #tpu.memory_space<hbm>> -> memref<10240x128xf32, #tpu.memory_space<hbm>>
    tpu.enqueue_indirect_dma source(%dma_start3A_59 : memref<10240x128xf32, #tpu.memory_space<hbm>>) target(%arg9 : memref<128x128xf32, #tpu.memory_space<vmem>>) offsets(%dma_start3A_56 : memref<128xi32, #tpu.memory_space<vmem>>) semaphore(%arg12 : memref<!tpu.dma_semaphore, #tpu.memory_space<semaphore_mem>>)
    %dma_start3A_60 = arith.constant 1 : i32
    %dma_start3A_61 = arith.constant 0 : i32
    %dma_start3A_62 = tpu.memref_slice %arg7[%dma_start3A_60, %dma_start3A_61] : memref<40x128xi32, #tpu.memory_space<vmem>> -> memref<1x128xi32, #tpu.memory_space<vmem>>
    %dma_start3A_63 = tpu.memref_squeeze %dma_start3A_62 : memref<1x128xi32, #tpu.memory_space<vmem>> -> memref<128xi32, #tpu.memory_space<vmem>>
    %dma_start3A_64 = arith.constant 0 : i32
    %dma_start3A_65 = arith.constant 0 : i32
    %dma_start3A_66 = tpu.memref_slice %arg2[%dma_start3A_64, %dma_start3A_65] : memref<10240x128xf32, #tpu.memory_space<hbm>> -> memref<10240x128xf32, #tpu.memory_space<hbm>>
    tpu.enqueue_indirect_dma source(%dma_start3A_66 : memref<10240x128xf32, #tpu.memory_space<hbm>>) target(%arg10 : memref<128x128xf32, #tpu.memory_space<vmem>>) offsets(%dma_start3A_63 : memref<128xi32, #tpu.memory_space<vmem>>) semaphore(%arg13 : memref<!tpu.dma_semaphore, #tpu.memory_space<semaphore_mem>>)
    %scan3A_67 = arith.constant 0 : i32
    %scan3A_68 = arith.constant 0 : i32
    %scan3A_69 = arith.constant 19 : i32
    %scan3A_70 = arith.addi %scan3A_68, %scan3A_69 : i32
    %scan3A_71 = arith.constant 1 : i32
    scf.for %scan3A_97 = %scan3A_68 to %scan3A_70 step %scan3A_71  : i32 {
      %mul3A_98 = arith.constant 2 : i32
      %mul3A_99 = arith.muli %mul3A_98, %scan3A_97 : i32
      %dma_wait3A_100 = arith.constant 0 : i32
      %dma_wait3A_101 = tpu.memref_slice %arg7[%mul3A_99, %dma_wait3A_100] : memref<40x128xi32, #tpu.memory_space<vmem>> -> memref<1x128xi32, #tpu.memory_space<vmem>>
      %dma_wait3A_102 = tpu.memref_squeeze %dma_wait3A_101 : memref<1x128xi32, #tpu.memory_space<vmem>> -> memref<128xi32, #tpu.memory_space<vmem>>
      %dma_wait3A_103 = arith.constant 0 : i32
      %dma_wait3A_104 = arith.constant 0 : i32
      %dma_wait3A_105 = tpu.memref_slice %arg2[%dma_wait3A_103, %dma_wait3A_104] : memref<10240x128xf32, #tpu.memory_space<hbm>> -> memref<10240x128xf32, #tpu.memory_space<hbm>>
      tpu.wait_indirect_dma semaphore(%arg12 : memref<!tpu.dma_semaphore, #tpu.memory_space<semaphore_mem>>) src(%dma_wait3A_105 : memref<10240x128xf32, #tpu.memory_space<hbm>>) dst(%arg9 : memref<128x128xf32, #tpu.memory_space<vmem>>)
      "tpu.region"() ({
        %run_scoped3A_130 = tpu.sem_alloc : memref<!tpu.dma_semaphore, #tpu.memory_space<semaphore_mem>>
        %dma_start3A_131 = arith.constant 0 : i32
        %dma_start3A_132 = tpu.memref_slice %arg8[%mul3A_99, %dma_start3A_131] : memref<40x128xi32, #tpu.memory_space<vmem>> -> memref<1x128xi32, #tpu.memory_space<vmem>>
        %dma_start3A_133 = tpu.memref_squeeze %dma_start3A_132 : memref<1x128xi32, #tpu.memory_space<vmem>> -> memref<128xi32, #tpu.memory_space<vmem>>
        %dma_start3A_134 = arith.constant 0 : i32
        %dma_start3A_135 = arith.constant 0 : i32
        %dma_start3A_136 = tpu.memref_slice %arg11[%dma_start3A_134, %dma_start3A_135] : memref<10240x128xf32, #tpu.memory_space<vmem_shared>> -> memref<10240x128xf32, #tpu.memory_space<vmem_shared>>
        tpu.enqueue_indirect_dma source(%arg9 : memref<128x128xf32, #tpu.memory_space<vmem>>) target(%dma_start3A_136 : memref<10240x128xf32, #tpu.memory_space<vmem_shared>>) offsets(%dma_start3A_133 : memref<128xi32, #tpu.memory_space<vmem>>) semaphore(%run_scoped3A_130 : memref<!tpu.dma_semaphore, #tpu.memory_space<semaphore_mem>>) {add = true}
        %dma_wait3A_137 = arith.constant 0 : i32
        %dma_wait3A_138 = tpu.memref_slice %arg8[%mul3A_99, %dma_wait3A_137] : memref<40x128xi32, #tpu.memory_space<vmem>> -> memref<1x128xi32, #tpu.memory_space<vmem>>
        %dma_wait3A_139 = tpu.memref_squeeze %dma_wait3A_138 : memref<1x128xi32, #tpu.memory_space<vmem>> -> memref<128xi32, #tpu.memory_space<vmem>>
        %dma_wait3A_140 = arith.constant 0 : i32
        %dma_wait3A_141 = arith.constant 0 : i32
        %dma_wait3A_142 = tpu.memref_slice %arg11[%dma_wait3A_140, %dma_wait3A_141] : memref<10240x128xf32, #tpu.memory_space<vmem_shared>> -> memref<10240x128xf32, #tpu.memory_space<vmem_shared>>
        tpu.wait_indirect_dma semaphore(%run_scoped3A_130 : memref<!tpu.dma_semaphore, #tpu.memory_space<semaphore_mem>>) src(%arg9 : memref<128x128xf32, #tpu.memory_space<vmem>>) dst(%dma_wait3A_142 : memref<10240x128xf32, #tpu.memory_space<vmem_shared>>)
        tpu.yield
      }) : () -> ()
      %add3A_106 = arith.constant 2 : i32
      %add3A_107 = arith.addi %mul3A_99, %add3A_106 : i32
      %dma_start3A_108 = arith.constant 0 : i32
      %dma_start3A_109 = tpu.memref_slice %arg7[%add3A_107, %dma_start3A_108] : memref<40x128xi32, #tpu.memory_space<vmem>> -> memref<1x128xi32, #tpu.memory_space<vmem>>
      %dma_start3A_110 = tpu.memref_squeeze %dma_start3A_109 : memref<1x128xi32, #tpu.memory_space<vmem>> -> memref<128xi32, #tpu.memory_space<vmem>>
      %dma_start3A_111 = arith.constant 0 : i32
      %dma_start3A_112 = arith.constant 0 : i32
      %dma_start3A_113 = tpu.memref_slice %arg2[%dma_start3A_111, %dma_start3A_112] : memref<10240x128xf32, #tpu.memory_space<hbm>> -> memref<10240x128xf32, #tpu.memory_space<hbm>>
      tpu.enqueue_indirect_dma source(%dma_start3A_113 : memref<10240x128xf32, #tpu.memory_space<hbm>>) target(%arg9 : memref<128x128xf32, #tpu.memory_space<vmem>>) offsets(%dma_start3A_110 : memref<128xi32, #tpu.memory_space<vmem>>) semaphore(%arg12 : memref<!tpu.dma_semaphore, #tpu.memory_space<semaphore_mem>>)
      %add3A_114 = arith.constant 1 : i32
      %add3A_115 = arith.addi %mul3A_99, %add3A_114 : i32
      %dma_wait3A_116 = arith.constant 0 : i32
      %dma_wait3A_117 = tpu.memref_slice %arg7[%add3A_115, %dma_wait3A_116] : memref<40x128xi32, #tpu.memory_space<vmem>> -> memref<1x128xi32, #tpu.memory_space<vmem>>
      %dma_wait3A_118 = tpu.memref_squeeze %dma_wait3A_117 : memref<1x128xi32, #tpu.memory_space<vmem>> -> memref<128xi32, #tpu.memory_space<vmem>>
      %dma_wait3A_119 = arith.constant 0 : i32
      %dma_wait3A_120 = arith.constant 0 : i32
      %dma_wait3A_121 = tpu.memref_slice %arg2[%dma_wait3A_119, %dma_wait3A_120] : memref<10240x128xf32, #tpu.memory_space<hbm>> -> memref<10240x128xf32, #tpu.memory_space<hbm>>
      tpu.wait_indirect_dma semaphore(%arg13 : memref<!tpu.dma_semaphore, #tpu.memory_space<semaphore_mem>>) src(%dma_wait3A_121 : memref<10240x128xf32, #tpu.memory_space<hbm>>) dst(%arg10 : memref<128x128xf32, #tpu.memory_space<vmem>>)
      "tpu.region"() ({
        %run_scoped3A_130 = tpu.sem_alloc : memref<!tpu.dma_semaphore, #tpu.memory_space<semaphore_mem>>
        %dma_start3A_131 = arith.constant 0 : i32
        %dma_start3A_132 = tpu.memref_slice %arg8[%add3A_115, %dma_start3A_131] : memref<40x128xi32, #tpu.memory_space<vmem>> -> memref<1x128xi32, #tpu.memory_space<vmem>>
        %dma_start3A_133 = tpu.memref_squeeze %dma_start3A_132 : memref<1x128xi32, #tpu.memory_space<vmem>> -> memref<128xi32, #tpu.memory_space<vmem>>
        %dma_start3A_134 = arith.constant 0 : i32
        %dma_start3A_135 = arith.constant 0 : i32
        %dma_start3A_136 = tpu.memref_slice %arg11[%dma_start3A_134, %dma_start3A_135] : memref<10240x128xf32, #tpu.memory_space<vmem_shared>> -> memref<10240x128xf32, #tpu.memory_space<vmem_shared>>
        tpu.enqueue_indirect_dma source(%arg10 : memref<128x128xf32, #tpu.memory_space<vmem>>) target(%dma_start3A_136 : memref<10240x128xf32, #tpu.memory_space<vmem_shared>>) offsets(%dma_start3A_133 : memref<128xi32, #tpu.memory_space<vmem>>) semaphore(%run_scoped3A_130 : memref<!tpu.dma_semaphore, #tpu.memory_space<semaphore_mem>>) {add = true}
        %dma_wait3A_137 = arith.constant 0 : i32
        %dma_wait3A_138 = tpu.memref_slice %arg8[%add3A_115, %dma_wait3A_137] : memref<40x128xi32, #tpu.memory_space<vmem>> -> memref<1x128xi32, #tpu.memory_space<vmem>>
        %dma_wait3A_139 = tpu.memref_squeeze %dma_wait3A_138 : memref<1x128xi32, #tpu.memory_space<vmem>> -> memref<128xi32, #tpu.memory_space<vmem>>
        %dma_wait3A_140 = arith.constant 0 : i32
        %dma_wait3A_141 = arith.constant 0 : i32
        %dma_wait3A_142 = tpu.memref_slice %arg11[%dma_wait3A_140, %dma_wait3A_141] : memref<10240x128xf32, #tpu.memory_space<vmem_shared>> -> memref<10240x128xf32, #tpu.memory_space<vmem_shared>>
        tpu.wait_indirect_dma semaphore(%run_scoped3A_130 : memref<!tpu.dma_semaphore, #tpu.memory_space<semaphore_mem>>) src(%arg10 : memref<128x128xf32, #tpu.memory_space<vmem>>) dst(%dma_wait3A_142 : memref<10240x128xf32, #tpu.memory_space<vmem_shared>>)
        tpu.yield
      }) : () -> ()
      %add3A_122 = arith.constant 2 : i32
      %add3A_123 = arith.addi %add3A_115, %add3A_122 : i32
      %dma_start3A_124 = arith.constant 0 : i32
      %dma_start3A_125 = tpu.memref_slice %arg7[%add3A_123, %dma_start3A_124] : memref<40x128xi32, #tpu.memory_space<vmem>> -> memref<1x128xi32, #tpu.memory_space<vmem>>
      %dma_start3A_126 = tpu.memref_squeeze %dma_start3A_125 : memref<1x128xi32, #tpu.memory_space<vmem>> -> memref<128xi32, #tpu.memory_space<vmem>>
      %dma_start3A_127 = arith.constant 0 : i32
      %dma_start3A_128 = arith.constant 0 : i32
      %dma_start3A_129 = tpu.memref_slice %arg2[%dma_start3A_127, %dma_start3A_128] : memref<10240x128xf32, #tpu.memory_space<hbm>> -> memref<10240x128xf32, #tpu.memory_space<hbm>>
      tpu.enqueue_indirect_dma source(%dma_start3A_129 : memref<10240x128xf32, #tpu.memory_space<hbm>>) target(%arg10 : memref<128x128xf32, #tpu.memory_space<vmem>>) offsets(%dma_start3A_126 : memref<128xi32, #tpu.memory_space<vmem>>) semaphore(%arg13 : memref<!tpu.dma_semaphore, #tpu.memory_space<semaphore_mem>>)
    }
    %scan3A_72 = arith.constant 19 : i32
    %dma_wait3A_73 = arith.constant 38 : i32
    %dma_wait3A_74 = arith.constant 0 : i32
    %dma_wait3A_75 = tpu.memref_slice %arg7[%dma_wait3A_73, %dma_wait3A_74] : memref<40x128xi32, #tpu.memory_space<vmem>> -> memref<1x128xi32, #tpu.memory_space<vmem>>
    %dma_wait3A_76 = tpu.memref_squeeze %dma_wait3A_75 : memref<1x128xi32, #tpu.memory_space<vmem>> -> memref<128xi32, #tpu.memory_space<vmem>>
    %dma_wait3A_77 = arith.constant 0 : i32
    %dma_wait3A_78 = arith.constant 0 : i32
    %dma_wait3A_79 = tpu.memref_slice %arg2[%dma_wait3A_77, %dma_wait3A_78] : memref<10240x128xf32, #tpu.memory_space<hbm>> -> memref<10240x128xf32, #tpu.memory_space<hbm>>
    tpu.wait_indirect_dma semaphore(%arg12 : memref<!tpu.dma_semaphore, #tpu.memory_space<semaphore_mem>>) src(%dma_wait3A_79 : memref<10240x128xf32, #tpu.memory_space<hbm>>) dst(%arg9 : memref<128x128xf32, #tpu.memory_space<vmem>>)
    %run_scoped3A_80 = arith.constant 38 : i32
    "tpu.region"() ({
      %run_scoped3A_97 = tpu.sem_alloc : memref<!tpu.dma_semaphore, #tpu.memory_space<semaphore_mem>>
      %dma_start3A_98 = arith.constant 0 : i32
      %dma_start3A_99 = tpu.memref_slice %arg8[%run_scoped3A_80, %dma_start3A_98] : memref<40x128xi32, #tpu.memory_space<vmem>> -> memref<1x128xi32, #tpu.memory_space<vmem>>
      %dma_start3A_100 = tpu.memref_squeeze %dma_start3A_99 : memref<1x128xi32, #tpu.memory_space<vmem>> -> memref<128xi32, #tpu.memory_space<vmem>>
      %dma_start3A_101 = arith.constant 0 : i32
      %dma_start3A_102 = arith.constant 0 : i32
      %dma_start3A_103 = tpu.memref_slice %arg11[%dma_start3A_101, %dma_start3A_102] : memref<10240x128xf32, #tpu.memory_space<vmem_shared>> -> memref<10240x128xf32, #tpu.memory_space<vmem_shared>>
      tpu.enqueue_indirect_dma source(%arg9 : memref<128x128xf32, #tpu.memory_space<vmem>>) target(%dma_start3A_103 : memref<10240x128xf32, #tpu.memory_space<vmem_shared>>) offsets(%dma_start3A_100 : memref<128xi32, #tpu.memory_space<vmem>>) semaphore(%run_scoped3A_97 : memref<!tpu.dma_semaphore, #tpu.memory_space<semaphore_mem>>) {add = true}
      %dma_wait3A_104 = arith.constant 0 : i32
      %dma_wait3A_105 = tpu.memref_slice %arg8[%run_scoped3A_80, %dma_wait3A_104] : memref<40x128xi32, #tpu.memory_space<vmem>> -> memref<1x128xi32, #tpu.memory_space<vmem>>
      %dma_wait3A_106 = tpu.memref_squeeze %dma_wait3A_105 : memref<1x128xi32, #tpu.memory_space<vmem>> -> memref<128xi32, #tpu.memory_space<vmem>>
      %dma_wait3A_107 = arith.constant 0 : i32
      %dma_wait3A_108 = arith.constant 0 : i32
      %dma_wait3A_109 = tpu.memref_slice %arg11[%dma_wait3A_107, %dma_wait3A_108] : memref<10240x128xf32, #tpu.memory_space<vmem_shared>> -> memref<10240x128xf32, #tpu.memory_space<vmem_shared>>
      tpu.wait_indirect_dma semaphore(%run_scoped3A_97 : memref<!tpu.dma_semaphore, #tpu.memory_space<semaphore_mem>>) src(%arg9 : memref<128x128xf32, #tpu.memory_space<vmem>>) dst(%dma_wait3A_109 : memref<10240x128xf32, #tpu.memory_space<vmem_shared>>)
      tpu.yield
    }) : () -> ()
    %dma_wait3A_81 = arith.constant 39 : i32
    %dma_wait3A_82 = arith.constant 0 : i32
    %dma_wait3A_83 = tpu.memref_slice %arg7[%dma_wait3A_81, %dma_wait3A_82] : memref<40x128xi32, #tpu.memory_space<vmem>> -> memref<1x128xi32, #tpu.memory_space<vmem>>
    %dma_wait3A_84 = tpu.memref_squeeze %dma_wait3A_83 : memref<1x128xi32, #tpu.memory_space<vmem>> -> memref<128xi32, #tpu.memory_space<vmem>>
    %dma_wait3A_85 = arith.constant 0 : i32
    %dma_wait3A_86 = arith.constant 0 : i32
    %dma_wait3A_87 = tpu.memref_slice %arg2[%dma_wait3A_85, %dma_wait3A_86] : memref<10240x128xf32, #tpu.memory_space<hbm>> -> memref<10240x128xf32, #tpu.memory_space<hbm>>
    tpu.wait_indirect_dma semaphore(%arg13 : memref<!tpu.dma_semaphore, #tpu.memory_space<semaphore_mem>>) src(%dma_wait3A_87 : memref<10240x128xf32, #tpu.memory_space<hbm>>) dst(%arg10 : memref<128x128xf32, #tpu.memory_space<vmem>>)
    %run_scoped3A_88 = arith.constant 39 : i32
    "tpu.region"() ({
      %run_scoped3A_97 = tpu.sem_alloc : memref<!tpu.dma_semaphore, #tpu.memory_space<semaphore_mem>>
      %dma_start3A_98 = arith.constant 0 : i32
      %dma_start3A_99 = tpu.memref_slice %arg8[%run_scoped3A_88, %dma_start3A_98] : memref<40x128xi32, #tpu.memory_space<vmem>> -> memref<1x128xi32, #tpu.memory_space<vmem>>
      %dma_start3A_100 = tpu.memref_squeeze %dma_start3A_99 : memref<1x128xi32, #tpu.memory_space<vmem>> -> memref<128xi32, #tpu.memory_space<vmem>>
      %dma_start3A_101 = arith.constant 0 : i32
      %dma_start3A_102 = arith.constant 0 : i32
      %dma_start3A_103 = tpu.memref_slice %arg11[%dma_start3A_101, %dma_start3A_102] : memref<10240x128xf32, #tpu.memory_space<vmem_shared>> -> memref<10240x128xf32, #tpu.memory_space<vmem_shared>>
      tpu.enqueue_indirect_dma source(%arg10 : memref<128x128xf32, #tpu.memory_space<vmem>>) target(%dma_start3A_103 : memref<10240x128xf32, #tpu.memory_space<vmem_shared>>) offsets(%dma_start3A_100 : memref<128xi32, #tpu.memory_space<vmem>>) semaphore(%run_scoped3A_97 : memref<!tpu.dma_semaphore, #tpu.memory_space<semaphore_mem>>) {add = true}
      %dma_wait3A_104 = arith.constant 0 : i32
      %dma_wait3A_105 = tpu.memref_slice %arg8[%run_scoped3A_88, %dma_wait3A_104] : memref<40x128xi32, #tpu.memory_space<vmem>> -> memref<1x128xi32, #tpu.memory_space<vmem>>
      %dma_wait3A_106 = tpu.memref_squeeze %dma_wait3A_105 : memref<1x128xi32, #tpu.memory_space<vmem>> -> memref<128xi32, #tpu.memory_space<vmem>>
      %dma_wait3A_107 = arith.constant 0 : i32
      %dma_wait3A_108 = arith.constant 0 : i32
      %dma_wait3A_109 = tpu.memref_slice %arg11[%dma_wait3A_107, %dma_wait3A_108] : memref<10240x128xf32, #tpu.memory_space<vmem_shared>> -> memref<10240x128xf32, #tpu.memory_space<vmem_shared>>
      tpu.wait_indirect_dma semaphore(%run_scoped3A_97 : memref<!tpu.dma_semaphore, #tpu.memory_space<semaphore_mem>>) src(%arg10 : memref<128x128xf32, #tpu.memory_space<vmem>>) dst(%dma_wait3A_109 : memref<10240x128xf32, #tpu.memory_space<vmem_shared>>)
      tpu.yield
    }) : () -> ()
    %barrier3A_89 = arith.constant 0 : index
    tpu.barrier barrier_id(%barrier3A_89)
    %mul3A_90 = arith.constant 640 : i32
    %mul3A_91 = arith.muli %arg1, %mul3A_90 : i32
    %mul3A_92 = arith.constant 10240 : i32
    %mul3A_93 = arith.muli %arg0, %mul3A_92 : i32
    %mul3A_94 = arith.constant 640 : i32
    %mul3A_95 = arith.muli %arg1, %mul3A_94 : i32
    %add3A_96 = arith.addi %mul3A_93, %mul3A_95 : i32
    "tpu.region"() ({
      %run_scoped3A_97 = tpu.sem_alloc : memref<!tpu.dma_semaphore, #tpu.memory_space<semaphore_mem>>
      %dma_start3A_98 = arith.constant 0 : i32
      %dma_start3A_99 = tpu.memref_slice %arg6[%add3A_96, %dma_start3A_98] : memref<20480x128xf32, #tpu.memory_space<hbm>> -> memref<640x128xf32, #tpu.memory_space<hbm>>
      %dma_start3A_100 = arith.constant 0 : i32
      %dma_start3A_101 = tpu.memref_slice %arg11[%mul3A_91, %dma_start3A_100] : memref<10240x128xf32, #tpu.memory_space<vmem_shared>> -> memref<640x128xf32, #tpu.memory_space<vmem_shared>>
      tpu.enqueue_dma source(%dma_start3A_101 : memref<640x128xf32, #tpu.memory_space<vmem_shared>>) target(%dma_start3A_99 : memref<640x128xf32, #tpu.memory_space<hbm>>) target_semaphore(%run_scoped3A_97 : memref<!tpu.dma_semaphore, #tpu.memory_space<semaphore_mem>>)
      %dma_wait3A_102 = arith.constant 0 : i32
      %dma_wait3A_103 = tpu.memref_slice %arg6[%add3A_96, %dma_wait3A_102] : memref<20480x128xf32, #tpu.memory_space<hbm>> -> memref<640x128xf32, #tpu.memory_space<hbm>>
      %dma_wait3A_104 = arith.constant 0 : i32
      %dma_wait3A_105 = tpu.memref_slice %arg11[%mul3A_91, %dma_wait3A_104] : memref<10240x128xf32, #tpu.memory_space<vmem_shared>> -> memref<640x128xf32, #tpu.memory_space<vmem_shared>>
      tpu.wait_dma2 semaphore(%run_scoped3A_97 : memref<!tpu.dma_semaphore, #tpu.memory_space<semaphore_mem>>) src(%dma_wait3A_105 : memref<640x128xf32, #tpu.memory_space<vmem_shared>>) dst(%dma_wait3A_103 : memref<640x128xf32, #tpu.memory_space<hbm>>)
      tpu.yield
    }) : () -> ()
    return
  }
}

module attributes {stable_mosaic.version = 14 : i64} {
  func.func @_layer_tc_body(%arg0: memref<10240x128xf32, #tpu.memory_space<vmem>>, %arg1: memref<20480x128xf32, #tpu.memory_space<vmem>>, %arg2: memref<128x128xf32, #tpu.memory_space<vmem>>, %arg3: memref<1x128xf32, #tpu.memory_space<vmem>>, %arg4: memref<1x128xf32, #tpu.memory_space<vmem>>, %arg5: memref<1x128xf32, #tpu.memory_space<vmem>>, %arg6: memref<10240x128xf32, #tpu.memory_space<vmem>>) attributes {dimension_semantics = [], scalar_prefetch = 0 : i64, scratch_operands = 0 : i64, tpu.core_type = #tpu.core_type<tc>} {
    %get3A = arith.constant 0 : index
    %get3A_0 = arith.constant 0 : index
    %get3A_1 = vector.load %arg0[%get3A, %get3A_0] : memref<10240x128xf32, #tpu.memory_space<vmem>>, vector<10000x128xf32>
    %get3A_2 = arith.constant 0 : index
    %get3A_3 = arith.constant 0 : index
    %get3A_4 = vector.load %arg1[%get3A_2, %get3A_3] : memref<20480x128xf32, #tpu.memory_space<vmem>>, vector<10000x128xf32>
    %get3A_5 = arith.constant 10240 : index
    %get3A_6 = arith.constant 0 : index
    %get3A_7 = vector.load %arg1[%get3A_5, %get3A_6] : memref<20480x128xf32, #tpu.memory_space<vmem>>, vector<10000x128xf32>
    %add3A = arith.addf %get3A_4, %get3A_7 : vector<10000x128xf32>
    %mul3A = arith.constant 1.500000e+00 : f32
    %mul3A_8 = vector.broadcast %mul3A : f32 to vector<10000x128xf32>
    %mul3A_9 = arith.mulf %mul3A_8, %get3A_1 : vector<10000x128xf32>
    %add3A_10 = arith.addf %mul3A_9, %add3A : vector<10000x128xf32>
    %get3A_11 = arith.constant 0 : index
    %get3A_12 = arith.constant 0 : index
    %get3A_13 = vector.load %arg2[%get3A_11, %get3A_12] : memref<128x128xf32, #tpu.memory_space<vmem>>, vector<128x128xf32>
    %dot_general3A = arith.constant dense<0.000000e+00> : vector<10000x128xf32>
    %dot_general3A_14 = tpu.matmul %add3A_10, %get3A_13, %dot_general3A {dimension_numbers = #tpu.dot_dimension_numbers<[1], [0], [0], [1], [0, 0, 1, 1], [], []>, transpose_lhs_hint = false} : vector<10000x128xf32>, vector<128x128xf32>, vector<10000x128xf32> -> vector<10000x128xf32>
    %get3A_15 = arith.constant 0 : index
    %get3A_16 = arith.constant 0 : index
    %get3A_17 = vector.load %arg3[%get3A_15, %get3A_16] : memref<1x128xf32, #tpu.memory_space<vmem>>, vector<1x128xf32>
    %add3A_18 = vector.broadcast %get3A_17 : vector<1x128xf32> to vector<10000x128xf32>
    %add3A_19 = arith.addf %dot_general3A_14, %add3A_18 : vector<10000x128xf32>
    %reduce_sum3A = arith.constant dense<0.000000e+00> : vector<128xf32>
    %reduce_sum3A_20 = vector.multi_reduction <add>, %add3A_19, %reduce_sum3A [0] : vector<10000x128xf32> to vector<128xf32>
    %broadcast_in_dim3A = vector.shape_cast %reduce_sum3A_20 : vector<128xf32> to vector<1x128xf32>
    %div3A = arith.constant 1.000000e+04 : f32
    %div3A_21 = vector.broadcast %div3A : f32 to vector<1x128xf32>
    %div3A_22 = arith.divf %broadcast_in_dim3A, %div3A_21 : vector<1x128xf32>
    %sub3A = vector.broadcast %div3A_22 : vector<1x128xf32> to vector<10000x128xf32>
    %sub3A_23 = arith.subf %add3A_19, %sub3A : vector<10000x128xf32>
    %mul3A_24 = arith.mulf %sub3A_23, %sub3A_23 : vector<10000x128xf32>
    %reduce_sum3A_25 = arith.constant dense<0.000000e+00> : vector<128xf32>
    %reduce_sum3A_26 = vector.multi_reduction <add>, %mul3A_24, %reduce_sum3A_25 [0] : vector<10000x128xf32> to vector<128xf32>
    %broadcast_in_dim3A_27 = vector.shape_cast %reduce_sum3A_26 : vector<128xf32> to vector<1x128xf32>
    %div3A_28 = arith.constant 1.000000e+04 : f32
    %div3A_29 = vector.broadcast %div3A_28 : f32 to vector<1x128xf32>
    %div3A_30 = arith.divf %broadcast_in_dim3A_27, %div3A_29 : vector<1x128xf32>
    %add3A_31 = arith.constant 9.99999974E-6 : f32
    %add3A_32 = vector.broadcast %add3A_31 : f32 to vector<1x128xf32>
    %add3A_33 = arith.addf %div3A_30, %add3A_32 : vector<1x128xf32>
    %rsqrt3A = math.rsqrt %add3A_33 : vector<1x128xf32>
    %mul3A_34 = vector.broadcast %rsqrt3A : vector<1x128xf32> to vector<10000x128xf32>
    %mul3A_35 = arith.mulf %sub3A_23, %mul3A_34 : vector<10000x128xf32>
    %get3A_36 = arith.constant 0 : index
    %get3A_37 = arith.constant 0 : index
    %get3A_38 = vector.load %arg4[%get3A_36, %get3A_37] : memref<1x128xf32, #tpu.memory_space<vmem>>, vector<1x128xf32>
    %mul3A_39 = vector.broadcast %get3A_38 : vector<1x128xf32> to vector<10000x128xf32>
    %mul3A_40 = arith.mulf %mul3A_35, %mul3A_39 : vector<10000x128xf32>
    %get3A_41 = arith.constant 0 : index
    %get3A_42 = arith.constant 0 : index
    %get3A_43 = vector.load %arg5[%get3A_41, %get3A_42] : memref<1x128xf32, #tpu.memory_space<vmem>>, vector<1x128xf32>
    %add3A_44 = vector.broadcast %get3A_43 : vector<1x128xf32> to vector<10000x128xf32>
    %add3A_45 = arith.addf %mul3A_40, %add3A_44 : vector<10000x128xf32>
    %max3A = arith.constant 0.000000e+00 : f32
    %max3A_46 = vector.broadcast %max3A : f32 to vector<10000x128xf32>
    %max3A_47 = arith.maximumf %add3A_45, %max3A_46 : vector<10000x128xf32>
    %swap3A = arith.constant 0 : index
    %swap3A_48 = arith.constant 0 : index
    %swap3A_49 = vector.load %arg6[%swap3A, %swap3A_48] : memref<10240x128xf32, #tpu.memory_space<vmem>>, vector<10000x128xf32>
    tpu.vector_store %arg6[%swap3A, %swap3A_48], %max3A_47 {strides = array<i32>} : memref<10240x128xf32, #tpu.memory_space<vmem>>, vector<10000x128xf32>,
    return
  }
}

module attributes {stable_mosaic.version = 14 : i64} {
  func.func @_last_layer_pool_body(%arg0: memref<10240x128xf32, #tpu.memory_space<vmem>>, %arg1: memref<20480x128xf32, #tpu.memory_space<vmem>>, %arg2: memref<128x128xf32, #tpu.memory_space<vmem>>, %arg3: memref<1x128xf32, #tpu.memory_space<vmem>>, %arg4: memref<1x128xf32, #tpu.memory_space<vmem>>, %arg5: memref<1x128xf32, #tpu.memory_space<vmem>>, %arg6: memref<1x10000xi32, #tpu.memory_space<vmem>>, %arg7: memref<128x128xf32, #tpu.memory_space<vmem>>, %arg8: memref<1x128xf32, #tpu.memory_space<vmem>>, %arg9: memref<128x128xf32, #tpu.memory_space<vmem>>) attributes {dimension_semantics = [], scalar_prefetch = 0 : i64, scratch_operands = 0 : i64, tpu.core_type = #tpu.core_type<tc>} {
    %get3A = arith.constant 0 : index
    %get3A_0 = arith.constant 0 : index
    %get3A_1 = vector.load %arg0[%get3A, %get3A_0] : memref<10240x128xf32, #tpu.memory_space<vmem>>, vector<10000x128xf32>
    %get3A_2 = arith.constant 0 : index
    %get3A_3 = arith.constant 0 : index
    %get3A_4 = vector.load %arg1[%get3A_2, %get3A_3] : memref<20480x128xf32, #tpu.memory_space<vmem>>, vector<10000x128xf32>
    %get3A_5 = arith.constant 10240 : index
    %get3A_6 = arith.constant 0 : index
    %get3A_7 = vector.load %arg1[%get3A_5, %get3A_6] : memref<20480x128xf32, #tpu.memory_space<vmem>>, vector<10000x128xf32>
    %add3A = arith.addf %get3A_4, %get3A_7 : vector<10000x128xf32>
    %mul3A = arith.constant 1.500000e+00 : f32
    %mul3A_8 = vector.broadcast %mul3A : f32 to vector<10000x128xf32>
    %mul3A_9 = arith.mulf %mul3A_8, %get3A_1 : vector<10000x128xf32>
    %add3A_10 = arith.addf %mul3A_9, %add3A : vector<10000x128xf32>
    %get3A_11 = arith.constant 0 : index
    %get3A_12 = arith.constant 0 : index
    %get3A_13 = vector.load %arg2[%get3A_11, %get3A_12] : memref<128x128xf32, #tpu.memory_space<vmem>>, vector<128x128xf32>
    %dot_general3A = arith.constant dense<0.000000e+00> : vector<10000x128xf32>
    %dot_general3A_14 = tpu.matmul %add3A_10, %get3A_13, %dot_general3A {dimension_numbers = #tpu.dot_dimension_numbers<[1], [0], [0], [1], [0, 0, 1, 1], [], []>, transpose_lhs_hint = false} : vector<10000x128xf32>, vector<128x128xf32>, vector<10000x128xf32> -> vector<10000x128xf32>
    %get3A_15 = arith.constant 0 : index
    %get3A_16 = arith.constant 0 : index
    %get3A_17 = vector.load %arg3[%get3A_15, %get3A_16] : memref<1x128xf32, #tpu.memory_space<vmem>>, vector<1x128xf32>
    %add3A_18 = vector.broadcast %get3A_17 : vector<1x128xf32> to vector<10000x128xf32>
    %add3A_19 = arith.addf %dot_general3A_14, %add3A_18 : vector<10000x128xf32>
    %reduce_sum3A = arith.constant dense<0.000000e+00> : vector<128xf32>
    %reduce_sum3A_20 = vector.multi_reduction <add>, %add3A_19, %reduce_sum3A [0] : vector<10000x128xf32> to vector<128xf32>
    %broadcast_in_dim3A = vector.shape_cast %reduce_sum3A_20 : vector<128xf32> to vector<1x128xf32>
    %div3A = arith.constant 1.000000e+04 : f32
    %div3A_21 = vector.broadcast %div3A : f32 to vector<1x128xf32>
    %div3A_22 = arith.divf %broadcast_in_dim3A, %div3A_21 : vector<1x128xf32>
    %sub3A = vector.broadcast %div3A_22 : vector<1x128xf32> to vector<10000x128xf32>
    %sub3A_23 = arith.subf %add3A_19, %sub3A : vector<10000x128xf32>
    %mul3A_24 = arith.mulf %sub3A_23, %sub3A_23 : vector<10000x128xf32>
    %reduce_sum3A_25 = arith.constant dense<0.000000e+00> : vector<128xf32>
    %reduce_sum3A_26 = vector.multi_reduction <add>, %mul3A_24, %reduce_sum3A_25 [0] : vector<10000x128xf32> to vector<128xf32>
    %broadcast_in_dim3A_27 = vector.shape_cast %reduce_sum3A_26 : vector<128xf32> to vector<1x128xf32>
    %div3A_28 = arith.constant 1.000000e+04 : f32
    %div3A_29 = vector.broadcast %div3A_28 : f32 to vector<1x128xf32>
    %div3A_30 = arith.divf %broadcast_in_dim3A_27, %div3A_29 : vector<1x128xf32>
    %add3A_31 = arith.constant 9.99999974E-6 : f32
    %add3A_32 = vector.broadcast %add3A_31 : f32 to vector<1x128xf32>
    %add3A_33 = arith.addf %div3A_30, %add3A_32 : vector<1x128xf32>
    %rsqrt3A = math.rsqrt %add3A_33 : vector<1x128xf32>
    %mul3A_34 = vector.broadcast %rsqrt3A : vector<1x128xf32> to vector<10000x128xf32>
    %mul3A_35 = arith.mulf %sub3A_23, %mul3A_34 : vector<10000x128xf32>
    %get3A_36 = arith.constant 0 : index
    %get3A_37 = arith.constant 0 : index
    %get3A_38 = vector.load %arg4[%get3A_36, %get3A_37] : memref<1x128xf32, #tpu.memory_space<vmem>>, vector<1x128xf32>
    %mul3A_39 = vector.broadcast %get3A_38 : vector<1x128xf32> to vector<10000x128xf32>
    %mul3A_40 = arith.mulf %mul3A_35, %mul3A_39 : vector<10000x128xf32>
    %get3A_41 = arith.constant 0 : index
    %get3A_42 = arith.constant 0 : index
    %get3A_43 = vector.load %arg5[%get3A_41, %get3A_42] : memref<1x128xf32, #tpu.memory_space<vmem>>, vector<1x128xf32>
    %add3A_44 = vector.broadcast %get3A_43 : vector<1x128xf32> to vector<10000x128xf32>
    %add3A_45 = arith.addf %mul3A_40, %add3A_44 : vector<10000x128xf32>
    %get3A_46 = arith.constant 0 : index
    %get3A_47 = arith.constant 0 : index
    %get3A_48 = vector.load %arg6[%get3A_46, %get3A_47] : memref<1x10000xi32, #tpu.memory_space<vmem>>, vector<1x10000xi32>
    %iota3A = tpu.iota {dimensions = array<i32: 0>} : vector<128x10000xi32>
    %eq3A = vector.broadcast %get3A_48 : vector<1x10000xi32> to vector<128x10000xi32>
    %eq3A_49 = arith.cmpi eq, %iota3A, %eq3A : vector<128x10000xi32>
    %convert_element_type3A = arith.extui %eq3A_49 : vector<128x10000xi1> to vector<128x10000xi32>
    %convert_element_type3A_50 = arith.sitofp %convert_element_type3A : vector<128x10000xi32> to vector<128x10000xf32>
    %dot_general3A_51 = arith.constant dense<0.000000e+00> : vector<128x128xf32>
    %dot_general3A_52 = tpu.matmul %convert_element_type3A_50, %add3A_45, %dot_general3A_51 {dimension_numbers = #tpu.dot_dimension_numbers<[1], [0], [0], [1], [0, 0, 1, 1], [], []>, transpose_lhs_hint = false} : vector<128x10000xf32>, vector<10000x128xf32>, vector<128x128xf32> -> vector<128x128xf32>
    %reduce_sum3A_53 = arith.constant dense<0.000000e+00> : vector<128xf32>
    %reduce_sum3A_54 = vector.multi_reduction <add>, %convert_element_type3A_50, %reduce_sum3A_53 [1] : vector<128x10000xf32> to vector<128xf32>
    %broadcast_in_dim3A_55 = vector.shape_cast %reduce_sum3A_54 : vector<128xf32> to vector<128x1xf32>
    %max3A = arith.constant 1.000000e+00 : f32
    %max3A_56 = vector.broadcast %max3A : f32 to vector<128x1xf32>
    %max3A_57 = arith.maximumf %broadcast_in_dim3A_55, %max3A_56 : vector<128x1xf32>
    %div3A_58 = vector.broadcast %max3A_57 : vector<128x1xf32> to vector<128x128xf32>
    %div3A_59 = arith.divf %dot_general3A_52, %div3A_58 : vector<128x128xf32>
    %get3A_60 = arith.constant 0 : index
    %get3A_61 = arith.constant 0 : index
    %get3A_62 = vector.load %arg7[%get3A_60, %get3A_61] : memref<128x128xf32, #tpu.memory_space<vmem>>, vector<128x128xf32>
    %dot_general3A_63 = arith.constant dense<0.000000e+00> : vector<128x128xf32>
    %dot_general3A_64 = tpu.matmul %div3A_59, %get3A_62, %dot_general3A_63 {dimension_numbers = #tpu.dot_dimension_numbers<[1], [0], [0], [1], [0, 0, 1, 1], [], []>, transpose_lhs_hint = false} : vector<128x128xf32>, vector<128x128xf32>, vector<128x128xf32> -> vector<128x128xf32>
    %get3A_65 = arith.constant 0 : index
    %get3A_66 = arith.constant 0 : index
    %get3A_67 = vector.load %arg8[%get3A_65, %get3A_66] : memref<1x128xf32, #tpu.memory_space<vmem>>, vector<1x128xf32>
    %add3A_68 = vector.broadcast %get3A_67 : vector<1x128xf32> to vector<128x128xf32>
    %add3A_69 = arith.addf %dot_general3A_64, %add3A_68 : vector<128x128xf32>
    %swap3A = arith.constant 0 : index
    %swap3A_70 = arith.constant 0 : index
    %swap3A_71 = vector.load %arg9[%swap3A, %swap3A_70] : memref<128x128xf32, #tpu.memory_space<vmem>>, vector<128x128xf32>
    tpu.vector_store %arg9[%swap3A, %swap3A_70], %add3A_69 {strides = array<i32>} : memref<128x128xf32, #tpu.memory_space<vmem>>, vector<128x128xf32>,
    return
  }
}

</mosaic_0001>

<sc_bundles>
// kernel: kernel.12.cloned.1.call-start
scs
__scs_entry_jumppad:
0x0: {  	(pc) =	sbr.rel $0x88, $3  }
0x1: {  	(tag) =	ssettag $0x0;
	lr =	simm.s32 $0x1  }
0x2: {  	[smem:$0x3F97] =	sst lr;
	_ =	strace $0xD0000000  }
0x3: {  	_ = 	snop  }
0x4: {  	_ = 	snop  }
0x5: {  	_ = 	snop  }
0x6: {  	_ = 	snop  }
0x7: {  	_ = 	snop  }
__scs_overlays_trampoline_lowered:
0x8: {  	[smem:$0x3FA6] =	sst s0  }
0x9: {  	[smem:$0x3FA7] =	sst s1  }
0xa: {  	[smem:$0x3FA8] =	sst s2  }
0xb: {  	[smem:$0x3FA9] =	sst s3  }
0xc: {  	[smem:$0x3FAA] =	sst s4  }
0xd: {  	[smem:$0x3FAB] =	sst s5  }
0xe: {  	[smem:$0x3FAC] =	sst s6  }
0xf: {  	[smem:$0x3FAD] =	sst s7  }
0x10: {  	[smem:$0x3FAE] =	sst s8  }
0x11: {  	[smem:$0x3FAF] =	sst s9;
	s0 =	simm.s32 @!p0 $0x0  }
0x12: {  	s1 =	sld [smem:$0x3F95];
	s0 =	simm.s32 @p0 $0x1  }
0x13: {  	[smem:$0x3FB0] =	sst s0;
	s0 =	simm.s32 @!p1 $0x0  }
0x14: {  	s2 =	sld [smem:$0x3F94];
	s0 =	simm.s32 @p1 $0x1  }
0x15: {  	[smem:$0x3FB1] =	sst s0;
	s0 =	simm.s32 @!p2 $0x0  }
0x16: {  	s3 =	sld [smem:$0x3FDB];
	s0 =	simm.s32 @p2 $0x1  }
0x17: {  	s4 =	simm.s32 $0x1BF5;
	[smem:$0x3FB3] =	sst s0  }
0x18: {  	s0 =	sld [smem:$0x3F96];
	_ =	swait.ge [sflag:s4], $0x0  }
0x19: {  	s7 =	sld [smem:$0x3F97]  }
0x1a: {  	s8 =	sadd.s32 $0xFFFFE003, lr  }
0x1b: {  	s9 =	sadd.s32 $0xFFFFFEF7, lr;
	s5 =	simm.s32 $0xFFFFFFFF;
	p2 =	slt.u32 s8, $0xFFFFF086  }
0x1c: {  	p1 =	slt.u32 s9, $0xF7A;
	s5 =	simm.s32 @!p2 $0x0  }
0x1d: {  	s5 =	simm.s32 @p1 $0x1;
	p0 =	seq.s32 s7, s2  }
0x1e: {  	s7 =	smul.u32 @!p0 $0xF7A, s2;
	p2 =	seq.s32 @!p0 s5, $0x0  }
0x1f: {  	s9 =	smul.u32 $0xF7A, s1;
	s8 =	simm.s32 @!p0 $0x1BF5;
	p2 =	por !p2, p0  }
0x20: {  	[sflag:s8] =	ssyncset.s32 @!p0 $0xFFFFF086;
	s6 =	sadd.s32 @!p0 s3, s7;
	s7 =	simm.s32 @!p0 $0x108  }
0x21: {  	s3 =	sadd.s32 s3, s9;
	s6 =	sadd.s32 @!p0 $0x88, s6;
	s7 =	simm.s32 @p2 $0x1082  }
0x22: {  	[simem:s7], [sflag:s8] =	dma.local @!p0 [hbm:s6], $0xF7A  }
0x23: {  	s9 =	sor.u32 $0xD0000000, s2;
	s6 =	simm.s32 $0x108;
	_ =	swait.ge @!p0 [sflag:s8], $0x0  }
0x24: {  	s3 =	sadd.s32 $0x88, s3;
	s6 =	simm.s32 @!p1 $0x1082;
	[sflag:s4] =	ssyncset.s32 $0xFFFFF086  }
0x25: {  	[simem:s6], [sflag:s4] =	dma.local [hbm:s3], $0xF7A  }
0x26: {  	[smem:$0x3F97] =	sst s1;
	(tag) =	ssettag s2;
	_ =	strace s9  }
0x27: {  	s1 =	sld [smem:$0x3FA7]  }
0x28: {  	s2 =	sld [smem:$0x3FA8]  }
0x29: {  	s4 =	sld [smem:$0x3FAA]  }
0x2a: {  	p0 =	seq.s32 s5, $0x0;
	s5 =	sld [smem:$0x3FAB]  }
0x2b: {  	s6 =	sld [smem:$0x3FAC]  }
0x2c: {  	s7 =	sld [smem:$0x3FAD]  }
0x2d: {  	s3 =	simm.s32 $0x108;
	s8 =	sld [smem:$0x3FAE]  }
0x2e: {  	s3 =	simm.s32 @!p0 $0x1082;
	s9 =	sld [smem:$0x3FAF]  }
0x2f: {  	lr =	sadd.s32 s0, s3;
	s0 =	sld [smem:$0x3FA6]  }
0x30: {  	s3 =	sld [smem:$0x3FA9]  }
0x31: {  	[smem:$0x3FB2] =	sst s10  }
0x32: {  	s10 =	sld [smem:$0x3FB0];
	_ =	sdelay $0x3  }
0x33: {  	p0 =	seq.s32 s10, $0x1;
	s10 =	sld [smem:$0x3FB2];
	_ =	sdelay $0x3  }
0x34: {  	[smem:$0x3FB2] =	sst s10  }
0x35: {  	s10 =	sld [smem:$0x3FB1];
	_ =	sdelay $0x3  }
0x36: {  	p1 =	seq.s32 s10, $0x1;
	s10 =	sld [smem:$0x3FB2];
	_ =	sdelay $0x3  }
0x37: {  	[smem:$0x3FB2] =	sst s10  }
0x38: {  	s10 =	sld [smem:$0x3FB3]  }
0x39: {  	_ = 	snop;
	(pc) =	sbr.ind lr, $3  }
0x3a: {  	_ = 	snop  }
0x3b: {  	_ = 	snop  }
0x3c: {  	p2 =	seq.s32 s10, $0x1;
	s10 =	sld [smem:$0x3FB2]  }
0x3d: {  	_ =	shalt  }
0x3e: {  	_ =	shalt  }
0x3f: {  	_ =	shalt  }
0x40: {  	_ =	shalt  }
0x41: {  	_ =	shalt  }
0x42: {  	_ =	shalt  }
0x43: {  	_ =	shalt  }
0x44: {  	_ =	shalt  }
0x45: {  	_ =	shalt  }
0x46: {  	_ =	shalt  }
0x47: {  	_ =	shalt  }
0x48: {  	_ =	shalt  }
0x49: {  	_ =	shalt  }
0x4a: {  	_ =	shalt  }
0x4b: {  	_ =	shalt  }
0x4c: {  	_ =	shalt  }
0x4d: {  	_ =	shalt  }
0x4e: {  	_ =	shalt  }
0x4f: {  	_ =	shalt  }
0x50: {  	_ =	shalt  }
0x51: {  	_ =	shalt  }
0x52: {  	_ =	shalt  }
0x53: {  	_ =	shalt  }
0x54: {  	_ =	shalt  }
0x55: {  	_ =	shalt  }
0x56: {  	_ =	shalt  }
0x57: {  	_ =	shalt  }
0x58: {  	_ =	shalt  }
0x59: {  	_ =	shalt  }
0x5a: {  	_ =	shalt  }
0x5b: {  	_ =	shalt  }
0x5c: {  	_ =	shalt  }
0x5d: {  	_ =	shalt  }
0x5e: {  	_ =	shalt  }
0x5f: {  	_ =	shalt  }
0x60: {  	_ =	shalt  }
0x61: {  	_ =	shalt  }
0x62: {  	_ =	shalt  }
0x63: {  	_ =	shalt  }
0x64: {  	_ =	shalt  }
0x65: {  	_ =	shalt  }
0x66: {  	_ =	shalt  }
0x67: {  	_ =	shalt  }
0x68: {  	_ =	shalt  }
0x69: {  	_ =	shalt  }
0x6a: {  	_ =	shalt  }
0x6b: {  	_ =	shalt  }
0x6c: {  	_ =	shalt  }
0x6d: {  	_ =	shalt  }
0x6e: {  	_ =	shalt  }
0x6f: {  	_ =	shalt  }
0x70: {  	_ =	shalt  }
0x71: {  	_ =	shalt  }
0x72: {  	_ =	shalt  }
0x73: {  	_ =	shalt  }
0x74: {  	_ =	shalt  }
0x75: {  	_ =	shalt  }
0x76: {  	_ =	shalt  }
0x77: {  	_ =	shalt  }
0x78: {  	_ =	shalt  }
0x79: {  	_ =	shalt  }
0x7a: {  	_ =	shalt  }
0x7b: {  	_ =	shalt  }
0x7c: {  	_ =	shalt  }
0x7d: {  	_ =	shalt  }
0x7e: {  	_ =	shalt  }
0x7f: {  	_ =	shalt  }
0x80: {  	_ =	shalt  }
0x81: {  	_ =	shalt  }
0x82: {  	_ =	shalt  }
0x83: {  	_ =	shalt  }
0x84: {  	_ =	shalt  }
0x85: {  	_ =	shalt  }
0x86: {  	_ =	shalt  }
0x87: {  	_ =	shalt  }
.Lfunc_end0:
.L_simem_size_0:
called_computation.1_lowered:
.L_overlay_start_0:
0x88: {  	s2 =	sld [smem:$0x3FD9]  }
0x89: {  	s3 =	sld [smem:$0x3FFE];
	_ =	sdelay $0x1  }
0x8a: {  	s1 =	srdreg.scid  }
0x8b: {  	s0 =	sand.u32 $0x1, s1  }
0x8c: {  	s16 =	sshll.u32 s0, $0xA;
	s2 =	sadd.s32 s3, s2  }
0x8d: {  	s2 =	sadd.s32 s2, s16  }
0x8e: {  	[smem:$0x3FBE] =	sst s2  }
0x8f: {  	_ = 	snop  }
0x90: {  	(tm) =	ssettm $0x1  }
0x91: {  	s17 =	sld [smem:$0x3FFB];
	_ =	sdelay $0x3  }
0x92: {  	_ =	strace s17  }
0x93: {  	s2 =	sld [smem:$0x3FFC];
	_ =	sdelay $0x3  }
0x94: {  	_ =	strace s2  }
0x95: {  	s2 =	sld [smem:$0x3FFD];
	_ =	sdelay $0x3  }
0x96: {  	_ =	strace s2  }
0x97: {  	_ =	strace $0x8FFFFFFF  }
0x98: {  	s18 =	sld [smem:$0x3FDB];
	_ =	sdelay $0x1  }
0x99: {  	s19 =	simm.s32 $_scs_section_size  }
0x9a: {  	s4 =	simm.s32 $_size__tile_overlayer_lowered;
	s5 =	simm.s32 $_tile_overlayer_lowered  }
0x9b: {  	s22 =	simm.s32 $0x1BFF;
	s21 =	sshll.u32 s5, $0x1;
	s2 =	sadd.s32 s19, s18  }
0x9c: {  	s6 =	simm.s32 $0x0;
	s20 =	sshll.u32 s4, $0x1;
	s4 =	sadd.s32 s21, s2  }
0x9d: {  	[timem:s6], [sflag:s22] =	dma.local [hbm:s4], s20  }
0x9e: {  	_ =	swait.ge [sflag:s22], s20  }
0x9f: {  	s3 =	ssub.s32 $0x0, s20;
	[sflag:s22] =	ssyncset.done $0x0  }
0xa0: {  	[sflag:s22] =	ssyncadd.s32 s3;
	_ =	sdelay $0x1  }
0xa1: {  	s23 =	simm.s32 $0x1B8B  }
0xa2: {  	_ =	swait.ge [sflag:s23], $0x1  }
0xa3: {  	[sflag:s23] =	ssyncset.done $0x0  }
0xa4: {  	s25 =	simm.s32 $0x1B8E;
	s24 =	sld [smem:$0x3FFE];
	[sflag:s23] =	ssyncadd.s32 $0xFFFFFFFF  }
0xa5: {  	s26 =	simm.s32 $execute0_lowered;
	[smem:$0x3FD2] =	sst s25  }
0xa6: {  	s4 =	sshll.u32 s26, $0x1;
	_ =	strace $0x80000049;
	[dreg:$0x1] =	wrdreg $0xFFFFFFFF  }
0xa7: {  	s28 =	simm.s32 $_size_execute0_lowered;
	s2 =	sadd.s32 s2, s4;
	[dreg:$0x0] =	wrdreg $0x0  }
0xa8: {  	s4 =	sshll.u32 s28, $0x1;
	[dreg:$0x2] =	wrdreg s2  }
0xa9: {  	[dreg:$0x3] =	wrdreg s4  }
0xaa: {  	[dreg:$0x4] =	wrdreg $0xC0  }
0xab: {  	_ =	task [dreg:s6], $0x5FFFF  }
0xac: {  	[dreg:$0x1] =	wrdreg $0xFFFFFFFF  }
0xad: {  	[dreg:$0x0] =	wrdreg $0x60  }
0xae: {  	[dreg:$0x2] =	wrdreg s24  }
0xaf: {  	[dreg:$0x3] =	wrdreg $0xA8000  }
0xb0: {  	[dreg:$0x4] =	wrdreg $0x9  }
0xb1: {  	_ =	task.clear_ibuf [dreg:s6], $0x5FFFF;
	_ =	strace $0x90000049  }
0xb2: {  	s29 =	simm.s32 $0x9;
	_ =	strace $0x8000004B  }
0xb3: {  	_ =	swait.ge [sflag:s29], $0x1  }
0xb4: {  	[sflag:s29] =	ssyncadd.s32 $0xFFFFFFFF  }
0xb5: {  	_ =	strace $0x9000004B  }
0xb6: {  	_ =	sfence  }
0xb7: {  	s30 =	sld [smem:$0x0];
	_ =	sdelay $0x2  }
0xb8: {  	s31 =	sshll.u32 s1, $0xD;
	s1 =	sshrl.u32 s1, $0x2  }
0xb9: {  	s3 =	sand.u32 $0x4000, s31;
	s1 =	sadd.s32 s1, s30  }
0xba: {  	s0 =	sor.u32 s3, s0;
	s1 =	sshll.u32 s1, $0x11  }
0xbb: {  	s0 =	sor.u32 s1, s0  }
0xbc: {  	s0 =	sadd.s32 $0x8F2B, s0  }
0xbd: {  	[sflag:s0] =	ssyncadd.remote.s32 $0x1  }
0xbe: {  	_ =	sfence.sel $0xFFFF  }
0xbf: {  	[dreg:$0x0] =	wrdreg $0xFFFFFFFF;
	(pc) =	sbr.abs _section_cstart, $3  }
0xc0: {  	[dreg:$0x1] =	wrdreg $0xFFFFFFFF  }
0xc1: {  	_ =	task.clear_ibuf [dreg:s6], $0x2FFFF;
	_ =	strace $0x9FFFFFFF  }
0xc2: {  	(tm) =	ssettm $0x7FFFFFFF  }
0xc3: {  	_ =	shalt  }
tec
execute0_lowered:
.L_overlay_start_1:
0x0: {  	(tag) =	ssettag $0x1  }
0x1: {  	s5 =	rddreg [dreg:$0x0]  }
0x2: {  	s2 =	rddreg [dreg:$0x1]  }
0x3: {  	s0 =	rddreg [dreg:$0x2];
	s3 =	simm.s32 $0x0;
	s1 =	stileid.u32  }
0x4: {  	s4 =	srdreg.scid;
	s16 =	simm.s32 $0x80;
	s17 =	simm.s32 $0x2800  }
0x5: {  	s18 =	simm.s32 $0x6800;
	s19 =	simm.s32 $0x1;
	s20 =	simm.s32 $0x2  }
0x6: {  	s21 =	simm.s32 $0x2700;
	s22 =	simm.s32 $0x2780;
	[smem:$0x7FF] =	sst s3  }
0x7: {  	s6 =	smul.u32 $0x2800, s1;
	s7 =	sand.u32 $0x1, s4;
	s4 =	sadd.s32 $0xCE00, s5  }
0x8: {  	s9 =	sadd.s32 $0x34E00, s5;
	s10 =	sadd.s32 $0x3EE00, s5;
	s12 =	smul.u32 $0x50000, s1  }
0x9: {  	s13 =	sshll.u32 s1, $0x2;
	s29 =	sshll.u32 s1, $0x6;
	_ =	strace $0x8000004A  }
0xa: {  	s8 =	smul.u32 $0x28000, s7;
	s23 =	ssub.s32 $0x2, s7;
	s7 =	sshll.u32 s7, $0x1  }
0xb: {  	s11 =	sadd.s32 s6, s5;
	s24 =	sshrl.u32 s23, $0x1;
	s25 =	sor.u32 s7, s13  }
0xc: {  	s28 =	sshrl.u32 s12, $0x2;
	s6 =	sadd.s32 s6, s8;
	s7 =	smul.u32 $0x1400, s25  }
0xd: {  	s26 =	ssub.s32 s23, s24;
	s15 =	sadd.s32 s28, s2;
	s30 =	smul.u32 $0x280, s25  }
0xe: {  	s23 =	simm.s32 $0x0;
	s14 =	sadd.s32 s6, s5;
	s5 =	sadd.s32 $0x48E00, s11  }
0xf: {  	s6 =	sor.u32 $0x1C03, s29;
	s12 =	smax.u32 s26, $0x1;
	s31 =	sshrl.u32 s7, $0x3  }
0x10: {  	s13 =	sshrl.u32 s15, $0x3;
	s15 =	simm.s32 $0x1400;
	s11 =	sadd.s32 $0x280, s31  }
0x11: {  	s7 =	sadd.s32 s9, s30;
	s8 =	sadd.s32 s10, s30;
	s9 =	sadd.s32 s9, s11  }
0x12: {  	s10 =	sadd.s32 s10, s11;
	s11 =	sadd.s32 $0x70E00, s14;
	s14 =	simm.s32 $0x3  }
.LBB2_1:
0x13: {  	[spmem:s13], [sflag:s6] =	dma.local [hbm:s5], $0x2800  }
0x14: {  	_ =	swait.ge [sflag:s14], $0x2800  }
0x15: {  	[sflag:s14] =	ssyncset.done $0x0  }
0x16: {  	[sflag:s14] =	ssyncadd.s32 $0xFFFFD800  }
0x17: {  	[bflag:$0x0] =	sbarrier.arrive $0xFFFF  }
0x18: {  	[tilespmem:s3], [sflag:$0x3] =	stream.linear.gather [hbm4b:s7+s3], $0x1400, $0x38;
	[tilespmem:$0x1E800] =	vst v63  }
0x19: {  	_ =	swait.ge [sflag:s14], $0x1400  }
0x1a: {  	[sflag:s14] =	ssyncset.done $0x0  }
0x1b: {  	[sflag:s14] =	ssyncadd.s32 $0xFFFFEC00  }
0x1c: {  	[tilespmem:s15], [sflag:$0x3] =	stream.linear.gather [hbm4b:s8+s3], $0x1400, $0x38;
	[tilespmem:$0x1E800] =	vst v63  }
0x1d: {  	_ =	swait.ge [sflag:s14], $0x1400  }
0x1e: {  	[sflag:s14] =	ssyncset.done $0x0  }
0x1f: {  	[sflag:s14] =	ssyncadd.s32 $0xFFFFEC00  }
0x20: {  	[tilespmem:s17], [sflag:$0x1] =	stream.indirect.gather [hbm4b:s4+s16], $0x80, s3, s16, $0xb8;
	[tilespmem:$0x1E800] =	vst v63  }
0x21: {  	_ = 	snop  }
0x22: {  	[tilespmem:s18], [sflag:$0x2] =	stream.indirect.gather [hbm4b:s4+s16], $0x80, s16, s16, $0xb8;
	[tilespmem:$0x1E800] =	vst v63  }
0x23: {  	_ =	swait.ge [sflag:s19], $0x4000  }
0x24: {  	[sflag:s19] =	ssyncset.done $0x0  }
0x25: {  	s24 =	simm.s32 $0x1400;
	[sflag:s19] =	ssyncadd.s32 $0xFFFFC000  }
0x26: {  	[spmem:s2] =	stream.indirect.scatter.add.f32 [tilespmem:s17], [sflag:$0x3], $0x80, s24, s16, $0xb8;
	[tilespmem:$0x1E800] =	vst v63  }
0x27: {  	_ =	swait.ge [sflag:s14], $0x4000  }
0x28: {  	[sflag:s14] =	ssyncset.done $0x0  }
0x29: {  	s30 =	simm.s32 $0x100;
	[sflag:s14] =	ssyncadd.s32 $0xFFFFC000  }
0x2a: {  	[tilespmem:s17], [sflag:$0x1] =	stream.indirect.gather [hbm4b:s4+s16], $0x80, s30, s16, $0xb8;
	[tilespmem:$0x1E800] =	vst v63  }
0x2b: {  	_ =	swait.ge [sflag:s20], $0x4000  }
0x2c: {  	[sflag:s20] =	ssyncset.done $0x0  }
0x2d: {  	s31 =	simm.s32 $0x1480;
	[sflag:s20] =	ssyncadd.s32 $0xFFFFC000  }
0x2e: {  	[spmem:s2] =	stream.indirect.scatter.add.f32 [tilespmem:s18], [sflag:$0x3], $0x80, s31, s16, $0xb8;
	[tilespmem:$0x1E800] =	vst v63  }
0x2f: {  	_ =	swait.ge [sflag:s14], $0x4000  }
0x30: {  	[sflag:s14] =	ssyncset.done $0x0  }
0x31: {  	s25 =	simm.s32 $0x180;
	s24 =	simm.s32 $0x400;
	[sflag:s14] =	ssyncadd.s32 $0xFFFFC000  }
.LBB2_2:
0x32: {  	[tilespmem:s18], [sflag:$0x2] =	stream.indirect.gather [hbm4b:s4+s16], $0x80, s25, s16, $0xb8;
	[tilespmem:$0x1E800] =	vst v63  }
0x33: {  	s25 =	smov.u32 s24  }
0x34: {  	p0 =	sne.s32 s24, $0x4800;
	s24 =	sadd.s32 $0x400, s24;
	_ =	swait.ge [sflag:s19], $0x4000  }
0x35: {  	s25 =	sshra.s32 s25, $0x2;
	[sflag:s19] =	ssyncset.done $0x0  }
0x36: {  	s26 =	sadd.s32 $0x1400, s25;
	[sflag:s19] =	ssyncadd.s32 $0xFFFFC000  }
0x37: {  	[spmem:s2] =	stream.indirect.scatter.add.f32 [tilespmem:s17], [sflag:$0x3], $0x80, s26, s16, $0xb8;
	[tilespmem:$0x1E800] =	vst v63  }
0x38: {  	_ =	swait.ge [sflag:s14], $0x4000  }
0x39: {  	[sflag:s14] =	ssyncset.done $0x0  }
0x3a: {  	s26 =	sadd.s32 $0x100, s25;
	[sflag:s14] =	ssyncadd.s32 $0xFFFFC000  }
0x3b: {  	[tilespmem:s17], [sflag:$0x1] =	stream.indirect.gather [hbm4b:s4+s16], $0x80, s26, s16, $0xb8;
	[tilespmem:$0x1E800] =	vst v63  }
0x3c: {  	_ =	swait.ge [sflag:s20], $0x4000  }
0x3d: {  	[sflag:s20] =	ssyncset.done $0x0  }
.Ltmp0:
0x3e: {  	s26 =	sadd.s32 $0x1480, s25;
	[sflag:s20] =	ssyncadd.s32 $0xFFFFC000;
	(pc) =	sbr.rel @p0 .LBB2_2-.Ltmp0, $4  }
0x3f: {  	[spmem:s2] =	stream.indirect.scatter.add.f32 [tilespmem:s18], [sflag:$0x3], $0x80, s26, s16, $0xb8;
	[tilespmem:$0x1E800] =	vst v63  }
0x40: {  	_ =	swait.ge [sflag:s14], $0x4000  }
0x41: {  	[sflag:s14] =	ssyncset.done $0x0  }
0x42: {  	s25 =	sadd.s32 $0x180, s25;
	[sflag:s14] =	ssyncadd.s32 $0xFFFFC000  }
0x43: {  	[tilespmem:s18], [sflag:$0x2] =	stream.indirect.gather [hbm4b:s4+s16], $0x80, s25, s16, $0xb8;
	[tilespmem:$0x1E800] =	vst v63  }
0x44: {  	_ =	swait.ge [sflag:s19], $0x4000  }
0x45: {  	[sflag:s19] =	ssyncset.done $0x0  }
0x46: {  	[sflag:s19] =	ssyncadd.s32 $0xFFFFC000  }
0x47: {  	[spmem:s2] =	stream.indirect.scatter.add.f32 [tilespmem:s17], [sflag:$0x3], $0x80, s21, s16, $0xb8;
	[tilespmem:$0x1E800] =	vst v63  }
0x48: {  	_ =	swait.ge [sflag:s14], $0x4000  }
0x49: {  	[sflag:s14] =	ssyncset.done $0x0  }
0x4a: {  	[sflag:s14] =	ssyncadd.s32 $0xFFFFC000  }
0x4b: {  	_ =	swait.ge [sflag:s20], $0x4000  }
0x4c: {  	[sflag:s20] =	ssyncset.done $0x0  }
0x4d: {  	[sflag:s20] =	ssyncadd.s32 $0xFFFFC000  }
0x4e: {  	[spmem:s2] =	stream.indirect.scatter.add.f32 [tilespmem:s18], [sflag:$0x3], $0x80, s22, s16, $0xb8;
	[tilespmem:$0x1E800] =	vst v63  }
0x4f: {  	_ =	swait.ge [sflag:s14], $0x4000  }
0x50: {  	[sflag:s14] =	ssyncset.done $0x0  }
0x51: {  	s24 =	simm.s32 $0x0;
	[sflag:s14] =	ssyncadd.s32 $0xFFFFC000  }
0x52: {  	[tilespmem:s24], [sflag:$0x3] =	stream.linear.gather [hbm4b:s9+s24], $0x1400, $0x38;
	[tilespmem:$0x1E800] =	vst v63  }
0x53: {  	_ =	swait.ge [sflag:s14], $0x1400  }
0x54: {  	[sflag:s14] =	ssyncset.done $0x0  }
0x55: {  	[sflag:s14] =	ssyncadd.s32 $0xFFFFEC00  }
0x56: {  	[tilespmem:s15], [sflag:$0x3] =	stream.linear.gather [hbm4b:s10+s24], $0x1400, $0x38;
	[tilespmem:$0x1E800] =	vst v63  }
0x57: {  	_ =	swait.ge [sflag:s14], $0x1400  }
0x58: {  	[sflag:s14] =	ssyncset.done $0x0  }
0x59: {  	[sflag:s14] =	ssyncadd.s32 $0xFFFFEC00  }
0x5a: {  	[tilespmem:s17], [sflag:$0x1] =	stream.indirect.gather [hbm4b:s4+s16], $0x80, s24, s16, $0xb8;
	[tilespmem:$0x1E800] =	vst v63  }
0x5b: {  	_ = 	snop  }
0x5c: {  	[tilespmem:s18], [sflag:$0x2] =	stream.indirect.gather [hbm4b:s4+s16], $0x80, s16, s16, $0xb8;
	[tilespmem:$0x1E800] =	vst v63  }
0x5d: {  	_ =	swait.ge [sflag:s19], $0x4000  }
0x5e: {  	[sflag:s19] =	ssyncset.done $0x0  }
0x5f: {  	s29 =	simm.s32 $0x1400;
	[sflag:s19] =	ssyncadd.s32 $0xFFFFC000  }
0x60: {  	[spmem:s2] =	stream.indirect.scatter.add.f32 [tilespmem:s17], [sflag:$0x3], $0x80, s29, s16, $0xb8;
	[tilespmem:$0x1E800] =	vst v63  }
0x61: {  	_ =	swait.ge [sflag:s14], $0x4000  }
0x62: {  	[sflag:s14] =	ssyncset.done $0x0  }
0x63: {  	s30 =	simm.s32 $0x100;
	[sflag:s14] =	ssyncadd.s32 $0xFFFFC000  }
0x64: {  	[tilespmem:s17], [sflag:$0x1] =	stream.indirect.gather [hbm4b:s4+s16], $0x80, s30, s16, $0xb8;
	[tilespmem:$0x1E800] =	vst v63  }
0x65: {  	_ =	swait.ge [sflag:s20], $0x4000  }
0x66: {  	[sflag:s20] =	ssyncset.done $0x0  }
0x67: {  	s31 =	simm.s32 $0x1480;
	[sflag:s20] =	ssyncadd.s32 $0xFFFFC000  }
0x68: {  	[spmem:s2] =	stream.indirect.scatter.add.f32 [tilespmem:s18], [sflag:$0x3], $0x80, s31, s16, $0xb8;
	[tilespmem:$0x1E800] =	vst v63  }
0x69: {  	_ =	swait.ge [sflag:s14], $0x4000  }
0x6a: {  	[sflag:s14] =	ssyncset.done $0x0  }
0x6b: {  	s25 =	simm.s32 $0x180;
	s24 =	simm.s32 $0x400;
	[sflag:s14] =	ssyncadd.s32 $0xFFFFC000  }
.LBB2_4:
0x6c: {  	[tilespmem:s18], [sflag:$0x2] =	stream.indirect.gather [hbm4b:s4+s16], $0x80, s25, s16, $0xb8;
	[tilespmem:$0x1E800] =	vst v63  }
0x6d: {  	s25 =	smov.u32 s24  }
0x6e: {  	p0 =	sne.s32 s24, $0x4800;
	s24 =	sadd.s32 $0x400, s24;
	_ =	swait.ge [sflag:s19], $0x4000  }
0x6f: {  	s25 =	sshra.s32 s25, $0x2;
	[sflag:s19] =	ssyncset.done $0x0  }
0x70: {  	s26 =	sadd.s32 $0x1400, s25;
	[sflag:s19] =	ssyncadd.s32 $0xFFFFC000  }
0x71: {  	[spmem:s2] =	stream.indirect.scatter.add.f32 [tilespmem:s17], [sflag:$0x3], $0x80, s26, s16, $0xb8;
	[tilespmem:$0x1E800] =	vst v63  }
0x72: {  	_ =	swait.ge [sflag:s14], $0x4000  }
0x73: {  	[sflag:s14] =	ssyncset.done $0x0  }
0x74: {  	s26 =	sadd.s32 $0x100, s25;
	[sflag:s14] =	ssyncadd.s32 $0xFFFFC000  }
0x75: {  	[tilespmem:s17], [sflag:$0x1] =	stream.indirect.gather [hbm4b:s4+s16], $0x80, s26, s16, $0xb8;
	[tilespmem:$0x1E800] =	vst v63  }
0x76: {  	_ =	swait.ge [sflag:s20], $0x4000  }
0x77: {  	[sflag:s20] =	ssyncset.done $0x0  }
.Ltmp1:
0x78: {  	s26 =	sadd.s32 $0x1480, s25;
	[sflag:s20] =	ssyncadd.s32 $0xFFFFC000;
	(pc) =	sbr.rel @p0 .LBB2_4-.Ltmp1, $4  }
0x79: {  	[spmem:s2] =	stream.indirect.scatter.add.f32 [tilespmem:s18], [sflag:$0x3], $0x80, s26, s16, $0xb8;
	[tilespmem:$0x1E800] =	vst v63  }
0x7a: {  	_ =	swait.ge [sflag:s14], $0x4000  }
0x7b: {  	[sflag:s14] =	ssyncset.done $0x0  }
0x7c: {  	s25 =	sadd.s32 $0x180, s25;
	[sflag:s14] =	ssyncadd.s32 $0xFFFFC000  }
0x7d: {  	[tilespmem:s18], [sflag:$0x2] =	stream.indirect.gather [hbm4b:s4+s16], $0x80, s25, s16, $0xb8;
	[tilespmem:$0x1E800] =	vst v63  }
0x7e: {  	_ =	swait.ge [sflag:s19], $0x4000  }
0x7f: {  	[sflag:s19] =	ssyncset.done $0x0  }
0x80: {  	[sflag:s19] =	ssyncadd.s32 $0xFFFFC000  }
0x81: {  	[spmem:s2] =	stream.indirect.scatter.add.f32 [tilespmem:s17], [sflag:$0x3], $0x80, s21, s16, $0xb8;
	[tilespmem:$0x1E800] =	vst v63  }
0x82: {  	_ =	swait.ge [sflag:s14], $0x4000  }
0x83: {  	[sflag:s14] =	ssyncset.done $0x0  }
0x84: {  	[sflag:s14] =	ssyncadd.s32 $0xFFFFC000  }
0x85: {  	_ =	swait.ge [sflag:s20], $0x4000  }
0x86: {  	[sflag:s20] =	ssyncset.done $0x0  }
0x87: {  	[sflag:s20] =	ssyncadd.s32 $0xFFFFC000  }
0x88: {  	[spmem:s2] =	stream.indirect.scatter.add.f32 [tilespmem:s18], [sflag:$0x3], $0x80, s22, s16, $0xb8;
	[tilespmem:$0x1E800] =	vst v63  }
0x89: {  	_ =	swait.ge [sflag:s14], $0x4000  }
0x8a: {  	s23 =	sadd.s32 $0x1, s23;
	[sflag:s14] =	ssyncset.done $0x0  }
0x8b: {  	p0 =	sne.s32 s23, s12;
	[sflag:s14] =	ssyncadd.s32 $0xFFFFC000  }
.Ltmp2:
0x8c: {  	[bflag:$0x0] =	sbarrier.arrive $0xFFFF;
	(pc) =	sbr.rel @p0 .LBB2_1-.Ltmp2, $4  }
0x8d: {  	[hbm:s11], [sflag:s6] =	dma.local [spmem:s13], $0x2800  }
0x8e: {  	_ =	swait.ge [sflag:s14], $0x2800  }
0x8f: {  	[sflag:s14] =	ssyncset.done $0x0  }
0x90: {  	[sflag:s14] =	ssyncadd.s32 $0xFFFFD800  }
0x91: {  	_ =	sfence.sel $0x180000  }
0x92: {  	[bflag:$0x0] =	sbarrier.arrive $0xFFFF  }
0x93: {  	p0 =	sne.s32 s1, $0x0;
	_ =	strace $0x9000004A  }
0x94: {  	s0 =	sadd.s32 @!p0 $0x100000, s0;
	[bflag:$0x2] =	sbarrier.arrive $0xFFFF  }
0x95: {  	[sflag:s0] =	ssyncadd.tile.s32 @!p0 $0x1;
	_ =	shalt  }
.Lfunc_end2:
_tile_overlayer_lowered:
.L_overlay_start_2:
0x96: {  	(tag) =	ssettag $0x2  }
0x97: {  	s0 =	rddreg [dreg:$0x0];
	s2 =	stileid.u32  }
0x98: {  	s1 =	rddreg [dreg:$0x1];
	p0 =	sne.s32 s2, $0x0  }
0x99: {  	s3 =	rddreg [dreg:$0x2];
	[bflag:$0x3] =	sbarrier.arrive $0xFFFF;
	s2 =	simm.s32 @!p0 $0x1C03  }
0x9a: {  	[timem:s3], [sflag:s2] =	dma.local @!p0 [hbm:s0], s1  }
0x9b: {  	s0 =	simm.s32 @!p0 $0x3  }
0x9c: {  	_ =	swait.ge @!p0 [sflag:s0], s1  }
0x9d: {  	s1 =	ssub.s32 @!p0 $0x0, s1;
	[sflag:s0] =	ssyncset.done @!p0 $0x0  }
0x9e: {  	[sflag:s0] =	ssyncadd.s32 @!p0 s1  }
0x9f: {  	[bflag:$0x3] =	sbarrier.arrive $0xFFFF  }
0xa0: {  	_ =	shalt  }

// kernel: kernel.15.cloned.1.call-start
scs
__scs_entry_jumppad:
0x0: {  	(pc) =	sbr.rel $0x88, $3  }
0x1: {  	(tag) =	ssettag $0x0;
	lr =	simm.s32 $0x1  }
0x2: {  	[smem:$0x3F97] =	sst lr;
	_ =	strace $0xD0000000  }
0x3: {  	_ = 	snop  }
0x4: {  	_ = 	snop  }
0x5: {  	_ = 	snop  }
0x6: {  	_ = 	snop  }
0x7: {  	_ = 	snop  }
__scs_overlays_trampoline_lowered:
0x8: {  	[smem:$0x3FA6] =	sst s0  }
0x9: {  	[smem:$0x3FA7] =	sst s1  }
0xa: {  	[smem:$0x3FA8] =	sst s2  }
0xb: {  	[smem:$0x3FA9] =	sst s3  }
0xc: {  	[smem:$0x3FAA] =	sst s4  }
0xd: {  	[smem:$0x3FAB] =	sst s5  }
0xe: {  	[smem:$0x3FAC] =	sst s6  }
0xf: {  	[smem:$0x3FAD] =	sst s7  }
0x10: {  	[smem:$0x3FAE] =	sst s8  }
0x11: {  	[smem:$0x3FAF] =	sst s9;
	s0 =	simm.s32 @!p0 $0x0  }
0x12: {  	s1 =	sld [smem:$0x3F95];
	s0 =	simm.s32 @p0 $0x1  }
0x13: {  	[smem:$0x3FB0] =	sst s0;
	s0 =	simm.s32 @!p1 $0x0  }
0x14: {  	s2 =	sld [smem:$0x3F94];
	s0 =	simm.s32 @p1 $0x1  }
0x15: {  	[smem:$0x3FB1] =	sst s0;
	s0 =	simm.s32 @!p2 $0x0  }
0x16: {  	s3 =	sld [smem:$0x3FDB];
	s0 =	simm.s32 @p2 $0x1  }
0x17: {  	s4 =	simm.s32 $0x1BF5;
	[smem:$0x3FB3] =	sst s0  }
0x18: {  	s0 =	sld [smem:$0x3F96];
	_ =	swait.ge [sflag:s4], $0x0  }
0x19: {  	s7 =	sld [smem:$0x3F97]  }
0x1a: {  	s8 =	sadd.s32 $0xFFFFE003, lr  }
0x1b: {  	s9 =	sadd.s32 $0xFFFFFEF7, lr;
	s5 =	simm.s32 $0xFFFFFFFF;
	p2 =	slt.u32 s8, $0xFFFFF086  }
0x1c: {  	p1 =	slt.u32 s9, $0xF7A;
	s5 =	simm.s32 @!p2 $0x0  }
0x1d: {  	s5 =	simm.s32 @p1 $0x1;
	p0 =	seq.s32 s7, s2  }
0x1e: {  	s7 =	smul.u32 @!p0 $0xF7A, s2;
	p2 =	seq.s32 @!p0 s5, $0x0  }
0x1f: {  	s9 =	smul.u32 $0xF7A, s1;
	s8 =	simm.s32 @!p0 $0x1BF5;
	p2 =	por !p2, p0  }
0x20: {  	[sflag:s8] =	ssyncset.s32 @!p0 $0xFFFFF086;
	s6 =	sadd.s32 @!p0 s3, s7;
	s7 =	simm.s32 @!p0 $0x108  }
0x21: {  	s3 =	sadd.s32 s3, s9;
	s6 =	sadd.s32 @!p0 $0x88, s6;
	s7 =	simm.s32 @p2 $0x1082  }
0x22: {  	[simem:s7], [sflag:s8] =	dma.local @!p0 [hbm:s6], $0xF7A  }
0x23: {  	s9 =	sor.u32 $0xD0000000, s2;
	s6 =	simm.s32 $0x108;
	_ =	swait.ge @!p0 [sflag:s8], $0x0  }
0x24: {  	s3 =	sadd.s32 $0x88, s3;
	s6 =	simm.s32 @!p1 $0x1082;
	[sflag:s4] =	ssyncset.s32 $0xFFFFF086  }
0x25: {  	[simem:s6], [sflag:s4] =	dma.local [hbm:s3], $0xF7A  }
0x26: {  	[smem:$0x3F97] =	sst s1;
	(tag) =	ssettag s2;
	_ =	strace s9  }
0x27: {  	s1 =	sld [smem:$0x3FA7]  }
0x28: {  	s2 =	sld [smem:$0x3FA8]  }
0x29: {  	s4 =	sld [smem:$0x3FAA]  }
0x2a: {  	p0 =	seq.s32 s5, $0x0;
	s5 =	sld [smem:$0x3FAB]  }
0x2b: {  	s6 =	sld [smem:$0x3FAC]  }
0x2c: {  	s7 =	sld [smem:$0x3FAD]  }
0x2d: {  	s3 =	simm.s32 $0x108;
	s8 =	sld [smem:$0x3FAE]  }
0x2e: {  	s3 =	simm.s32 @!p0 $0x1082;
	s9 =	sld [smem:$0x3FAF]  }
0x2f: {  	lr =	sadd.s32 s0, s3;
	s0 =	sld [smem:$0x3FA6]  }
0x30: {  	s3 =	sld [smem:$0x3FA9]  }
0x31: {  	[smem:$0x3FB2] =	sst s10  }
0x32: {  	s10 =	sld [smem:$0x3FB0];
	_ =	sdelay $0x3  }
0x33: {  	p0 =	seq.s32 s10, $0x1;
	s10 =	sld [smem:$0x3FB2];
	_ =	sdelay $0x3  }
0x34: {  	[smem:$0x3FB2] =	sst s10  }
0x35: {  	s10 =	sld [smem:$0x3FB1];
	_ =	sdelay $0x3  }
0x36: {  	p1 =	seq.s32 s10, $0x1;
	s10 =	sld [smem:$0x3FB2];
	_ =	sdelay $0x3  }
0x37: {  	[smem:$0x3FB2] =	sst s10  }
0x38: {  	s10 =	sld [smem:$0x3FB3]  }
0x39: {  	_ = 	snop;
	(pc) =	sbr.ind lr, $3  }
0x3a: {  	_ = 	snop  }
0x3b: {  	_ = 	snop  }
0x3c: {  	p2 =	seq.s32 s10, $0x1;
	s10 =	sld [smem:$0x3FB2]  }
0x3d: {  	_ =	shalt  }
0x3e: {  	_ =	shalt  }
0x3f: {  	_ =	shalt  }
0x40: {  	_ =	shalt  }
0x41: {  	_ =	shalt  }
0x42: {  	_ =	shalt  }
0x43: {  	_ =	shalt  }
0x44: {  	_ =	shalt  }
0x45: {  	_ =	shalt  }
0x46: {  	_ =	shalt  }
0x47: {  	_ =	shalt  }
0x48: {  	_ =	shalt  }
0x49: {  	_ =	shalt  }
0x4a: {  	_ =	shalt  }
0x4b: {  	_ =	shalt  }
0x4c: {  	_ =	shalt  }
0x4d: {  	_ =	shalt  }
0x4e: {  	_ =	shalt  }
0x4f: {  	_ =	shalt  }
0x50: {  	_ =	shalt  }
0x51: {  	_ =	shalt  }
0x52: {  	_ =	shalt  }
0x53: {  	_ =	shalt  }
0x54: {  	_ =	shalt  }
0x55: {  	_ =	shalt  }
0x56: {  	_ =	shalt  }
0x57: {  	_ =	shalt  }
0x58: {  	_ =	shalt  }
0x59: {  	_ =	shalt  }
0x5a: {  	_ =	shalt  }
0x5b: {  	_ =	shalt  }
0x5c: {  	_ =	shalt  }
0x5d: {  	_ =	shalt  }
0x5e: {  	_ =	shalt  }
0x5f: {  	_ =	shalt  }
0x60: {  	_ =	shalt  }
0x61: {  	_ =	shalt  }
0x62: {  	_ =	shalt  }
0x63: {  	_ =	shalt  }
0x64: {  	_ =	shalt  }
0x65: {  	_ =	shalt  }
0x66: {  	_ =	shalt  }
0x67: {  	_ =	shalt  }
0x68: {  	_ =	shalt  }
0x69: {  	_ =	shalt  }
0x6a: {  	_ =	shalt  }
0x6b: {  	_ =	shalt  }
0x6c: {  	_ =	shalt  }
0x6d: {  	_ =	shalt  }
0x6e: {  	_ =	shalt  }
0x6f: {  	_ =	shalt  }
0x70: {  	_ =	shalt  }
0x71: {  	_ =	shalt  }
0x72: {  	_ =	shalt  }
0x73: {  	_ =	shalt  }
0x74: {  	_ =	shalt  }
0x75: {  	_ =	shalt  }
0x76: {  	_ =	shalt  }
0x77: {  	_ =	shalt  }
0x78: {  	_ =	shalt  }
0x79: {  	_ =	shalt  }
0x7a: {  	_ =	shalt  }
0x7b: {  	_ =	shalt  }
0x7c: {  	_ =	shalt  }
0x7d: {  	_ =	shalt  }
0x7e: {  	_ =	shalt  }
0x7f: {  	_ =	shalt  }
0x80: {  	_ =	shalt  }
0x81: {  	_ =	shalt  }
0x82: {  	_ =	shalt  }
0x83: {  	_ =	shalt  }
0x84: {  	_ =	shalt  }
0x85: {  	_ =	shalt  }
0x86: {  	_ =	shalt  }
0x87: {  	_ =	shalt  }
.Lfunc_end0:
.L_simem_size_0:
called_computation.2_lowered:
.L_overlay_start_0:
0x88: {  	s2 =	sld [smem:$0x3FD9]  }
0x89: {  	s3 =	sld [smem:$0x3FFE];
	_ =	sdelay $0x1  }
0x8a: {  	s1 =	srdreg.scid  }
0x8b: {  	s0 =	sand.u32 $0x1, s1  }
0x8c: {  	s16 =	sshll.u32 s0, $0xA;
	s2 =	sadd.s32 s3, s2  }
0x8d: {  	s2 =	sadd.s32 s2, s16  }
0x8e: {  	[smem:$0x3FBE] =	sst s2  }
0x8f: {  	_ = 	snop  }
0x90: {  	(tm) =	ssettm $0x1  }
0x91: {  	s17 =	sld [smem:$0x3FFB];
	_ =	sdelay $0x3  }
0x92: {  	_ =	strace s17  }
0x93: {  	s2 =	sld [smem:$0x3FFC];
	_ =	sdelay $0x3  }
0x94: {  	_ =	strace s2  }
0x95: {  	s2 =	sld [smem:$0x3FFD];
	_ =	sdelay $0x3  }
0x96: {  	_ =	strace s2  }
0x97: {  	_ =	strace $0x8FFFFFFF  }
0x98: {  	s18 =	sld [smem:$0x3FDB];
	_ =	sdelay $0x1  }
0x99: {  	s19 =	simm.s32 $_scs_section_size  }
0x9a: {  	s4 =	simm.s32 $_size__tile_overlayer_lowered;
	s5 =	simm.s32 $_tile_overlayer_lowered  }
0x9b: {  	s22 =	simm.s32 $0x1BFF;
	s21 =	sshll.u32 s5, $0x1;
	s2 =	sadd.s32 s19, s18  }
0x9c: {  	s6 =	simm.s32 $0x0;
	s20 =	sshll.u32 s4, $0x1;
	s4 =	sadd.s32 s21, s2  }
0x9d: {  	[timem:s6], [sflag:s22] =	dma.local [hbm:s4], s20  }
0x9e: {  	_ =	swait.ge [sflag:s22], s20  }
0x9f: {  	s3 =	ssub.s32 $0x0, s20;
	[sflag:s22] =	ssyncset.done $0x0  }
0xa0: {  	[sflag:s22] =	ssyncadd.s32 s3;
	_ =	sdelay $0x1  }
0xa1: {  	s23 =	simm.s32 $0x1B8B  }
0xa2: {  	_ =	swait.ge [sflag:s23], $0x1  }
0xa3: {  	[sflag:s23] =	ssyncset.done $0x0  }
0xa4: {  	s25 =	simm.s32 $0x1B8E;
	s24 =	sld [smem:$0x3FFE];
	[sflag:s23] =	ssyncadd.s32 $0xFFFFFFFF  }
0xa5: {  	s26 =	simm.s32 $execute0_lowered;
	[smem:$0x3FD2] =	sst s25  }
0xa6: {  	s4 =	sshll.u32 s26, $0x1;
	_ =	strace $0x8000004C;
	[dreg:$0x1] =	wrdreg $0xFFFFFFFF  }
0xa7: {  	s28 =	simm.s32 $_size_execute0_lowered;
	s2 =	sadd.s32 s2, s4;
	[dreg:$0x0] =	wrdreg $0x0  }
0xa8: {  	s4 =	sshll.u32 s28, $0x1;
	[dreg:$0x2] =	wrdreg s2  }
0xa9: {  	[dreg:$0x3] =	wrdreg s4  }
0xaa: {  	[dreg:$0x4] =	wrdreg $0xC0  }
0xab: {  	_ =	task [dreg:s6], $0x5FFFF  }
0xac: {  	[dreg:$0x1] =	wrdreg $0xFFFFFFFF  }
0xad: {  	[dreg:$0x0] =	wrdreg $0x60  }
0xae: {  	[dreg:$0x2] =	wrdreg s24  }
0xaf: {  	[dreg:$0x3] =	wrdreg $0xA8000  }
0xb0: {  	[dreg:$0x4] =	wrdreg $0x9  }
0xb1: {  	_ =	task.clear_ibuf [dreg:s6], $0x5FFFF;
	_ =	strace $0x9000004C  }
0xb2: {  	s29 =	simm.s32 $0x9;
	_ =	strace $0x8000004E  }
0xb3: {  	_ =	swait.ge [sflag:s29], $0x1  }
0xb4: {  	[sflag:s29] =	ssyncadd.s32 $0xFFFFFFFF  }
0xb5: {  	_ =	strace $0x9000004E  }
0xb6: {  	_ =	sfence  }
0xb7: {  	s30 =	sld [smem:$0x0];
	_ =	sdelay $0x2  }
0xb8: {  	s31 =	sshll.u32 s1, $0xD;
	s1 =	sshrl.u32 s1, $0x2  }
0xb9: {  	s3 =	sand.u32 $0x4000, s31;
	s1 =	sadd.s32 s1, s30  }
0xba: {  	s0 =	sor.u32 s3, s0;
	s1 =	sshll.u32 s1, $0x11  }
0xbb: {  	s0 =	sor.u32 s1, s0  }
0xbc: {  	s0 =	sadd.s32 $0x8F2B, s0  }
0xbd: {  	[sflag:s0] =	ssyncadd.remote.s32 $0x1  }
0xbe: {  	_ =	sfence.sel $0xFFFF  }
0xbf: {  	[dreg:$0x0] =	wrdreg $0xFFFFFFFF;
	(pc) =	sbr.abs _section_cstart, $3  }
0xc0: {  	[dreg:$0x1] =	wrdreg $0xFFFFFFFF  }
0xc1: {  	_ =	task.clear_ibuf [dreg:s6], $0x2FFFF;
	_ =	strace $0x9FFFFFFF  }
0xc2: {  	(tm) =	ssettm $0x7FFFFFFF  }
0xc3: {  	_ =	shalt  }
tec
execute0_lowered:
.L_overlay_start_1:
0x0: {  	(tag) =	ssettag $0x1  }
0x1: {  	s5 =	rddreg [dreg:$0x0]  }
0x2: {  	s2 =	rddreg [dreg:$0x1]  }
0x3: {  	s0 =	rddreg [dreg:$0x2];
	s3 =	simm.s32 $0x0;
	s1 =	stileid.u32  }
0x4: {  	s4 =	srdreg.scid;
	s16 =	simm.s32 $0x80;
	s17 =	simm.s32 $0x2800  }
0x5: {  	s18 =	simm.s32 $0x6800;
	s19 =	simm.s32 $0x1;
	s20 =	simm.s32 $0x2  }
0x6: {  	s21 =	simm.s32 $0x2700;
	s22 =	simm.s32 $0x2780;
	[smem:$0x7FF] =	sst s3  }
0x7: {  	s6 =	smul.u32 $0x2800, s1;
	s7 =	sand.u32 $0x1, s4;
	s4 =	sadd.s32 $0x3600, s5  }
0x8: {  	s9 =	sadd.s32 $0x34E00, s5;
	s10 =	sadd.s32 $0x3EE00, s5;
	s12 =	smul.u32 $0x50000, s1  }
0x9: {  	s13 =	sshll.u32 s1, $0x2;
	s29 =	sshll.u32 s1, $0x6;
	_ =	strace $0x8000004D  }
0xa: {  	s8 =	smul.u32 $0x28000, s7;
	s23 =	ssub.s32 $0x2, s7;
	s7 =	sshll.u32 s7, $0x1  }
0xb: {  	s11 =	sadd.s32 s6, s5;
	s24 =	sshrl.u32 s23, $0x1;
	s25 =	sor.u32 s7, s13  }
0xc: {  	s28 =	sshrl.u32 s12, $0x2;
	s6 =	sadd.s32 s6, s8;
	s7 =	smul.u32 $0x1400, s25  }
0xd: {  	s26 =	ssub.s32 s23, s24;
	s15 =	sadd.s32 s28, s2;
	s30 =	smul.u32 $0x280, s25  }
0xe: {  	s23 =	simm.s32 $0x0;
	s14 =	sadd.s32 s6, s5;
	s5 =	sadd.s32 $0x48E00, s11  }
0xf: {  	s6 =	sor.u32 $0x1C03, s29;
	s12 =	smax.u32 s26, $0x1;
	s31 =	sshrl.u32 s7, $0x3  }
0x10: {  	s13 =	sshrl.u32 s15, $0x3;
	s15 =	simm.s32 $0x1400;
	s11 =	sadd.s32 $0x280, s31  }
0x11: {  	s7 =	sadd.s32 s9, s30;
	s8 =	sadd.s32 s10, s30;
	s9 =	sadd.s32 s9, s11  }
0x12: {  	s10 =	sadd.s32 s10, s11;
	s11 =	sadd.s32 $0x70E00, s14;
	s14 =	simm.s32 $0x3  }
.LBB2_1:
0x13: {  	[spmem:s13], [sflag:s6] =	dma.local [hbm:s5], $0x2800  }
0x14: {  	_ =	swait.ge [sflag:s14], $0x2800  }
0x15: {  	[sflag:s14] =	ssyncset.done $0x0  }
0x16: {  	[sflag:s14] =	ssyncadd.s32 $0xFFFFD800  }
0x17: {  	[bflag:$0x0] =	sbarrier.arrive $0xFFFF  }
0x18: {  	[tilespmem:s3], [sflag:$0x3] =	stream.linear.gather [hbm4b:s7+s3], $0x1400, $0x38;
	[tilespmem:$0x1E800] =	vst v63  }
0x19: {  	_ =	swait.ge [sflag:s14], $0x1400  }
0x1a: {  	[sflag:s14] =	ssyncset.done $0x0  }
0x1b: {  	[sflag:s14] =	ssyncadd.s32 $0xFFFFEC00  }
0x1c: {  	[tilespmem:s15], [sflag:$0x3] =	stream.linear.gather [hbm4b:s8+s3], $0x1400, $0x38;
	[tilespmem:$0x1E800] =	vst v63  }
0x1d: {  	_ =	swait.ge [sflag:s14], $0x1400  }
0x1e: {  	[sflag:s14] =	ssyncset.done $0x0  }
0x1f: {  	[sflag:s14] =	ssyncadd.s32 $0xFFFFEC00  }
0x20: {  	[tilespmem:s17], [sflag:$0x1] =	stream.indirect.gather [hbm4b:s4+s16], $0x80, s3, s16, $0xb8;
	[tilespmem:$0x1E800] =	vst v63  }
0x21: {  	_ = 	snop  }
0x22: {  	[tilespmem:s18], [sflag:$0x2] =	stream.indirect.gather [hbm4b:s4+s16], $0x80, s16, s16, $0xb8;
	[tilespmem:$0x1E800] =	vst v63  }
0x23: {  	_ =	swait.ge [sflag:s19], $0x4000  }
0x24: {  	[sflag:s19] =	ssyncset.done $0x0  }
0x25: {  	s24 =	simm.s32 $0x1400;
	[sflag:s19] =	ssyncadd.s32 $0xFFFFC000  }
0x26: {  	[spmem:s2] =	stream.indirect.scatter.add.f32 [tilespmem:s17], [sflag:$0x3], $0x80, s24, s16, $0xb8;
	[tilespmem:$0x1E800] =	vst v63  }
0x27: {  	_ =	swait.ge [sflag:s14], $0x4000  }
0x28: {  	[sflag:s14] =	ssyncset.done $0x0  }
0x29: {  	s30 =	simm.s32 $0x100;
	[sflag:s14] =	ssyncadd.s32 $0xFFFFC000  }
0x2a: {  	[tilespmem:s17], [sflag:$0x1] =	stream.indirect.gather [hbm4b:s4+s16], $0x80, s30, s16, $0xb8;
	[tilespmem:$0x1E800] =	vst v63  }
0x2b: {  	_ =	swait.ge [sflag:s20], $0x4000  }
0x2c: {  	[sflag:s20] =	ssyncset.done $0x0  }
0x2d: {  	s31 =	simm.s32 $0x1480;
	[sflag:s20] =	ssyncadd.s32 $0xFFFFC000  }
0x2e: {  	[spmem:s2] =	stream.indirect.scatter.add.f32 [tilespmem:s18], [sflag:$0x3], $0x80, s31, s16, $0xb8;
	[tilespmem:$0x1E800] =	vst v63  }
0x2f: {  	_ =	swait.ge [sflag:s14], $0x4000  }
0x30: {  	[sflag:s14] =	ssyncset.done $0x0  }
0x31: {  	s25 =	simm.s32 $0x180;
	s24 =	simm.s32 $0x400;
	[sflag:s14] =	ssyncadd.s32 $0xFFFFC000  }
.LBB2_2:
0x32: {  	[tilespmem:s18], [sflag:$0x2] =	stream.indirect.gather [hbm4b:s4+s16], $0x80, s25, s16, $0xb8;
	[tilespmem:$0x1E800] =	vst v63  }
0x33: {  	s25 =	smov.u32 s24  }
0x34: {  	p0 =	sne.s32 s24, $0x4800;
	s24 =	sadd.s32 $0x400, s24;
	_ =	swait.ge [sflag:s19], $0x4000  }
0x35: {  	s25 =	sshra.s32 s25, $0x2;
	[sflag:s19] =	ssyncset.done $0x0  }
0x36: {  	s26 =	sadd.s32 $0x1400, s25;
	[sflag:s19] =	ssyncadd.s32 $0xFFFFC000  }
0x37: {  	[spmem:s2] =	stream.indirect.scatter.add.f32 [tilespmem:s17], [sflag:$0x3], $0x80, s26, s16, $0xb8;
	[tilespmem:$0x1E800] =	vst v63  }
0x38: {  	_ =	swait.ge [sflag:s14], $0x4000  }
0x39: {  	[sflag:s14] =	ssyncset.done $0x0  }
0x3a: {  	s26 =	sadd.s32 $0x100, s25;
	[sflag:s14] =	ssyncadd.s32 $0xFFFFC000  }
0x3b: {  	[tilespmem:s17], [sflag:$0x1] =	stream.indirect.gather [hbm4b:s4+s16], $0x80, s26, s16, $0xb8;
	[tilespmem:$0x1E800] =	vst v63  }
0x3c: {  	_ =	swait.ge [sflag:s20], $0x4000  }
0x3d: {  	[sflag:s20] =	ssyncset.done $0x0  }
.Ltmp0:
0x3e: {  	s26 =	sadd.s32 $0x1480, s25;
	[sflag:s20] =	ssyncadd.s32 $0xFFFFC000;
	(pc) =	sbr.rel @p0 .LBB2_2-.Ltmp0, $4  }
0x3f: {  	[spmem:s2] =	stream.indirect.scatter.add.f32 [tilespmem:s18], [sflag:$0x3], $0x80, s26, s16, $0xb8;
	[tilespmem:$0x1E800] =	vst v63  }
0x40: {  	_ =	swait.ge [sflag:s14], $0x4000  }
0x41: {  	[sflag:s14] =	ssyncset.done $0x0  }
0x42: {  	s25 =	sadd.s32 $0x180, s25;
	[sflag:s14] =	ssyncadd.s32 $0xFFFFC000  }
0x43: {  	[tilespmem:s18], [sflag:$0x2] =	stream.indirect.gather [hbm4b:s4+s16], $0x80, s25, s16, $0xb8;
	[tilespmem:$0x1E800] =	vst v63  }
0x44: {  	_ =	swait.ge [sflag:s19], $0x4000  }
0x45: {  	[sflag:s19] =	ssyncset.done $0x0  }
0x46: {  	[sflag:s19] =	ssyncadd.s32 $0xFFFFC000  }
0x47: {  	[spmem:s2] =	stream.indirect.scatter.add.f32 [tilespmem:s17], [sflag:$0x3], $0x80, s21, s16, $0xb8;
	[tilespmem:$0x1E800] =	vst v63  }
0x48: {  	_ =	swait.ge [sflag:s14], $0x4000  }
0x49: {  	[sflag:s14] =	ssyncset.done $0x0  }
0x4a: {  	[sflag:s14] =	ssyncadd.s32 $0xFFFFC000  }
0x4b: {  	_ =	swait.ge [sflag:s20], $0x4000  }
0x4c: {  	[sflag:s20] =	ssyncset.done $0x0  }
0x4d: {  	[sflag:s20] =	ssyncadd.s32 $0xFFFFC000  }
0x4e: {  	[spmem:s2] =	stream.indirect.scatter.add.f32 [tilespmem:s18], [sflag:$0x3], $0x80, s22, s16, $0xb8;
	[tilespmem:$0x1E800] =	vst v63  }
0x4f: {  	_ =	swait.ge [sflag:s14], $0x4000  }
0x50: {  	[sflag:s14] =	ssyncset.done $0x0  }
0x51: {  	s24 =	simm.s32 $0x0;
	[sflag:s14] =	ssyncadd.s32 $0xFFFFC000  }
0x52: {  	[tilespmem:s24], [sflag:$0x3] =	stream.linear.gather [hbm4b:s9+s24], $0x1400, $0x38;
	[tilespmem:$0x1E800] =	vst v63  }
0x53: {  	_ =	swait.ge [sflag:s14], $0x1400  }
0x54: {  	[sflag:s14] =	ssyncset.done $0x0  }
0x55: {  	[sflag:s14] =	ssyncadd.s32 $0xFFFFEC00  }
0x56: {  	[tilespmem:s15], [sflag:$0x3] =	stream.linear.gather [hbm4b:s10+s24], $0x1400, $0x38;
	[tilespmem:$0x1E800] =	vst v63  }
0x57: {  	_ =	swait.ge [sflag:s14], $0x1400  }
0x58: {  	[sflag:s14] =	ssyncset.done $0x0  }
0x59: {  	[sflag:s14] =	ssyncadd.s32 $0xFFFFEC00  }
0x5a: {  	[tilespmem:s17], [sflag:$0x1] =	stream.indirect.gather [hbm4b:s4+s16], $0x80, s24, s16, $0xb8;
	[tilespmem:$0x1E800] =	vst v63  }
0x5b: {  	_ = 	snop  }
0x5c: {  	[tilespmem:s18], [sflag:$0x2] =	stream.indirect.gather [hbm4b:s4+s16], $0x80, s16, s16, $0xb8;
	[tilespmem:$0x1E800] =	vst v63  }
0x5d: {  	_ =	swait.ge [sflag:s19], $0x4000  }
0x5e: {  	[sflag:s19] =	ssyncset.done $0x0  }
0x5f: {  	s29 =	simm.s32 $0x1400;
	[sflag:s19] =	ssyncadd.s32 $0xFFFFC000  }
0x60: {  	[spmem:s2] =	stream.indirect.scatter.add.f32 [tilespmem:s17], [sflag:$0x3], $0x80, s29, s16, $0xb8;
	[tilespmem:$0x1E800] =	vst v63  }
0x61: {  	_ =	swait.ge [sflag:s14], $0x4000  }
0x62: {  	[sflag:s14] =	ssyncset.done $0x0  }
0x63: {  	s30 =	simm.s32 $0x100;
	[sflag:s14] =	ssyncadd.s32 $0xFFFFC000  }
0x64: {  	[tilespmem:s17], [sflag:$0x1] =	stream.indirect.gather [hbm4b:s4+s16], $0x80, s30, s16, $0xb8;
	[tilespmem:$0x1E800] =	vst v63  }
0x65: {  	_ =	swait.ge [sflag:s20], $0x4000  }
0x66: {  	[sflag:s20] =	ssyncset.done $0x0  }
0x67: {  	s31 =	simm.s32 $0x1480;
	[sflag:s20] =	ssyncadd.s32 $0xFFFFC000  }
0x68: {  	[spmem:s2] =	stream.indirect.scatter.add.f32 [tilespmem:s18], [sflag:$0x3], $0x80, s31, s16, $0xb8;
	[tilespmem:$0x1E800] =	vst v63  }
0x69: {  	_ =	swait.ge [sflag:s14], $0x4000  }
0x6a: {  	[sflag:s14] =	ssyncset.done $0x0  }
0x6b: {  	s25 =	simm.s32 $0x180;
	s24 =	simm.s32 $0x400;
	[sflag:s14] =	ssyncadd.s32 $0xFFFFC000  }
.LBB2_4:
0x6c: {  	[tilespmem:s18], [sflag:$0x2] =	stream.indirect.gather [hbm4b:s4+s16], $0x80, s25, s16, $0xb8;
	[tilespmem:$0x1E800] =	vst v63  }
0x6d: {  	s25 =	smov.u32 s24  }
0x6e: {  	p0 =	sne.s32 s24, $0x4800;
	s24 =	sadd.s32 $0x400, s24;
	_ =	swait.ge [sflag:s19], $0x4000  }
0x6f: {  	s25 =	sshra.s32 s25, $0x2;
	[sflag:s19] =	ssyncset.done $0x0  }
0x70: {  	s26 =	sadd.s32 $0x1400, s25;
	[sflag:s19] =	ssyncadd.s32 $0xFFFFC000  }
0x71: {  	[spmem:s2] =	stream.indirect.scatter.add.f32 [tilespmem:s17], [sflag:$0x3], $0x80, s26, s16, $0xb8;
	[tilespmem:$0x1E800] =	vst v63  }
0x72: {  	_ =	swait.ge [sflag:s14], $0x4000  }
0x73: {  	[sflag:s14] =	ssyncset.done $0x0  }
0x74: {  	s26 =	sadd.s32 $0x100, s25;
	[sflag:s14] =	ssyncadd.s32 $0xFFFFC000  }
0x75: {  	[tilespmem:s17], [sflag:$0x1] =	stream.indirect.gather [hbm4b:s4+s16], $0x80, s26, s16, $0xb8;
	[tilespmem:$0x1E800] =	vst v63  }
0x76: {  	_ =	swait.ge [sflag:s20], $0x4000  }
0x77: {  	[sflag:s20] =	ssyncset.done $0x0  }
.Ltmp1:
0x78: {  	s26 =	sadd.s32 $0x1480, s25;
	[sflag:s20] =	ssyncadd.s32 $0xFFFFC000;
	(pc) =	sbr.rel @p0 .LBB2_4-.Ltmp1, $4  }
0x79: {  	[spmem:s2] =	stream.indirect.scatter.add.f32 [tilespmem:s18], [sflag:$0x3], $0x80, s26, s16, $0xb8;
	[tilespmem:$0x1E800] =	vst v63  }
0x7a: {  	_ =	swait.ge [sflag:s14], $0x4000  }
0x7b: {  	[sflag:s14] =	ssyncset.done $0x0  }
0x7c: {  	s25 =	sadd.s32 $0x180, s25;
	[sflag:s14] =	ssyncadd.s32 $0xFFFFC000  }
0x7d: {  	[tilespmem:s18], [sflag:$0x2] =	stream.indirect.gather [hbm4b:s4+s16], $0x80, s25, s16, $0xb8;
	[tilespmem:$0x1E800] =	vst v63  }
0x7e: {  	_ =	swait.ge [sflag:s19], $0x4000  }
0x7f: {  	[sflag:s19] =	ssyncset.done $0x0  }
0x80: {  	[sflag:s19] =	ssyncadd.s32 $0xFFFFC000  }
0x81: {  	[spmem:s2] =	stream.indirect.scatter.add.f32 [tilespmem:s17], [sflag:$0x3], $0x80, s21, s16, $0xb8;
	[tilespmem:$0x1E800] =	vst v63  }
0x82: {  	_ =	swait.ge [sflag:s14], $0x4000  }
0x83: {  	[sflag:s14] =	ssyncset.done $0x0  }
0x84: {  	[sflag:s14] =	ssyncadd.s32 $0xFFFFC000  }
0x85: {  	_ =	swait.ge [sflag:s20], $0x4000  }
0x86: {  	[sflag:s20] =	ssyncset.done $0x0  }
0x87: {  	[sflag:s20] =	ssyncadd.s32 $0xFFFFC000  }
0x88: {  	[spmem:s2] =	stream.indirect.scatter.add.f32 [tilespmem:s18], [sflag:$0x3], $0x80, s22, s16, $0xb8;
	[tilespmem:$0x1E800] =	vst v63  }
0x89: {  	_ =	swait.ge [sflag:s14], $0x4000  }
0x8a: {  	s23 =	sadd.s32 $0x1, s23;
	[sflag:s14] =	ssyncset.done $0x0  }
0x8b: {  	p0 =	sne.s32 s23, s12;
	[sflag:s14] =	ssyncadd.s32 $0xFFFFC000  }
.Ltmp2:
0x8c: {  	[bflag:$0x0] =	sbarrier.arrive $0xFFFF;
	(pc) =	sbr.rel @p0 .LBB2_1-.Ltmp2, $4  }
0x8d: {  	[hbm:s11], [sflag:s6] =	dma.local [spmem:s13], $0x2800  }
0x8e: {  	_ =	swait.ge [sflag:s14], $0x2800  }
0x8f: {  	[sflag:s14] =	ssyncset.done $0x0  }
0x90: {  	[sflag:s14] =	ssyncadd.s32 $0xFFFFD800  }
0x91: {  	_ =	sfence.sel $0x180000  }
0x92: {  	[bflag:$0x0] =	sbarrier.arrive $0xFFFF  }
0x93: {  	p0 =	sne.s32 s1, $0x0;
	_ =	strace $0x9000004D  }
0x94: {  	s0 =	sadd.s32 @!p0 $0x100000, s0;
	[bflag:$0x2] =	sbarrier.arrive $0xFFFF  }
0x95: {  	[sflag:s0] =	ssyncadd.tile.s32 @!p0 $0x1;
	_ =	shalt  }
.Lfunc_end2:
_tile_overlayer_lowered:
.L_overlay_start_2:
0x96: {  	(tag) =	ssettag $0x2  }
0x97: {  	s0 =	rddreg [dreg:$0x0];
	s2 =	stileid.u32  }
0x98: {  	s1 =	rddreg [dreg:$0x1];
	p0 =	sne.s32 s2, $0x0  }
0x99: {  	s3 =	rddreg [dreg:$0x2];
	[bflag:$0x3] =	sbarrier.arrive $0xFFFF;
	s2 =	simm.s32 @!p0 $0x1C03  }
0x9a: {  	[timem:s3], [sflag:s2] =	dma.local @!p0 [hbm:s0], s1  }
0x9b: {  	s0 =	simm.s32 @!p0 $0x3  }
0x9c: {  	_ =	swait.ge @!p0 [sflag:s0], s1  }
0x9d: {  	s1 =	ssub.s32 @!p0 $0x0, s1;
	[sflag:s0] =	ssyncset.done @!p0 $0x0  }
0x9e: {  	[sflag:s0] =	ssyncadd.s32 @!p0 s1  }
0x9f: {  	[bflag:$0x3] =	sbarrier.arrive $0xFFFF  }
0xa0: {  	_ =	shalt  }

// kernel: kernel.18.cloned.1.call-start
scs
__scs_entry_jumppad:
0x0: {  	(pc) =	sbr.rel $0x88, $3  }
0x1: {  	(tag) =	ssettag $0x0;
	lr =	simm.s32 $0x1  }
0x2: {  	[smem:$0x3F97] =	sst lr;
	_ =	strace $0xD0000000  }
0x3: {  	_ = 	snop  }
0x4: {  	_ = 	snop  }
0x5: {  	_ = 	snop  }
0x6: {  	_ = 	snop  }
0x7: {  	_ = 	snop  }
__scs_overlays_trampoline_lowered:
0x8: {  	[smem:$0x3FA6] =	sst s0  }
0x9: {  	[smem:$0x3FA7] =	sst s1  }
0xa: {  	[smem:$0x3FA8] =	sst s2  }
0xb: {  	[smem:$0x3FA9] =	sst s3  }
0xc: {  	[smem:$0x3FAA] =	sst s4  }
0xd: {  	[smem:$0x3FAB] =	sst s5  }
0xe: {  	[smem:$0x3FAC] =	sst s6  }
0xf: {  	[smem:$0x3FAD] =	sst s7  }
0x10: {  	[smem:$0x3FAE] =	sst s8  }
0x11: {  	[smem:$0x3FAF] =	sst s9;
	s0 =	simm.s32 @!p0 $0x0  }
0x12: {  	s1 =	sld [smem:$0x3F95];
	s0 =	simm.s32 @p0 $0x1  }
0x13: {  	[smem:$0x3FB0] =	sst s0;
	s0 =	simm.s32 @!p1 $0x0  }
0x14: {  	s2 =	sld [smem:$0x3F94];
	s0 =	simm.s32 @p1 $0x1  }
0x15: {  	[smem:$0x3FB1] =	sst s0;
	s0 =	simm.s32 @!p2 $0x0  }
0x16: {  	s3 =	sld [smem:$0x3FDB];
	s0 =	simm.s32 @p2 $0x1  }
0x17: {  	s4 =	simm.s32 $0x1BF5;
	[smem:$0x3FB3] =	sst s0  }
0x18: {  	s0 =	sld [smem:$0x3F96];
	_ =	swait.ge [sflag:s4], $0x0  }
0x19: {  	s7 =	sld [smem:$0x3F97]  }
0x1a: {  	s8 =	sadd.s32 $0xFFFFE003, lr  }
0x1b: {  	s9 =	sadd.s32 $0xFFFFFEF7, lr;
	s5 =	simm.s32 $0xFFFFFFFF;
	p2 =	slt.u32 s8, $0xFFFFF086  }
0x1c: {  	p1 =	slt.u32 s9, $0xF7A;
	s5 =	simm.s32 @!p2 $0x0  }
0x1d: {  	s5 =	simm.s32 @p1 $0x1;
	p0 =	seq.s32 s7, s2  }
0x1e: {  	s7 =	smul.u32 @!p0 $0xF7A, s2;
	p2 =	seq.s32 @!p0 s5, $0x0  }
0x1f: {  	s9 =	smul.u32 $0xF7A, s1;
	s8 =	simm.s32 @!p0 $0x1BF5;
	p2 =	por !p2, p0  }
0x20: {  	[sflag:s8] =	ssyncset.s32 @!p0 $0xFFFFF086;
	s6 =	sadd.s32 @!p0 s3, s7;
	s7 =	simm.s32 @!p0 $0x108  }
0x21: {  	s3 =	sadd.s32 s3, s9;
	s6 =	sadd.s32 @!p0 $0x88, s6;
	s7 =	simm.s32 @p2 $0x1082  }
0x22: {  	[simem:s7], [sflag:s8] =	dma.local @!p0 [hbm:s6], $0xF7A  }
0x23: {  	s9 =	sor.u32 $0xD0000000, s2;
	s6 =	simm.s32 $0x108;
	_ =	swait.ge @!p0 [sflag:s8], $0x0  }
0x24: {  	s3 =	sadd.s32 $0x88, s3;
	s6 =	simm.s32 @!p1 $0x1082;
	[sflag:s4] =	ssyncset.s32 $0xFFFFF086  }
0x25: {  	[simem:s6], [sflag:s4] =	dma.local [hbm:s3], $0xF7A  }
0x26: {  	[smem:$0x3F97] =	sst s1;
	(tag) =	ssettag s2;
	_ =	strace s9  }
0x27: {  	s1 =	sld [smem:$0x3FA7]  }
0x28: {  	s2 =	sld [smem:$0x3FA8]  }
0x29: {  	s4 =	sld [smem:$0x3FAA]  }
0x2a: {  	p0 =	seq.s32 s5, $0x0;
	s5 =	sld [smem:$0x3FAB]  }
0x2b: {  	s6 =	sld [smem:$0x3FAC]  }
0x2c: {  	s7 =	sld [smem:$0x3FAD]  }
0x2d: {  	s3 =	simm.s32 $0x108;
	s8 =	sld [smem:$0x3FAE]  }
0x2e: {  	s3 =	simm.s32 @!p0 $0x1082;
	s9 =	sld [smem:$0x3FAF]  }
0x2f: {  	lr =	sadd.s32 s0, s3;
	s0 =	sld [smem:$0x3FA6]  }
0x30: {  	s3 =	sld [smem:$0x3FA9]  }
0x31: {  	[smem:$0x3FB2] =	sst s10  }
0x32: {  	s10 =	sld [smem:$0x3FB0];
	_ =	sdelay $0x3  }
0x33: {  	p0 =	seq.s32 s10, $0x1;
	s10 =	sld [smem:$0x3FB2];
	_ =	sdelay $0x3  }
0x34: {  	[smem:$0x3FB2] =	sst s10  }
0x35: {  	s10 =	sld [smem:$0x3FB1];
	_ =	sdelay $0x3  }
0x36: {  	p1 =	seq.s32 s10, $0x1;
	s10 =	sld [smem:$0x3FB2];
	_ =	sdelay $0x3  }
0x37: {  	[smem:$0x3FB2] =	sst s10  }
0x38: {  	s10 =	sld [smem:$0x3FB3]  }
0x39: {  	_ = 	snop;
	(pc) =	sbr.ind lr, $3  }
0x3a: {  	_ = 	snop  }
0x3b: {  	_ = 	snop  }
0x3c: {  	p2 =	seq.s32 s10, $0x1;
	s10 =	sld [smem:$0x3FB2]  }
0x3d: {  	_ =	shalt  }
0x3e: {  	_ =	shalt  }
0x3f: {  	_ =	shalt  }
0x40: {  	_ =	shalt  }
0x41: {  	_ =	shalt  }
0x42: {  	_ =	shalt  }
0x43: {  	_ =	shalt  }
0x44: {  	_ =	shalt  }
0x45: {  	_ =	shalt  }
0x46: {  	_ =	shalt  }
0x47: {  	_ =	shalt  }
0x48: {  	_ =	shalt  }
0x49: {  	_ =	shalt  }
0x4a: {  	_ =	shalt  }
0x4b: {  	_ =	shalt  }
0x4c: {  	_ =	shalt  }
0x4d: {  	_ =	shalt  }
0x4e: {  	_ =	shalt  }
0x4f: {  	_ =	shalt  }
0x50: {  	_ =	shalt  }
0x51: {  	_ =	shalt  }
0x52: {  	_ =	shalt  }
0x53: {  	_ =	shalt  }
0x54: {  	_ =	shalt  }
0x55: {  	_ =	shalt  }
0x56: {  	_ =	shalt  }
0x57: {  	_ =	shalt  }
0x58: {  	_ =	shalt  }
0x59: {  	_ =	shalt  }
0x5a: {  	_ =	shalt  }
0x5b: {  	_ =	shalt  }
0x5c: {  	_ =	shalt  }
0x5d: {  	_ =	shalt  }
0x5e: {  	_ =	shalt  }
0x5f: {  	_ =	shalt  }
0x60: {  	_ =	shalt  }
0x61: {  	_ =	shalt  }
0x62: {  	_ =	shalt  }
0x63: {  	_ =	shalt  }
0x64: {  	_ =	shalt  }
0x65: {  	_ =	shalt  }
0x66: {  	_ =	shalt  }
0x67: {  	_ =	shalt  }
0x68: {  	_ =	shalt  }
0x69: {  	_ =	shalt  }
0x6a: {  	_ =	shalt  }
0x6b: {  	_ =	shalt  }
0x6c: {  	_ =	shalt  }
0x6d: {  	_ =	shalt  }
0x6e: {  	_ =	shalt  }
0x6f: {  	_ =	shalt  }
0x70: {  	_ =	shalt  }
0x71: {  	_ =	shalt  }
0x72: {  	_ =	shalt  }
0x73: {  	_ =	shalt  }
0x74: {  	_ =	shalt  }
0x75: {  	_ =	shalt  }
0x76: {  	_ =	shalt  }
0x77: {  	_ =	shalt  }
0x78: {  	_ =	shalt  }
0x79: {  	_ =	shalt  }
0x7a: {  	_ =	shalt  }
0x7b: {  	_ =	shalt  }
0x7c: {  	_ =	shalt  }
0x7d: {  	_ =	shalt  }
0x7e: {  	_ =	shalt  }
0x7f: {  	_ =	shalt  }
0x80: {  	_ =	shalt  }
0x81: {  	_ =	shalt  }
0x82: {  	_ =	shalt  }
0x83: {  	_ =	shalt  }
0x84: {  	_ =	shalt  }
0x85: {  	_ =	shalt  }
0x86: {  	_ =	shalt  }
0x87: {  	_ =	shalt  }
.Lfunc_end0:
.L_simem_size_0:
called_computation.3_lowered:
.L_overlay_start_0:
0x88: {  	s2 =	sld [smem:$0x3FD9]  }
0x89: {  	s3 =	sld [smem:$0x3FFE];
	_ =	sdelay $0x1  }
0x8a: {  	s1 =	srdreg.scid  }
0x8b: {  	s0 =	sand.u32 $0x1, s1  }
0x8c: {  	s16 =	sshll.u32 s0, $0xA;
	s2 =	sadd.s32 s3, s2  }
0x8d: {  	s2 =	sadd.s32 s2, s16  }
0x8e: {  	[smem:$0x3FBE] =	sst s2  }
0x8f: {  	_ = 	snop  }
0x90: {  	(tm) =	ssettm $0x1  }
0x91: {  	s17 =	sld [smem:$0x3FFB];
	_ =	sdelay $0x3  }
0x92: {  	_ =	strace s17  }
0x93: {  	s2 =	sld [smem:$0x3FFC];
	_ =	sdelay $0x3  }
0x94: {  	_ =	strace s2  }
0x95: {  	s2 =	sld [smem:$0x3FFD];
	_ =	sdelay $0x3  }
0x96: {  	_ =	strace s2  }
0x97: {  	_ =	strace $0x8FFFFFFF  }
0x98: {  	s18 =	sld [smem:$0x3FDB];
	_ =	sdelay $0x1  }
0x99: {  	s19 =	simm.s32 $_scs_section_size  }
0x9a: {  	s4 =	simm.s32 $_size__tile_overlayer_lowered;
	s5 =	simm.s32 $_tile_overlayer_lowered  }
0x9b: {  	s22 =	simm.s32 $0x1BFF;
	s21 =	sshll.u32 s5, $0x1;
	s2 =	sadd.s32 s19, s18  }
0x9c: {  	s6 =	simm.s32 $0x0;
	s20 =	sshll.u32 s4, $0x1;
	s4 =	sadd.s32 s21, s2  }
0x9d: {  	[timem:s6], [sflag:s22] =	dma.local [hbm:s4], s20  }
0x9e: {  	_ =	swait.ge [sflag:s22], s20  }
0x9f: {  	s3 =	ssub.s32 $0x0, s20;
	[sflag:s22] =	ssyncset.done $0x0  }
0xa0: {  	[sflag:s22] =	ssyncadd.s32 s3;
	_ =	sdelay $0x1  }
0xa1: {  	s23 =	simm.s32 $0x1B8B  }
0xa2: {  	_ =	swait.ge [sflag:s23], $0x1  }
0xa3: {  	[sflag:s23] =	ssyncset.done $0x0  }
0xa4: {  	s25 =	simm.s32 $0x1B8E;
	s24 =	sld [smem:$0x3FFE];
	[sflag:s23] =	ssyncadd.s32 $0xFFFFFFFF  }
0xa5: {  	s26 =	simm.s32 $execute0_lowered;
	[smem:$0x3FD2] =	sst s25  }
0xa6: {  	s4 =	sshll.u32 s26, $0x1;
	_ =	strace $0x8000004F;
	[dreg:$0x1] =	wrdreg $0xFFFFFFFF  }
0xa7: {  	s28 =	simm.s32 $_size_execute0_lowered;
	s2 =	sadd.s32 s2, s4;
	[dreg:$0x0] =	wrdreg $0x0  }
0xa8: {  	s4 =	sshll.u32 s28, $0x1;
	[dreg:$0x2] =	wrdreg s2  }
0xa9: {  	[dreg:$0x3] =	wrdreg s4  }
0xaa: {  	[dreg:$0x4] =	wrdreg $0xC0  }
0xab: {  	_ =	task [dreg:s6], $0x5FFFF  }
0xac: {  	[dreg:$0x1] =	wrdreg $0xFFFFFFFF  }
0xad: {  	[dreg:$0x0] =	wrdreg $0x60  }
0xae: {  	[dreg:$0x2] =	wrdreg s24  }
0xaf: {  	[dreg:$0x3] =	wrdreg $0xA8000  }
0xb0: {  	[dreg:$0x4] =	wrdreg $0x9  }
0xb1: {  	_ =	task.clear_ibuf [dreg:s6], $0x5FFFF;
	_ =	strace $0x9000004F  }
0xb2: {  	s29 =	simm.s32 $0x9;
	_ =	strace $0x80000051  }
0xb3: {  	_ =	swait.ge [sflag:s29], $0x1  }
0xb4: {  	[sflag:s29] =	ssyncadd.s32 $0xFFFFFFFF  }
0xb5: {  	_ =	strace $0x90000051  }
0xb6: {  	_ =	sfence  }
0xb7: {  	s30 =	sld [smem:$0x0];
	_ =	sdelay $0x2  }
0xb8: {  	s31 =	sshll.u32 s1, $0xD;
	s1 =	sshrl.u32 s1, $0x2  }
0xb9: {  	s3 =	sand.u32 $0x4000, s31;
	s1 =	sadd.s32 s1, s30  }
0xba: {  	s0 =	sor.u32 s3, s0;
	s1 =	sshll.u32 s1, $0x11  }
0xbb: {  	s0 =	sor.u32 s1, s0  }
0xbc: {  	s0 =	sadd.s32 $0x8F2B, s0  }
0xbd: {  	[sflag:s0] =	ssyncadd.remote.s32 $0x1  }
0xbe: {  	_ =	sfence.sel $0xFFFF  }
0xbf: {  	[dreg:$0x0] =	wrdreg $0xFFFFFFFF;
	(pc) =	sbr.abs _section_cstart, $3  }
0xc0: {  	[dreg:$0x1] =	wrdreg $0xFFFFFFFF  }
0xc1: {  	_ =	task.clear_ibuf [dreg:s6], $0x2FFFF;
	_ =	strace $0x9FFFFFFF  }
0xc2: {  	(tm) =	ssettm $0x7FFFFFFF  }
0xc3: {  	_ =	shalt  }
tec
execute0_lowered:
.L_overlay_start_1:
0x0: {  	(tag) =	ssettag $0x1  }
0x1: {  	s5 =	rddreg [dreg:$0x0]  }
0x2: {  	s2 =	rddreg [dreg:$0x1]  }
0x3: {  	s0 =	rddreg [dreg:$0x2];
	s3 =	simm.s32 $0x0;
	s1 =	stileid.u32  }
0x4: {  	s4 =	srdreg.scid;
	s16 =	simm.s32 $0x80;
	s17 =	simm.s32 $0x2800  }
0x5: {  	s18 =	simm.s32 $0x6800;
	s19 =	simm.s32 $0x1;
	s20 =	simm.s32 $0x2  }
0x6: {  	s21 =	simm.s32 $0x2700;
	s22 =	simm.s32 $0x2780;
	[smem:$0x7FF] =	sst s3  }
0x7: {  	s6 =	smul.u32 $0x2800, s1;
	s7 =	sand.u32 $0x1, s4;
	s4 =	sadd.s32 $0x3600, s5  }
0x8: {  	s9 =	sadd.s32 $0x34E00, s5;
	s10 =	sadd.s32 $0x3EE00, s5;
	s12 =	smul.u32 $0x50000, s1  }
0x9: {  	s13 =	sshll.u32 s1, $0x2;
	s29 =	sshll.u32 s1, $0x6;
	_ =	strace $0x80000050  }
0xa: {  	s8 =	smul.u32 $0x28000, s7;
	s23 =	ssub.s32 $0x2, s7;
	s7 =	sshll.u32 s7, $0x1  }
0xb: {  	s11 =	sadd.s32 s6, s5;
	s24 =	sshrl.u32 s23, $0x1;
	s25 =	sor.u32 s7, s13  }
0xc: {  	s28 =	sshrl.u32 s12, $0x2;
	s6 =	sadd.s32 s6, s8;
	s7 =	smul.u32 $0x1400, s25  }
0xd: {  	s26 =	ssub.s32 s23, s24;
	s15 =	sadd.s32 s28, s2;
	s30 =	smul.u32 $0x280, s25  }
0xe: {  	s23 =	simm.s32 $0x0;
	s14 =	sadd.s32 s6, s5;
	s5 =	sadd.s32 $0x48E00, s11  }
0xf: {  	s6 =	sor.u32 $0x1C03, s29;
	s12 =	smax.u32 s26, $0x1;
	s31 =	sshrl.u32 s7, $0x3  }
0x10: {  	s13 =	sshrl.u32 s15, $0x3;
	s15 =	simm.s32 $0x1400;
	s11 =	sadd.s32 $0x280, s31  }
0x11: {  	s7 =	sadd.s32 s9, s30;
	s8 =	sadd.s32 s10, s30;
	s9 =	sadd.s32 s9, s11  }
0x12: {  	s10 =	sadd.s32 s10, s11;
	s11 =	sadd.s32 $0x70E00, s14;
	s14 =	simm.s32 $0x3  }
.LBB2_1:
0x13: {  	[spmem:s13], [sflag:s6] =	dma.local [hbm:s5], $0x2800  }
0x14: {  	_ =	swait.ge [sflag:s14], $0x2800  }
0x15: {  	[sflag:s14] =	ssyncset.done $0x0  }
0x16: {  	[sflag:s14] =	ssyncadd.s32 $0xFFFFD800  }
0x17: {  	[bflag:$0x0] =	sbarrier.arrive $0xFFFF  }
0x18: {  	[tilespmem:s3], [sflag:$0x3] =	stream.linear.gather [hbm4b:s7+s3], $0x1400, $0x38;
	[tilespmem:$0x1E800] =	vst v63  }
0x19: {  	_ =	swait.ge [sflag:s14], $0x1400  }
0x1a: {  	[sflag:s14] =	ssyncset.done $0x0  }
0x1b: {  	[sflag:s14] =	ssyncadd.s32 $0xFFFFEC00  }
0x1c: {  	[tilespmem:s15], [sflag:$0x3] =	stream.linear.gather [hbm4b:s8+s3], $0x1400, $0x38;
	[tilespmem:$0x1E800] =	vst v63  }
0x1d: {  	_ =	swait.ge [sflag:s14], $0x1400  }
0x1e: {  	[sflag:s14] =	ssyncset.done $0x0  }
0x1f: {  	[sflag:s14] =	ssyncadd.s32 $0xFFFFEC00  }
0x20: {  	[tilespmem:s17], [sflag:$0x1] =	stream.indirect.gather [hbm4b:s4+s16], $0x80, s3, s16, $0xb8;
	[tilespmem:$0x1E800] =	vst v63  }
0x21: {  	_ = 	snop  }
0x22: {  	[tilespmem:s18], [sflag:$0x2] =	stream.indirect.gather [hbm4b:s4+s16], $0x80, s16, s16, $0xb8;
	[tilespmem:$0x1E800] =	vst v63  }
0x23: {  	_ =	swait.ge [sflag:s19], $0x4000  }
0x24: {  	[sflag:s19] =	ssyncset.done $0x0  }
0x25: {  	s24 =	simm.s32 $0x1400;
	[sflag:s19] =	ssyncadd.s32 $0xFFFFC000  }
0x26: {  	[spmem:s2] =	stream.indirect.scatter.add.f32 [tilespmem:s17], [sflag:$0x3], $0x80, s24, s16, $0xb8;
	[tilespmem:$0x1E800] =	vst v63  }
0x27: {  	_ =	swait.ge [sflag:s14], $0x4000  }
0x28: {  	[sflag:s14] =	ssyncset.done $0x0  }
0x29: {  	s30 =	simm.s32 $0x100;
	[sflag:s14] =	ssyncadd.s32 $0xFFFFC000  }
0x2a: {  	[tilespmem:s17], [sflag:$0x1] =	stream.indirect.gather [hbm4b:s4+s16], $0x80, s30, s16, $0xb8;
	[tilespmem:$0x1E800] =	vst v63  }
0x2b: {  	_ =	swait.ge [sflag:s20], $0x4000  }
0x2c: {  	[sflag:s20] =	ssyncset.done $0x0  }
0x2d: {  	s31 =	simm.s32 $0x1480;
	[sflag:s20] =	ssyncadd.s32 $0xFFFFC000  }
0x2e: {  	[spmem:s2] =	stream.indirect.scatter.add.f32 [tilespmem:s18], [sflag:$0x3], $0x80, s31, s16, $0xb8;
	[tilespmem:$0x1E800] =	vst v63  }
0x2f: {  	_ =	swait.ge [sflag:s14], $0x4000  }
0x30: {  	[sflag:s14] =	ssyncset.done $0x0  }
0x31: {  	s25 =	simm.s32 $0x180;
	s24 =	simm.s32 $0x400;
	[sflag:s14] =	ssyncadd.s32 $0xFFFFC000  }
.LBB2_2:
0x32: {  	[tilespmem:s18], [sflag:$0x2] =	stream.indirect.gather [hbm4b:s4+s16], $0x80, s25, s16, $0xb8;
	[tilespmem:$0x1E800] =	vst v63  }
0x33: {  	s25 =	smov.u32 s24  }
0x34: {  	p0 =	sne.s32 s24, $0x4800;
	s24 =	sadd.s32 $0x400, s24;
	_ =	swait.ge [sflag:s19], $0x4000  }
0x35: {  	s25 =	sshra.s32 s25, $0x2;
	[sflag:s19] =	ssyncset.done $0x0  }
0x36: {  	s26 =	sadd.s32 $0x1400, s25;
	[sflag:s19] =	ssyncadd.s32 $0xFFFFC000  }
0x37: {  	[spmem:s2] =	stream.indirect.scatter.add.f32 [tilespmem:s17], [sflag:$0x3], $0x80, s26, s16, $0xb8;
	[tilespmem:$0x1E800] =	vst v63  }
0x38: {  	_ =	swait.ge [sflag:s14], $0x4000  }
0x39: {  	[sflag:s14] =	ssyncset.done $0x0  }
0x3a: {  	s26 =	sadd.s32 $0x100, s25;
	[sflag:s14] =	ssyncadd.s32 $0xFFFFC000  }
0x3b: {  	[tilespmem:s17], [sflag:$0x1] =	stream.indirect.gather [hbm4b:s4+s16], $0x80, s26, s16, $0xb8;
	[tilespmem:$0x1E800] =	vst v63  }
0x3c: {  	_ =	swait.ge [sflag:s20], $0x4000  }
0x3d: {  	[sflag:s20] =	ssyncset.done $0x0  }
.Ltmp0:
0x3e: {  	s26 =	sadd.s32 $0x1480, s25;
	[sflag:s20] =	ssyncadd.s32 $0xFFFFC000;
	(pc) =	sbr.rel @p0 .LBB2_2-.Ltmp0, $4  }
0x3f: {  	[spmem:s2] =	stream.indirect.scatter.add.f32 [tilespmem:s18], [sflag:$0x3], $0x80, s26, s16, $0xb8;
	[tilespmem:$0x1E800] =	vst v63  }
0x40: {  	_ =	swait.ge [sflag:s14], $0x4000  }
0x41: {  	[sflag:s14] =	ssyncset.done $0x0  }
0x42: {  	s25 =	sadd.s32 $0x180, s25;
	[sflag:s14] =	ssyncadd.s32 $0xFFFFC000  }
0x43: {  	[tilespmem:s18], [sflag:$0x2] =	stream.indirect.gather [hbm4b:s4+s16], $0x80, s25, s16, $0xb8;
	[tilespmem:$0x1E800] =	vst v63  }
0x44: {  	_ =	swait.ge [sflag:s19], $0x4000  }
0x45: {  	[sflag:s19] =	ssyncset.done $0x0  }
0x46: {  	[sflag:s19] =	ssyncadd.s32 $0xFFFFC000  }
0x47: {  	[spmem:s2] =	stream.indirect.scatter.add.f32 [tilespmem:s17], [sflag:$0x3], $0x80, s21, s16, $0xb8;
	[tilespmem:$0x1E800] =	vst v63  }
0x48: {  	_ =	swait.ge [sflag:s14], $0x4000  }
0x49: {  	[sflag:s14] =	ssyncset.done $0x0  }
0x4a: {  	[sflag:s14] =	ssyncadd.s32 $0xFFFFC000  }
0x4b: {  	_ =	swait.ge [sflag:s20], $0x4000  }
0x4c: {  	[sflag:s20] =	ssyncset.done $0x0  }
0x4d: {  	[sflag:s20] =	ssyncadd.s32 $0xFFFFC000  }
0x4e: {  	[spmem:s2] =	stream.indirect.scatter.add.f32 [tilespmem:s18], [sflag:$0x3], $0x80, s22, s16, $0xb8;
	[tilespmem:$0x1E800] =	vst v63  }
0x4f: {  	_ =	swait.ge [sflag:s14], $0x4000  }
0x50: {  	[sflag:s14] =	ssyncset.done $0x0  }
0x51: {  	s24 =	simm.s32 $0x0;
	[sflag:s14] =	ssyncadd.s32 $0xFFFFC000  }
0x52: {  	[tilespmem:s24], [sflag:$0x3] =	stream.linear.gather [hbm4b:s9+s24], $0x1400, $0x38;
	[tilespmem:$0x1E800] =	vst v63  }
0x53: {  	_ =	swait.ge [sflag:s14], $0x1400  }
0x54: {  	[sflag:s14] =	ssyncset.done $0x0  }
0x55: {  	[sflag:s14] =	ssyncadd.s32 $0xFFFFEC00  }
0x56: {  	[tilespmem:s15], [sflag:$0x3] =	stream.linear.gather [hbm4b:s10+s24], $0x1400, $0x38;
	[tilespmem:$0x1E800] =	vst v63  }
0x57: {  	_ =	swait.ge [sflag:s14], $0x1400  }
0x58: {  	[sflag:s14] =	ssyncset.done $0x0  }
0x59: {  	[sflag:s14] =	ssyncadd.s32 $0xFFFFEC00  }
0x5a: {  	[tilespmem:s17], [sflag:$0x1] =	stream.indirect.gather [hbm4b:s4+s16], $0x80, s24, s16, $0xb8;
	[tilespmem:$0x1E800] =	vst v63  }
0x5b: {  	_ = 	snop  }
0x5c: {  	[tilespmem:s18], [sflag:$0x2] =	stream.indirect.gather [hbm4b:s4+s16], $0x80, s16, s16, $0xb8;
	[tilespmem:$0x1E800] =	vst v63  }
0x5d: {  	_ =	swait.ge [sflag:s19], $0x4000  }
0x5e: {  	[sflag:s19] =	ssyncset.done $0x0  }
0x5f: {  	s29 =	simm.s32 $0x1400;
	[sflag:s19] =	ssyncadd.s32 $0xFFFFC000  }
0x60: {  	[spmem:s2] =	stream.indirect.scatter.add.f32 [tilespmem:s17], [sflag:$0x3], $0x80, s29, s16, $0xb8;
	[tilespmem:$0x1E800] =	vst v63  }
0x61: {  	_ =	swait.ge [sflag:s14], $0x4000  }
0x62: {  	[sflag:s14] =	ssyncset.done $0x0  }
0x63: {  	s30 =	simm.s32 $0x100;
	[sflag:s14] =	ssyncadd.s32 $0xFFFFC000  }
0x64: {  	[tilespmem:s17], [sflag:$0x1] =	stream.indirect.gather [hbm4b:s4+s16], $0x80, s30, s16, $0xb8;
	[tilespmem:$0x1E800] =	vst v63  }
0x65: {  	_ =	swait.ge [sflag:s20], $0x4000  }
0x66: {  	[sflag:s20] =	ssyncset.done $0x0  }
0x67: {  	s31 =	simm.s32 $0x1480;
	[sflag:s20] =	ssyncadd.s32 $0xFFFFC000  }
0x68: {  	[spmem:s2] =	stream.indirect.scatter.add.f32 [tilespmem:s18], [sflag:$0x3], $0x80, s31, s16, $0xb8;
	[tilespmem:$0x1E800] =	vst v63  }
0x69: {  	_ =	swait.ge [sflag:s14], $0x4000  }
0x6a: {  	[sflag:s14] =	ssyncset.done $0x0  }
0x6b: {  	s25 =	simm.s32 $0x180;
	s24 =	simm.s32 $0x400;
	[sflag:s14] =	ssyncadd.s32 $0xFFFFC000  }
.LBB2_4:
0x6c: {  	[tilespmem:s18], [sflag:$0x2] =	stream.indirect.gather [hbm4b:s4+s16], $0x80, s25, s16, $0xb8;
	[tilespmem:$0x1E800] =	vst v63  }
0x6d: {  	s25 =	smov.u32 s24  }
0x6e: {  	p0 =	sne.s32 s24, $0x4800;
	s24 =	sadd.s32 $0x400, s24;
	_ =	swait.ge [sflag:s19], $0x4000  }
0x6f: {  	s25 =	sshra.s32 s25, $0x2;
	[sflag:s19] =	ssyncset.done $0x0  }
0x70: {  	s26 =	sadd.s32 $0x1400, s25;
	[sflag:s19] =	ssyncadd.s32 $0xFFFFC000  }
0x71: {  	[spmem:s2] =	stream.indirect.scatter.add.f32 [tilespmem:s17], [sflag:$0x3], $0x80, s26, s16, $0xb8;
	[tilespmem:$0x1E800] =	vst v63  }
0x72: {  	_ =	swait.ge [sflag:s14], $0x4000  }
0x73: {  	[sflag:s14] =	ssyncset.done $0x0  }
0x74: {  	s26 =	sadd.s32 $0x100, s25;
	[sflag:s14] =	ssyncadd.s32 $0xFFFFC000  }
0x75: {  	[tilespmem:s17], [sflag:$0x1] =	stream.indirect.gather [hbm4b:s4+s16], $0x80, s26, s16, $0xb8;
	[tilespmem:$0x1E800] =	vst v63  }
0x76: {  	_ =	swait.ge [sflag:s20], $0x4000  }
0x77: {  	[sflag:s20] =	ssyncset.done $0x0  }
.Ltmp1:
0x78: {  	s26 =	sadd.s32 $0x1480, s25;
	[sflag:s20] =	ssyncadd.s32 $0xFFFFC000;
	(pc) =	sbr.rel @p0 .LBB2_4-.Ltmp1, $4  }
0x79: {  	[spmem:s2] =	stream.indirect.scatter.add.f32 [tilespmem:s18], [sflag:$0x3], $0x80, s26, s16, $0xb8;
	[tilespmem:$0x1E800] =	vst v63  }
0x7a: {  	_ =	swait.ge [sflag:s14], $0x4000  }
0x7b: {  	[sflag:s14] =	ssyncset.done $0x0  }
0x7c: {  	s25 =	sadd.s32 $0x180, s25;
	[sflag:s14] =	ssyncadd.s32 $0xFFFFC000  }
0x7d: {  	[tilespmem:s18], [sflag:$0x2] =	stream.indirect.gather [hbm4b:s4+s16], $0x80, s25, s16, $0xb8;
	[tilespmem:$0x1E800] =	vst v63  }
0x7e: {  	_ =	swait.ge [sflag:s19], $0x4000  }
0x7f: {  	[sflag:s19] =	ssyncset.done $0x0  }
0x80: {  	[sflag:s19] =	ssyncadd.s32 $0xFFFFC000  }
0x81: {  	[spmem:s2] =	stream.indirect.scatter.add.f32 [tilespmem:s17], [sflag:$0x3], $0x80, s21, s16, $0xb8;
	[tilespmem:$0x1E800] =	vst v63  }
0x82: {  	_ =	swait.ge [sflag:s14], $0x4000  }
0x83: {  	[sflag:s14] =	ssyncset.done $0x0  }
0x84: {  	[sflag:s14] =	ssyncadd.s32 $0xFFFFC000  }
0x85: {  	_ =	swait.ge [sflag:s20], $0x4000  }
0x86: {  	[sflag:s20] =	ssyncset.done $0x0  }
0x87: {  	[sflag:s20] =	ssyncadd.s32 $0xFFFFC000  }
0x88: {  	[spmem:s2] =	stream.indirect.scatter.add.f32 [tilespmem:s18], [sflag:$0x3], $0x80, s22, s16, $0xb8;
	[tilespmem:$0x1E800] =	vst v63  }
0x89: {  	_ =	swait.ge [sflag:s14], $0x4000  }
0x8a: {  	s23 =	sadd.s32 $0x1, s23;
	[sflag:s14] =	ssyncset.done $0x0  }
0x8b: {  	p0 =	sne.s32 s23, s12;
	[sflag:s14] =	ssyncadd.s32 $0xFFFFC000  }
.Ltmp2:
0x8c: {  	[bflag:$0x0] =	sbarrier.arrive $0xFFFF;
	(pc) =	sbr.rel @p0 .LBB2_1-.Ltmp2, $4  }
0x8d: {  	[hbm:s11], [sflag:s6] =	dma.local [spmem:s13], $0x2800  }
0x8e: {  	_ =	swait.ge [sflag:s14], $0x2800  }
0x8f: {  	[sflag:s14] =	ssyncset.done $0x0  }
0x90: {  	[sflag:s14] =	ssyncadd.s32 $0xFFFFD800  }
0x91: {  	_ =	sfence.sel $0x180000  }
0x92: {  	[bflag:$0x0] =	sbarrier.arrive $0xFFFF  }
0x93: {  	p0 =	sne.s32 s1, $0x0;
	_ =	strace $0x90000050  }
0x94: {  	s0 =	sadd.s32 @!p0 $0x100000, s0;
	[bflag:$0x2] =	sbarrier.arrive $0xFFFF  }
0x95: {  	[sflag:s0] =	ssyncadd.tile.s32 @!p0 $0x1;
	_ =	shalt  }
.Lfunc_end2:
_tile_overlayer_lowered:
.L_overlay_start_2:
0x96: {  	(tag) =	ssettag $0x2  }
0x97: {  	s0 =	rddreg [dreg:$0x0];
	s2 =	stileid.u32  }
0x98: {  	s1 =	rddreg [dreg:$0x1];
	p0 =	sne.s32 s2, $0x0  }
0x99: {  	s3 =	rddreg [dreg:$0x2];
	[bflag:$0x3] =	sbarrier.arrive $0xFFFF;
	s2 =	simm.s32 @!p0 $0x1C03  }
0x9a: {  	[timem:s3], [sflag:s2] =	dma.local @!p0 [hbm:s0], s1  }
0x9b: {  	s0 =	simm.s32 @!p0 $0x3  }
0x9c: {  	_ =	swait.ge @!p0 [sflag:s0], s1  }
0x9d: {  	s1 =	ssub.s32 @!p0 $0x0, s1;
	[sflag:s0] =	ssyncset.done @!p0 $0x0  }
0x9e: {  	[sflag:s0] =	ssyncadd.s32 @!p0 s1  }
0x9f: {  	[bflag:$0x3] =	sbarrier.arrive $0xFFFF  }
0xa0: {  	_ =	shalt  }

// kernel: kernel.9.cloned.1.call-start
scs
__scs_entry_jumppad:
0x0: {  	(pc) =	sbr.rel $0x88, $3  }
0x1: {  	(tag) =	ssettag $0x0;
	lr =	simm.s32 $0x1  }
0x2: {  	[smem:$0x3F97] =	sst lr;
	_ =	strace $0xD0000000  }
0x3: {  	_ = 	snop  }
0x4: {  	_ = 	snop  }
0x5: {  	_ = 	snop  }
0x6: {  	_ = 	snop  }
0x7: {  	_ = 	snop  }
__scs_overlays_trampoline_lowered:
0x8: {  	[smem:$0x3FA6] =	sst s0  }
0x9: {  	[smem:$0x3FA7] =	sst s1  }
0xa: {  	[smem:$0x3FA8] =	sst s2  }
0xb: {  	[smem:$0x3FA9] =	sst s3  }
0xc: {  	[smem:$0x3FAA] =	sst s4  }
0xd: {  	[smem:$0x3FAB] =	sst s5  }
0xe: {  	[smem:$0x3FAC] =	sst s6  }
0xf: {  	[smem:$0x3FAD] =	sst s7  }
0x10: {  	[smem:$0x3FAE] =	sst s8  }
0x11: {  	[smem:$0x3FAF] =	sst s9;
	s0 =	simm.s32 @!p0 $0x0  }
0x12: {  	s1 =	sld [smem:$0x3F95];
	s0 =	simm.s32 @p0 $0x1  }
0x13: {  	[smem:$0x3FB0] =	sst s0;
	s0 =	simm.s32 @!p1 $0x0  }
0x14: {  	s2 =	sld [smem:$0x3F94];
	s0 =	simm.s32 @p1 $0x1  }
0x15: {  	[smem:$0x3FB1] =	sst s0;
	s0 =	simm.s32 @!p2 $0x0  }
0x16: {  	s3 =	sld [smem:$0x3FDB];
	s0 =	simm.s32 @p2 $0x1  }
0x17: {  	s4 =	simm.s32 $0x1BF5;
	[smem:$0x3FB3] =	sst s0  }
0x18: {  	s0 =	sld [smem:$0x3F96];
	_ =	swait.ge [sflag:s4], $0x0  }
0x19: {  	s7 =	sld [smem:$0x3F97]  }
0x1a: {  	s8 =	sadd.s32 $0xFFFFE003, lr  }
0x1b: {  	s9 =	sadd.s32 $0xFFFFFEF7, lr;
	s5 =	simm.s32 $0xFFFFFFFF;
	p2 =	slt.u32 s8, $0xFFFFF086  }
0x1c: {  	p1 =	slt.u32 s9, $0xF7A;
	s5 =	simm.s32 @!p2 $0x0  }
0x1d: {  	s5 =	simm.s32 @p1 $0x1;
	p0 =	seq.s32 s7, s2  }
0x1e: {  	s7 =	smul.u32 @!p0 $0xF7A, s2;
	p2 =	seq.s32 @!p0 s5, $0x0  }
0x1f: {  	s9 =	smul.u32 $0xF7A, s1;
	s8 =	simm.s32 @!p0 $0x1BF5;
	p2 =	por !p2, p0  }
0x20: {  	[sflag:s8] =	ssyncset.s32 @!p0 $0xFFFFF086;
	s6 =	sadd.s32 @!p0 s3, s7;
	s7 =	simm.s32 @!p0 $0x108  }
0x21: {  	s3 =	sadd.s32 s3, s9;
	s6 =	sadd.s32 @!p0 $0x88, s6;
	s7 =	simm.s32 @p2 $0x1082  }
0x22: {  	[simem:s7], [sflag:s8] =	dma.local @!p0 [hbm:s6], $0xF7A  }
0x23: {  	s9 =	sor.u32 $0xD0000000, s2;
	s6 =	simm.s32 $0x108;
	_ =	swait.ge @!p0 [sflag:s8], $0x0  }
0x24: {  	s3 =	sadd.s32 $0x88, s3;
	s6 =	simm.s32 @!p1 $0x1082;
	[sflag:s4] =	ssyncset.s32 $0xFFFFF086  }
0x25: {  	[simem:s6], [sflag:s4] =	dma.local [hbm:s3], $0xF7A  }
0x26: {  	[smem:$0x3F97] =	sst s1;
	(tag) =	ssettag s2;
	_ =	strace s9  }
0x27: {  	s1 =	sld [smem:$0x3FA7]  }
0x28: {  	s2 =	sld [smem:$0x3FA8]  }
0x29: {  	s4 =	sld [smem:$0x3FAA]  }
0x2a: {  	p0 =	seq.s32 s5, $0x0;
	s5 =	sld [smem:$0x3FAB]  }
0x2b: {  	s6 =	sld [smem:$0x3FAC]  }
0x2c: {  	s7 =	sld [smem:$0x3FAD]  }
0x2d: {  	s3 =	simm.s32 $0x108;
	s8 =	sld [smem:$0x3FAE]  }
0x2e: {  	s3 =	simm.s32 @!p0 $0x1082;
	s9 =	sld [smem:$0x3FAF]  }
0x2f: {  	lr =	sadd.s32 s0, s3;
	s0 =	sld [smem:$0x3FA6]  }
0x30: {  	s3 =	sld [smem:$0x3FA9]  }
0x31: {  	[smem:$0x3FB2] =	sst s10  }
0x32: {  	s10 =	sld [smem:$0x3FB0];
	_ =	sdelay $0x3  }
0x33: {  	p0 =	seq.s32 s10, $0x1;
	s10 =	sld [smem:$0x3FB2];
	_ =	sdelay $0x3  }
0x34: {  	[smem:$0x3FB2] =	sst s10  }
0x35: {  	s10 =	sld [smem:$0x3FB1];
	_ =	sdelay $0x3  }
0x36: {  	p1 =	seq.s32 s10, $0x1;
	s10 =	sld [smem:$0x3FB2];
	_ =	sdelay $0x3  }
0x37: {  	[smem:$0x3FB2] =	sst s10  }
0x38: {  	s10 =	sld [smem:$0x3FB3]  }
0x39: {  	_ = 	snop;
	(pc) =	sbr.ind lr, $3  }
0x3a: {  	_ = 	snop  }
0x3b: {  	_ = 	snop  }
0x3c: {  	p2 =	seq.s32 s10, $0x1;
	s10 =	sld [smem:$0x3FB2]  }
0x3d: {  	_ =	shalt  }
0x3e: {  	_ =	shalt  }
0x3f: {  	_ =	shalt  }
0x40: {  	_ =	shalt  }
0x41: {  	_ =	shalt  }
0x42: {  	_ =	shalt  }
0x43: {  	_ =	shalt  }
0x44: {  	_ =	shalt  }
0x45: {  	_ =	shalt  }
0x46: {  	_ =	shalt  }
0x47: {  	_ =	shalt  }
0x48: {  	_ =	shalt  }
0x49: {  	_ =	shalt  }
0x4a: {  	_ =	shalt  }
0x4b: {  	_ =	shalt  }
0x4c: {  	_ =	shalt  }
0x4d: {  	_ =	shalt  }
0x4e: {  	_ =	shalt  }
0x4f: {  	_ =	shalt  }
0x50: {  	_ =	shalt  }
0x51: {  	_ =	shalt  }
0x52: {  	_ =	shalt  }
0x53: {  	_ =	shalt  }
0x54: {  	_ =	shalt  }
0x55: {  	_ =	shalt  }
0x56: {  	_ =	shalt  }
0x57: {  	_ =	shalt  }
0x58: {  	_ =	shalt  }
0x59: {  	_ =	shalt  }
0x5a: {  	_ =	shalt  }
0x5b: {  	_ =	shalt  }
0x5c: {  	_ =	shalt  }
0x5d: {  	_ =	shalt  }
0x5e: {  	_ =	shalt  }
0x5f: {  	_ =	shalt  }
0x60: {  	_ =	shalt  }
0x61: {  	_ =	shalt  }
0x62: {  	_ =	shalt  }
0x63: {  	_ =	shalt  }
0x64: {  	_ =	shalt  }
0x65: {  	_ =	shalt  }
0x66: {  	_ =	shalt  }
0x67: {  	_ =	shalt  }
0x68: {  	_ =	shalt  }
0x69: {  	_ =	shalt  }
0x6a: {  	_ =	shalt  }
0x6b: {  	_ =	shalt  }
0x6c: {  	_ =	shalt  }
0x6d: {  	_ =	shalt  }
0x6e: {  	_ =	shalt  }
0x6f: {  	_ =	shalt  }
0x70: {  	_ =	shalt  }
0x71: {  	_ =	shalt  }
0x72: {  	_ =	shalt  }
0x73: {  	_ =	shalt  }
0x74: {  	_ =	shalt  }
0x75: {  	_ =	shalt  }
0x76: {  	_ =	shalt  }
0x77: {  	_ =	shalt  }
0x78: {  	_ =	shalt  }
0x79: {  	_ =	shalt  }
0x7a: {  	_ =	shalt  }
0x7b: {  	_ =	shalt  }
0x7c: {  	_ =	shalt  }
0x7d: {  	_ =	shalt  }
0x7e: {  	_ =	shalt  }
0x7f: {  	_ =	shalt  }
0x80: {  	_ =	shalt  }
0x81: {  	_ =	shalt  }
0x82: {  	_ =	shalt  }
0x83: {  	_ =	shalt  }
0x84: {  	_ =	shalt  }
0x85: {  	_ =	shalt  }
0x86: {  	_ =	shalt  }
0x87: {  	_ =	shalt  }
.Lfunc_end0:
.L_simem_size_0:
called_computation_lowered:
.L_overlay_start_0:
0x88: {  	s2 =	sld [smem:$0x3FD9]  }
0x89: {  	s3 =	sld [smem:$0x3FFE];
	_ =	sdelay $0x1  }
0x8a: {  	s1 =	srdreg.scid  }
0x8b: {  	s0 =	sand.u32 $0x1, s1  }
0x8c: {  	s16 =	sshll.u32 s0, $0xA;
	s2 =	sadd.s32 s3, s2  }
0x8d: {  	s2 =	sadd.s32 s2, s16  }
0x8e: {  	[smem:$0x3FBE] =	sst s2  }
0x8f: {  	_ = 	snop  }
0x90: {  	(tm) =	ssettm $0x1  }
0x91: {  	s17 =	sld [smem:$0x3FFB];
	_ =	sdelay $0x3  }
0x92: {  	_ =	strace s17  }
0x93: {  	s2 =	sld [smem:$0x3FFC];
	_ =	sdelay $0x3  }
0x94: {  	_ =	strace s2  }
0x95: {  	s2 =	sld [smem:$0x3FFD];
	_ =	sdelay $0x3  }
0x96: {  	_ =	strace s2  }
0x97: {  	_ =	strace $0x8FFFFFFF  }
0x98: {  	s18 =	sld [smem:$0x3FDB];
	_ =	sdelay $0x1  }
0x99: {  	s19 =	simm.s32 $_scs_section_size  }
0x9a: {  	s4 =	simm.s32 $_size__tile_overlayer_lowered;
	s5 =	simm.s32 $_tile_overlayer_lowered  }
0x9b: {  	s22 =	simm.s32 $0x1BFF;
	s21 =	sshll.u32 s5, $0x1;
	s2 =	sadd.s32 s19, s18  }
0x9c: {  	s6 =	simm.s32 $0x0;
	s20 =	sshll.u32 s4, $0x1;
	s4 =	sadd.s32 s21, s2  }
0x9d: {  	[timem:s6], [sflag:s22] =	dma.local [hbm:s4], s20  }
0x9e: {  	_ =	swait.ge [sflag:s22], s20  }
0x9f: {  	s3 =	ssub.s32 $0x0, s20;
	[sflag:s22] =	ssyncset.done $0x0  }
0xa0: {  	[sflag:s22] =	ssyncadd.s32 s3;
	_ =	sdelay $0x1  }
0xa1: {  	s23 =	simm.s32 $0x1B8B  }
0xa2: {  	_ =	swait.ge [sflag:s23], $0x1  }
0xa3: {  	[sflag:s23] =	ssyncset.done $0x0  }
0xa4: {  	s25 =	simm.s32 $0x1B8E;
	s24 =	sld [smem:$0x3FFE];
	[sflag:s23] =	ssyncadd.s32 $0xFFFFFFFF  }
0xa5: {  	s26 =	simm.s32 $execute0_lowered;
	[smem:$0x3FD2] =	sst s25  }
0xa6: {  	s4 =	sshll.u32 s26, $0x1;
	_ =	strace $0x80000046;
	[dreg:$0x1] =	wrdreg $0xFFFFFFFF  }
0xa7: {  	s28 =	simm.s32 $_size_execute0_lowered;
	s2 =	sadd.s32 s2, s4;
	[dreg:$0x0] =	wrdreg $0x0  }
0xa8: {  	s4 =	sshll.u32 s28, $0x1;
	[dreg:$0x2] =	wrdreg s2  }
0xa9: {  	[dreg:$0x3] =	wrdreg s4  }
0xaa: {  	[dreg:$0x4] =	wrdreg $0xC0  }
0xab: {  	_ =	task [dreg:s6], $0x5FFFF  }
0xac: {  	[dreg:$0x1] =	wrdreg $0xFFFFFFFF  }
0xad: {  	[dreg:$0x0] =	wrdreg $0x60  }
0xae: {  	[dreg:$0x2] =	wrdreg s24  }
0xaf: {  	[dreg:$0x3] =	wrdreg $0xB4000  }
0xb0: {  	[dreg:$0x4] =	wrdreg $0x9  }
0xb1: {  	_ =	task.clear_ibuf [dreg:s6], $0x5FFFF;
	_ =	strace $0x90000046  }
0xb2: {  	s29 =	simm.s32 $0x9;
	_ =	strace $0x80000048  }
0xb3: {  	_ =	swait.ge [sflag:s29], $0x1  }
0xb4: {  	[sflag:s29] =	ssyncadd.s32 $0xFFFFFFFF  }
0xb5: {  	_ =	strace $0x90000048  }
0xb6: {  	_ =	sfence  }
0xb7: {  	s30 =	sld [smem:$0x0];
	_ =	sdelay $0x2  }
0xb8: {  	s31 =	sshll.u32 s1, $0xD;
	s1 =	sshrl.u32 s1, $0x2  }
0xb9: {  	s3 =	sand.u32 $0x4000, s31;
	s1 =	sadd.s32 s1, s30  }
0xba: {  	s0 =	sor.u32 s3, s0;
	s1 =	sshll.u32 s1, $0x11  }
0xbb: {  	s0 =	sor.u32 s1, s0  }
0xbc: {  	s0 =	sadd.s32 $0x8F2B, s0  }
0xbd: {  	[sflag:s0] =	ssyncadd.remote.s32 $0x1  }
0xbe: {  	_ =	sfence.sel $0xFFFF  }
0xbf: {  	[dreg:$0x0] =	wrdreg $0xFFFFFFFF;
	(pc) =	sbr.abs _section_cstart, $3  }
0xc0: {  	[dreg:$0x1] =	wrdreg $0xFFFFFFFF  }
0xc1: {  	_ =	task.clear_ibuf [dreg:s6], $0x2FFFF;
	_ =	strace $0x9FFFFFFF  }
0xc2: {  	(tm) =	ssettm $0x7FFFFFFF  }
0xc3: {  	_ =	shalt  }
tec
execute0_lowered:
.L_overlay_start_1:
0x0: {  	(tag) =	ssettag $0x1  }
0x1: {  	s1 =	srdreg.scid  }
0x2: {  	s0 =	stileid.u32;
	s4 =	rddreg [dreg:$0x0]  }
0x3: {  	s2 =	rddreg [dreg:$0x1];
	s1 =	sand.u32 $0x1, s1;
	s3 =	sshll.u32 s0, $0x1  }
0x4: {  	s9 =	sshll.u32 s0, $0x6;
	s5 =	sor.u32 s1, s3;
	s3 =	simm.s32 $0x0  }
0x5: {  	s11 =	sor.u32 $0x1C02, s9;
	[smem:$0x7FF] =	sst s3  }
0x6: {  	s16 =	simm.s32 $0x80;
	_ =	strace $0x80000047;
	[dreg:$0x4] =	wrdreg s11  }
0x7: {  	s17 =	simm.s32 $0x100;
	[dreg:$0x8] =	wrdreg s16  }
0x8: {  	s18 =	simm.s32 $0x180;
	[dreg:$0x9] =	wrdreg s17  }
0x9: {  	s19 =	simm.s32 $0x200;
	[dreg:$0xa] =	wrdreg s18  }
0xa: {  	s20 =	simm.s32 $0x280;
	[dreg:$0xb] =	wrdreg s19  }
0xb: {  	s21 =	simm.s32 $0x300;
	[dreg:$0xc] =	wrdreg s20  }
0xc: {  	s22 =	simm.s32 $0x380;
	[dreg:$0xd] =	wrdreg s21  }
0xd: {  	s23 =	simm.s32 $0x400;
	[dreg:$0xe] =	wrdreg s22  }
0xe: {  	s24 =	simm.s32 $0x480;
	[dreg:$0xf] =	wrdreg s23  }
0xf: {  	s25 =	simm.s32 $0x500;
	[dreg:$0x10] =	wrdreg s24  }
0x10: {  	s26 =	simm.s32 $0x580;
	s7 =	smul.u32 $0x480, s0;
	[dreg:$0x11] =	wrdreg s25  }
0x11: {  	s8 =	smul.u32 $0x9000, s0;
	s0 =	simm.s32 $0x600;
	[dreg:$0x12] =	wrdreg s26  }
0x12: {  	s9 =	simm.s32 $0x700;
	s7 =	sadd.s32 s7, s4;
	[dreg:$0x13] =	wrdreg s0  }
0x13: {  	s6 =	smul.u32 $0x280, s5;
	s7 =	sadd.s32 $0x8600, s7;
	[dreg:$0x15] =	wrdreg s9  }
0x14: {  	s5 =	smul.u32 $0x1400, s5;
	s12 =	sshrl.u32 s8, $0x2;
	[dreg:$0x3] =	wrdreg s7  }
0x15: {  	s14 =	sadd.s32 s12, s2;
	s11 =	simm.s32 $0x780;
	s7 =	rddreg [dreg:$0x4]  }
0x16: {  	s6 =	sadd.s32 s6, s4;
	s15 =	sshrl.u32 s14, $0x3;
	[dreg:$0x16] =	wrdreg s11  }
0x17: {  	s4 =	sadd.s32 s5, s4;
	s5 =	simm.s32 $0x680;
	[dreg:$0x7] =	wrdreg s15  }
0x18: {  	[dreg:$0x14] =	wrdreg s5  }
0x19: {  	s13 =	sadd.s32 $0x3600, s6;
	s10 =	rddreg [dreg:$0x3]  }
0x1a: {  	s4 =	sadd.s32 $0xCE00, s4;
	[dreg:$0x5] =	wrdreg s13  }
0x1b: {  	[dreg:$0x6] =	wrdreg s4  }
0x1c: {  	s6 =	rddreg [dreg:$0x7];
	s4 =	simm.s32 $0x2  }
0x1d: {  	[spmem:s6], [sflag:s7] =	dma.local [hbm:s10], $0x480  }
0x1e: {  	_ =	swait.ge [sflag:s4], $0x480  }
0x1f: {  	[sflag:s4] =	ssyncset.done $0x0  }
0x20: {  	s12 =	rddreg [dreg:$0x5];
	[sflag:s4] =	ssyncadd.s32 $0xFFFFFB80  }
0x21: {  	[tilespmem:s3], [sflag:$0x2] =	stream.linear.gather [hbm4b:s12+s3], $0x1200, $0x38;
	[tilespmem:$0xD800] =	vst v63  }
0x22: {  	_ =	swait.ge [sflag:s4], $0x1200  }
0x23: {  	[sflag:s4] =	ssyncset.done $0x0  }
0x24: {  	[sflag:s4] =	ssyncadd.s32 $0xFFFFEE00  }
0x25: {  	s5 =	simm.s32 $0x50;
	s6 =	simm.s32 $0x1400;
	[bflag:$0x0] =	sbarrier.arrive $0xFFFF  }
0x26: {  	[tilespmem:s6], [sflag:$0x1] =	stream.indirect.gather [spmem:s2], $0x80, s3, s5, $0xb8;
	[tilespmem:$0xD800] =	vst v63  }
0x27: {  	s7 =	simm.s32 $0x3C00;
	s13 =	rddreg [dreg:$0x8]  }
0x28: {  	[tilespmem:s7], [sflag:$0x1] =	stream.indirect.gather [spmem:s2], $0x80, s13, s5, $0xb8;
	[tilespmem:$0xD800] =	vst v63  }
0x29: {  	s8 =	simm.s32 $0x6400;
	s14 =	rddreg [dreg:$0x9]  }
0x2a: {  	[tilespmem:s8], [sflag:$0x1] =	stream.indirect.gather [spmem:s2], $0x80, s14, s5, $0xb8;
	[tilespmem:$0xD800] =	vst v63  }
0x2b: {  	s9 =	simm.s32 $0x8C00;
	s10 =	simm.s32 $0x1;
	s11 =	rddreg [dreg:$0xa]  }
0x2c: {  	[tilespmem:s9], [sflag:$0x1] =	stream.indirect.gather [spmem:s2], $0x80, s11, s5, $0xb8;
	[tilespmem:$0xD800] =	vst v63  }
0x2d: {  	_ =	swait.ge [sflag:s10], $0x2800  }
0x2e: {  	[sflag:s10] =	ssyncset.done $0x0  }
0x2f: {  	[sflag:s10] =	ssyncadd.s32 $0xFFFFD800  }
0x30: {  	_ =	swait.ge [sflag:s10], $0x2800  }
0x31: {  	[sflag:s10] =	ssyncset.done $0x0  }
0x32: {  	[sflag:s10] =	ssyncadd.s32 $0xFFFFD800  }
0x33: {  	_ =	swait.ge [sflag:s10], $0x2800  }
0x34: {  	[sflag:s10] =	ssyncset.done $0x0  }
0x35: {  	[sflag:s10] =	ssyncadd.s32 $0xFFFFD800  }
0x36: {  	_ =	swait.ge [sflag:s10], $0x2800  }
0x37: {  	[sflag:s10] =	ssyncset.done $0x0  }
0x38: {  	s15 =	rddreg [dreg:$0xb];
	[sflag:s10] =	ssyncadd.s32 $0xFFFFD800  }
0x39: {  	[tilespmem:s6], [sflag:$0x1] =	stream.indirect.gather.add.f32 [spmem:s2], $0x80, s15, s5, $0xb8;
	[tilespmem:$0xD800] =	vst v63  }
0x3a: {  	s12 =	rddreg [dreg:$0xc]  }
0x3b: {  	[tilespmem:s7], [sflag:$0x1] =	stream.indirect.gather.add.f32 [spmem:s2], $0x80, s12, s5, $0xb8;
	[tilespmem:$0xD800] =	vst v63  }
0x3c: {  	s16 =	rddreg [dreg:$0xd]  }
0x3d: {  	[tilespmem:s8], [sflag:$0x1] =	stream.indirect.gather.add.f32 [spmem:s2], $0x80, s16, s5, $0xb8;
	[tilespmem:$0xD800] =	vst v63  }
0x3e: {  	s17 =	rddreg [dreg:$0xe]  }
0x3f: {  	[tilespmem:s9], [sflag:$0x1] =	stream.indirect.gather.add.f32 [spmem:s2], $0x80, s17, s5, $0xb8;
	[tilespmem:$0xD800] =	vst v63  }
0x40: {  	_ =	swait.ge [sflag:s10], $0x2800  }
0x41: {  	[sflag:s10] =	ssyncset.done $0x0  }
0x42: {  	[sflag:s10] =	ssyncadd.s32 $0xFFFFD800  }
0x43: {  	_ =	swait.ge [sflag:s10], $0x2800  }
0x44: {  	[sflag:s10] =	ssyncset.done $0x0  }
0x45: {  	[sflag:s10] =	ssyncadd.s32 $0xFFFFD800  }
0x46: {  	_ =	swait.ge [sflag:s10], $0x2800  }
0x47: {  	[sflag:s10] =	ssyncset.done $0x0  }
0x48: {  	[sflag:s10] =	ssyncadd.s32 $0xFFFFD800  }
0x49: {  	_ =	swait.ge [sflag:s10], $0x2800  }
0x4a: {  	[sflag:s10] =	ssyncset.done $0x0  }
0x4b: {  	s18 =	rddreg [dreg:$0xf];
	[sflag:s10] =	ssyncadd.s32 $0xFFFFD800  }
0x4c: {  	[tilespmem:s6], [sflag:$0x1] =	stream.indirect.gather.add.f32 [spmem:s2], $0x80, s18, s5, $0xb8;
	[tilespmem:$0xD800] =	vst v63  }
0x4d: {  	s19 =	rddreg [dreg:$0x10]  }
0x4e: {  	[tilespmem:s7], [sflag:$0x1] =	stream.indirect.gather.add.f32 [spmem:s2], $0x80, s19, s5, $0xb8;
	[tilespmem:$0xD800] =	vst v63  }
0x4f: {  	s20 =	rddreg [dreg:$0x11]  }
0x50: {  	[tilespmem:s8], [sflag:$0x1] =	stream.indirect.gather.add.f32 [spmem:s2], $0x80, s20, s5, $0xb8;
	[tilespmem:$0xD800] =	vst v63  }
0x51: {  	s21 =	rddreg [dreg:$0x12]  }
0x52: {  	[tilespmem:s9], [sflag:$0x1] =	stream.indirect.gather.add.f32 [spmem:s2], $0x80, s21, s5, $0xb8;
	[tilespmem:$0xD800] =	vst v63  }
0x53: {  	_ =	swait.ge [sflag:s10], $0x2800  }
0x54: {  	[sflag:s10] =	ssyncset.done $0x0  }
0x55: {  	[sflag:s10] =	ssyncadd.s32 $0xFFFFD800  }
0x56: {  	_ =	swait.ge [sflag:s10], $0x2800  }
0x57: {  	[sflag:s10] =	ssyncset.done $0x0  }
0x58: {  	[sflag:s10] =	ssyncadd.s32 $0xFFFFD800  }
0x59: {  	_ =	swait.ge [sflag:s10], $0x2800  }
0x5a: {  	[sflag:s10] =	ssyncset.done $0x0  }
0x5b: {  	[sflag:s10] =	ssyncadd.s32 $0xFFFFD800  }
0x5c: {  	_ =	swait.ge [sflag:s10], $0x2800  }
0x5d: {  	[sflag:s10] =	ssyncset.done $0x0  }
0x5e: {  	s22 =	rddreg [dreg:$0x13];
	[sflag:s10] =	ssyncadd.s32 $0xFFFFD800  }
0x5f: {  	[tilespmem:s6], [sflag:$0x1] =	stream.indirect.gather.add.f32 [spmem:s2], $0x80, s22, s5, $0xb8;
	[tilespmem:$0xD800] =	vst v63  }
0x60: {  	s23 =	rddreg [dreg:$0x14]  }
0x61: {  	[tilespmem:s7], [sflag:$0x1] =	stream.indirect.gather.add.f32 [spmem:s2], $0x80, s23, s5, $0xb8;
	[tilespmem:$0xD800] =	vst v63  }
0x62: {  	s24 =	rddreg [dreg:$0x15]  }
0x63: {  	[tilespmem:s8], [sflag:$0x1] =	stream.indirect.gather.add.f32 [spmem:s2], $0x80, s24, s5, $0xb8;
	[tilespmem:$0xD800] =	vst v63  }
0x64: {  	s25 =	rddreg [dreg:$0x16]  }
0x65: {  	[tilespmem:s9], [sflag:$0x1] =	stream.indirect.gather.add.f32 [spmem:s2], $0x80, s25, s5, $0xb8;
	[tilespmem:$0xD800] =	vst v63  }
0x66: {  	_ =	swait.ge [sflag:s10], $0x2800  }
0x67: {  	[sflag:s10] =	ssyncset.done $0x0  }
0x68: {  	[sflag:s10] =	ssyncadd.s32 $0xFFFFD800  }
0x69: {  	_ =	swait.ge [sflag:s10], $0x2800  }
0x6a: {  	[sflag:s10] =	ssyncset.done $0x0  }
0x6b: {  	[sflag:s10] =	ssyncadd.s32 $0xFFFFD800  }
0x6c: {  	_ =	swait.ge [sflag:s10], $0x2800  }
0x6d: {  	[sflag:s10] =	ssyncset.done $0x0  }
0x6e: {  	[sflag:s10] =	ssyncadd.s32 $0xFFFFD800  }
0x6f: {  	_ =	swait.ge [sflag:s10], $0x2800  }
0x70: {  	[sflag:s10] =	ssyncset.done $0x0  }
0x71: {  	s26 =	simm.s32 $0x800;
	[sflag:s10] =	ssyncadd.s32 $0xFFFFD800  }
0x72: {  	[tilespmem:s6], [sflag:$0x1] =	stream.indirect.gather.add.f32 [spmem:s2], $0x80, s26, s5, $0xb8;
	[tilespmem:$0xD800] =	vst v63  }
0x73: {  	s11 =	simm.s32 $0x880  }
0x74: {  	[tilespmem:s7], [sflag:$0x1] =	stream.indirect.gather.add.f32 [spmem:s2], $0x80, s11, s5, $0xb8;
	[tilespmem:$0xD800] =	vst v63  }
0x75: {  	s13 =	simm.s32 $0x900  }
0x76: {  	[tilespmem:s8], [sflag:$0x1] =	stream.indirect.gather.add.f32 [spmem:s2], $0x80, s13, s5, $0xb8;
	[tilespmem:$0xD800] =	vst v63  }
0x77: {  	s14 =	simm.s32 $0x980  }
0x78: {  	[tilespmem:s9], [sflag:$0x1] =	stream.indirect.gather.add.f32 [spmem:s2], $0x80, s14, s5, $0xb8;
	[tilespmem:$0xD800] =	vst v63  }
0x79: {  	_ =	swait.ge [sflag:s10], $0x2800  }
0x7a: {  	[sflag:s10] =	ssyncset.done $0x0  }
0x7b: {  	[sflag:s10] =	ssyncadd.s32 $0xFFFFD800  }
0x7c: {  	_ =	swait.ge [sflag:s10], $0x2800  }
0x7d: {  	[sflag:s10] =	ssyncset.done $0x0  }
0x7e: {  	[sflag:s10] =	ssyncadd.s32 $0xFFFFD800  }
0x7f: {  	_ =	swait.ge [sflag:s10], $0x2800  }
0x80: {  	[sflag:s10] =	ssyncset.done $0x0  }
0x81: {  	[sflag:s10] =	ssyncadd.s32 $0xFFFFD800  }
0x82: {  	_ =	swait.ge [sflag:s10], $0x2800  }
0x83: {  	[sflag:s10] =	ssyncset.done $0x0  }
0x84: {  	s15 =	simm.s32 $0xA00;
	[sflag:s10] =	ssyncadd.s32 $0xFFFFD800  }
0x85: {  	[tilespmem:s6], [sflag:$0x1] =	stream.indirect.gather.add.f32 [spmem:s2], $0x80, s15, s5, $0xb8;
	[tilespmem:$0xD800] =	vst v63  }
0x86: {  	s16 =	simm.s32 $0xA80  }
0x87: {  	[tilespmem:s7], [sflag:$0x1] =	stream.indirect.gather.add.f32 [spmem:s2], $0x80, s16, s5, $0xb8;
	[tilespmem:$0xD800] =	vst v63  }
0x88: {  	s17 =	simm.s32 $0xB00  }
0x89: {  	[tilespmem:s8], [sflag:$0x1] =	stream.indirect.gather.add.f32 [spmem:s2], $0x80, s17, s5, $0xb8;
	[tilespmem:$0xD800] =	vst v63  }
0x8a: {  	s18 =	simm.s32 $0xB80  }
0x8b: {  	[tilespmem:s9], [sflag:$0x1] =	stream.indirect.gather.add.f32 [spmem:s2], $0x80, s18, s5, $0xb8;
	[tilespmem:$0xD800] =	vst v63  }
0x8c: {  	_ =	swait.ge [sflag:s10], $0x2800  }
0x8d: {  	[sflag:s10] =	ssyncset.done $0x0  }
0x8e: {  	[sflag:s10] =	ssyncadd.s32 $0xFFFFD800  }
0x8f: {  	_ =	swait.ge [sflag:s10], $0x2800  }
0x90: {  	[sflag:s10] =	ssyncset.done $0x0  }
0x91: {  	[sflag:s10] =	ssyncadd.s32 $0xFFFFD800  }
0x92: {  	_ =	swait.ge [sflag:s10], $0x2800  }
0x93: {  	[sflag:s10] =	ssyncset.done $0x0  }
0x94: {  	[sflag:s10] =	ssyncadd.s32 $0xFFFFD800  }
0x95: {  	_ =	swait.ge [sflag:s10], $0x2800  }
0x96: {  	[sflag:s10] =	ssyncset.done $0x0  }
0x97: {  	s19 =	simm.s32 $0xC00;
	[sflag:s10] =	ssyncadd.s32 $0xFFFFD800  }
0x98: {  	[tilespmem:s6], [sflag:$0x1] =	stream.indirect.gather.add.f32 [spmem:s2], $0x80, s19, s5, $0xb8;
	[tilespmem:$0xD800] =	vst v63  }
0x99: {  	s20 =	simm.s32 $0xC80  }
0x9a: {  	[tilespmem:s7], [sflag:$0x1] =	stream.indirect.gather.add.f32 [spmem:s2], $0x80, s20, s5, $0xb8;
	[tilespmem:$0xD800] =	vst v63  }
0x9b: {  	s21 =	simm.s32 $0xD00  }
0x9c: {  	[tilespmem:s8], [sflag:$0x1] =	stream.indirect.gather.add.f32 [spmem:s2], $0x80, s21, s5, $0xb8;
	[tilespmem:$0xD800] =	vst v63  }
0x9d: {  	s22 =	simm.s32 $0xD80  }
0x9e: {  	[tilespmem:s9], [sflag:$0x1] =	stream.indirect.gather.add.f32 [spmem:s2], $0x80, s22, s5, $0xb8;
	[tilespmem:$0xD800] =	vst v63  }
0x9f: {  	_ =	swait.ge [sflag:s10], $0x2800  }
0xa0: {  	[sflag:s10] =	ssyncset.done $0x0  }
0xa1: {  	[sflag:s10] =	ssyncadd.s32 $0xFFFFD800  }
0xa2: {  	_ =	swait.ge [sflag:s10], $0x2800  }
0xa3: {  	[sflag:s10] =	ssyncset.done $0x0  }
0xa4: {  	[sflag:s10] =	ssyncadd.s32 $0xFFFFD800  }
0xa5: {  	_ =	swait.ge [sflag:s10], $0x2800  }
0xa6: {  	[sflag:s10] =	ssyncset.done $0x0  }
0xa7: {  	[sflag:s10] =	ssyncadd.s32 $0xFFFFD800  }
0xa8: {  	_ =	swait.ge [sflag:s10], $0x2800  }
0xa9: {  	[sflag:s10] =	ssyncset.done $0x0  }
0xaa: {  	s23 =	simm.s32 $0xE00;
	[sflag:s10] =	ssyncadd.s32 $0xFFFFD800  }
0xab: {  	[tilespmem:s6], [sflag:$0x1] =	stream.indirect.gather.add.f32 [spmem:s2], $0x80, s23, s5, $0xb8;
	[tilespmem:$0xD800] =	vst v63  }
0xac: {  	s24 =	simm.s32 $0xE80  }
0xad: {  	[tilespmem:s7], [sflag:$0x1] =	stream.indirect.gather.add.f32 [spmem:s2], $0x80, s24, s5, $0xb8;
	[tilespmem:$0xD800] =	vst v63  }
0xae: {  	s25 =	simm.s32 $0xF00  }
0xaf: {  	[tilespmem:s8], [sflag:$0x1] =	stream.indirect.gather.add.f32 [spmem:s2], $0x80, s25, s5, $0xb8;
	[tilespmem:$0xD800] =	vst v63  }
0xb0: {  	s26 =	simm.s32 $0xF80  }
0xb1: {  	[tilespmem:s9], [sflag:$0x1] =	stream.indirect.gather.add.f32 [spmem:s2], $0x80, s26, s5, $0xb8;
	[tilespmem:$0xD800] =	vst v63  }
0xb2: {  	_ =	swait.ge [sflag:s10], $0x2800  }
0xb3: {  	[sflag:s10] =	ssyncset.done $0x0  }
0xb4: {  	[sflag:s10] =	ssyncadd.s32 $0xFFFFD800  }
0xb5: {  	_ =	swait.ge [sflag:s10], $0x2800  }
0xb6: {  	[sflag:s10] =	ssyncset.done $0x0  }
0xb7: {  	[sflag:s10] =	ssyncadd.s32 $0xFFFFD800  }
0xb8: {  	_ =	swait.ge [sflag:s10], $0x2800  }
0xb9: {  	[sflag:s10] =	ssyncset.done $0x0  }
0xba: {  	[sflag:s10] =	ssyncadd.s32 $0xFFFFD800  }
0xbb: {  	_ =	swait.ge [sflag:s10], $0x2800  }
0xbc: {  	[sflag:s10] =	ssyncset.done $0x0  }
0xbd: {  	s28 =	simm.s32 $0x1000;
	[sflag:s10] =	ssyncadd.s32 $0xFFFFD800  }
0xbe: {  	[tilespmem:s6], [sflag:$0x1] =	stream.indirect.gather.add.f32 [spmem:s2], $0x80, s28, s5, $0xb8;
	[tilespmem:$0xD800] =	vst v63  }
0xbf: {  	s29 =	simm.s32 $0x1080  }
0xc0: {  	[tilespmem:s7], [sflag:$0x1] =	stream.indirect.gather.add.f32 [spmem:s2], $0x80, s29, s5, $0xb8;
	[tilespmem:$0xD800] =	vst v63  }
0xc1: {  	s30 =	simm.s32 $0x1100  }
0xc2: {  	[tilespmem:s8], [sflag:$0x1] =	stream.indirect.gather.add.f32 [spmem:s2], $0x80, s30, s5, $0xb8;
	[tilespmem:$0xD800] =	vst v63  }
0xc3: {  	s31 =	simm.s32 $0x1180  }
0xc4: {  	[tilespmem:s9], [sflag:$0x1] =	stream.indirect.gather.add.f32 [spmem:s2], $0x80, s31, s5, $0xb8;
	[tilespmem:$0xD800] =	vst v63  }
0xc5: {  	_ =	swait.ge [sflag:s10], $0x2800  }
0xc6: {  	[sflag:s10] =	ssyncset.done $0x0  }
0xc7: {  	[sflag:s10] =	ssyncadd.s32 $0xFFFFD800  }
0xc8: {  	s1 =	ssub.s32 $0x2, s1;
	_ =	swait.ge [sflag:s10], $0x2800  }
0xc9: {  	s12 =	sshrl.u32 s1, $0x1;
	[sflag:s10] =	ssyncset.done $0x0  }
0xca: {  	s0 =	ssub.s32 s1, s12;
	[sflag:s10] =	ssyncadd.s32 $0xFFFFD800  }
0xcb: {  	s0 =	smax.u32 s0, $0x1;
	_ =	swait.ge [sflag:s10], $0x2800  }
0xcc: {  	p0 =	sne.s32 s0, $0x1;
	[sflag:s10] =	ssyncset.done $0x0  }
.Ltmp0:
0xcd: {  	[sflag:s10] =	ssyncadd.s32 $0xFFFFD800;
	(pc) =	sbr.rel @!p0 .LBB2_2-.Ltmp0, $4  }
0xce: {  	_ =	swait.ge [sflag:s10], $0x2800  }
0xcf: {  	[sflag:s10] =	ssyncset.done $0x0  }
0xd0: {  	s1 =	sadd.s32 $0xFFFFFFFF, s0;
	s11 =	rddreg [dreg:$0x6];
	[sflag:s10] =	ssyncadd.s32 $0xFFFFD800  }
0xd1: {  	[hbm4b:s11+s3] =	stream.linear.scatter [tilespmem:s6], [sflag:$0x2], $0xA000, $0x38;
	[tilespmem:$0xD800] =	vst v63  }
.LBB2_1:
0xd2: {  	_ =	swait.ge [sflag:s4], $0xA000  }
0xd3: {  	s0 =	rddreg [dreg:$0x7]  }
0xd4: {  	[sflag:s4] =	ssyncset.done $0x0;
	s11 =	rddreg [dreg:$0x4]  }
0xd5: {  	s12 =	rddreg [dreg:$0x3];
	[sflag:s4] =	ssyncadd.s32 $0xFFFF6000  }
0xd6: {  	[spmem:s0], [sflag:s11] =	dma.local [hbm:s12], $0x480  }
0xd7: {  	_ =	swait.ge [sflag:s4], $0x480  }
0xd8: {  	[sflag:s4] =	ssyncset.done $0x0  }
0xd9: {  	s11 =	rddreg [dreg:$0x5];
	[sflag:s4] =	ssyncadd.s32 $0xFFFFFB80  }
0xda: {  	[tilespmem:s3], [sflag:$0x2] =	stream.linear.gather [hbm4b:s11+s3], $0x1200, $0x38;
	[tilespmem:$0xD800] =	vst v63  }
0xdb: {  	_ =	swait.ge [sflag:s4], $0x1200  }
0xdc: {  	[sflag:s4] =	ssyncset.done $0x0  }
0xdd: {  	[sflag:s4] =	ssyncadd.s32 $0xFFFFEE00  }
0xde: {  	[bflag:$0x0] =	sbarrier.arrive $0xFFFF  }
0xdf: {  	[tilespmem:s6], [sflag:$0x1] =	stream.indirect.gather [spmem:s2], $0x80, s3, s5, $0xb8;
	[tilespmem:$0xD800] =	vst v63  }
0xe0: {  	s12 =	rddreg [dreg:$0x8]  }
0xe1: {  	[tilespmem:s7], [sflag:$0x1] =	stream.indirect.gather [spmem:s2], $0x80, s12, s5, $0xb8;
	[tilespmem:$0xD800] =	vst v63  }
0xe2: {  	s11 =	rddreg [dreg:$0x9]  }
0xe3: {  	[tilespmem:s8], [sflag:$0x1] =	stream.indirect.gather [spmem:s2], $0x80, s11, s5, $0xb8;
	[tilespmem:$0xD800] =	vst v63  }
0xe4: {  	s12 =	rddreg [dreg:$0xa]  }
0xe5: {  	[tilespmem:s9], [sflag:$0x1] =	stream.indirect.gather [spmem:s2], $0x80, s12, s5, $0xb8;
	[tilespmem:$0xD800] =	vst v63  }
0xe6: {  	_ =	swait.ge [sflag:s10], $0x2800  }
0xe7: {  	[sflag:s10] =	ssyncset.done $0x0  }
0xe8: {  	[sflag:s10] =	ssyncadd.s32 $0xFFFFD800  }
0xe9: {  	_ =	swait.ge [sflag:s10], $0x2800  }
0xea: {  	[sflag:s10] =	ssyncset.done $0x0  }
0xeb: {  	[sflag:s10] =	ssyncadd.s32 $0xFFFFD800  }
0xec: {  	_ =	swait.ge [sflag:s10], $0x2800  }
0xed: {  	[sflag:s10] =	ssyncset.done $0x0  }
0xee: {  	[sflag:s10] =	ssyncadd.s32 $0xFFFFD800  }
0xef: {  	_ =	swait.ge [sflag:s10], $0x2800  }
0xf0: {  	[sflag:s10] =	ssyncset.done $0x0  }
0xf1: {  	s11 =	rddreg [dreg:$0xb];
	[sflag:s10] =	ssyncadd.s32 $0xFFFFD800  }
0xf2: {  	[tilespmem:s6], [sflag:$0x1] =	stream.indirect.gather.add.f32 [spmem:s2], $0x80, s11, s5, $0xb8;
	[tilespmem:$0xD800] =	vst v63  }
0xf3: {  	s12 =	rddreg [dreg:$0xc]  }
0xf4: {  	[tilespmem:s7], [sflag:$0x1] =	stream.indirect.gather.add.f32 [spmem:s2], $0x80, s12, s5, $0xb8;
	[tilespmem:$0xD800] =	vst v63  }
0xf5: {  	s0 =	rddreg [dreg:$0xd]  }
0xf6: {  	[tilespmem:s8], [sflag:$0x1] =	stream.indirect.gather.add.f32 [spmem:s2], $0x80, s0, s5, $0xb8;
	[tilespmem:$0xD800] =	vst v63  }
0xf7: {  	s12 =	rddreg [dreg:$0xe]  }
0xf8: {  	[tilespmem:s9], [sflag:$0x1] =	stream.indirect.gather.add.f32 [spmem:s2], $0x80, s12, s5, $0xb8;
	[tilespmem:$0xD800] =	vst v63  }
0xf9: {  	_ =	swait.ge [sflag:s10], $0x2800  }
0xfa: {  	[sflag:s10] =	ssyncset.done $0x0  }
0xfb: {  	[sflag:s10] =	ssyncadd.s32 $0xFFFFD800  }
0xfc: {  	_ =	swait.ge [sflag:s10], $0x2800  }
0xfd: {  	[sflag:s10] =	ssyncset.done $0x0  }
0xfe: {  	[sflag:s10] =	ssyncadd.s32 $0xFFFFD800  }
0xff: {  	_ =	swait.ge [sflag:s10], $0x2800  }
0x100: {  	[sflag:s10] =	ssyncset.done $0x0  }
0x101: {  	[sflag:s10] =	ssyncadd.s32 $0xFFFFD800  }
0x102: {  	_ =	swait.ge [sflag:s10], $0x2800  }
0x103: {  	[sflag:s10] =	ssyncset.done $0x0  }
0x104: {  	s11 =	rddreg [dreg:$0xf];
	[sflag:s10] =	ssyncadd.s32 $0xFFFFD800  }
0x105: {  	[tilespmem:s6], [sflag:$0x1] =	stream.indirect.gather.add.f32 [spmem:s2], $0x80, s11, s5, $0xb8;
	[tilespmem:$0xD800] =	vst v63  }
0x106: {  	s12 =	rddreg [dreg:$0x10]  }
0x107: {  	[tilespmem:s7], [sflag:$0x1] =	stream.indirect.gather.add.f32 [spmem:s2], $0x80, s12, s5, $0xb8;
	[tilespmem:$0xD800] =	vst v63  }
0x108: {  	s0 =	rddreg [dreg:$0x11]  }
0x109: {  	[tilespmem:s8], [sflag:$0x1] =	stream.indirect.gather.add.f32 [spmem:s2], $0x80, s0, s5, $0xb8;
	[tilespmem:$0xD800] =	vst v63  }
0x10a: {  	s12 =	rddreg [dreg:$0x12]  }
0x10b: {  	[tilespmem:s9], [sflag:$0x1] =	stream.indirect.gather.add.f32 [spmem:s2], $0x80, s12, s5, $0xb8;
	[tilespmem:$0xD800] =	vst v63  }
0x10c: {  	_ =	swait.ge [sflag:s10], $0x2800  }
0x10d: {  	[sflag:s10] =	ssyncset.done $0x0  }
0x10e: {  	[sflag:s10] =	ssyncadd.s32 $0xFFFFD800  }
0x10f: {  	_ =	swait.ge [sflag:s10], $0x2800  }
0x110: {  	[sflag:s10] =	ssyncset.done $0x0  }
0x111: {  	[sflag:s10] =	ssyncadd.s32 $0xFFFFD800  }
0x112: {  	_ =	swait.ge [sflag:s10], $0x2800  }
0x113: {  	[sflag:s10] =	ssyncset.done $0x0  }
0x114: {  	[sflag:s10] =	ssyncadd.s32 $0xFFFFD800  }
0x115: {  	_ =	swait.ge [sflag:s10], $0x2800  }
0x116: {  	[sflag:s10] =	ssyncset.done $0x0  }
0x117: {  	s11 =	rddreg [dreg:$0x13];
	[sflag:s10] =	ssyncadd.s32 $0xFFFFD800  }
0x118: {  	[tilespmem:s6], [sflag:$0x1] =	stream.indirect.gather.add.f32 [spmem:s2], $0x80, s11, s5, $0xb8;
	[tilespmem:$0xD800] =	vst v63  }
0x119: {  	s12 =	rddreg [dreg:$0x14]  }
0x11a: {  	[tilespmem:s7], [sflag:$0x1] =	stream.indirect.gather.add.f32 [spmem:s2], $0x80, s12, s5, $0xb8;
	[tilespmem:$0xD800] =	vst v63  }
0x11b: {  	s0 =	rddreg [dreg:$0x15]  }
0x11c: {  	[tilespmem:s8], [sflag:$0x1] =	stream.indirect.gather.add.f32 [spmem:s2], $0x80, s0, s5, $0xb8;
	[tilespmem:$0xD800] =	vst v63  }
0x11d: {  	s12 =	rddreg [dreg:$0x16]  }
0x11e: {  	[tilespmem:s9], [sflag:$0x1] =	stream.indirect.gather.add.f32 [spmem:s2], $0x80, s12, s5, $0xb8;
	[tilespmem:$0xD800] =	vst v63  }
0x11f: {  	_ =	swait.ge [sflag:s10], $0x2800  }
0x120: {  	[sflag:s10] =	ssyncset.done $0x0  }
0x121: {  	[sflag:s10] =	ssyncadd.s32 $0xFFFFD800  }
0x122: {  	_ =	swait.ge [sflag:s10], $0x2800  }
0x123: {  	[sflag:s10] =	ssyncset.done $0x0  }
0x124: {  	[sflag:s10] =	ssyncadd.s32 $0xFFFFD800  }
0x125: {  	_ =	swait.ge [sflag:s10], $0x2800  }
0x126: {  	[sflag:s10] =	ssyncset.done $0x0  }
0x127: {  	[sflag:s10] =	ssyncadd.s32 $0xFFFFD800  }
0x128: {  	_ =	swait.ge [sflag:s10], $0x2800  }
0x129: {  	[sflag:s10] =	ssyncset.done $0x0  }
0x12a: {  	s12 =	simm.s32 $0x800;
	[sflag:s10] =	ssyncadd.s32 $0xFFFFD800  }
0x12b: {  	[tilespmem:s6], [sflag:$0x1] =	stream.indirect.gather.add.f32 [spmem:s2], $0x80, s12, s5, $0xb8;
	[tilespmem:$0xD800] =	vst v63  }
0x12c: {  	s11 =	simm.s32 $0x880  }
0x12d: {  	[tilespmem:s7], [sflag:$0x1] =	stream.indirect.gather.add.f32 [spmem:s2], $0x80, s11, s5, $0xb8;
	[tilespmem:$0xD800] =	vst v63  }
0x12e: {  	_ = 	snop  }
0x12f: {  	[tilespmem:s8], [sflag:$0x1] =	stream.indirect.gather.add.f32 [spmem:s2], $0x80, s13, s5, $0xb8;
	[tilespmem:$0xD800] =	vst v63  }
0x130: {  	_ = 	snop  }
0x131: {  	[tilespmem:s9], [sflag:$0x1] =	stream.indirect.gather.add.f32 [spmem:s2], $0x80, s14, s5, $0xb8;
	[tilespmem:$0xD800] =	vst v63  }
0x132: {  	_ =	swait.ge [sflag:s10], $0x2800  }
0x133: {  	[sflag:s10] =	ssyncset.done $0x0  }
0x134: {  	[sflag:s10] =	ssyncadd.s32 $0xFFFFD800  }
0x135: {  	_ =	swait.ge [sflag:s10], $0x2800  }
0x136: {  	[sflag:s10] =	ssyncset.done $0x0  }
0x137: {  	[sflag:s10] =	ssyncadd.s32 $0xFFFFD800  }
0x138: {  	_ =	swait.ge [sflag:s10], $0x2800  }
0x139: {  	[sflag:s10] =	ssyncset.done $0x0  }
0x13a: {  	[sflag:s10] =	ssyncadd.s32 $0xFFFFD800  }
0x13b: {  	_ =	swait.ge [sflag:s10], $0x2800  }
0x13c: {  	[sflag:s10] =	ssyncset.done $0x0  }
0x13d: {  	[sflag:s10] =	ssyncadd.s32 $0xFFFFD800  }
0x13e: {  	[tilespmem:s6], [sflag:$0x1] =	stream.indirect.gather.add.f32 [spmem:s2], $0x80, s15, s5, $0xb8;
	[tilespmem:$0xD800] =	vst v63  }
0x13f: {  	_ = 	snop  }
0x140: {  	[tilespmem:s7], [sflag:$0x1] =	stream.indirect.gather.add.f32 [spmem:s2], $0x80, s16, s5, $0xb8;
	[tilespmem:$0xD800] =	vst v63  }
0x141: {  	_ = 	snop  }
0x142: {  	[tilespmem:s8], [sflag:$0x1] =	stream.indirect.gather.add.f32 [spmem:s2], $0x80, s17, s5, $0xb8;
	[tilespmem:$0xD800] =	vst v63  }
0x143: {  	_ = 	snop  }
0x144: {  	[tilespmem:s9], [sflag:$0x1] =	stream.indirect.gather.add.f32 [spmem:s2], $0x80, s18, s5, $0xb8;
	[tilespmem:$0xD800] =	vst v63  }
0x145: {  	_ =	swait.ge [sflag:s10], $0x2800  }
0x146: {  	[sflag:s10] =	ssyncset.done $0x0  }
0x147: {  	[sflag:s10] =	ssyncadd.s32 $0xFFFFD800  }
0x148: {  	_ =	swait.ge [sflag:s10], $0x2800  }
0x149: {  	[sflag:s10] =	ssyncset.done $0x0  }
0x14a: {  	[sflag:s10] =	ssyncadd.s32 $0xFFFFD800  }
0x14b: {  	_ =	swait.ge [sflag:s10], $0x2800  }
0x14c: {  	[sflag:s10] =	ssyncset.done $0x0  }
0x14d: {  	[sflag:s10] =	ssyncadd.s32 $0xFFFFD800  }
0x14e: {  	_ =	swait.ge [sflag:s10], $0x2800  }
0x14f: {  	[sflag:s10] =	ssyncset.done $0x0  }
0x150: {  	[sflag:s10] =	ssyncadd.s32 $0xFFFFD800  }
0x151: {  	[tilespmem:s6], [sflag:$0x1] =	stream.indirect.gather.add.f32 [spmem:s2], $0x80, s19, s5, $0xb8;
	[tilespmem:$0xD800] =	vst v63  }
0x152: {  	_ = 	snop  }
0x153: {  	[tilespmem:s7], [sflag:$0x1] =	stream.indirect.gather.add.f32 [spmem:s2], $0x80, s20, s5, $0xb8;
	[tilespmem:$0xD800] =	vst v63  }
0x154: {  	_ = 	snop  }
0x155: {  	[tilespmem:s8], [sflag:$0x1] =	stream.indirect.gather.add.f32 [spmem:s2], $0x80, s21, s5, $0xb8;
	[tilespmem:$0xD800] =	vst v63  }
0x156: {  	_ = 	snop  }
0x157: {  	[tilespmem:s9], [sflag:$0x1] =	stream.indirect.gather.add.f32 [spmem:s2], $0x80, s22, s5, $0xb8;
	[tilespmem:$0xD800] =	vst v63  }
0x158: {  	_ =	swait.ge [sflag:s10], $0x2800  }
0x159: {  	[sflag:s10] =	ssyncset.done $0x0  }
0x15a: {  	[sflag:s10] =	ssyncadd.s32 $0xFFFFD800  }
0x15b: {  	_ =	swait.ge [sflag:s10], $0x2800  }
0x15c: {  	[sflag:s10] =	ssyncset.done $0x0  }
0x15d: {  	[sflag:s10] =	ssyncadd.s32 $0xFFFFD800  }
0x15e: {  	_ =	swait.ge [sflag:s10], $0x2800  }
0x15f: {  	[sflag:s10] =	ssyncset.done $0x0  }
0x160: {  	[sflag:s10] =	ssyncadd.s32 $0xFFFFD800  }
0x161: {  	_ =	swait.ge [sflag:s10], $0x2800  }
0x162: {  	[sflag:s10] =	ssyncset.done $0x0  }
0x163: {  	[sflag:s10] =	ssyncadd.s32 $0xFFFFD800  }
0x164: {  	[tilespmem:s6], [sflag:$0x1] =	stream.indirect.gather.add.f32 [spmem:s2], $0x80, s23, s5, $0xb8;
	[tilespmem:$0xD800] =	vst v63  }
0x165: {  	_ = 	snop  }
0x166: {  	[tilespmem:s7], [sflag:$0x1] =	stream.indirect.gather.add.f32 [spmem:s2], $0x80, s24, s5, $0xb8;
	[tilespmem:$0xD800] =	vst v63  }
0x167: {  	_ = 	snop  }
0x168: {  	[tilespmem:s8], [sflag:$0x1] =	stream.indirect.gather.add.f32 [spmem:s2], $0x80, s25, s5, $0xb8;
	[tilespmem:$0xD800] =	vst v63  }
0x169: {  	_ = 	snop  }
0x16a: {  	[tilespmem:s9], [sflag:$0x1] =	stream.indirect.gather.add.f32 [spmem:s2], $0x80, s26, s5, $0xb8;
	[tilespmem:$0xD800] =	vst v63  }
0x16b: {  	_ =	swait.ge [sflag:s10], $0x2800  }
0x16c: {  	[sflag:s10] =	ssyncset.done $0x0  }
0x16d: {  	[sflag:s10] =	ssyncadd.s32 $0xFFFFD800  }
0x16e: {  	_ =	swait.ge [sflag:s10], $0x2800  }
0x16f: {  	[sflag:s10] =	ssyncset.done $0x0  }
0x170: {  	[sflag:s10] =	ssyncadd.s32 $0xFFFFD800  }
0x171: {  	_ =	swait.ge [sflag:s10], $0x2800  }
0x172: {  	[sflag:s10] =	ssyncset.done $0x0  }
0x173: {  	[sflag:s10] =	ssyncadd.s32 $0xFFFFD800  }
0x174: {  	_ =	swait.ge [sflag:s10], $0x2800  }
0x175: {  	[sflag:s10] =	ssyncset.done $0x0  }
0x176: {  	[sflag:s10] =	ssyncadd.s32 $0xFFFFD800  }
0x177: {  	[tilespmem:s6], [sflag:$0x1] =	stream.indirect.gather.add.f32 [spmem:s2], $0x80, s28, s5, $0xb8;
	[tilespmem:$0xD800] =	vst v63  }
0x178: {  	_ = 	snop  }
0x179: {  	[tilespmem:s7], [sflag:$0x1] =	stream.indirect.gather.add.f32 [spmem:s2], $0x80, s29, s5, $0xb8;
	[tilespmem:$0xD800] =	vst v63  }
0x17a: {  	_ = 	snop  }
0x17b: {  	[tilespmem:s8], [sflag:$0x1] =	stream.indirect.gather.add.f32 [spmem:s2], $0x80, s30, s5, $0xb8;
	[tilespmem:$0xD800] =	vst v63  }
0x17c: {  	_ = 	snop  }
0x17d: {  	[tilespmem:s9], [sflag:$0x1] =	stream.indirect.gather.add.f32 [spmem:s2], $0x80, s31, s5, $0xb8;
	[tilespmem:$0xD800] =	vst v63  }
0x17e: {  	_ =	swait.ge [sflag:s10], $0x2800  }
0x17f: {  	[sflag:s10] =	ssyncset.done $0x0  }
0x180: {  	[sflag:s10] =	ssyncadd.s32 $0xFFFFD800  }
0x181: {  	_ =	swait.ge [sflag:s10], $0x2800  }
0x182: {  	[sflag:s10] =	ssyncset.done $0x0  }
0x183: {  	[sflag:s10] =	ssyncadd.s32 $0xFFFFD800  }
0x184: {  	_ =	swait.ge [sflag:s10], $0x2800  }
0x185: {  	p0 =	sne.s32 s1, $0x1;
	[sflag:s10] =	ssyncset.done $0x0  }
.Ltmp1:
0x186: {  	[sflag:s10] =	ssyncadd.s32 $0xFFFFD800;
	(pc) =	sbr.rel @p0 .LBB2_1-.Ltmp1, $4  }
0x187: {  	_ =	swait.ge [sflag:s10], $0x2800  }
0x188: {  	[sflag:s10] =	ssyncset.done $0x0  }
0x189: {  	s1 =	sadd.s32 $0xFFFFFFFF, s1;
	s12 =	rddreg [dreg:$0x6];
	[sflag:s10] =	ssyncadd.s32 $0xFFFFD800  }
0x18a: {  	[hbm4b:s12+s3] =	stream.linear.scatter [tilespmem:s6], [sflag:$0x2], $0xA000, $0x38;
	[tilespmem:$0xD800] =	vst v63  }
.LBB2_2:
0x18b: {  	_ =	swait.ge [sflag:s4], $0xA000  }
0x18c: {  	[sflag:s4] =	ssyncset.done $0x0  }
0x18d: {  	[sflag:s4] =	ssyncadd.s32 $0xFFFF6000  }
0x18e: {  	_ =	sfence.sel $0x180000  }
0x18f: {  	[bflag:$0x0] =	sbarrier.arrive $0xFFFF  }
0x190: {  	_ =	strace $0x90000047  }
0x191: {  	s0 =	stileid.u32;
	[bflag:$0x2] =	sbarrier.arrive $0xFFFF  }
0x192: {  	p0 =	sne.s32 s0, $0x0;
	s0 =	rddreg [dreg:$0x2]  }
0x193: {  	s0 =	sadd.s32 @!p0 $0x100000, s0  }
0x194: {  	[sflag:s0] =	ssyncadd.tile.s32 @!p0 $0x1;
	_ =	shalt  }
.Lfunc_end2:
_tile_overlayer_lowered:
.L_overlay_start_2:
0x195: {  	(tag) =	ssettag $0x2  }
0x196: {  	s0 =	rddreg [dreg:$0x0];
	s2 =	stileid.u32  }
0x197: {  	s1 =	rddreg [dreg:$0x1];
	p0 =	sne.s32 s2, $0x0  }
0x198: {  	s3 =	rddreg [dreg:$0x2];
	[bflag:$0x3] =	sbarrier.arrive $0xFFFF;
	s2 =	simm.s32 @!p0 $0x1C02  }
0x199: {  	[timem:s3], [sflag:s2] =	dma.local @!p0 [hbm:s0], s1  }
0x19a: {  	s0 =	simm.s32 @!p0 $0x2  }
0x19b: {  	_ =	swait.ge @!p0 [sflag:s0], s1  }
0x19c: {  	s1 =	ssub.s32 @!p0 $0x0, s1;
	[sflag:s0] =	ssyncset.done @!p0 $0x0  }
0x19d: {  	[sflag:s0] =	ssyncadd.s32 @!p0 s1  }
0x19e: {  	[bflag:$0x3] =	sbarrier.arrive $0xFFFF  }
0x19f: {  	_ =	shalt  }

</sc_bundles>
